<compile_context>
chip_gen: v7x
topology: tpu7x:2x2x1
jax: 0.10.2.dev20260603
libtpu: 0.0.44.dev20260713+nightly
codegen_flags: <defaults>
</compile_context>

<pallas_src>
import functools

import jax
import jax.numpy as jnp
from jax import lax
from jax.experimental import pallas as pl
from jax.experimental.pallas import tpu as pltpu
from jax.experimental.pallas import tpu_sc as plsc

N = 10000
NP = 10240
B = 4
F = 128
E = 320000
CHUNK = 112
NSUB = 16
G = 18
NG = 10
K = G * NG
EP = NSUB * CHUNK * K
RPT = NP // NSUB

_mesh = plsc.VectorSubcoreMesh(core_axis_name="c", subcore_axis_name="s",
                               num_cores=2, num_subcores=NSUB)


@functools.partial(
    pl.kernel,
    out_type=jax.ShapeDtypeStruct((2 * NP, F), jnp.float32),
    mesh=_mesh,
    scratch_types=[
        pltpu.VMEM_SHARED((NP, F), jnp.float32),
        pltpu.VMEM((G, CHUNK), jnp.int32),
        pltpu.VMEM((CHUNK, F), jnp.float32),
    ],
)
def _deg_kernel(dstl_hbm, ones_hbm, zeros_hbm, out_hbm, acc, didx, ones_v):
    c = lax.axis_index("c")
    s = lax.axis_index("s")
    pltpu.sync_copy(ones_hbm, ones_v)
    pltpu.sync_copy(zeros_hbm, acc.at[pl.ds(s * RPT, RPT)])
    plsc.subcore_barrier()

    def group(g, carry):
        pltpu.sync_copy(dstl_hbm.at[s, g], didx)

        def chunk(k, carry2):
            pltpu.sync_copy(ones_v, acc.at[didx.at[k]], add=True)
            return carry2

        return lax.fori_loop(0, G, chunk, carry)

    lax.fori_loop(c * (NG // 2), (c + 1) * (NG // 2), group, 0)
    plsc.subcore_barrier()
    pltpu.sync_copy(acc.at[pl.ds(s * RPT, RPT)],
                    out_hbm.at[pl.ds(c * NP + s * RPT, RPT)])


@functools.partial(
    pl.kernel,
    out_type=jax.ShapeDtypeStruct((B * NP, F), jnp.float32),
    mesh=_mesh,
    scratch_types=[
        pltpu.VMEM_SHARED((NP, F), jnp.float32),
        pltpu.VMEM((G, CHUNK), jnp.int32),
        pltpu.VMEM((G, CHUNK), jnp.int32),
        pltpu.VMEM((CHUNK, F), jnp.float32),
        pltpu.VMEM((CHUNK, F), jnp.float32),
        pltpu.VMEM((CHUNK, F), jnp.float32),
        pltpu.SemaphoreType.DMA,
        pltpu.SemaphoreType.DMA,
        pltpu.SemaphoreType.DMA,
        pltpu.SemaphoreType.DMA,
        pltpu.SemaphoreType.DMA,
        pltpu.SemaphoreType.DMA,
    ],
)
def _agg_kernel(z_hbm, srcg_hbm, dstl_hbm, zeros_hbm, out_hbm,
                acc, sidx, didx, rows0, rows1, rows2,
                sg0, sg1, sg2, ss0, ss1, ss2):
    c = lax.axis_index("c")
    s = lax.axis_index("s")
    rows = (rows0, rows1, rows2)
    sg = (sg0, sg1, sg2)
    ss = (ss0, ss1, ss2)

    def wait_scatter(j):
        pltpu.make_async_copy(rows[j], acc.at[pl.ds(0, CHUNK)], ss[j]).wait()

    def wait_gather(j):
        pltpu.make_async_copy(z_hbm.at[pl.ds(0, CHUNK)], rows[j], sg[j]).wait()

    for bi in range(2):
        b = 2 * c + bi
        pltpu.sync_copy(zeros_hbm, acc.at[pl.ds(s * RPT, RPT)])
        plsc.subcore_barrier()

        def group(g, carry, _b=b):
            pltpu.sync_copy(srcg_hbm.at[_b, s, g], sidx)
            pltpu.sync_copy(dstl_hbm.at[s, g], didx)
            pltpu.async_copy(z_hbm.at[sidx.at[0]], rows0, sg0)
            pltpu.async_copy(z_hbm.at[sidx.at[1]], rows1, sg1)

            def triple(kk, carry2):
                for j in range(3):
                    k = 3 * kk + j
                    jp = (j + 2) % 3
                    wait_gather(j)
                    pltpu.async_copy(rows[j], acc.at[didx.at[k]], ss[j],
                                     add=True)
                    if j == 0:
                        @pl.when(kk > 0)
                        def _():
                            wait_scatter(2)
                    else:
                        wait_scatter(j - 1)

                    @pl.when(k + 2 < G)
                    def _():
                        pltpu.async_copy(z_hbm.at[sidx.at[k + 2]],
                                         rows[jp], sg[jp])
                return carry2

            lax.fori_loop(0, G // 3, triple, 0)
            wait_scatter((G - 1) % 3)
            return carry

        lax.fori_loop(0, NG, group, 0)
        plsc.subcore_barrier()
        pltpu.sync_copy(acc.at[pl.ds(s * RPT, RPT)],
                        out_hbm.at[pl.ds(b * NP + s * RPT, RPT)])


_BN = 2560


def _dinv_of(dinv_blk):
    return dinv_blk[:, 0:1]


def _tc_dinv_body(da_ref, db_ref, dinv_ref):
    deg = da_ref[:, 0:1] + db_ref[:, 0:1] + 1.0
    dinv_ref[...] = jnp.broadcast_to(lax.rsqrt(deg), dinv_ref.shape)


def _tc_dinv(da, db):
    return pl.pallas_call(
        _tc_dinv_body,
        grid=(NP // _BN,),
        in_specs=[pl.BlockSpec((_BN, F), lambda n: (n, 0)),
                  pl.BlockSpec((_BN, F), lambda n: (n, 0))],
        out_specs=pl.BlockSpec((_BN, 16), lambda n: (n, 0)),
        out_shape=jax.ShapeDtypeStruct((NP, 16), jnp.float32),
    )(da, db)


def _tc_z1_body(x_ref, w1_ref, deg_ref, z1_ref):
    dinv = _dinv_of(deg_ref[...])
    xw = lax.dot_general(x_ref[0], w1_ref[...], (((1,), (1,)), ((), ())),
                         preferred_element_type=jnp.float32,
                         precision=lax.Precision.HIGHEST)
    z1_ref[0] = xw * dinv


def _tc_mid_body(p1_ref, z1_ref, deg_ref, b1_ref, w2_ref, z2_ref):
    dinv = _dinv_of(deg_ref[...])
    h = dinv * (p1_ref[0] + z1_ref[0]) + b1_ref[...]
    h = 0.5 * h * (1.0 + lax.erf(h * (2.0 ** -0.5)))
    z2_ref[0] = lax.dot_general(h, w2_ref[...], (((1,), (1,)), ((), ())),
                                preferred_element_type=jnp.float32,
                                precision=lax.Precision.HIGHEST) * dinv


def _tc_out_body(p2_ref, z2_ref, deg_ref, b2_ref, out_ref):
    dinv = _dinv_of(deg_ref[...])
    out_ref[0] = dinv * (p2_ref[0] + z2_ref[0]) + b2_ref[...]


def _node_spec():
    return pl.BlockSpec((1, _BN, F), lambda b, n: (b, n, 0))


def _deg_spec():
    return pl.BlockSpec((_BN, 16), lambda b, n: (n, 0))


def _full_spec(shape):
    return pl.BlockSpec(shape, lambda b, n: tuple(0 for _ in shape))


_grid = (B, NP // _BN)


def _tc_z1(x_pad, w1, deg):
    return pl.pallas_call(
        _tc_z1_body,
        grid=_grid,
        in_specs=[_node_spec(), _full_spec((F, F)), _deg_spec()],
        out_specs=_node_spec(),
        out_shape=jax.ShapeDtypeStruct((B, NP, F), jnp.float32),
    )(x_pad, w1, deg)


def _tc_mid(p1, z1, deg, b1, w2):
    return pl.pallas_call(
        _tc_mid_body,
        grid=_grid,
        in_specs=[_node_spec(), _node_spec(), _deg_spec(),
                  _full_spec((1, F)), _full_spec((F, F))],
        out_specs=_node_spec(),
        out_shape=jax.ShapeDtypeStruct((B, NP, F), jnp.float32),
    )(p1, z1, deg, b1, w2)


def _tc_out(p2, z2, deg, b2):
    return pl.pallas_call(
        _tc_out_body,
        grid=_grid,
        in_specs=[_node_spec(), _node_spec(), _deg_spec(), _full_spec((1, F))],
        out_specs=_node_spec(),
        out_shape=jax.ShapeDtypeStruct((B, NP, F), jnp.float32),
    )(p2, z2, deg, b2)


def kernel(x, edge_index, W1, b1, W2, b2):
    src = edge_index[0].astype(jnp.int32)
    dst = edge_index[1].astype(jnp.int32)
    pad = jnp.full((EP - E,), N, dtype=jnp.int32)
    src = jnp.concatenate([src, pad])
    dst = jnp.concatenate([dst, pad])
    dstl = dst.reshape(NSUB, NG, G, CHUNK)
    srcg = (src[None, :] +
            (jnp.arange(B, dtype=jnp.int32) * NP)[:, None]).reshape(
                B, NSUB, NG, G, CHUNK)

    x_pad = jnp.pad(x, ((0, 0), (0, NP - N), (0, 0)))
    onesF = jnp.ones((CHUNK, F), jnp.float32)
    zerosF = jnp.zeros((RPT, F), jnp.float32)

    deg2 = _deg_kernel(dstl, onesF, zerosF)
    deg = _tc_dinv(deg2[:NP], deg2[NP:])

    z1 = _tc_z1(x_pad, W1, deg)
    p1 = _agg_kernel(z1.reshape(B * NP, F), srcg, dstl, zerosF)
    z2 = _tc_mid(p1.reshape(B, NP, F), z1, deg, b1.reshape(1, F), W2)
    p2 = _agg_kernel(z2.reshape(B * NP, F), srcg, dstl, zerosF)
    out = _tc_out(p2.reshape(B, NP, F), z2, deg, b2.reshape(1, F))
    return out[:, :N, :]

# --- scband reference (transcript-rebuilt; emitter-appended) ---
"""Pipeline reference for scband-simple-gcn-58445914964185 (READ-ONLY COPY).

The authoritative reference and input builder live on the scoring server;
editing this copy changes nothing except your own understanding.
"""

import jax, jax.numpy as jnp
import numpy as np

B, N, C = 4, 10000, 128
H, O = 128, 128
E = 320000

def setup_inputs(seed: int = 0):
    key = jax.random.key(seed)
    k1, k2, k3, k4 = jax.random.split(key, 4)
    x = jax.random.normal(k1, (B, N, C), dtype=jnp.float32)
    edge_index = jax.random.randint(k2, (2, E), 0, N)
    W1 = jax.random.normal(k3, (H, C), dtype=jnp.float32) * (1.0 / np.sqrt(C))
    b1 = jnp.zeros((H,), dtype=jnp.float32)
    W2 = jax.random.normal(k4, (O, H), dtype=jnp.float32) * (1.0 / np.sqrt(H))
    b2 = jnp.zeros((O,), dtype=jnp.float32)
    return {"x": x, "edge_index": edge_index, "W1": W1, "b1": b1, "W2": W2, "b2": b2}

def gcn_conv(x, edge_index, W, b):
    # PyG GCNConv: x' = D^{-1/2} (A + I) D^{-1/2} (x W^T) + b
    n = x.shape[0]
    loop = jnp.arange(n, dtype=edge_index.dtype)
    src = jnp.concatenate([edge_index[0], loop])
    dst = jnp.concatenate([edge_index[1], loop])
    xw = x @ W.T
    deg = jnp.zeros((n,), dtype=x.dtype).at[dst].add(1.0)
    dinv = jnp.where(deg > 0, 1.0 / jnp.sqrt(deg), 0.0)
    norm = dinv[src] * dinv[dst]
    msgs = xw[src] * norm[:, None]
    out = jnp.zeros_like(xw).at[dst].add(msgs)
    return out + b

def reference(x, edge_index, W1, b1, W2, b2):
    Bb, Nn, Cc = x.shape
    xf = x.reshape(Bb * Nn, Cc)
    offsets = (jnp.arange(Bb, dtype=edge_index.dtype) * Nn)[None, :, None]
    ei = (edge_index[:, None, :] + offsets).reshape(2, -1)
    h = gcn_conv(xf, ei, W1, b1)
    h = jax.nn.gelu(h, approximate=False)
    h = gcn_conv(h, ei, W2, b2)
    return h.reshape(Bb, Nn, -1)

if __name__ == "__main__":
    import jax
    _d = setup_inputs()
    print(jax.jit(kernel)(*tuple(_d.values())))

</pallas_src>

<mosaic_0001>
#map = affine_map<(d0, d1) -> (0, 0)>
#map1 = affine_map<(d0, d1) -> (0, 0, 0, 0, 0)>
#map2 = affine_map<(d0, d1) -> (0, 0, 0, 0)>
module attributes {stable_mosaic.version = 14 : i64} {
  func.func @_agg_kernel(%arg0: i32, %arg1: i32, %arg2: memref<40960x128xf32, #tpu.memory_space<hbm>>, %arg3: memref<4x16x10x18x112xi32, #tpu.memory_space<hbm>>, %arg4: memref<16x10x18x112xi32, #tpu.memory_space<hbm>>, %arg5: memref<640x128xf32, #tpu.memory_space<hbm>>, %arg6: memref<40960x128xf32, #tpu.memory_space<hbm>>, %arg7: memref<10240x128xf32, #tpu.memory_space<vmem_shared>>, %arg8: memref<18x112xi32, #tpu.memory_space<vmem>>, %arg9: memref<18x112xi32, #tpu.memory_space<vmem>>, %arg10: memref<112x128xf32, #tpu.memory_space<vmem>>, %arg11: memref<112x128xf32, #tpu.memory_space<vmem>>, %arg12: memref<112x128xf32, #tpu.memory_space<vmem>>, %arg13: memref<!tpu.dma_semaphore, #tpu.memory_space<semaphore_mem>>, %arg14: memref<!tpu.dma_semaphore, #tpu.memory_space<semaphore_mem>>, %arg15: memref<!tpu.dma_semaphore, #tpu.memory_space<semaphore_mem>>, %arg16: memref<!tpu.dma_semaphore, #tpu.memory_space<semaphore_mem>>, %arg17: memref<!tpu.dma_semaphore, #tpu.memory_space<semaphore_mem>>, %arg18: memref<!tpu.dma_semaphore, #tpu.memory_space<semaphore_mem>>) attributes {dimension_semantics = [#tpu.dimension_semantics<core_parallel>, #tpu.dimension_semantics<subcore_parallel>], iteration_bounds = array<i64: 2, 16>, scalar_prefetch = 0 : i64, scratch_operands = 12 : i64, tpu.core_type = #tpu.core_type<sc_vector_subcore>, window_params = [{transform_indices = #map}, {transform_indices = #map1}, {transform_indices = #map2}, {transform_indices = #map}, {transform_indices = #map}]} {
    %mul3A = arith.constant 2 : i32
    %mul3A_0 = arith.muli %mul3A, %arg0 : i32
    %add3A = arith.constant 0 : i32
    %add3A_1 = arith.addi %mul3A_0, %add3A : i32
    %mul3A_2 = arith.constant 640 : i32
    %mul3A_3 = arith.muli %arg1, %mul3A_2 : i32
    "tpu.region"() ({
      %run_scoped3A = tpu.sem_alloc : memref<!tpu.dma_semaphore, #tpu.memory_space<semaphore_mem>>
      %dma_start3A = arith.constant 0 : i32
      %dma_start3A_38 = tpu.memref_slice %arg7[%mul3A_3, %dma_start3A] : memref<10240x128xf32, #tpu.memory_space<vmem_shared>> -> memref<640x128xf32, #tpu.memory_space<vmem_shared>>
      tpu.enqueue_dma source(%arg5 : memref<640x128xf32, #tpu.memory_space<hbm>>) target(%dma_start3A_38 : memref<640x128xf32, #tpu.memory_space<vmem_shared>>) target_semaphore(%run_scoped3A : memref<!tpu.dma_semaphore, #tpu.memory_space<semaphore_mem>>)
      %dma_wait3A = arith.constant 0 : i32
      %dma_wait3A_39 = tpu.memref_slice %arg7[%mul3A_3, %dma_wait3A] : memref<10240x128xf32, #tpu.memory_space<vmem_shared>> -> memref<640x128xf32, #tpu.memory_space<vmem_shared>>
      tpu.wait_dma2 semaphore(%run_scoped3A : memref<!tpu.dma_semaphore, #tpu.memory_space<semaphore_mem>>) src(%arg5 : memref<640x128xf32, #tpu.memory_space<hbm>>) dst(%dma_wait3A_39 : memref<640x128xf32, #tpu.memory_space<vmem_shared>>)
      tpu.yield
    }) : () -> ()
    %barrier3A = arith.constant 0 : index
    tpu.barrier barrier_id(%barrier3A)
    %scan3A = arith.constant 0 : i32
    %scan3A_4 = arith.constant 0 : i32
    %scan3A_5 = arith.constant 10 : i32
    %scan3A_6 = arith.addi %scan3A_4, %scan3A_5 : i32
    %scan3A_7 = arith.constant 1 : i32
    scf.for %scan3A_38 = %scan3A_4 to %scan3A_6 step %scan3A_7  : i32 {
      "tpu.region"() ({
        %run_scoped3A = tpu.sem_alloc : memref<!tpu.dma_semaphore, #tpu.memory_space<semaphore_mem>>
        %dma_start3A_63 = arith.constant 0 : i32
        %dma_start3A_64 = arith.constant 0 : i32
        %dma_start3A_65 = tpu.memref_slice %arg3[%add3A_1, %arg1, %scan3A_38, %dma_start3A_63, %dma_start3A_64] : memref<4x16x10x18x112xi32, #tpu.memory_space<hbm>> -> memref<1x1x1x18x112xi32, #tpu.memory_space<hbm>>
        %dma_start3A_66 = tpu.memref_squeeze %dma_start3A_65 : memref<1x1x1x18x112xi32, #tpu.memory_space<hbm>> -> memref<18x112xi32, #tpu.memory_space<hbm>>
        %dma_start3A_67 = arith.constant 0 : i32
        %dma_start3A_68 = arith.constant 0 : i32
        %dma_start3A_69 = tpu.memref_slice %arg3[%add3A_1, %arg1, %scan3A_38, %dma_start3A_67, %dma_start3A_68] : memref<4x16x10x18x112xi32, #tpu.memory_space<hbm>> -> memref<1x1x1x18x112xi32, #tpu.memory_space<hbm>>
        %dma_start3A_70 = tpu.memref_squeeze %dma_start3A_69 : memref<1x1x1x18x112xi32, #tpu.memory_space<hbm>> -> memref<18x112xi32, #tpu.memory_space<hbm>>
        tpu.enqueue_dma source(%dma_start3A_70 : memref<18x112xi32, #tpu.memory_space<hbm>>) target(%arg8 : memref<18x112xi32, #tpu.memory_space<vmem>>) target_semaphore(%run_scoped3A : memref<!tpu.dma_semaphore, #tpu.memory_space<semaphore_mem>>)
        %dma_wait3A_71 = arith.constant 0 : i32
        %dma_wait3A_72 = arith.constant 0 : i32
        %dma_wait3A_73 = tpu.memref_slice %arg3[%add3A_1, %arg1, %scan3A_38, %dma_wait3A_71, %dma_wait3A_72] : memref<4x16x10x18x112xi32, #tpu.memory_space<hbm>> -> memref<1x1x1x18x112xi32, #tpu.memory_space<hbm>>
        %dma_wait3A_74 = tpu.memref_squeeze %dma_wait3A_73 : memref<1x1x1x18x112xi32, #tpu.memory_space<hbm>> -> memref<18x112xi32, #tpu.memory_space<hbm>>
        %dma_wait3A_75 = arith.constant 0 : i32
        %dma_wait3A_76 = arith.constant 0 : i32
        %dma_wait3A_77 = tpu.memref_slice %arg3[%add3A_1, %arg1, %scan3A_38, %dma_wait3A_75, %dma_wait3A_76] : memref<4x16x10x18x112xi32, #tpu.memory_space<hbm>> -> memref<1x1x1x18x112xi32, #tpu.memory_space<hbm>>
        %dma_wait3A_78 = tpu.memref_squeeze %dma_wait3A_77 : memref<1x1x1x18x112xi32, #tpu.memory_space<hbm>> -> memref<18x112xi32, #tpu.memory_space<hbm>>
        tpu.wait_dma2 semaphore(%run_scoped3A : memref<!tpu.dma_semaphore, #tpu.memory_space<semaphore_mem>>) src(%dma_wait3A_78 : memref<18x112xi32, #tpu.memory_space<hbm>>) dst(%arg8 : memref<18x112xi32, #tpu.memory_space<vmem>>)
        tpu.yield
      }) : () -> ()
      "tpu.region"() ({
        %run_scoped3A = tpu.sem_alloc : memref<!tpu.dma_semaphore, #tpu.memory_space<semaphore_mem>>
        %dma_start3A_63 = arith.constant 0 : i32
        %dma_start3A_64 = arith.constant 0 : i32
        %dma_start3A_65 = tpu.memref_slice %arg4[%arg1, %scan3A_38, %dma_start3A_63, %dma_start3A_64] : memref<16x10x18x112xi32, #tpu.memory_space<hbm>> -> memref<1x1x18x112xi32, #tpu.memory_space<hbm>>
        %dma_start3A_66 = tpu.memref_squeeze %dma_start3A_65 : memref<1x1x18x112xi32, #tpu.memory_space<hbm>> -> memref<18x112xi32, #tpu.memory_space<hbm>>
        %dma_start3A_67 = arith.constant 0 : i32
        %dma_start3A_68 = arith.constant 0 : i32
        %dma_start3A_69 = tpu.memref_slice %arg4[%arg1, %scan3A_38, %dma_start3A_67, %dma_start3A_68] : memref<16x10x18x112xi32, #tpu.memory_space<hbm>> -> memref<1x1x18x112xi32, #tpu.memory_space<hbm>>
        %dma_start3A_70 = tpu.memref_squeeze %dma_start3A_69 : memref<1x1x18x112xi32, #tpu.memory_space<hbm>> -> memref<18x112xi32, #tpu.memory_space<hbm>>
        tpu.enqueue_dma source(%dma_start3A_70 : memref<18x112xi32, #tpu.memory_space<hbm>>) target(%arg9 : memref<18x112xi32, #tpu.memory_space<vmem>>) target_semaphore(%run_scoped3A : memref<!tpu.dma_semaphore, #tpu.memory_space<semaphore_mem>>)
        %dma_wait3A_71 = arith.constant 0 : i32
        %dma_wait3A_72 = arith.constant 0 : i32
        %dma_wait3A_73 = tpu.memref_slice %arg4[%arg1, %scan3A_38, %dma_wait3A_71, %dma_wait3A_72] : memref<16x10x18x112xi32, #tpu.memory_space<hbm>> -> memref<1x1x18x112xi32, #tpu.memory_space<hbm>>
        %dma_wait3A_74 = tpu.memref_squeeze %dma_wait3A_73 : memref<1x1x18x112xi32, #tpu.memory_space<hbm>> -> memref<18x112xi32, #tpu.memory_space<hbm>>
        %dma_wait3A_75 = arith.constant 0 : i32
        %dma_wait3A_76 = arith.constant 0 : i32
        %dma_wait3A_77 = tpu.memref_slice %arg4[%arg1, %scan3A_38, %dma_wait3A_75, %dma_wait3A_76] : memref<16x10x18x112xi32, #tpu.memory_space<hbm>> -> memref<1x1x18x112xi32, #tpu.memory_space<hbm>>
        %dma_wait3A_78 = tpu.memref_squeeze %dma_wait3A_77 : memref<1x1x18x112xi32, #tpu.memory_space<hbm>> -> memref<18x112xi32, #tpu.memory_space<hbm>>
        tpu.wait_dma2 semaphore(%run_scoped3A : memref<!tpu.dma_semaphore, #tpu.memory_space<semaphore_mem>>) src(%dma_wait3A_78 : memref<18x112xi32, #tpu.memory_space<hbm>>) dst(%arg9 : memref<18x112xi32, #tpu.memory_space<vmem>>)
        tpu.yield
      }) : () -> ()
      %dma_start3A = arith.constant 0 : i32
      %dma_start3A_39 = arith.constant 0 : i32
      %dma_start3A_40 = tpu.memref_slice %arg8[%dma_start3A, %dma_start3A_39] : memref<18x112xi32, #tpu.memory_space<vmem>> -> memref<1x112xi32, #tpu.memory_space<vmem>>
      %dma_start3A_41 = tpu.memref_squeeze %dma_start3A_40 : memref<1x112xi32, #tpu.memory_space<vmem>> -> memref<112xi32, #tpu.memory_space<vmem>>
      %dma_start3A_42 = arith.constant 0 : i32
      %dma_start3A_43 = arith.constant 0 : i32
      %dma_start3A_44 = tpu.memref_slice %arg2[%dma_start3A_42, %dma_start3A_43] : memref<40960x128xf32, #tpu.memory_space<hbm>> -> memref<40960x128xf32, #tpu.memory_space<hbm>>
      tpu.enqueue_indirect_dma source(%dma_start3A_44 : memref<40960x128xf32, #tpu.memory_space<hbm>>) target(%arg10 : memref<112x128xf32, #tpu.memory_space<vmem>>) offsets(%dma_start3A_41 : memref<112xi32, #tpu.memory_space<vmem>>) semaphore(%arg13 : memref<!tpu.dma_semaphore, #tpu.memory_space<semaphore_mem>>)
      %dma_start3A_45 = arith.constant 1 : i32
      %dma_start3A_46 = arith.constant 0 : i32
      %dma_start3A_47 = tpu.memref_slice %arg8[%dma_start3A_45, %dma_start3A_46] : memref<18x112xi32, #tpu.memory_space<vmem>> -> memref<1x112xi32, #tpu.memory_space<vmem>>
      %dma_start3A_48 = tpu.memref_squeeze %dma_start3A_47 : memref<1x112xi32, #tpu.memory_space<vmem>> -> memref<112xi32, #tpu.memory_space<vmem>>
      %dma_start3A_49 = arith.constant 0 : i32
      %dma_start3A_50 = arith.constant 0 : i32
      %dma_start3A_51 = tpu.memref_slice %arg2[%dma_start3A_49, %dma_start3A_50] : memref<40960x128xf32, #tpu.memory_space<hbm>> -> memref<40960x128xf32, #tpu.memory_space<hbm>>
      tpu.enqueue_indirect_dma source(%dma_start3A_51 : memref<40960x128xf32, #tpu.memory_space<hbm>>) target(%arg11 : memref<112x128xf32, #tpu.memory_space<vmem>>) offsets(%dma_start3A_48 : memref<112xi32, #tpu.memory_space<vmem>>) semaphore(%arg14 : memref<!tpu.dma_semaphore, #tpu.memory_space<semaphore_mem>>)
      %scan3A_52 = arith.constant 0 : i32
      %scan3A_53 = arith.constant 0 : i32
      %scan3A_54 = arith.constant 6 : i32
      %scan3A_55 = arith.addi %scan3A_53, %scan3A_54 : i32
      %scan3A_56 = arith.constant 1 : i32
      scf.for %scan3A_63 = %scan3A_53 to %scan3A_55 step %scan3A_56  : i32 {
        %mul3A_64 = arith.constant 3 : i32
        %mul3A_65 = arith.muli %mul3A_64, %scan3A_63 : i32
        %add3A_66 = arith.constant 0 : i32
        %add3A_67 = arith.addi %mul3A_65, %add3A_66 : i32
        %dma_wait3A_68 = arith.constant 0 : i32
        %dma_wait3A_69 = arith.constant 0 : i32
        %dma_wait3A_70 = tpu.memref_slice %arg2[%dma_wait3A_68, %dma_wait3A_69] : memref<40960x128xf32, #tpu.memory_space<hbm>> -> memref<112x128xf32, #tpu.memory_space<hbm>>
        %dma_wait3A_71 = arith.constant 0 : i32
        %dma_wait3A_72 = arith.constant 0 : i32
        %dma_wait3A_73 = tpu.memref_slice %arg2[%dma_wait3A_71, %dma_wait3A_72] : memref<40960x128xf32, #tpu.memory_space<hbm>> -> memref<112x128xf32, #tpu.memory_space<hbm>>
        tpu.wait_dma2 semaphore(%arg13 : memref<!tpu.dma_semaphore, #tpu.memory_space<semaphore_mem>>) src(%dma_wait3A_73 : memref<112x128xf32, #tpu.memory_space<hbm>>) dst(%arg10 : memref<112x128xf32, #tpu.memory_space<vmem>>)
        %dma_start3A_74 = arith.constant 0 : i32
        %dma_start3A_75 = tpu.memref_slice %arg9[%add3A_67, %dma_start3A_74] : memref<18x112xi32, #tpu.memory_space<vmem>> -> memref<1x112xi32, #tpu.memory_space<vmem>>
        %dma_start3A_76 = tpu.memref_squeeze %dma_start3A_75 : memref<1x112xi32, #tpu.memory_space<vmem>> -> memref<112xi32, #tpu.memory_space<vmem>>
        %dma_start3A_77 = arith.constant 0 : i32
        %dma_start3A_78 = arith.constant 0 : i32
        %dma_start3A_79 = tpu.memref_slice %arg7[%dma_start3A_77, %dma_start3A_78] : memref<10240x128xf32, #tpu.memory_space<vmem_shared>> -> memref<10240x128xf32, #tpu.memory_space<vmem_shared>>
        tpu.enqueue_indirect_dma source(%arg10 : memref<112x128xf32, #tpu.memory_space<vmem>>) target(%dma_start3A_79 : memref<10240x128xf32, #tpu.memory_space<vmem_shared>>) offsets(%dma_start3A_76 : memref<112xi32, #tpu.memory_space<vmem>>) semaphore(%arg16 : memref<!tpu.dma_semaphore, #tpu.memory_space<semaphore_mem>>) {add = true}
        %gt3A = arith.constant 0 : i32
        %gt3A_80 = arith.cmpi sgt, %scan3A_63, %gt3A : i32
        %convert_element_type3A = arith.extui %gt3A_80 : i1 to i32
        %cond3A = arith.constant 0 : i32
        %cond3A_81 = arith.cmpi ne, %convert_element_type3A, %cond3A : i32
        scf.if %cond3A_81 {
          %dma_wait3A_146 = arith.constant 0 : i32
          %dma_wait3A_147 = arith.constant 0 : i32
          %dma_wait3A_148 = tpu.memref_slice %arg7[%dma_wait3A_146, %dma_wait3A_147] : memref<10240x128xf32, #tpu.memory_space<vmem_shared>> -> memref<112x128xf32, #tpu.memory_space<vmem_shared>>
          %dma_wait3A_149 = arith.constant 0 : i32
          %dma_wait3A_150 = arith.constant 0 : i32
          %dma_wait3A_151 = tpu.memref_slice %arg7[%dma_wait3A_149, %dma_wait3A_150] : memref<10240x128xf32, #tpu.memory_space<vmem_shared>> -> memref<112x128xf32, #tpu.memory_space<vmem_shared>>
          tpu.wait_dma2 semaphore(%arg18 : memref<!tpu.dma_semaphore, #tpu.memory_space<semaphore_mem>>) src(%arg12 : memref<112x128xf32, #tpu.memory_space<vmem>>) dst(%dma_wait3A_151 : memref<112x128xf32, #tpu.memory_space<vmem_shared>>)
        } else {
        }
        %add3A_82 = arith.constant 2 : i32
        %add3A_83 = arith.addi %add3A_67, %add3A_82 : i32
        %lt3A = arith.constant 18 : i32
        %lt3A_84 = arith.cmpi slt, %add3A_83, %lt3A : i32
        %convert_element_type3A_85 = arith.extui %lt3A_84 : i1 to i32
        %cond3A_86 = arith.constant 0 : i32
        %cond3A_87 = arith.cmpi ne, %convert_element_type3A_85, %cond3A_86 : i32
        scf.if %cond3A_87 {
          %add3A_146 = arith.constant 2 : i32
          %add3A_147 = arith.addi %add3A_67, %add3A_146 : i32
          %dma_start3A_148 = arith.constant 0 : i32
          %dma_start3A_149 = tpu.memref_slice %arg8[%add3A_147, %dma_start3A_148] : memref<18x112xi32, #tpu.memory_space<vmem>> -> memref<1x112xi32, #tpu.memory_space<vmem>>
          %dma_start3A_150 = tpu.memref_squeeze %dma_start3A_149 : memref<1x112xi32, #tpu.memory_space<vmem>> -> memref<112xi32, #tpu.memory_space<vmem>>
          %dma_start3A_151 = arith.constant 0 : i32
          %dma_start3A_152 = arith.constant 0 : i32
          %dma_start3A_153 = tpu.memref_slice %arg2[%dma_start3A_151, %dma_start3A_152] : memref<40960x128xf32, #tpu.memory_space<hbm>> -> memref<40960x128xf32, #tpu.memory_space<hbm>>
          tpu.enqueue_indirect_dma source(%dma_start3A_153 : memref<40960x128xf32, #tpu.memory_space<hbm>>) target(%arg12 : memref<112x128xf32, #tpu.memory_space<vmem>>) offsets(%dma_start3A_150 : memref<112xi32, #tpu.memory_space<vmem>>) semaphore(%arg15 : memref<!tpu.dma_semaphore, #tpu.memory_space<semaphore_mem>>)
        } else {
        }
        %mul3A_88 = arith.constant 3 : i32
        %mul3A_89 = arith.muli %mul3A_88, %scan3A_63 : i32
        %add3A_90 = arith.constant 1 : i32
        %add3A_91 = arith.addi %mul3A_89, %add3A_90 : i32
        %dma_wait3A_92 = arith.constant 0 : i32
        %dma_wait3A_93 = arith.constant 0 : i32
        %dma_wait3A_94 = tpu.memref_slice %arg2[%dma_wait3A_92, %dma_wait3A_93] : memref<40960x128xf32, #tpu.memory_space<hbm>> -> memref<112x128xf32, #tpu.memory_space<hbm>>
        %dma_wait3A_95 = arith.constant 0 : i32
        %dma_wait3A_96 = arith.constant 0 : i32
        %dma_wait3A_97 = tpu.memref_slice %arg2[%dma_wait3A_95, %dma_wait3A_96] : memref<40960x128xf32, #tpu.memory_space<hbm>> -> memref<112x128xf32, #tpu.memory_space<hbm>>
        tpu.wait_dma2 semaphore(%arg14 : memref<!tpu.dma_semaphore, #tpu.memory_space<semaphore_mem>>) src(%dma_wait3A_97 : memref<112x128xf32, #tpu.memory_space<hbm>>) dst(%arg11 : memref<112x128xf32, #tpu.memory_space<vmem>>)
        %dma_start3A_98 = arith.constant 0 : i32
        %dma_start3A_99 = tpu.memref_slice %arg9[%add3A_91, %dma_start3A_98] : memref<18x112xi32, #tpu.memory_space<vmem>> -> memref<1x112xi32, #tpu.memory_space<vmem>>
        %dma_start3A_100 = tpu.memref_squeeze %dma_start3A_99 : memref<1x112xi32, #tpu.memory_space<vmem>> -> memref<112xi32, #tpu.memory_space<vmem>>
        %dma_start3A_101 = arith.constant 0 : i32
        %dma_start3A_102 = arith.constant 0 : i32
        %dma_start3A_103 = tpu.memref_slice %arg7[%dma_start3A_101, %dma_start3A_102] : memref<10240x128xf32, #tpu.memory_space<vmem_shared>> -> memref<10240x128xf32, #tpu.memory_space<vmem_shared>>
        tpu.enqueue_indirect_dma source(%arg11 : memref<112x128xf32, #tpu.memory_space<vmem>>) target(%dma_start3A_103 : memref<10240x128xf32, #tpu.memory_space<vmem_shared>>) offsets(%dma_start3A_100 : memref<112xi32, #tpu.memory_space<vmem>>) semaphore(%arg17 : memref<!tpu.dma_semaphore, #tpu.memory_space<semaphore_mem>>) {add = true}
        %dma_wait3A_104 = arith.constant 0 : i32
        %dma_wait3A_105 = arith.constant 0 : i32
        %dma_wait3A_106 = tpu.memref_slice %arg7[%dma_wait3A_104, %dma_wait3A_105] : memref<10240x128xf32, #tpu.memory_space<vmem_shared>> -> memref<112x128xf32, #tpu.memory_space<vmem_shared>>
        %dma_wait3A_107 = arith.constant 0 : i32
        %dma_wait3A_108 = arith.constant 0 : i32
        %dma_wait3A_109 = tpu.memref_slice %arg7[%dma_wait3A_107, %dma_wait3A_108] : memref<10240x128xf32, #tpu.memory_space<vmem_shared>> -> memref<112x128xf32, #tpu.memory_space<vmem_shared>>
        tpu.wait_dma2 semaphore(%arg16 : memref<!tpu.dma_semaphore, #tpu.memory_space<semaphore_mem>>) src(%arg10 : memref<112x128xf32, #tpu.memory_space<vmem>>) dst(%dma_wait3A_109 : memref<112x128xf32, #tpu.memory_space<vmem_shared>>)
        %add3A_110 = arith.constant 2 : i32
        %add3A_111 = arith.addi %add3A_91, %add3A_110 : i32
        %lt3A_112 = arith.constant 18 : i32
        %lt3A_113 = arith.cmpi slt, %add3A_111, %lt3A_112 : i32
        %convert_element_type3A_114 = arith.extui %lt3A_113 : i1 to i32
        %cond3A_115 = arith.constant 0 : i32
        %cond3A_116 = arith.cmpi ne, %convert_element_type3A_114, %cond3A_115 : i32
        scf.if %cond3A_116 {
          %add3A_146 = arith.constant 2 : i32
          %add3A_147 = arith.addi %add3A_91, %add3A_146 : i32
          %dma_start3A_148 = arith.constant 0 : i32
          %dma_start3A_149 = tpu.memref_slice %arg8[%add3A_147, %dma_start3A_148] : memref<18x112xi32, #tpu.memory_space<vmem>> -> memref<1x112xi32, #tpu.memory_space<vmem>>
          %dma_start3A_150 = tpu.memref_squeeze %dma_start3A_149 : memref<1x112xi32, #tpu.memory_space<vmem>> -> memref<112xi32, #tpu.memory_space<vmem>>
          %dma_start3A_151 = arith.constant 0 : i32
          %dma_start3A_152 = arith.constant 0 : i32
          %dma_start3A_153 = tpu.memref_slice %arg2[%dma_start3A_151, %dma_start3A_152] : memref<40960x128xf32, #tpu.memory_space<hbm>> -> memref<40960x128xf32, #tpu.memory_space<hbm>>
          tpu.enqueue_indirect_dma source(%dma_start3A_153 : memref<40960x128xf32, #tpu.memory_space<hbm>>) target(%arg10 : memref<112x128xf32, #tpu.memory_space<vmem>>) offsets(%dma_start3A_150 : memref<112xi32, #tpu.memory_space<vmem>>) semaphore(%arg13 : memref<!tpu.dma_semaphore, #tpu.memory_space<semaphore_mem>>)
        } else {
        }
        %mul3A_117 = arith.constant 3 : i32
        %mul3A_118 = arith.muli %mul3A_117, %scan3A_63 : i32
        %add3A_119 = arith.constant 2 : i32
        %add3A_120 = arith.addi %mul3A_118, %add3A_119 : i32
        %dma_wait3A_121 = arith.constant 0 : i32
        %dma_wait3A_122 = arith.constant 0 : i32
        %dma_wait3A_123 = tpu.memref_slice %arg2[%dma_wait3A_121, %dma_wait3A_122] : memref<40960x128xf32, #tpu.memory_space<hbm>> -> memref<112x128xf32, #tpu.memory_space<hbm>>
        %dma_wait3A_124 = arith.constant 0 : i32
        %dma_wait3A_125 = arith.constant 0 : i32
        %dma_wait3A_126 = tpu.memref_slice %arg2[%dma_wait3A_124, %dma_wait3A_125] : memref<40960x128xf32, #tpu.memory_space<hbm>> -> memref<112x128xf32, #tpu.memory_space<hbm>>
        tpu.wait_dma2 semaphore(%arg15 : memref<!tpu.dma_semaphore, #tpu.memory_space<semaphore_mem>>) src(%dma_wait3A_126 : memref<112x128xf32, #tpu.memory_space<hbm>>) dst(%arg12 : memref<112x128xf32, #tpu.memory_space<vmem>>)
        %dma_start3A_127 = arith.constant 0 : i32
        %dma_start3A_128 = tpu.memref_slice %arg9[%add3A_120, %dma_start3A_127] : memref<18x112xi32, #tpu.memory_space<vmem>> -> memref<1x112xi32, #tpu.memory_space<vmem>>
        %dma_start3A_129 = tpu.memref_squeeze %dma_start3A_128 : memref<1x112xi32, #tpu.memory_space<vmem>> -> memref<112xi32, #tpu.memory_space<vmem>>
        %dma_start3A_130 = arith.constant 0 : i32
        %dma_start3A_131 = arith.constant 0 : i32
        %dma_start3A_132 = tpu.memref_slice %arg7[%dma_start3A_130, %dma_start3A_131] : memref<10240x128xf32, #tpu.memory_space<vmem_shared>> -> memref<10240x128xf32, #tpu.memory_space<vmem_shared>>
        tpu.enqueue_indirect_dma source(%arg12 : memref<112x128xf32, #tpu.memory_space<vmem>>) target(%dma_start3A_132 : memref<10240x128xf32, #tpu.memory_space<vmem_shared>>) offsets(%dma_start3A_129 : memref<112xi32, #tpu.memory_space<vmem>>) semaphore(%arg18 : memref<!tpu.dma_semaphore, #tpu.memory_space<semaphore_mem>>) {add = true}
        %dma_wait3A_133 = arith.constant 0 : i32
        %dma_wait3A_134 = arith.constant 0 : i32
        %dma_wait3A_135 = tpu.memref_slice %arg7[%dma_wait3A_133, %dma_wait3A_134] : memref<10240x128xf32, #tpu.memory_space<vmem_shared>> -> memref<112x128xf32, #tpu.memory_space<vmem_shared>>
        %dma_wait3A_136 = arith.constant 0 : i32
        %dma_wait3A_137 = arith.constant 0 : i32
        %dma_wait3A_138 = tpu.memref_slice %arg7[%dma_wait3A_136, %dma_wait3A_137] : memref<10240x128xf32, #tpu.memory_space<vmem_shared>> -> memref<112x128xf32, #tpu.memory_space<vmem_shared>>
        tpu.wait_dma2 semaphore(%arg17 : memref<!tpu.dma_semaphore, #tpu.memory_space<semaphore_mem>>) src(%arg11 : memref<112x128xf32, #tpu.memory_space<vmem>>) dst(%dma_wait3A_138 : memref<112x128xf32, #tpu.memory_space<vmem_shared>>)
        %add3A_139 = arith.constant 2 : i32
        %add3A_140 = arith.addi %add3A_120, %add3A_139 : i32
        %lt3A_141 = arith.constant 18 : i32
        %lt3A_142 = arith.cmpi slt, %add3A_140, %lt3A_141 : i32
        %convert_element_type3A_143 = arith.extui %lt3A_142 : i1 to i32
        %cond3A_144 = arith.constant 0 : i32
        %cond3A_145 = arith.cmpi ne, %convert_element_type3A_143, %cond3A_144 : i32
        scf.if %cond3A_145 {
          %add3A_146 = arith.constant 2 : i32
          %add3A_147 = arith.addi %add3A_120, %add3A_146 : i32
          %dma_start3A_148 = arith.constant 0 : i32
          %dma_start3A_149 = tpu.memref_slice %arg8[%add3A_147, %dma_start3A_148] : memref<18x112xi32, #tpu.memory_space<vmem>> -> memref<1x112xi32, #tpu.memory_space<vmem>>
          %dma_start3A_150 = tpu.memref_squeeze %dma_start3A_149 : memref<1x112xi32, #tpu.memory_space<vmem>> -> memref<112xi32, #tpu.memory_space<vmem>>
          %dma_start3A_151 = arith.constant 0 : i32
          %dma_start3A_152 = arith.constant 0 : i32
          %dma_start3A_153 = tpu.memref_slice %arg2[%dma_start3A_151, %dma_start3A_152] : memref<40960x128xf32, #tpu.memory_space<hbm>> -> memref<40960x128xf32, #tpu.memory_space<hbm>>
          tpu.enqueue_indirect_dma source(%dma_start3A_153 : memref<40960x128xf32, #tpu.memory_space<hbm>>) target(%arg11 : memref<112x128xf32, #tpu.memory_space<vmem>>) offsets(%dma_start3A_150 : memref<112xi32, #tpu.memory_space<vmem>>) semaphore(%arg14 : memref<!tpu.dma_semaphore, #tpu.memory_space<semaphore_mem>>)
        } else {
        }
      }
      %scan3A_57 = arith.constant 6 : i32
      %dma_wait3A = arith.constant 0 : i32
      %dma_wait3A_58 = arith.constant 0 : i32
      %dma_wait3A_59 = tpu.memref_slice %arg7[%dma_wait3A, %dma_wait3A_58] : memref<10240x128xf32, #tpu.memory_space<vmem_shared>> -> memref<112x128xf32, #tpu.memory_space<vmem_shared>>
      %dma_wait3A_60 = arith.constant 0 : i32
      %dma_wait3A_61 = arith.constant 0 : i32
      %dma_wait3A_62 = tpu.memref_slice %arg7[%dma_wait3A_60, %dma_wait3A_61] : memref<10240x128xf32, #tpu.memory_space<vmem_shared>> -> memref<112x128xf32, #tpu.memory_space<vmem_shared>>
      tpu.wait_dma2 semaphore(%arg18 : memref<!tpu.dma_semaphore, #tpu.memory_space<semaphore_mem>>) src(%arg12 : memref<112x128xf32, #tpu.memory_space<vmem>>) dst(%dma_wait3A_62 : memref<112x128xf32, #tpu.memory_space<vmem_shared>>)
    }
    %scan3A_8 = arith.constant 10 : i32
    %barrier3A_9 = arith.constant 0 : index
    tpu.barrier barrier_id(%barrier3A_9)
    %mul3A_10 = arith.constant 640 : i32
    %mul3A_11 = arith.muli %arg1, %mul3A_10 : i32
    %mul3A_12 = arith.constant 10240 : i32
    %mul3A_13 = arith.muli %add3A_1, %mul3A_12 : i32
    %mul3A_14 = arith.constant 640 : i32
    %mul3A_15 = arith.muli %arg1, %mul3A_14 : i32
    %add3A_16 = arith.addi %mul3A_13, %mul3A_15 : i32
    "tpu.region"() ({
      %run_scoped3A = tpu.sem_alloc : memref<!tpu.dma_semaphore, #tpu.memory_space<semaphore_mem>>
      %dma_start3A = arith.constant 0 : i32
      %dma_start3A_38 = tpu.memref_slice %arg6[%add3A_16, %dma_start3A] : memref<40960x128xf32, #tpu.memory_space<hbm>> -> memref<640x128xf32, #tpu.memory_space<hbm>>
      %dma_start3A_39 = arith.constant 0 : i32
      %dma_start3A_40 = tpu.memref_slice %arg7[%mul3A_11, %dma_start3A_39] : memref<10240x128xf32, #tpu.memory_space<vmem_shared>> -> memref<640x128xf32, #tpu.memory_space<vmem_shared>>
      tpu.enqueue_dma source(%dma_start3A_40 : memref<640x128xf32, #tpu.memory_space<vmem_shared>>) target(%dma_start3A_38 : memref<640x128xf32, #tpu.memory_space<hbm>>) target_semaphore(%run_scoped3A : memref<!tpu.dma_semaphore, #tpu.memory_space<semaphore_mem>>)
      %dma_wait3A = arith.constant 0 : i32
      %dma_wait3A_41 = tpu.memref_slice %arg6[%add3A_16, %dma_wait3A] : memref<40960x128xf32, #tpu.memory_space<hbm>> -> memref<640x128xf32, #tpu.memory_space<hbm>>
      %dma_wait3A_42 = arith.constant 0 : i32
      %dma_wait3A_43 = tpu.memref_slice %arg7[%mul3A_11, %dma_wait3A_42] : memref<10240x128xf32, #tpu.memory_space<vmem_shared>> -> memref<640x128xf32, #tpu.memory_space<vmem_shared>>
      tpu.wait_dma2 semaphore(%run_scoped3A : memref<!tpu.dma_semaphore, #tpu.memory_space<semaphore_mem>>) src(%dma_wait3A_43 : memref<640x128xf32, #tpu.memory_space<vmem_shared>>) dst(%dma_wait3A_41 : memref<640x128xf32, #tpu.memory_space<hbm>>)
      tpu.yield
    }) : () -> ()
    %mul3A_17 = arith.constant 2 : i32
    %mul3A_18 = arith.muli %mul3A_17, %arg0 : i32
    %add3A_19 = arith.constant 1 : i32
    %add3A_20 = arith.addi %mul3A_18, %add3A_19 : i32
    %mul3A_21 = arith.constant 640 : i32
    %mul3A_22 = arith.muli %arg1, %mul3A_21 : i32
    "tpu.region"() ({
      %run_scoped3A = tpu.sem_alloc : memref<!tpu.dma_semaphore, #tpu.memory_space<semaphore_mem>>
      %dma_start3A = arith.constant 0 : i32
      %dma_start3A_38 = tpu.memref_slice %arg7[%mul3A_22, %dma_start3A] : memref<10240x128xf32, #tpu.memory_space<vmem_shared>> -> memref<640x128xf32, #tpu.memory_space<vmem_shared>>
      tpu.enqueue_dma source(%arg5 : memref<640x128xf32, #tpu.memory_space<hbm>>) target(%dma_start3A_38 : memref<640x128xf32, #tpu.memory_space<vmem_shared>>) target_semaphore(%run_scoped3A : memref<!tpu.dma_semaphore, #tpu.memory_space<semaphore_mem>>)
      %dma_wait3A = arith.constant 0 : i32
      %dma_wait3A_39 = tpu.memref_slice %arg7[%mul3A_22, %dma_wait3A] : memref<10240x128xf32, #tpu.memory_space<vmem_shared>> -> memref<640x128xf32, #tpu.memory_space<vmem_shared>>
      tpu.wait_dma2 semaphore(%run_scoped3A : memref<!tpu.dma_semaphore, #tpu.memory_space<semaphore_mem>>) src(%arg5 : memref<640x128xf32, #tpu.memory_space<hbm>>) dst(%dma_wait3A_39 : memref<640x128xf32, #tpu.memory_space<vmem_shared>>)
      tpu.yield
    }) : () -> ()
    %barrier3A_23 = arith.constant 0 : index
    tpu.barrier barrier_id(%barrier3A_23)
    %scan3A_24 = arith.constant 0 : i32
    %scan3A_25 = arith.constant 0 : i32
    %scan3A_26 = arith.constant 10 : i32
    %scan3A_27 = arith.addi %scan3A_25, %scan3A_26 : i32
    %scan3A_28 = arith.constant 1 : i32
    scf.for %scan3A_38 = %scan3A_25 to %scan3A_27 step %scan3A_28  : i32 {
      "tpu.region"() ({
        %run_scoped3A = tpu.sem_alloc : memref<!tpu.dma_semaphore, #tpu.memory_space<semaphore_mem>>
        %dma_start3A_63 = arith.constant 0 : i32
        %dma_start3A_64 = arith.constant 0 : i32
        %dma_start3A_65 = tpu.memref_slice %arg3[%add3A_20, %arg1, %scan3A_38, %dma_start3A_63, %dma_start3A_64] : memref<4x16x10x18x112xi32, #tpu.memory_space<hbm>> -> memref<1x1x1x18x112xi32, #tpu.memory_space<hbm>>
        %dma_start3A_66 = tpu.memref_squeeze %dma_start3A_65 : memref<1x1x1x18x112xi32, #tpu.memory_space<hbm>> -> memref<18x112xi32, #tpu.memory_space<hbm>>
        %dma_start3A_67 = arith.constant 0 : i32
        %dma_start3A_68 = arith.constant 0 : i32
        %dma_start3A_69 = tpu.memref_slice %arg3[%add3A_20, %arg1, %scan3A_38, %dma_start3A_67, %dma_start3A_68] : memref<4x16x10x18x112xi32, #tpu.memory_space<hbm>> -> memref<1x1x1x18x112xi32, #tpu.memory_space<hbm>>
        %dma_start3A_70 = tpu.memref_squeeze %dma_start3A_69 : memref<1x1x1x18x112xi32, #tpu.memory_space<hbm>> -> memref<18x112xi32, #tpu.memory_space<hbm>>
        tpu.enqueue_dma source(%dma_start3A_70 : memref<18x112xi32, #tpu.memory_space<hbm>>) target(%arg8 : memref<18x112xi32, #tpu.memory_space<vmem>>) target_semaphore(%run_scoped3A : memref<!tpu.dma_semaphore, #tpu.memory_space<semaphore_mem>>)
        %dma_wait3A_71 = arith.constant 0 : i32
        %dma_wait3A_72 = arith.constant 0 : i32
        %dma_wait3A_73 = tpu.memref_slice %arg3[%add3A_20, %arg1, %scan3A_38, %dma_wait3A_71, %dma_wait3A_72] : memref<4x16x10x18x112xi32, #tpu.memory_space<hbm>> -> memref<1x1x1x18x112xi32, #tpu.memory_space<hbm>>
        %dma_wait3A_74 = tpu.memref_squeeze %dma_wait3A_73 : memref<1x1x1x18x112xi32, #tpu.memory_space<hbm>> -> memref<18x112xi32, #tpu.memory_space<hbm>>
        %dma_wait3A_75 = arith.constant 0 : i32
        %dma_wait3A_76 = arith.constant 0 : i32
        %dma_wait3A_77 = tpu.memref_slice %arg3[%add3A_20, %arg1, %scan3A_38, %dma_wait3A_75, %dma_wait3A_76] : memref<4x16x10x18x112xi32, #tpu.memory_space<hbm>> -> memref<1x1x1x18x112xi32, #tpu.memory_space<hbm>>
        %dma_wait3A_78 = tpu.memref_squeeze %dma_wait3A_77 : memref<1x1x1x18x112xi32, #tpu.memory_space<hbm>> -> memref<18x112xi32, #tpu.memory_space<hbm>>
        tpu.wait_dma2 semaphore(%run_scoped3A : memref<!tpu.dma_semaphore, #tpu.memory_space<semaphore_mem>>) src(%dma_wait3A_78 : memref<18x112xi32, #tpu.memory_space<hbm>>) dst(%arg8 : memref<18x112xi32, #tpu.memory_space<vmem>>)
        tpu.yield
      }) : () -> ()
      "tpu.region"() ({
        %run_scoped3A = tpu.sem_alloc : memref<!tpu.dma_semaphore, #tpu.memory_space<semaphore_mem>>
        %dma_start3A_63 = arith.constant 0 : i32
        %dma_start3A_64 = arith.constant 0 : i32
        %dma_start3A_65 = tpu.memref_slice %arg4[%arg1, %scan3A_38, %dma_start3A_63, %dma_start3A_64] : memref<16x10x18x112xi32, #tpu.memory_space<hbm>> -> memref<1x1x18x112xi32, #tpu.memory_space<hbm>>
        %dma_start3A_66 = tpu.memref_squeeze %dma_start3A_65 : memref<1x1x18x112xi32, #tpu.memory_space<hbm>> -> memref<18x112xi32, #tpu.memory_space<hbm>>
        %dma_start3A_67 = arith.constant 0 : i32
        %dma_start3A_68 = arith.constant 0 : i32
        %dma_start3A_69 = tpu.memref_slice %arg4[%arg1, %scan3A_38, %dma_start3A_67, %dma_start3A_68] : memref<16x10x18x112xi32, #tpu.memory_space<hbm>> -> memref<1x1x18x112xi32, #tpu.memory_space<hbm>>
        %dma_start3A_70 = tpu.memref_squeeze %dma_start3A_69 : memref<1x1x18x112xi32, #tpu.memory_space<hbm>> -> memref<18x112xi32, #tpu.memory_space<hbm>>
        tpu.enqueue_dma source(%dma_start3A_70 : memref<18x112xi32, #tpu.memory_space<hbm>>) target(%arg9 : memref<18x112xi32, #tpu.memory_space<vmem>>) target_semaphore(%run_scoped3A : memref<!tpu.dma_semaphore, #tpu.memory_space<semaphore_mem>>)
        %dma_wait3A_71 = arith.constant 0 : i32
        %dma_wait3A_72 = arith.constant 0 : i32
        %dma_wait3A_73 = tpu.memref_slice %arg4[%arg1, %scan3A_38, %dma_wait3A_71, %dma_wait3A_72] : memref<16x10x18x112xi32, #tpu.memory_space<hbm>> -> memref<1x1x18x112xi32, #tpu.memory_space<hbm>>
        %dma_wait3A_74 = tpu.memref_squeeze %dma_wait3A_73 : memref<1x1x18x112xi32, #tpu.memory_space<hbm>> -> memref<18x112xi32, #tpu.memory_space<hbm>>
        %dma_wait3A_75 = arith.constant 0 : i32
        %dma_wait3A_76 = arith.constant 0 : i32
        %dma_wait3A_77 = tpu.memref_slice %arg4[%arg1, %scan3A_38, %dma_wait3A_75, %dma_wait3A_76] : memref<16x10x18x112xi32, #tpu.memory_space<hbm>> -> memref<1x1x18x112xi32, #tpu.memory_space<hbm>>
        %dma_wait3A_78 = tpu.memref_squeeze %dma_wait3A_77 : memref<1x1x18x112xi32, #tpu.memory_space<hbm>> -> memref<18x112xi32, #tpu.memory_space<hbm>>
        tpu.wait_dma2 semaphore(%run_scoped3A : memref<!tpu.dma_semaphore, #tpu.memory_space<semaphore_mem>>) src(%dma_wait3A_78 : memref<18x112xi32, #tpu.memory_space<hbm>>) dst(%arg9 : memref<18x112xi32, #tpu.memory_space<vmem>>)
        tpu.yield
      }) : () -> ()
      %dma_start3A = arith.constant 0 : i32
      %dma_start3A_39 = arith.constant 0 : i32
      %dma_start3A_40 = tpu.memref_slice %arg8[%dma_start3A, %dma_start3A_39] : memref<18x112xi32, #tpu.memory_space<vmem>> -> memref<1x112xi32, #tpu.memory_space<vmem>>
      %dma_start3A_41 = tpu.memref_squeeze %dma_start3A_40 : memref<1x112xi32, #tpu.memory_space<vmem>> -> memref<112xi32, #tpu.memory_space<vmem>>
      %dma_start3A_42 = arith.constant 0 : i32
      %dma_start3A_43 = arith.constant 0 : i32
      %dma_start3A_44 = tpu.memref_slice %arg2[%dma_start3A_42, %dma_start3A_43] : memref<40960x128xf32, #tpu.memory_space<hbm>> -> memref<40960x128xf32, #tpu.memory_space<hbm>>
      tpu.enqueue_indirect_dma source(%dma_start3A_44 : memref<40960x128xf32, #tpu.memory_space<hbm>>) target(%arg10 : memref<112x128xf32, #tpu.memory_space<vmem>>) offsets(%dma_start3A_41 : memref<112xi32, #tpu.memory_space<vmem>>) semaphore(%arg13 : memref<!tpu.dma_semaphore, #tpu.memory_space<semaphore_mem>>)
      %dma_start3A_45 = arith.constant 1 : i32
      %dma_start3A_46 = arith.constant 0 : i32
      %dma_start3A_47 = tpu.memref_slice %arg8[%dma_start3A_45, %dma_start3A_46] : memref<18x112xi32, #tpu.memory_space<vmem>> -> memref<1x112xi32, #tpu.memory_space<vmem>>
      %dma_start3A_48 = tpu.memref_squeeze %dma_start3A_47 : memref<1x112xi32, #tpu.memory_space<vmem>> -> memref<112xi32, #tpu.memory_space<vmem>>
      %dma_start3A_49 = arith.constant 0 : i32
      %dma_start3A_50 = arith.constant 0 : i32
      %dma_start3A_51 = tpu.memref_slice %arg2[%dma_start3A_49, %dma_start3A_50] : memref<40960x128xf32, #tpu.memory_space<hbm>> -> memref<40960x128xf32, #tpu.memory_space<hbm>>
      tpu.enqueue_indirect_dma source(%dma_start3A_51 : memref<40960x128xf32, #tpu.memory_space<hbm>>) target(%arg11 : memref<112x128xf32, #tpu.memory_space<vmem>>) offsets(%dma_start3A_48 : memref<112xi32, #tpu.memory_space<vmem>>) semaphore(%arg14 : memref<!tpu.dma_semaphore, #tpu.memory_space<semaphore_mem>>)
      %scan3A_52 = arith.constant 0 : i32
      %scan3A_53 = arith.constant 0 : i32
      %scan3A_54 = arith.constant 6 : i32
      %scan3A_55 = arith.addi %scan3A_53, %scan3A_54 : i32
      %scan3A_56 = arith.constant 1 : i32
      scf.for %scan3A_63 = %scan3A_53 to %scan3A_55 step %scan3A_56  : i32 {
        %mul3A_64 = arith.constant 3 : i32
        %mul3A_65 = arith.muli %mul3A_64, %scan3A_63 : i32
        %add3A_66 = arith.constant 0 : i32
        %add3A_67 = arith.addi %mul3A_65, %add3A_66 : i32
        %dma_wait3A_68 = arith.constant 0 : i32
        %dma_wait3A_69 = arith.constant 0 : i32
        %dma_wait3A_70 = tpu.memref_slice %arg2[%dma_wait3A_68, %dma_wait3A_69] : memref<40960x128xf32, #tpu.memory_space<hbm>> -> memref<112x128xf32, #tpu.memory_space<hbm>>
        %dma_wait3A_71 = arith.constant 0 : i32
        %dma_wait3A_72 = arith.constant 0 : i32
        %dma_wait3A_73 = tpu.memref_slice %arg2[%dma_wait3A_71, %dma_wait3A_72] : memref<40960x128xf32, #tpu.memory_space<hbm>> -> memref<112x128xf32, #tpu.memory_space<hbm>>
        tpu.wait_dma2 semaphore(%arg13 : memref<!tpu.dma_semaphore, #tpu.memory_space<semaphore_mem>>) src(%dma_wait3A_73 : memref<112x128xf32, #tpu.memory_space<hbm>>) dst(%arg10 : memref<112x128xf32, #tpu.memory_space<vmem>>)
        %dma_start3A_74 = arith.constant 0 : i32
        %dma_start3A_75 = tpu.memref_slice %arg9[%add3A_67, %dma_start3A_74] : memref<18x112xi32, #tpu.memory_space<vmem>> -> memref<1x112xi32, #tpu.memory_space<vmem>>
        %dma_start3A_76 = tpu.memref_squeeze %dma_start3A_75 : memref<1x112xi32, #tpu.memory_space<vmem>> -> memref<112xi32, #tpu.memory_space<vmem>>
        %dma_start3A_77 = arith.constant 0 : i32
        %dma_start3A_78 = arith.constant 0 : i32
        %dma_start3A_79 = tpu.memref_slice %arg7[%dma_start3A_77, %dma_start3A_78] : memref<10240x128xf32, #tpu.memory_space<vmem_shared>> -> memref<10240x128xf32, #tpu.memory_space<vmem_shared>>
        tpu.enqueue_indirect_dma source(%arg10 : memref<112x128xf32, #tpu.memory_space<vmem>>) target(%dma_start3A_79 : memref<10240x128xf32, #tpu.memory_space<vmem_shared>>) offsets(%dma_start3A_76 : memref<112xi32, #tpu.memory_space<vmem>>) semaphore(%arg16 : memref<!tpu.dma_semaphore, #tpu.memory_space<semaphore_mem>>) {add = true}
        %gt3A = arith.constant 0 : i32
        %gt3A_80 = arith.cmpi sgt, %scan3A_63, %gt3A : i32
        %convert_element_type3A = arith.extui %gt3A_80 : i1 to i32
        %cond3A = arith.constant 0 : i32
        %cond3A_81 = arith.cmpi ne, %convert_element_type3A, %cond3A : i32
        scf.if %cond3A_81 {
          %dma_wait3A_146 = arith.constant 0 : i32
          %dma_wait3A_147 = arith.constant 0 : i32
          %dma_wait3A_148 = tpu.memref_slice %arg7[%dma_wait3A_146, %dma_wait3A_147] : memref<10240x128xf32, #tpu.memory_space<vmem_shared>> -> memref<112x128xf32, #tpu.memory_space<vmem_shared>>
          %dma_wait3A_149 = arith.constant 0 : i32
          %dma_wait3A_150 = arith.constant 0 : i32
          %dma_wait3A_151 = tpu.memref_slice %arg7[%dma_wait3A_149, %dma_wait3A_150] : memref<10240x128xf32, #tpu.memory_space<vmem_shared>> -> memref<112x128xf32, #tpu.memory_space<vmem_shared>>
          tpu.wait_dma2 semaphore(%arg18 : memref<!tpu.dma_semaphore, #tpu.memory_space<semaphore_mem>>) src(%arg12 : memref<112x128xf32, #tpu.memory_space<vmem>>) dst(%dma_wait3A_151 : memref<112x128xf32, #tpu.memory_space<vmem_shared>>)
        } else {
        }
        %add3A_82 = arith.constant 2 : i32
        %add3A_83 = arith.addi %add3A_67, %add3A_82 : i32
        %lt3A = arith.constant 18 : i32
        %lt3A_84 = arith.cmpi slt, %add3A_83, %lt3A : i32
        %convert_element_type3A_85 = arith.extui %lt3A_84 : i1 to i32
        %cond3A_86 = arith.constant 0 : i32
        %cond3A_87 = arith.cmpi ne, %convert_element_type3A_85, %cond3A_86 : i32
        scf.if %cond3A_87 {
          %add3A_146 = arith.constant 2 : i32
          %add3A_147 = arith.addi %add3A_67, %add3A_146 : i32
          %dma_start3A_148 = arith.constant 0 : i32
          %dma_start3A_149 = tpu.memref_slice %arg8[%add3A_147, %dma_start3A_148] : memref<18x112xi32, #tpu.memory_space<vmem>> -> memref<1x112xi32, #tpu.memory_space<vmem>>
          %dma_start3A_150 = tpu.memref_squeeze %dma_start3A_149 : memref<1x112xi32, #tpu.memory_space<vmem>> -> memref<112xi32, #tpu.memory_space<vmem>>
          %dma_start3A_151 = arith.constant 0 : i32
          %dma_start3A_152 = arith.constant 0 : i32
          %dma_start3A_153 = tpu.memref_slice %arg2[%dma_start3A_151, %dma_start3A_152] : memref<40960x128xf32, #tpu.memory_space<hbm>> -> memref<40960x128xf32, #tpu.memory_space<hbm>>
          tpu.enqueue_indirect_dma source(%dma_start3A_153 : memref<40960x128xf32, #tpu.memory_space<hbm>>) target(%arg12 : memref<112x128xf32, #tpu.memory_space<vmem>>) offsets(%dma_start3A_150 : memref<112xi32, #tpu.memory_space<vmem>>) semaphore(%arg15 : memref<!tpu.dma_semaphore, #tpu.memory_space<semaphore_mem>>)
        } else {
        }
        %mul3A_88 = arith.constant 3 : i32
        %mul3A_89 = arith.muli %mul3A_88, %scan3A_63 : i32
        %add3A_90 = arith.constant 1 : i32
        %add3A_91 = arith.addi %mul3A_89, %add3A_90 : i32
        %dma_wait3A_92 = arith.constant 0 : i32
        %dma_wait3A_93 = arith.constant 0 : i32
        %dma_wait3A_94 = tpu.memref_slice %arg2[%dma_wait3A_92, %dma_wait3A_93] : memref<40960x128xf32, #tpu.memory_space<hbm>> -> memref<112x128xf32, #tpu.memory_space<hbm>>
        %dma_wait3A_95 = arith.constant 0 : i32
        %dma_wait3A_96 = arith.constant 0 : i32
        %dma_wait3A_97 = tpu.memref_slice %arg2[%dma_wait3A_95, %dma_wait3A_96] : memref<40960x128xf32, #tpu.memory_space<hbm>> -> memref<112x128xf32, #tpu.memory_space<hbm>>
        tpu.wait_dma2 semaphore(%arg14 : memref<!tpu.dma_semaphore, #tpu.memory_space<semaphore_mem>>) src(%dma_wait3A_97 : memref<112x128xf32, #tpu.memory_space<hbm>>) dst(%arg11 : memref<112x128xf32, #tpu.memory_space<vmem>>)
        %dma_start3A_98 = arith.constant 0 : i32
        %dma_start3A_99 = tpu.memref_slice %arg9[%add3A_91, %dma_start3A_98] : memref<18x112xi32, #tpu.memory_space<vmem>> -> memref<1x112xi32, #tpu.memory_space<vmem>>
        %dma_start3A_100 = tpu.memref_squeeze %dma_start3A_99 : memref<1x112xi32, #tpu.memory_space<vmem>> -> memref<112xi32, #tpu.memory_space<vmem>>
        %dma_start3A_101 = arith.constant 0 : i32
        %dma_start3A_102 = arith.constant 0 : i32
        %dma_start3A_103 = tpu.memref_slice %arg7[%dma_start3A_101, %dma_start3A_102] : memref<10240x128xf32, #tpu.memory_space<vmem_shared>> -> memref<10240x128xf32, #tpu.memory_space<vmem_shared>>
        tpu.enqueue_indirect_dma source(%arg11 : memref<112x128xf32, #tpu.memory_space<vmem>>) target(%dma_start3A_103 : memref<10240x128xf32, #tpu.memory_space<vmem_shared>>) offsets(%dma_start3A_100 : memref<112xi32, #tpu.memory_space<vmem>>) semaphore(%arg17 : memref<!tpu.dma_semaphore, #tpu.memory_space<semaphore_mem>>) {add = true}
        %dma_wait3A_104 = arith.constant 0 : i32
        %dma_wait3A_105 = arith.constant 0 : i32
        %dma_wait3A_106 = tpu.memref_slice %arg7[%dma_wait3A_104, %dma_wait3A_105] : memref<10240x128xf32, #tpu.memory_space<vmem_shared>> -> memref<112x128xf32, #tpu.memory_space<vmem_shared>>
        %dma_wait3A_107 = arith.constant 0 : i32
        %dma_wait3A_108 = arith.constant 0 : i32
        %dma_wait3A_109 = tpu.memref_slice %arg7[%dma_wait3A_107, %dma_wait3A_108] : memref<10240x128xf32, #tpu.memory_space<vmem_shared>> -> memref<112x128xf32, #tpu.memory_space<vmem_shared>>
        tpu.wait_dma2 semaphore(%arg16 : memref<!tpu.dma_semaphore, #tpu.memory_space<semaphore_mem>>) src(%arg10 : memref<112x128xf32, #tpu.memory_space<vmem>>) dst(%dma_wait3A_109 : memref<112x128xf32, #tpu.memory_space<vmem_shared>>)
        %add3A_110 = arith.constant 2 : i32
        %add3A_111 = arith.addi %add3A_91, %add3A_110 : i32
        %lt3A_112 = arith.constant 18 : i32
        %lt3A_113 = arith.cmpi slt, %add3A_111, %lt3A_112 : i32
        %convert_element_type3A_114 = arith.extui %lt3A_113 : i1 to i32
        %cond3A_115 = arith.constant 0 : i32
        %cond3A_116 = arith.cmpi ne, %convert_element_type3A_114, %cond3A_115 : i32
        scf.if %cond3A_116 {
          %add3A_146 = arith.constant 2 : i32
          %add3A_147 = arith.addi %add3A_91, %add3A_146 : i32
          %dma_start3A_148 = arith.constant 0 : i32
          %dma_start3A_149 = tpu.memref_slice %arg8[%add3A_147, %dma_start3A_148] : memref<18x112xi32, #tpu.memory_space<vmem>> -> memref<1x112xi32, #tpu.memory_space<vmem>>
          %dma_start3A_150 = tpu.memref_squeeze %dma_start3A_149 : memref<1x112xi32, #tpu.memory_space<vmem>> -> memref<112xi32, #tpu.memory_space<vmem>>
          %dma_start3A_151 = arith.constant 0 : i32
          %dma_start3A_152 = arith.constant 0 : i32
          %dma_start3A_153 = tpu.memref_slice %arg2[%dma_start3A_151, %dma_start3A_152] : memref<40960x128xf32, #tpu.memory_space<hbm>> -> memref<40960x128xf32, #tpu.memory_space<hbm>>
          tpu.enqueue_indirect_dma source(%dma_start3A_153 : memref<40960x128xf32, #tpu.memory_space<hbm>>) target(%arg10 : memref<112x128xf32, #tpu.memory_space<vmem>>) offsets(%dma_start3A_150 : memref<112xi32, #tpu.memory_space<vmem>>) semaphore(%arg13 : memref<!tpu.dma_semaphore, #tpu.memory_space<semaphore_mem>>)
        } else {
        }
        %mul3A_117 = arith.constant 3 : i32
        %mul3A_118 = arith.muli %mul3A_117, %scan3A_63 : i32
        %add3A_119 = arith.constant 2 : i32
        %add3A_120 = arith.addi %mul3A_118, %add3A_119 : i32
        %dma_wait3A_121 = arith.constant 0 : i32
        %dma_wait3A_122 = arith.constant 0 : i32
        %dma_wait3A_123 = tpu.memref_slice %arg2[%dma_wait3A_121, %dma_wait3A_122] : memref<40960x128xf32, #tpu.memory_space<hbm>> -> memref<112x128xf32, #tpu.memory_space<hbm>>
        %dma_wait3A_124 = arith.constant 0 : i32
        %dma_wait3A_125 = arith.constant 0 : i32
        %dma_wait3A_126 = tpu.memref_slice %arg2[%dma_wait3A_124, %dma_wait3A_125] : memref<40960x128xf32, #tpu.memory_space<hbm>> -> memref<112x128xf32, #tpu.memory_space<hbm>>
        tpu.wait_dma2 semaphore(%arg15 : memref<!tpu.dma_semaphore, #tpu.memory_space<semaphore_mem>>) src(%dma_wait3A_126 : memref<112x128xf32, #tpu.memory_space<hbm>>) dst(%arg12 : memref<112x128xf32, #tpu.memory_space<vmem>>)
        %dma_start3A_127 = arith.constant 0 : i32
        %dma_start3A_128 = tpu.memref_slice %arg9[%add3A_120, %dma_start3A_127] : memref<18x112xi32, #tpu.memory_space<vmem>> -> memref<1x112xi32, #tpu.memory_space<vmem>>
        %dma_start3A_129 = tpu.memref_squeeze %dma_start3A_128 : memref<1x112xi32, #tpu.memory_space<vmem>> -> memref<112xi32, #tpu.memory_space<vmem>>
        %dma_start3A_130 = arith.constant 0 : i32
        %dma_start3A_131 = arith.constant 0 : i32
        %dma_start3A_132 = tpu.memref_slice %arg7[%dma_start3A_130, %dma_start3A_131] : memref<10240x128xf32, #tpu.memory_space<vmem_shared>> -> memref<10240x128xf32, #tpu.memory_space<vmem_shared>>
        tpu.enqueue_indirect_dma source(%arg12 : memref<112x128xf32, #tpu.memory_space<vmem>>) target(%dma_start3A_132 : memref<10240x128xf32, #tpu.memory_space<vmem_shared>>) offsets(%dma_start3A_129 : memref<112xi32, #tpu.memory_space<vmem>>) semaphore(%arg18 : memref<!tpu.dma_semaphore, #tpu.memory_space<semaphore_mem>>) {add = true}
        %dma_wait3A_133 = arith.constant 0 : i32
        %dma_wait3A_134 = arith.constant 0 : i32
        %dma_wait3A_135 = tpu.memref_slice %arg7[%dma_wait3A_133, %dma_wait3A_134] : memref<10240x128xf32, #tpu.memory_space<vmem_shared>> -> memref<112x128xf32, #tpu.memory_space<vmem_shared>>
        %dma_wait3A_136 = arith.constant 0 : i32
        %dma_wait3A_137 = arith.constant 0 : i32
        %dma_wait3A_138 = tpu.memref_slice %arg7[%dma_wait3A_136, %dma_wait3A_137] : memref<10240x128xf32, #tpu.memory_space<vmem_shared>> -> memref<112x128xf32, #tpu.memory_space<vmem_shared>>
        tpu.wait_dma2 semaphore(%arg17 : memref<!tpu.dma_semaphore, #tpu.memory_space<semaphore_mem>>) src(%arg11 : memref<112x128xf32, #tpu.memory_space<vmem>>) dst(%dma_wait3A_138 : memref<112x128xf32, #tpu.memory_space<vmem_shared>>)
        %add3A_139 = arith.constant 2 : i32
        %add3A_140 = arith.addi %add3A_120, %add3A_139 : i32
        %lt3A_141 = arith.constant 18 : i32
        %lt3A_142 = arith.cmpi slt, %add3A_140, %lt3A_141 : i32
        %convert_element_type3A_143 = arith.extui %lt3A_142 : i1 to i32
        %cond3A_144 = arith.constant 0 : i32
        %cond3A_145 = arith.cmpi ne, %convert_element_type3A_143, %cond3A_144 : i32
        scf.if %cond3A_145 {
          %add3A_146 = arith.constant 2 : i32
          %add3A_147 = arith.addi %add3A_120, %add3A_146 : i32
          %dma_start3A_148 = arith.constant 0 : i32
          %dma_start3A_149 = tpu.memref_slice %arg8[%add3A_147, %dma_start3A_148] : memref<18x112xi32, #tpu.memory_space<vmem>> -> memref<1x112xi32, #tpu.memory_space<vmem>>
          %dma_start3A_150 = tpu.memref_squeeze %dma_start3A_149 : memref<1x112xi32, #tpu.memory_space<vmem>> -> memref<112xi32, #tpu.memory_space<vmem>>
          %dma_start3A_151 = arith.constant 0 : i32
          %dma_start3A_152 = arith.constant 0 : i32
          %dma_start3A_153 = tpu.memref_slice %arg2[%dma_start3A_151, %dma_start3A_152] : memref<40960x128xf32, #tpu.memory_space<hbm>> -> memref<40960x128xf32, #tpu.memory_space<hbm>>
          tpu.enqueue_indirect_dma source(%dma_start3A_153 : memref<40960x128xf32, #tpu.memory_space<hbm>>) target(%arg11 : memref<112x128xf32, #tpu.memory_space<vmem>>) offsets(%dma_start3A_150 : memref<112xi32, #tpu.memory_space<vmem>>) semaphore(%arg14 : memref<!tpu.dma_semaphore, #tpu.memory_space<semaphore_mem>>)
        } else {
        }
      }
      %scan3A_57 = arith.constant 6 : i32
      %dma_wait3A = arith.constant 0 : i32
      %dma_wait3A_58 = arith.constant 0 : i32
      %dma_wait3A_59 = tpu.memref_slice %arg7[%dma_wait3A, %dma_wait3A_58] : memref<10240x128xf32, #tpu.memory_space<vmem_shared>> -> memref<112x128xf32, #tpu.memory_space<vmem_shared>>
      %dma_wait3A_60 = arith.constant 0 : i32
      %dma_wait3A_61 = arith.constant 0 : i32
      %dma_wait3A_62 = tpu.memref_slice %arg7[%dma_wait3A_60, %dma_wait3A_61] : memref<10240x128xf32, #tpu.memory_space<vmem_shared>> -> memref<112x128xf32, #tpu.memory_space<vmem_shared>>
      tpu.wait_dma2 semaphore(%arg18 : memref<!tpu.dma_semaphore, #tpu.memory_space<semaphore_mem>>) src(%arg12 : memref<112x128xf32, #tpu.memory_space<vmem>>) dst(%dma_wait3A_62 : memref<112x128xf32, #tpu.memory_space<vmem_shared>>)
    }
    %scan3A_29 = arith.constant 10 : i32
    %barrier3A_30 = arith.constant 0 : index
    tpu.barrier barrier_id(%barrier3A_30)
    %mul3A_31 = arith.constant 640 : i32
    %mul3A_32 = arith.muli %arg1, %mul3A_31 : i32
    %mul3A_33 = arith.constant 10240 : i32
    %mul3A_34 = arith.muli %add3A_20, %mul3A_33 : i32
    %mul3A_35 = arith.constant 640 : i32
    %mul3A_36 = arith.muli %arg1, %mul3A_35 : i32
    %add3A_37 = arith.addi %mul3A_34, %mul3A_36 : i32
    "tpu.region"() ({
      %run_scoped3A = tpu.sem_alloc : memref<!tpu.dma_semaphore, #tpu.memory_space<semaphore_mem>>
      %dma_start3A = arith.constant 0 : i32
      %dma_start3A_38 = tpu.memref_slice %arg6[%add3A_37, %dma_start3A] : memref<40960x128xf32, #tpu.memory_space<hbm>> -> memref<640x128xf32, #tpu.memory_space<hbm>>
      %dma_start3A_39 = arith.constant 0 : i32
      %dma_start3A_40 = tpu.memref_slice %arg7[%mul3A_32, %dma_start3A_39] : memref<10240x128xf32, #tpu.memory_space<vmem_shared>> -> memref<640x128xf32, #tpu.memory_space<vmem_shared>>
      tpu.enqueue_dma source(%dma_start3A_40 : memref<640x128xf32, #tpu.memory_space<vmem_shared>>) target(%dma_start3A_38 : memref<640x128xf32, #tpu.memory_space<hbm>>) target_semaphore(%run_scoped3A : memref<!tpu.dma_semaphore, #tpu.memory_space<semaphore_mem>>)
      %dma_wait3A = arith.constant 0 : i32
      %dma_wait3A_41 = tpu.memref_slice %arg6[%add3A_37, %dma_wait3A] : memref<40960x128xf32, #tpu.memory_space<hbm>> -> memref<640x128xf32, #tpu.memory_space<hbm>>
      %dma_wait3A_42 = arith.constant 0 : i32
      %dma_wait3A_43 = tpu.memref_slice %arg7[%mul3A_32, %dma_wait3A_42] : memref<10240x128xf32, #tpu.memory_space<vmem_shared>> -> memref<640x128xf32, #tpu.memory_space<vmem_shared>>
      tpu.wait_dma2 semaphore(%run_scoped3A : memref<!tpu.dma_semaphore, #tpu.memory_space<semaphore_mem>>) src(%dma_wait3A_43 : memref<640x128xf32, #tpu.memory_space<vmem_shared>>) dst(%dma_wait3A_41 : memref<640x128xf32, #tpu.memory_space<hbm>>)
      tpu.yield
    }) : () -> ()
    return
  }
}

#map = affine_map<(d0, d1) -> (0, 0, 0, 0)>
#map1 = affine_map<(d0, d1) -> (0, 0)>
module attributes {stable_mosaic.version = 14 : i64} {
  func.func @_deg_kernel(%arg0: i32, %arg1: i32, %arg2: memref<16x10x18x112xi32, #tpu.memory_space<hbm>>, %arg3: memref<112x128xf32, #tpu.memory_space<hbm>>, %arg4: memref<640x128xf32, #tpu.memory_space<hbm>>, %arg5: memref<20480x128xf32, #tpu.memory_space<hbm>>, %arg6: memref<10240x128xf32, #tpu.memory_space<vmem_shared>>, %arg7: memref<18x112xi32, #tpu.memory_space<vmem>>, %arg8: memref<112x128xf32, #tpu.memory_space<vmem>>) attributes {dimension_semantics = [#tpu.dimension_semantics<core_parallel>, #tpu.dimension_semantics<subcore_parallel>], iteration_bounds = array<i64: 2, 16>, scalar_prefetch = 0 : i64, scratch_operands = 3 : i64, tpu.core_type = #tpu.core_type<sc_vector_subcore>, window_params = [{transform_indices = #map}, {transform_indices = #map1}, {transform_indices = #map1}, {transform_indices = #map1}]} {
    "tpu.region"() ({
      %run_scoped3A = tpu.sem_alloc : memref<!tpu.dma_semaphore, #tpu.memory_space<semaphore_mem>>
      tpu.enqueue_dma source(%arg3 : memref<112x128xf32, #tpu.memory_space<hbm>>) target(%arg8 : memref<112x128xf32, #tpu.memory_space<vmem>>) target_semaphore(%run_scoped3A : memref<!tpu.dma_semaphore, #tpu.memory_space<semaphore_mem>>)
      tpu.wait_dma2 semaphore(%run_scoped3A : memref<!tpu.dma_semaphore, #tpu.memory_space<semaphore_mem>>) src(%arg3 : memref<112x128xf32, #tpu.memory_space<hbm>>) dst(%arg8 : memref<112x128xf32, #tpu.memory_space<vmem>>)
      tpu.yield
    }) : () -> ()
    %mul3A = arith.constant 640 : i32
    %mul3A_0 = arith.muli %arg1, %mul3A : i32
    "tpu.region"() ({
      %run_scoped3A = tpu.sem_alloc : memref<!tpu.dma_semaphore, #tpu.memory_space<semaphore_mem>>
      %dma_start3A = arith.constant 0 : i32
      %dma_start3A_22 = tpu.memref_slice %arg6[%mul3A_0, %dma_start3A] : memref<10240x128xf32, #tpu.memory_space<vmem_shared>> -> memref<640x128xf32, #tpu.memory_space<vmem_shared>>
      tpu.enqueue_dma source(%arg4 : memref<640x128xf32, #tpu.memory_space<hbm>>) target(%dma_start3A_22 : memref<640x128xf32, #tpu.memory_space<vmem_shared>>) target_semaphore(%run_scoped3A : memref<!tpu.dma_semaphore, #tpu.memory_space<semaphore_mem>>)
      %dma_wait3A = arith.constant 0 : i32
      %dma_wait3A_23 = tpu.memref_slice %arg6[%mul3A_0, %dma_wait3A] : memref<10240x128xf32, #tpu.memory_space<vmem_shared>> -> memref<640x128xf32, #tpu.memory_space<vmem_shared>>
      tpu.wait_dma2 semaphore(%run_scoped3A : memref<!tpu.dma_semaphore, #tpu.memory_space<semaphore_mem>>) src(%arg4 : memref<640x128xf32, #tpu.memory_space<hbm>>) dst(%dma_wait3A_23 : memref<640x128xf32, #tpu.memory_space<vmem_shared>>)
      tpu.yield
    }) : () -> ()
    %barrier3A = arith.constant 0 : index
    tpu.barrier barrier_id(%barrier3A)
    %mul3A_1 = arith.constant 5 : i32
    %mul3A_2 = arith.muli %arg0, %mul3A_1 : i32
    %add3A = arith.constant 1 : i32
    %add3A_3 = arith.addi %arg0, %add3A : i32
    %mul3A_4 = arith.constant 5 : i32
    %mul3A_5 = arith.muli %add3A_3, %mul3A_4 : i32
    %while3A = arith.constant 0 : i32
    %while3A_6 = arith.subi %mul3A_5, %mul3A_2 : i32
    %while3A_7 = arith.addi %mul3A_2, %while3A_6 : i32
    %while3A_8 = arith.constant 1 : i32
    %while3A_9 = arith.divsi %while3A_6, %while3A_8 : i32
    %while3A_10 = arith.muli %while3A_9, %while3A_8 : i32
    %while3A_11 = arith.addi %mul3A_2, %while3A_10 : i32
    %while3A_12 = arith.constant 1 : i32
    scf.for %while3A_22 = %mul3A_2 to %while3A_11 step %while3A_12  : i32 {
      "tpu.region"() ({
        %run_scoped3A = tpu.sem_alloc : memref<!tpu.dma_semaphore, #tpu.memory_space<semaphore_mem>>
        %dma_start3A = arith.constant 0 : i32
        %dma_start3A_27 = arith.constant 0 : i32
        %dma_start3A_28 = tpu.memref_slice %arg2[%arg1, %while3A_22, %dma_start3A, %dma_start3A_27] : memref<16x10x18x112xi32, #tpu.memory_space<hbm>> -> memref<1x1x18x112xi32, #tpu.memory_space<hbm>>
        %dma_start3A_29 = tpu.memref_squeeze %dma_start3A_28 : memref<1x1x18x112xi32, #tpu.memory_space<hbm>> -> memref<18x112xi32, #tpu.memory_space<hbm>>
        %dma_start3A_30 = arith.constant 0 : i32
        %dma_start3A_31 = arith.constant 0 : i32
        %dma_start3A_32 = tpu.memref_slice %arg2[%arg1, %while3A_22, %dma_start3A_30, %dma_start3A_31] : memref<16x10x18x112xi32, #tpu.memory_space<hbm>> -> memref<1x1x18x112xi32, #tpu.memory_space<hbm>>
        %dma_start3A_33 = tpu.memref_squeeze %dma_start3A_32 : memref<1x1x18x112xi32, #tpu.memory_space<hbm>> -> memref<18x112xi32, #tpu.memory_space<hbm>>
        tpu.enqueue_dma source(%dma_start3A_33 : memref<18x112xi32, #tpu.memory_space<hbm>>) target(%arg7 : memref<18x112xi32, #tpu.memory_space<vmem>>) target_semaphore(%run_scoped3A : memref<!tpu.dma_semaphore, #tpu.memory_space<semaphore_mem>>)
        %dma_wait3A = arith.constant 0 : i32
        %dma_wait3A_34 = arith.constant 0 : i32
        %dma_wait3A_35 = tpu.memref_slice %arg2[%arg1, %while3A_22, %dma_wait3A, %dma_wait3A_34] : memref<16x10x18x112xi32, #tpu.memory_space<hbm>> -> memref<1x1x18x112xi32, #tpu.memory_space<hbm>>
        %dma_wait3A_36 = tpu.memref_squeeze %dma_wait3A_35 : memref<1x1x18x112xi32, #tpu.memory_space<hbm>> -> memref<18x112xi32, #tpu.memory_space<hbm>>
        %dma_wait3A_37 = arith.constant 0 : i32
        %dma_wait3A_38 = arith.constant 0 : i32
        %dma_wait3A_39 = tpu.memref_slice %arg2[%arg1, %while3A_22, %dma_wait3A_37, %dma_wait3A_38] : memref<16x10x18x112xi32, #tpu.memory_space<hbm>> -> memref<1x1x18x112xi32, #tpu.memory_space<hbm>>
        %dma_wait3A_40 = tpu.memref_squeeze %dma_wait3A_39 : memref<1x1x18x112xi32, #tpu.memory_space<hbm>> -> memref<18x112xi32, #tpu.memory_space<hbm>>
        tpu.wait_dma2 semaphore(%run_scoped3A : memref<!tpu.dma_semaphore, #tpu.memory_space<semaphore_mem>>) src(%dma_wait3A_40 : memref<18x112xi32, #tpu.memory_space<hbm>>) dst(%arg7 : memref<18x112xi32, #tpu.memory_space<vmem>>)
        tpu.yield
      }) : () -> ()
      %scan3A = arith.constant 0 : i32
      %scan3A_23 = arith.constant 18 : i32
      %scan3A_24 = arith.addi %scan3A, %scan3A_23 : i32
      %scan3A_25 = arith.constant 1 : i32
      scf.for %scan3A_27 = %scan3A to %scan3A_24 step %scan3A_25  : i32 {
        "tpu.region"() ({
          %run_scoped3A = tpu.sem_alloc : memref<!tpu.dma_semaphore, #tpu.memory_space<semaphore_mem>>
          %dma_start3A = arith.constant 0 : i32
          %dma_start3A_28 = tpu.memref_slice %arg7[%scan3A_27, %dma_start3A] : memref<18x112xi32, #tpu.memory_space<vmem>> -> memref<1x112xi32, #tpu.memory_space<vmem>>
          %dma_start3A_29 = tpu.memref_squeeze %dma_start3A_28 : memref<1x112xi32, #tpu.memory_space<vmem>> -> memref<112xi32, #tpu.memory_space<vmem>>
          %dma_start3A_30 = arith.constant 0 : i32
          %dma_start3A_31 = arith.constant 0 : i32
          %dma_start3A_32 = tpu.memref_slice %arg6[%dma_start3A_30, %dma_start3A_31] : memref<10240x128xf32, #tpu.memory_space<vmem_shared>> -> memref<10240x128xf32, #tpu.memory_space<vmem_shared>>
          tpu.enqueue_indirect_dma source(%arg8 : memref<112x128xf32, #tpu.memory_space<vmem>>) target(%dma_start3A_32 : memref<10240x128xf32, #tpu.memory_space<vmem_shared>>) offsets(%dma_start3A_29 : memref<112xi32, #tpu.memory_space<vmem>>) semaphore(%run_scoped3A : memref<!tpu.dma_semaphore, #tpu.memory_space<semaphore_mem>>) {add = true}
          %dma_wait3A = arith.constant 0 : i32
          %dma_wait3A_33 = tpu.memref_slice %arg7[%scan3A_27, %dma_wait3A] : memref<18x112xi32, #tpu.memory_space<vmem>> -> memref<1x112xi32, #tpu.memory_space<vmem>>
          %dma_wait3A_34 = tpu.memref_squeeze %dma_wait3A_33 : memref<1x112xi32, #tpu.memory_space<vmem>> -> memref<112xi32, #tpu.memory_space<vmem>>
          %dma_wait3A_35 = arith.constant 0 : i32
          %dma_wait3A_36 = arith.constant 0 : i32
          %dma_wait3A_37 = tpu.memref_slice %arg6[%dma_wait3A_35, %dma_wait3A_36] : memref<10240x128xf32, #tpu.memory_space<vmem_shared>> -> memref<10240x128xf32, #tpu.memory_space<vmem_shared>>
          tpu.wait_indirect_dma semaphore(%run_scoped3A : memref<!tpu.dma_semaphore, #tpu.memory_space<semaphore_mem>>) src(%arg8 : memref<112x128xf32, #tpu.memory_space<vmem>>) dst(%dma_wait3A_37 : memref<10240x128xf32, #tpu.memory_space<vmem_shared>>)
          tpu.yield
        }) : () -> ()
      }
      %scan3A_26 = arith.constant 18 : i32
    }
    %while3A_13 = arith.constant 1 : i32
    scf.for %while3A_22 = %while3A_11 to %while3A_7 step %while3A_13  : i32 {
      "tpu.region"() ({
        %run_scoped3A = tpu.sem_alloc : memref<!tpu.dma_semaphore, #tpu.memory_space<semaphore_mem>>
        %dma_start3A = arith.constant 0 : i32
        %dma_start3A_27 = arith.constant 0 : i32
        %dma_start3A_28 = tpu.memref_slice %arg2[%arg1, %while3A_22, %dma_start3A, %dma_start3A_27] : memref<16x10x18x112xi32, #tpu.memory_space<hbm>> -> memref<1x1x18x112xi32, #tpu.memory_space<hbm>>
        %dma_start3A_29 = tpu.memref_squeeze %dma_start3A_28 : memref<1x1x18x112xi32, #tpu.memory_space<hbm>> -> memref<18x112xi32, #tpu.memory_space<hbm>>
        %dma_start3A_30 = arith.constant 0 : i32
        %dma_start3A_31 = arith.constant 0 : i32
        %dma_start3A_32 = tpu.memref_slice %arg2[%arg1, %while3A_22, %dma_start3A_30, %dma_start3A_31] : memref<16x10x18x112xi32, #tpu.memory_space<hbm>> -> memref<1x1x18x112xi32, #tpu.memory_space<hbm>>
        %dma_start3A_33 = tpu.memref_squeeze %dma_start3A_32 : memref<1x1x18x112xi32, #tpu.memory_space<hbm>> -> memref<18x112xi32, #tpu.memory_space<hbm>>
        tpu.enqueue_dma source(%dma_start3A_33 : memref<18x112xi32, #tpu.memory_space<hbm>>) target(%arg7 : memref<18x112xi32, #tpu.memory_space<vmem>>) target_semaphore(%run_scoped3A : memref<!tpu.dma_semaphore, #tpu.memory_space<semaphore_mem>>)
        %dma_wait3A = arith.constant 0 : i32
        %dma_wait3A_34 = arith.constant 0 : i32
        %dma_wait3A_35 = tpu.memref_slice %arg2[%arg1, %while3A_22, %dma_wait3A, %dma_wait3A_34] : memref<16x10x18x112xi32, #tpu.memory_space<hbm>> -> memref<1x1x18x112xi32, #tpu.memory_space<hbm>>
        %dma_wait3A_36 = tpu.memref_squeeze %dma_wait3A_35 : memref<1x1x18x112xi32, #tpu.memory_space<hbm>> -> memref<18x112xi32, #tpu.memory_space<hbm>>
        %dma_wait3A_37 = arith.constant 0 : i32
        %dma_wait3A_38 = arith.constant 0 : i32
        %dma_wait3A_39 = tpu.memref_slice %arg2[%arg1, %while3A_22, %dma_wait3A_37, %dma_wait3A_38] : memref<16x10x18x112xi32, #tpu.memory_space<hbm>> -> memref<1x1x18x112xi32, #tpu.memory_space<hbm>>
        %dma_wait3A_40 = tpu.memref_squeeze %dma_wait3A_39 : memref<1x1x18x112xi32, #tpu.memory_space<hbm>> -> memref<18x112xi32, #tpu.memory_space<hbm>>
        tpu.wait_dma2 semaphore(%run_scoped3A : memref<!tpu.dma_semaphore, #tpu.memory_space<semaphore_mem>>) src(%dma_wait3A_40 : memref<18x112xi32, #tpu.memory_space<hbm>>) dst(%arg7 : memref<18x112xi32, #tpu.memory_space<vmem>>)
        tpu.yield
      }) : () -> ()
      %scan3A = arith.constant 0 : i32
      %scan3A_23 = arith.constant 18 : i32
      %scan3A_24 = arith.addi %scan3A, %scan3A_23 : i32
      %scan3A_25 = arith.constant 1 : i32
      scf.for %scan3A_27 = %scan3A to %scan3A_24 step %scan3A_25  : i32 {
        "tpu.region"() ({
          %run_scoped3A = tpu.sem_alloc : memref<!tpu.dma_semaphore, #tpu.memory_space<semaphore_mem>>
          %dma_start3A = arith.constant 0 : i32
          %dma_start3A_28 = tpu.memref_slice %arg7[%scan3A_27, %dma_start3A] : memref<18x112xi32, #tpu.memory_space<vmem>> -> memref<1x112xi32, #tpu.memory_space<vmem>>
          %dma_start3A_29 = tpu.memref_squeeze %dma_start3A_28 : memref<1x112xi32, #tpu.memory_space<vmem>> -> memref<112xi32, #tpu.memory_space<vmem>>
          %dma_start3A_30 = arith.constant 0 : i32
          %dma_start3A_31 = arith.constant 0 : i32
          %dma_start3A_32 = tpu.memref_slice %arg6[%dma_start3A_30, %dma_start3A_31] : memref<10240x128xf32, #tpu.memory_space<vmem_shared>> -> memref<10240x128xf32, #tpu.memory_space<vmem_shared>>
          tpu.enqueue_indirect_dma source(%arg8 : memref<112x128xf32, #tpu.memory_space<vmem>>) target(%dma_start3A_32 : memref<10240x128xf32, #tpu.memory_space<vmem_shared>>) offsets(%dma_start3A_29 : memref<112xi32, #tpu.memory_space<vmem>>) semaphore(%run_scoped3A : memref<!tpu.dma_semaphore, #tpu.memory_space<semaphore_mem>>) {add = true}
          %dma_wait3A = arith.constant 0 : i32
          %dma_wait3A_33 = tpu.memref_slice %arg7[%scan3A_27, %dma_wait3A] : memref<18x112xi32, #tpu.memory_space<vmem>> -> memref<1x112xi32, #tpu.memory_space<vmem>>
          %dma_wait3A_34 = tpu.memref_squeeze %dma_wait3A_33 : memref<1x112xi32, #tpu.memory_space<vmem>> -> memref<112xi32, #tpu.memory_space<vmem>>
          %dma_wait3A_35 = arith.constant 0 : i32
          %dma_wait3A_36 = arith.constant 0 : i32
          %dma_wait3A_37 = tpu.memref_slice %arg6[%dma_wait3A_35, %dma_wait3A_36] : memref<10240x128xf32, #tpu.memory_space<vmem_shared>> -> memref<10240x128xf32, #tpu.memory_space<vmem_shared>>
          tpu.wait_indirect_dma semaphore(%run_scoped3A : memref<!tpu.dma_semaphore, #tpu.memory_space<semaphore_mem>>) src(%arg8 : memref<112x128xf32, #tpu.memory_space<vmem>>) dst(%dma_wait3A_37 : memref<10240x128xf32, #tpu.memory_space<vmem_shared>>)
          tpu.yield
        }) : () -> ()
      }
      %scan3A_26 = arith.constant 18 : i32
    }
    %barrier3A_14 = arith.constant 0 : index
    tpu.barrier barrier_id(%barrier3A_14)
    %mul3A_15 = arith.constant 640 : i32
    %mul3A_16 = arith.muli %arg1, %mul3A_15 : i32
    %mul3A_17 = arith.constant 10240 : i32
    %mul3A_18 = arith.muli %arg0, %mul3A_17 : i32
    %mul3A_19 = arith.constant 640 : i32
    %mul3A_20 = arith.muli %arg1, %mul3A_19 : i32
    %add3A_21 = arith.addi %mul3A_18, %mul3A_20 : i32
    "tpu.region"() ({
      %run_scoped3A = tpu.sem_alloc : memref<!tpu.dma_semaphore, #tpu.memory_space<semaphore_mem>>
      %dma_start3A = arith.constant 0 : i32
      %dma_start3A_22 = tpu.memref_slice %arg5[%add3A_21, %dma_start3A] : memref<20480x128xf32, #tpu.memory_space<hbm>> -> memref<640x128xf32, #tpu.memory_space<hbm>>
      %dma_start3A_23 = arith.constant 0 : i32
      %dma_start3A_24 = tpu.memref_slice %arg6[%mul3A_16, %dma_start3A_23] : memref<10240x128xf32, #tpu.memory_space<vmem_shared>> -> memref<640x128xf32, #tpu.memory_space<vmem_shared>>
      tpu.enqueue_dma source(%dma_start3A_24 : memref<640x128xf32, #tpu.memory_space<vmem_shared>>) target(%dma_start3A_22 : memref<640x128xf32, #tpu.memory_space<hbm>>) target_semaphore(%run_scoped3A : memref<!tpu.dma_semaphore, #tpu.memory_space<semaphore_mem>>)
      %dma_wait3A = arith.constant 0 : i32
      %dma_wait3A_25 = tpu.memref_slice %arg5[%add3A_21, %dma_wait3A] : memref<20480x128xf32, #tpu.memory_space<hbm>> -> memref<640x128xf32, #tpu.memory_space<hbm>>
      %dma_wait3A_26 = arith.constant 0 : i32
      %dma_wait3A_27 = tpu.memref_slice %arg6[%mul3A_16, %dma_wait3A_26] : memref<10240x128xf32, #tpu.memory_space<vmem_shared>> -> memref<640x128xf32, #tpu.memory_space<vmem_shared>>
      tpu.wait_dma2 semaphore(%run_scoped3A : memref<!tpu.dma_semaphore, #tpu.memory_space<semaphore_mem>>) src(%dma_wait3A_27 : memref<640x128xf32, #tpu.memory_space<vmem_shared>>) dst(%dma_wait3A_25 : memref<640x128xf32, #tpu.memory_space<hbm>>)
      tpu.yield
    }) : () -> ()
    return
  }
}

#map = affine_map<(d0, d1) -> (0, 0)>
#map1 = affine_map<(d0, d1) -> (0, 0, 0, 0, 0)>
#map2 = affine_map<(d0, d1) -> (0, 0, 0, 0)>
module attributes {stable_mosaic.version = 14 : i64} {
  func.func @_agg_kernel(%arg0: i32, %arg1: i32, %arg2: memref<40960x128xf32, #tpu.memory_space<hbm>>, %arg3: memref<4x16x10x18x112xi32, #tpu.memory_space<hbm>>, %arg4: memref<16x10x18x112xi32, #tpu.memory_space<hbm>>, %arg5: memref<640x128xf32, #tpu.memory_space<hbm>>, %arg6: memref<40960x128xf32, #tpu.memory_space<hbm>>, %arg7: memref<10240x128xf32, #tpu.memory_space<vmem_shared>>, %arg8: memref<18x112xi32, #tpu.memory_space<vmem>>, %arg9: memref<18x112xi32, #tpu.memory_space<vmem>>, %arg10: memref<112x128xf32, #tpu.memory_space<vmem>>, %arg11: memref<112x128xf32, #tpu.memory_space<vmem>>, %arg12: memref<112x128xf32, #tpu.memory_space<vmem>>, %arg13: memref<!tpu.dma_semaphore, #tpu.memory_space<semaphore_mem>>, %arg14: memref<!tpu.dma_semaphore, #tpu.memory_space<semaphore_mem>>, %arg15: memref<!tpu.dma_semaphore, #tpu.memory_space<semaphore_mem>>, %arg16: memref<!tpu.dma_semaphore, #tpu.memory_space<semaphore_mem>>, %arg17: memref<!tpu.dma_semaphore, #tpu.memory_space<semaphore_mem>>, %arg18: memref<!tpu.dma_semaphore, #tpu.memory_space<semaphore_mem>>) attributes {dimension_semantics = [#tpu.dimension_semantics<core_parallel>, #tpu.dimension_semantics<subcore_parallel>], iteration_bounds = array<i64: 2, 16>, scalar_prefetch = 0 : i64, scratch_operands = 12 : i64, tpu.core_type = #tpu.core_type<sc_vector_subcore>, window_params = [{transform_indices = #map}, {transform_indices = #map1}, {transform_indices = #map2}, {transform_indices = #map}, {transform_indices = #map}]} {
    %mul3A = arith.constant 2 : i32
    %mul3A_0 = arith.muli %mul3A, %arg0 : i32
    %add3A = arith.constant 0 : i32
    %add3A_1 = arith.addi %mul3A_0, %add3A : i32
    %mul3A_2 = arith.constant 640 : i32
    %mul3A_3 = arith.muli %arg1, %mul3A_2 : i32
    "tpu.region"() ({
      %run_scoped3A = tpu.sem_alloc : memref<!tpu.dma_semaphore, #tpu.memory_space<semaphore_mem>>
      %dma_start3A = arith.constant 0 : i32
      %dma_start3A_38 = tpu.memref_slice %arg7[%mul3A_3, %dma_start3A] : memref<10240x128xf32, #tpu.memory_space<vmem_shared>> -> memref<640x128xf32, #tpu.memory_space<vmem_shared>>
      tpu.enqueue_dma source(%arg5 : memref<640x128xf32, #tpu.memory_space<hbm>>) target(%dma_start3A_38 : memref<640x128xf32, #tpu.memory_space<vmem_shared>>) target_semaphore(%run_scoped3A : memref<!tpu.dma_semaphore, #tpu.memory_space<semaphore_mem>>)
      %dma_wait3A = arith.constant 0 : i32
      %dma_wait3A_39 = tpu.memref_slice %arg7[%mul3A_3, %dma_wait3A] : memref<10240x128xf32, #tpu.memory_space<vmem_shared>> -> memref<640x128xf32, #tpu.memory_space<vmem_shared>>
      tpu.wait_dma2 semaphore(%run_scoped3A : memref<!tpu.dma_semaphore, #tpu.memory_space<semaphore_mem>>) src(%arg5 : memref<640x128xf32, #tpu.memory_space<hbm>>) dst(%dma_wait3A_39 : memref<640x128xf32, #tpu.memory_space<vmem_shared>>)
      tpu.yield
    }) : () -> ()
    %barrier3A = arith.constant 0 : index
    tpu.barrier barrier_id(%barrier3A)
    %scan3A = arith.constant 0 : i32
    %scan3A_4 = arith.constant 0 : i32
    %scan3A_5 = arith.constant 10 : i32
    %scan3A_6 = arith.addi %scan3A_4, %scan3A_5 : i32
    %scan3A_7 = arith.constant 1 : i32
    scf.for %scan3A_38 = %scan3A_4 to %scan3A_6 step %scan3A_7  : i32 {
      "tpu.region"() ({
        %run_scoped3A = tpu.sem_alloc : memref<!tpu.dma_semaphore, #tpu.memory_space<semaphore_mem>>
        %dma_start3A_63 = arith.constant 0 : i32
        %dma_start3A_64 = arith.constant 0 : i32
        %dma_start3A_65 = tpu.memref_slice %arg3[%add3A_1, %arg1, %scan3A_38, %dma_start3A_63, %dma_start3A_64] : memref<4x16x10x18x112xi32, #tpu.memory_space<hbm>> -> memref<1x1x1x18x112xi32, #tpu.memory_space<hbm>>
        %dma_start3A_66 = tpu.memref_squeeze %dma_start3A_65 : memref<1x1x1x18x112xi32, #tpu.memory_space<hbm>> -> memref<18x112xi32, #tpu.memory_space<hbm>>
        %dma_start3A_67 = arith.constant 0 : i32
        %dma_start3A_68 = arith.constant 0 : i32
        %dma_start3A_69 = tpu.memref_slice %arg3[%add3A_1, %arg1, %scan3A_38, %dma_start3A_67, %dma_start3A_68] : memref<4x16x10x18x112xi32, #tpu.memory_space<hbm>> -> memref<1x1x1x18x112xi32, #tpu.memory_space<hbm>>
        %dma_start3A_70 = tpu.memref_squeeze %dma_start3A_69 : memref<1x1x1x18x112xi32, #tpu.memory_space<hbm>> -> memref<18x112xi32, #tpu.memory_space<hbm>>
        tpu.enqueue_dma source(%dma_start3A_70 : memref<18x112xi32, #tpu.memory_space<hbm>>) target(%arg8 : memref<18x112xi32, #tpu.memory_space<vmem>>) target_semaphore(%run_scoped3A : memref<!tpu.dma_semaphore, #tpu.memory_space<semaphore_mem>>)
        %dma_wait3A_71 = arith.constant 0 : i32
        %dma_wait3A_72 = arith.constant 0 : i32
        %dma_wait3A_73 = tpu.memref_slice %arg3[%add3A_1, %arg1, %scan3A_38, %dma_wait3A_71, %dma_wait3A_72] : memref<4x16x10x18x112xi32, #tpu.memory_space<hbm>> -> memref<1x1x1x18x112xi32, #tpu.memory_space<hbm>>
        %dma_wait3A_74 = tpu.memref_squeeze %dma_wait3A_73 : memref<1x1x1x18x112xi32, #tpu.memory_space<hbm>> -> memref<18x112xi32, #tpu.memory_space<hbm>>
        %dma_wait3A_75 = arith.constant 0 : i32
        %dma_wait3A_76 = arith.constant 0 : i32
        %dma_wait3A_77 = tpu.memref_slice %arg3[%add3A_1, %arg1, %scan3A_38, %dma_wait3A_75, %dma_wait3A_76] : memref<4x16x10x18x112xi32, #tpu.memory_space<hbm>> -> memref<1x1x1x18x112xi32, #tpu.memory_space<hbm>>
        %dma_wait3A_78 = tpu.memref_squeeze %dma_wait3A_77 : memref<1x1x1x18x112xi32, #tpu.memory_space<hbm>> -> memref<18x112xi32, #tpu.memory_space<hbm>>
        tpu.wait_dma2 semaphore(%run_scoped3A : memref<!tpu.dma_semaphore, #tpu.memory_space<semaphore_mem>>) src(%dma_wait3A_78 : memref<18x112xi32, #tpu.memory_space<hbm>>) dst(%arg8 : memref<18x112xi32, #tpu.memory_space<vmem>>)
        tpu.yield
      }) : () -> ()
      "tpu.region"() ({
        %run_scoped3A = tpu.sem_alloc : memref<!tpu.dma_semaphore, #tpu.memory_space<semaphore_mem>>
        %dma_start3A_63 = arith.constant 0 : i32
        %dma_start3A_64 = arith.constant 0 : i32
        %dma_start3A_65 = tpu.memref_slice %arg4[%arg1, %scan3A_38, %dma_start3A_63, %dma_start3A_64] : memref<16x10x18x112xi32, #tpu.memory_space<hbm>> -> memref<1x1x18x112xi32, #tpu.memory_space<hbm>>
        %dma_start3A_66 = tpu.memref_squeeze %dma_start3A_65 : memref<1x1x18x112xi32, #tpu.memory_space<hbm>> -> memref<18x112xi32, #tpu.memory_space<hbm>>
        %dma_start3A_67 = arith.constant 0 : i32
        %dma_start3A_68 = arith.constant 0 : i32
        %dma_start3A_69 = tpu.memref_slice %arg4[%arg1, %scan3A_38, %dma_start3A_67, %dma_start3A_68] : memref<16x10x18x112xi32, #tpu.memory_space<hbm>> -> memref<1x1x18x112xi32, #tpu.memory_space<hbm>>
        %dma_start3A_70 = tpu.memref_squeeze %dma_start3A_69 : memref<1x1x18x112xi32, #tpu.memory_space<hbm>> -> memref<18x112xi32, #tpu.memory_space<hbm>>
        tpu.enqueue_dma source(%dma_start3A_70 : memref<18x112xi32, #tpu.memory_space<hbm>>) target(%arg9 : memref<18x112xi32, #tpu.memory_space<vmem>>) target_semaphore(%run_scoped3A : memref<!tpu.dma_semaphore, #tpu.memory_space<semaphore_mem>>)
        %dma_wait3A_71 = arith.constant 0 : i32
        %dma_wait3A_72 = arith.constant 0 : i32
        %dma_wait3A_73 = tpu.memref_slice %arg4[%arg1, %scan3A_38, %dma_wait3A_71, %dma_wait3A_72] : memref<16x10x18x112xi32, #tpu.memory_space<hbm>> -> memref<1x1x18x112xi32, #tpu.memory_space<hbm>>
        %dma_wait3A_74 = tpu.memref_squeeze %dma_wait3A_73 : memref<1x1x18x112xi32, #tpu.memory_space<hbm>> -> memref<18x112xi32, #tpu.memory_space<hbm>>
        %dma_wait3A_75 = arith.constant 0 : i32
        %dma_wait3A_76 = arith.constant 0 : i32
        %dma_wait3A_77 = tpu.memref_slice %arg4[%arg1, %scan3A_38, %dma_wait3A_75, %dma_wait3A_76] : memref<16x10x18x112xi32, #tpu.memory_space<hbm>> -> memref<1x1x18x112xi32, #tpu.memory_space<hbm>>
        %dma_wait3A_78 = tpu.memref_squeeze %dma_wait3A_77 : memref<1x1x18x112xi32, #tpu.memory_space<hbm>> -> memref<18x112xi32, #tpu.memory_space<hbm>>
        tpu.wait_dma2 semaphore(%run_scoped3A : memref<!tpu.dma_semaphore, #tpu.memory_space<semaphore_mem>>) src(%dma_wait3A_78 : memref<18x112xi32, #tpu.memory_space<hbm>>) dst(%arg9 : memref<18x112xi32, #tpu.memory_space<vmem>>)
        tpu.yield
      }) : () -> ()
      %dma_start3A = arith.constant 0 : i32
      %dma_start3A_39 = arith.constant 0 : i32
      %dma_start3A_40 = tpu.memref_slice %arg8[%dma_start3A, %dma_start3A_39] : memref<18x112xi32, #tpu.memory_space<vmem>> -> memref<1x112xi32, #tpu.memory_space<vmem>>
      %dma_start3A_41 = tpu.memref_squeeze %dma_start3A_40 : memref<1x112xi32, #tpu.memory_space<vmem>> -> memref<112xi32, #tpu.memory_space<vmem>>
      %dma_start3A_42 = arith.constant 0 : i32
      %dma_start3A_43 = arith.constant 0 : i32
      %dma_start3A_44 = tpu.memref_slice %arg2[%dma_start3A_42, %dma_start3A_43] : memref<40960x128xf32, #tpu.memory_space<hbm>> -> memref<40960x128xf32, #tpu.memory_space<hbm>>
      tpu.enqueue_indirect_dma source(%dma_start3A_44 : memref<40960x128xf32, #tpu.memory_space<hbm>>) target(%arg10 : memref<112x128xf32, #tpu.memory_space<vmem>>) offsets(%dma_start3A_41 : memref<112xi32, #tpu.memory_space<vmem>>) semaphore(%arg13 : memref<!tpu.dma_semaphore, #tpu.memory_space<semaphore_mem>>)
      %dma_start3A_45 = arith.constant 1 : i32
      %dma_start3A_46 = arith.constant 0 : i32
      %dma_start3A_47 = tpu.memref_slice %arg8[%dma_start3A_45, %dma_start3A_46] : memref<18x112xi32, #tpu.memory_space<vmem>> -> memref<1x112xi32, #tpu.memory_space<vmem>>
      %dma_start3A_48 = tpu.memref_squeeze %dma_start3A_47 : memref<1x112xi32, #tpu.memory_space<vmem>> -> memref<112xi32, #tpu.memory_space<vmem>>
      %dma_start3A_49 = arith.constant 0 : i32
      %dma_start3A_50 = arith.constant 0 : i32
      %dma_start3A_51 = tpu.memref_slice %arg2[%dma_start3A_49, %dma_start3A_50] : memref<40960x128xf32, #tpu.memory_space<hbm>> -> memref<40960x128xf32, #tpu.memory_space<hbm>>
      tpu.enqueue_indirect_dma source(%dma_start3A_51 : memref<40960x128xf32, #tpu.memory_space<hbm>>) target(%arg11 : memref<112x128xf32, #tpu.memory_space<vmem>>) offsets(%dma_start3A_48 : memref<112xi32, #tpu.memory_space<vmem>>) semaphore(%arg14 : memref<!tpu.dma_semaphore, #tpu.memory_space<semaphore_mem>>)
      %scan3A_52 = arith.constant 0 : i32
      %scan3A_53 = arith.constant 0 : i32
      %scan3A_54 = arith.constant 6 : i32
      %scan3A_55 = arith.addi %scan3A_53, %scan3A_54 : i32
      %scan3A_56 = arith.constant 1 : i32
      scf.for %scan3A_63 = %scan3A_53 to %scan3A_55 step %scan3A_56  : i32 {
        %mul3A_64 = arith.constant 3 : i32
        %mul3A_65 = arith.muli %mul3A_64, %scan3A_63 : i32
        %add3A_66 = arith.constant 0 : i32
        %add3A_67 = arith.addi %mul3A_65, %add3A_66 : i32
        %dma_wait3A_68 = arith.constant 0 : i32
        %dma_wait3A_69 = arith.constant 0 : i32
        %dma_wait3A_70 = tpu.memref_slice %arg2[%dma_wait3A_68, %dma_wait3A_69] : memref<40960x128xf32, #tpu.memory_space<hbm>> -> memref<112x128xf32, #tpu.memory_space<hbm>>
        %dma_wait3A_71 = arith.constant 0 : i32
        %dma_wait3A_72 = arith.constant 0 : i32
        %dma_wait3A_73 = tpu.memref_slice %arg2[%dma_wait3A_71, %dma_wait3A_72] : memref<40960x128xf32, #tpu.memory_space<hbm>> -> memref<112x128xf32, #tpu.memory_space<hbm>>
        tpu.wait_dma2 semaphore(%arg13 : memref<!tpu.dma_semaphore, #tpu.memory_space<semaphore_mem>>) src(%dma_wait3A_73 : memref<112x128xf32, #tpu.memory_space<hbm>>) dst(%arg10 : memref<112x128xf32, #tpu.memory_space<vmem>>)
        %dma_start3A_74 = arith.constant 0 : i32
        %dma_start3A_75 = tpu.memref_slice %arg9[%add3A_67, %dma_start3A_74] : memref<18x112xi32, #tpu.memory_space<vmem>> -> memref<1x112xi32, #tpu.memory_space<vmem>>
        %dma_start3A_76 = tpu.memref_squeeze %dma_start3A_75 : memref<1x112xi32, #tpu.memory_space<vmem>> -> memref<112xi32, #tpu.memory_space<vmem>>
        %dma_start3A_77 = arith.constant 0 : i32
        %dma_start3A_78 = arith.constant 0 : i32
        %dma_start3A_79 = tpu.memref_slice %arg7[%dma_start3A_77, %dma_start3A_78] : memref<10240x128xf32, #tpu.memory_space<vmem_shared>> -> memref<10240x128xf32, #tpu.memory_space<vmem_shared>>
        tpu.enqueue_indirect_dma source(%arg10 : memref<112x128xf32, #tpu.memory_space<vmem>>) target(%dma_start3A_79 : memref<10240x128xf32, #tpu.memory_space<vmem_shared>>) offsets(%dma_start3A_76 : memref<112xi32, #tpu.memory_space<vmem>>) semaphore(%arg16 : memref<!tpu.dma_semaphore, #tpu.memory_space<semaphore_mem>>) {add = true}
        %gt3A = arith.constant 0 : i32
        %gt3A_80 = arith.cmpi sgt, %scan3A_63, %gt3A : i32
        %convert_element_type3A = arith.extui %gt3A_80 : i1 to i32
        %cond3A = arith.constant 0 : i32
        %cond3A_81 = arith.cmpi ne, %convert_element_type3A, %cond3A : i32
        scf.if %cond3A_81 {
          %dma_wait3A_146 = arith.constant 0 : i32
          %dma_wait3A_147 = arith.constant 0 : i32
          %dma_wait3A_148 = tpu.memref_slice %arg7[%dma_wait3A_146, %dma_wait3A_147] : memref<10240x128xf32, #tpu.memory_space<vmem_shared>> -> memref<112x128xf32, #tpu.memory_space<vmem_shared>>
          %dma_wait3A_149 = arith.constant 0 : i32
          %dma_wait3A_150 = arith.constant 0 : i32
          %dma_wait3A_151 = tpu.memref_slice %arg7[%dma_wait3A_149, %dma_wait3A_150] : memref<10240x128xf32, #tpu.memory_space<vmem_shared>> -> memref<112x128xf32, #tpu.memory_space<vmem_shared>>
          tpu.wait_dma2 semaphore(%arg18 : memref<!tpu.dma_semaphore, #tpu.memory_space<semaphore_mem>>) src(%arg12 : memref<112x128xf32, #tpu.memory_space<vmem>>) dst(%dma_wait3A_151 : memref<112x128xf32, #tpu.memory_space<vmem_shared>>)
        } else {
        }
        %add3A_82 = arith.constant 2 : i32
        %add3A_83 = arith.addi %add3A_67, %add3A_82 : i32
        %lt3A = arith.constant 18 : i32
        %lt3A_84 = arith.cmpi slt, %add3A_83, %lt3A : i32
        %convert_element_type3A_85 = arith.extui %lt3A_84 : i1 to i32
        %cond3A_86 = arith.constant 0 : i32
        %cond3A_87 = arith.cmpi ne, %convert_element_type3A_85, %cond3A_86 : i32
        scf.if %cond3A_87 {
          %add3A_146 = arith.constant 2 : i32
          %add3A_147 = arith.addi %add3A_67, %add3A_146 : i32
          %dma_start3A_148 = arith.constant 0 : i32
          %dma_start3A_149 = tpu.memref_slice %arg8[%add3A_147, %dma_start3A_148] : memref<18x112xi32, #tpu.memory_space<vmem>> -> memref<1x112xi32, #tpu.memory_space<vmem>>
          %dma_start3A_150 = tpu.memref_squeeze %dma_start3A_149 : memref<1x112xi32, #tpu.memory_space<vmem>> -> memref<112xi32, #tpu.memory_space<vmem>>
          %dma_start3A_151 = arith.constant 0 : i32
          %dma_start3A_152 = arith.constant 0 : i32
          %dma_start3A_153 = tpu.memref_slice %arg2[%dma_start3A_151, %dma_start3A_152] : memref<40960x128xf32, #tpu.memory_space<hbm>> -> memref<40960x128xf32, #tpu.memory_space<hbm>>
          tpu.enqueue_indirect_dma source(%dma_start3A_153 : memref<40960x128xf32, #tpu.memory_space<hbm>>) target(%arg12 : memref<112x128xf32, #tpu.memory_space<vmem>>) offsets(%dma_start3A_150 : memref<112xi32, #tpu.memory_space<vmem>>) semaphore(%arg15 : memref<!tpu.dma_semaphore, #tpu.memory_space<semaphore_mem>>)
        } else {
        }
        %mul3A_88 = arith.constant 3 : i32
        %mul3A_89 = arith.muli %mul3A_88, %scan3A_63 : i32
        %add3A_90 = arith.constant 1 : i32
        %add3A_91 = arith.addi %mul3A_89, %add3A_90 : i32
        %dma_wait3A_92 = arith.constant 0 : i32
        %dma_wait3A_93 = arith.constant 0 : i32
        %dma_wait3A_94 = tpu.memref_slice %arg2[%dma_wait3A_92, %dma_wait3A_93] : memref<40960x128xf32, #tpu.memory_space<hbm>> -> memref<112x128xf32, #tpu.memory_space<hbm>>
        %dma_wait3A_95 = arith.constant 0 : i32
        %dma_wait3A_96 = arith.constant 0 : i32
        %dma_wait3A_97 = tpu.memref_slice %arg2[%dma_wait3A_95, %dma_wait3A_96] : memref<40960x128xf32, #tpu.memory_space<hbm>> -> memref<112x128xf32, #tpu.memory_space<hbm>>
        tpu.wait_dma2 semaphore(%arg14 : memref<!tpu.dma_semaphore, #tpu.memory_space<semaphore_mem>>) src(%dma_wait3A_97 : memref<112x128xf32, #tpu.memory_space<hbm>>) dst(%arg11 : memref<112x128xf32, #tpu.memory_space<vmem>>)
        %dma_start3A_98 = arith.constant 0 : i32
        %dma_start3A_99 = tpu.memref_slice %arg9[%add3A_91, %dma_start3A_98] : memref<18x112xi32, #tpu.memory_space<vmem>> -> memref<1x112xi32, #tpu.memory_space<vmem>>
        %dma_start3A_100 = tpu.memref_squeeze %dma_start3A_99 : memref<1x112xi32, #tpu.memory_space<vmem>> -> memref<112xi32, #tpu.memory_space<vmem>>
        %dma_start3A_101 = arith.constant 0 : i32
        %dma_start3A_102 = arith.constant 0 : i32
        %dma_start3A_103 = tpu.memref_slice %arg7[%dma_start3A_101, %dma_start3A_102] : memref<10240x128xf32, #tpu.memory_space<vmem_shared>> -> memref<10240x128xf32, #tpu.memory_space<vmem_shared>>
        tpu.enqueue_indirect_dma source(%arg11 : memref<112x128xf32, #tpu.memory_space<vmem>>) target(%dma_start3A_103 : memref<10240x128xf32, #tpu.memory_space<vmem_shared>>) offsets(%dma_start3A_100 : memref<112xi32, #tpu.memory_space<vmem>>) semaphore(%arg17 : memref<!tpu.dma_semaphore, #tpu.memory_space<semaphore_mem>>) {add = true}
        %dma_wait3A_104 = arith.constant 0 : i32
        %dma_wait3A_105 = arith.constant 0 : i32
        %dma_wait3A_106 = tpu.memref_slice %arg7[%dma_wait3A_104, %dma_wait3A_105] : memref<10240x128xf32, #tpu.memory_space<vmem_shared>> -> memref<112x128xf32, #tpu.memory_space<vmem_shared>>
        %dma_wait3A_107 = arith.constant 0 : i32
        %dma_wait3A_108 = arith.constant 0 : i32
        %dma_wait3A_109 = tpu.memref_slice %arg7[%dma_wait3A_107, %dma_wait3A_108] : memref<10240x128xf32, #tpu.memory_space<vmem_shared>> -> memref<112x128xf32, #tpu.memory_space<vmem_shared>>
        tpu.wait_dma2 semaphore(%arg16 : memref<!tpu.dma_semaphore, #tpu.memory_space<semaphore_mem>>) src(%arg10 : memref<112x128xf32, #tpu.memory_space<vmem>>) dst(%dma_wait3A_109 : memref<112x128xf32, #tpu.memory_space<vmem_shared>>)
        %add3A_110 = arith.constant 2 : i32
        %add3A_111 = arith.addi %add3A_91, %add3A_110 : i32
        %lt3A_112 = arith.constant 18 : i32
        %lt3A_113 = arith.cmpi slt, %add3A_111, %lt3A_112 : i32
        %convert_element_type3A_114 = arith.extui %lt3A_113 : i1 to i32
        %cond3A_115 = arith.constant 0 : i32
        %cond3A_116 = arith.cmpi ne, %convert_element_type3A_114, %cond3A_115 : i32
        scf.if %cond3A_116 {
          %add3A_146 = arith.constant 2 : i32
          %add3A_147 = arith.addi %add3A_91, %add3A_146 : i32
          %dma_start3A_148 = arith.constant 0 : i32
          %dma_start3A_149 = tpu.memref_slice %arg8[%add3A_147, %dma_start3A_148] : memref<18x112xi32, #tpu.memory_space<vmem>> -> memref<1x112xi32, #tpu.memory_space<vmem>>
          %dma_start3A_150 = tpu.memref_squeeze %dma_start3A_149 : memref<1x112xi32, #tpu.memory_space<vmem>> -> memref<112xi32, #tpu.memory_space<vmem>>
          %dma_start3A_151 = arith.constant 0 : i32
          %dma_start3A_152 = arith.constant 0 : i32
          %dma_start3A_153 = tpu.memref_slice %arg2[%dma_start3A_151, %dma_start3A_152] : memref<40960x128xf32, #tpu.memory_space<hbm>> -> memref<40960x128xf32, #tpu.memory_space<hbm>>
          tpu.enqueue_indirect_dma source(%dma_start3A_153 : memref<40960x128xf32, #tpu.memory_space<hbm>>) target(%arg10 : memref<112x128xf32, #tpu.memory_space<vmem>>) offsets(%dma_start3A_150 : memref<112xi32, #tpu.memory_space<vmem>>) semaphore(%arg13 : memref<!tpu.dma_semaphore, #tpu.memory_space<semaphore_mem>>)
        } else {
        }
        %mul3A_117 = arith.constant 3 : i32
        %mul3A_118 = arith.muli %mul3A_117, %scan3A_63 : i32
        %add3A_119 = arith.constant 2 : i32
        %add3A_120 = arith.addi %mul3A_118, %add3A_119 : i32
        %dma_wait3A_121 = arith.constant 0 : i32
        %dma_wait3A_122 = arith.constant 0 : i32
        %dma_wait3A_123 = tpu.memref_slice %arg2[%dma_wait3A_121, %dma_wait3A_122] : memref<40960x128xf32, #tpu.memory_space<hbm>> -> memref<112x128xf32, #tpu.memory_space<hbm>>
        %dma_wait3A_124 = arith.constant 0 : i32
        %dma_wait3A_125 = arith.constant 0 : i32
        %dma_wait3A_126 = tpu.memref_slice %arg2[%dma_wait3A_124, %dma_wait3A_125] : memref<40960x128xf32, #tpu.memory_space<hbm>> -> memref<112x128xf32, #tpu.memory_space<hbm>>
        tpu.wait_dma2 semaphore(%arg15 : memref<!tpu.dma_semaphore, #tpu.memory_space<semaphore_mem>>) src(%dma_wait3A_126 : memref<112x128xf32, #tpu.memory_space<hbm>>) dst(%arg12 : memref<112x128xf32, #tpu.memory_space<vmem>>)
        %dma_start3A_127 = arith.constant 0 : i32
        %dma_start3A_128 = tpu.memref_slice %arg9[%add3A_120, %dma_start3A_127] : memref<18x112xi32, #tpu.memory_space<vmem>> -> memref<1x112xi32, #tpu.memory_space<vmem>>
        %dma_start3A_129 = tpu.memref_squeeze %dma_start3A_128 : memref<1x112xi32, #tpu.memory_space<vmem>> -> memref<112xi32, #tpu.memory_space<vmem>>
        %dma_start3A_130 = arith.constant 0 : i32
        %dma_start3A_131 = arith.constant 0 : i32
        %dma_start3A_132 = tpu.memref_slice %arg7[%dma_start3A_130, %dma_start3A_131] : memref<10240x128xf32, #tpu.memory_space<vmem_shared>> -> memref<10240x128xf32, #tpu.memory_space<vmem_shared>>
        tpu.enqueue_indirect_dma source(%arg12 : memref<112x128xf32, #tpu.memory_space<vmem>>) target(%dma_start3A_132 : memref<10240x128xf32, #tpu.memory_space<vmem_shared>>) offsets(%dma_start3A_129 : memref<112xi32, #tpu.memory_space<vmem>>) semaphore(%arg18 : memref<!tpu.dma_semaphore, #tpu.memory_space<semaphore_mem>>) {add = true}
        %dma_wait3A_133 = arith.constant 0 : i32
        %dma_wait3A_134 = arith.constant 0 : i32
        %dma_wait3A_135 = tpu.memref_slice %arg7[%dma_wait3A_133, %dma_wait3A_134] : memref<10240x128xf32, #tpu.memory_space<vmem_shared>> -> memref<112x128xf32, #tpu.memory_space<vmem_shared>>
        %dma_wait3A_136 = arith.constant 0 : i32
        %dma_wait3A_137 = arith.constant 0 : i32
        %dma_wait3A_138 = tpu.memref_slice %arg7[%dma_wait3A_136, %dma_wait3A_137] : memref<10240x128xf32, #tpu.memory_space<vmem_shared>> -> memref<112x128xf32, #tpu.memory_space<vmem_shared>>
        tpu.wait_dma2 semaphore(%arg17 : memref<!tpu.dma_semaphore, #tpu.memory_space<semaphore_mem>>) src(%arg11 : memref<112x128xf32, #tpu.memory_space<vmem>>) dst(%dma_wait3A_138 : memref<112x128xf32, #tpu.memory_space<vmem_shared>>)
        %add3A_139 = arith.constant 2 : i32
        %add3A_140 = arith.addi %add3A_120, %add3A_139 : i32
        %lt3A_141 = arith.constant 18 : i32
        %lt3A_142 = arith.cmpi slt, %add3A_140, %lt3A_141 : i32
        %convert_element_type3A_143 = arith.extui %lt3A_142 : i1 to i32
        %cond3A_144 = arith.constant 0 : i32
        %cond3A_145 = arith.cmpi ne, %convert_element_type3A_143, %cond3A_144 : i32
        scf.if %cond3A_145 {
          %add3A_146 = arith.constant 2 : i32
          %add3A_147 = arith.addi %add3A_120, %add3A_146 : i32
          %dma_start3A_148 = arith.constant 0 : i32
          %dma_start3A_149 = tpu.memref_slice %arg8[%add3A_147, %dma_start3A_148] : memref<18x112xi32, #tpu.memory_space<vmem>> -> memref<1x112xi32, #tpu.memory_space<vmem>>
          %dma_start3A_150 = tpu.memref_squeeze %dma_start3A_149 : memref<1x112xi32, #tpu.memory_space<vmem>> -> memref<112xi32, #tpu.memory_space<vmem>>
          %dma_start3A_151 = arith.constant 0 : i32
          %dma_start3A_152 = arith.constant 0 : i32
          %dma_start3A_153 = tpu.memref_slice %arg2[%dma_start3A_151, %dma_start3A_152] : memref<40960x128xf32, #tpu.memory_space<hbm>> -> memref<40960x128xf32, #tpu.memory_space<hbm>>
          tpu.enqueue_indirect_dma source(%dma_start3A_153 : memref<40960x128xf32, #tpu.memory_space<hbm>>) target(%arg11 : memref<112x128xf32, #tpu.memory_space<vmem>>) offsets(%dma_start3A_150 : memref<112xi32, #tpu.memory_space<vmem>>) semaphore(%arg14 : memref<!tpu.dma_semaphore, #tpu.memory_space<semaphore_mem>>)
        } else {
        }
      }
      %scan3A_57 = arith.constant 6 : i32
      %dma_wait3A = arith.constant 0 : i32
      %dma_wait3A_58 = arith.constant 0 : i32
      %dma_wait3A_59 = tpu.memref_slice %arg7[%dma_wait3A, %dma_wait3A_58] : memref<10240x128xf32, #tpu.memory_space<vmem_shared>> -> memref<112x128xf32, #tpu.memory_space<vmem_shared>>
      %dma_wait3A_60 = arith.constant 0 : i32
      %dma_wait3A_61 = arith.constant 0 : i32
      %dma_wait3A_62 = tpu.memref_slice %arg7[%dma_wait3A_60, %dma_wait3A_61] : memref<10240x128xf32, #tpu.memory_space<vmem_shared>> -> memref<112x128xf32, #tpu.memory_space<vmem_shared>>
      tpu.wait_dma2 semaphore(%arg18 : memref<!tpu.dma_semaphore, #tpu.memory_space<semaphore_mem>>) src(%arg12 : memref<112x128xf32, #tpu.memory_space<vmem>>) dst(%dma_wait3A_62 : memref<112x128xf32, #tpu.memory_space<vmem_shared>>)
    }
    %scan3A_8 = arith.constant 10 : i32
    %barrier3A_9 = arith.constant 0 : index
    tpu.barrier barrier_id(%barrier3A_9)
    %mul3A_10 = arith.constant 640 : i32
    %mul3A_11 = arith.muli %arg1, %mul3A_10 : i32
    %mul3A_12 = arith.constant 10240 : i32
    %mul3A_13 = arith.muli %add3A_1, %mul3A_12 : i32
    %mul3A_14 = arith.constant 640 : i32
    %mul3A_15 = arith.muli %arg1, %mul3A_14 : i32
    %add3A_16 = arith.addi %mul3A_13, %mul3A_15 : i32
    "tpu.region"() ({
      %run_scoped3A = tpu.sem_alloc : memref<!tpu.dma_semaphore, #tpu.memory_space<semaphore_mem>>
      %dma_start3A = arith.constant 0 : i32
      %dma_start3A_38 = tpu.memref_slice %arg6[%add3A_16, %dma_start3A] : memref<40960x128xf32, #tpu.memory_space<hbm>> -> memref<640x128xf32, #tpu.memory_space<hbm>>
      %dma_start3A_39 = arith.constant 0 : i32
      %dma_start3A_40 = tpu.memref_slice %arg7[%mul3A_11, %dma_start3A_39] : memref<10240x128xf32, #tpu.memory_space<vmem_shared>> -> memref<640x128xf32, #tpu.memory_space<vmem_shared>>
      tpu.enqueue_dma source(%dma_start3A_40 : memref<640x128xf32, #tpu.memory_space<vmem_shared>>) target(%dma_start3A_38 : memref<640x128xf32, #tpu.memory_space<hbm>>) target_semaphore(%run_scoped3A : memref<!tpu.dma_semaphore, #tpu.memory_space<semaphore_mem>>)
      %dma_wait3A = arith.constant 0 : i32
      %dma_wait3A_41 = tpu.memref_slice %arg6[%add3A_16, %dma_wait3A] : memref<40960x128xf32, #tpu.memory_space<hbm>> -> memref<640x128xf32, #tpu.memory_space<hbm>>
      %dma_wait3A_42 = arith.constant 0 : i32
      %dma_wait3A_43 = tpu.memref_slice %arg7[%mul3A_11, %dma_wait3A_42] : memref<10240x128xf32, #tpu.memory_space<vmem_shared>> -> memref<640x128xf32, #tpu.memory_space<vmem_shared>>
      tpu.wait_dma2 semaphore(%run_scoped3A : memref<!tpu.dma_semaphore, #tpu.memory_space<semaphore_mem>>) src(%dma_wait3A_43 : memref<640x128xf32, #tpu.memory_space<vmem_shared>>) dst(%dma_wait3A_41 : memref<640x128xf32, #tpu.memory_space<hbm>>)
      tpu.yield
    }) : () -> ()
    %mul3A_17 = arith.constant 2 : i32
    %mul3A_18 = arith.muli %mul3A_17, %arg0 : i32
    %add3A_19 = arith.constant 1 : i32
    %add3A_20 = arith.addi %mul3A_18, %add3A_19 : i32
    %mul3A_21 = arith.constant 640 : i32
    %mul3A_22 = arith.muli %arg1, %mul3A_21 : i32
    "tpu.region"() ({
      %run_scoped3A = tpu.sem_alloc : memref<!tpu.dma_semaphore, #tpu.memory_space<semaphore_mem>>
      %dma_start3A = arith.constant 0 : i32
      %dma_start3A_38 = tpu.memref_slice %arg7[%mul3A_22, %dma_start3A] : memref<10240x128xf32, #tpu.memory_space<vmem_shared>> -> memref<640x128xf32, #tpu.memory_space<vmem_shared>>
      tpu.enqueue_dma source(%arg5 : memref<640x128xf32, #tpu.memory_space<hbm>>) target(%dma_start3A_38 : memref<640x128xf32, #tpu.memory_space<vmem_shared>>) target_semaphore(%run_scoped3A : memref<!tpu.dma_semaphore, #tpu.memory_space<semaphore_mem>>)
      %dma_wait3A = arith.constant 0 : i32
      %dma_wait3A_39 = tpu.memref_slice %arg7[%mul3A_22, %dma_wait3A] : memref<10240x128xf32, #tpu.memory_space<vmem_shared>> -> memref<640x128xf32, #tpu.memory_space<vmem_shared>>
      tpu.wait_dma2 semaphore(%run_scoped3A : memref<!tpu.dma_semaphore, #tpu.memory_space<semaphore_mem>>) src(%arg5 : memref<640x128xf32, #tpu.memory_space<hbm>>) dst(%dma_wait3A_39 : memref<640x128xf32, #tpu.memory_space<vmem_shared>>)
      tpu.yield
    }) : () -> ()
    %barrier3A_23 = arith.constant 0 : index
    tpu.barrier barrier_id(%barrier3A_23)
    %scan3A_24 = arith.constant 0 : i32
    %scan3A_25 = arith.constant 0 : i32
    %scan3A_26 = arith.constant 10 : i32
    %scan3A_27 = arith.addi %scan3A_25, %scan3A_26 : i32
    %scan3A_28 = arith.constant 1 : i32
    scf.for %scan3A_38 = %scan3A_25 to %scan3A_27 step %scan3A_28  : i32 {
      "tpu.region"() ({
        %run_scoped3A = tpu.sem_alloc : memref<!tpu.dma_semaphore, #tpu.memory_space<semaphore_mem>>
        %dma_start3A_63 = arith.constant 0 : i32
        %dma_start3A_64 = arith.constant 0 : i32
        %dma_start3A_65 = tpu.memref_slice %arg3[%add3A_20, %arg1, %scan3A_38, %dma_start3A_63, %dma_start3A_64] : memref<4x16x10x18x112xi32, #tpu.memory_space<hbm>> -> memref<1x1x1x18x112xi32, #tpu.memory_space<hbm>>
        %dma_start3A_66 = tpu.memref_squeeze %dma_start3A_65 : memref<1x1x1x18x112xi32, #tpu.memory_space<hbm>> -> memref<18x112xi32, #tpu.memory_space<hbm>>
        %dma_start3A_67 = arith.constant 0 : i32
        %dma_start3A_68 = arith.constant 0 : i32
        %dma_start3A_69 = tpu.memref_slice %arg3[%add3A_20, %arg1, %scan3A_38, %dma_start3A_67, %dma_start3A_68] : memref<4x16x10x18x112xi32, #tpu.memory_space<hbm>> -> memref<1x1x1x18x112xi32, #tpu.memory_space<hbm>>
        %dma_start3A_70 = tpu.memref_squeeze %dma_start3A_69 : memref<1x1x1x18x112xi32, #tpu.memory_space<hbm>> -> memref<18x112xi32, #tpu.memory_space<hbm>>
        tpu.enqueue_dma source(%dma_start3A_70 : memref<18x112xi32, #tpu.memory_space<hbm>>) target(%arg8 : memref<18x112xi32, #tpu.memory_space<vmem>>) target_semaphore(%run_scoped3A : memref<!tpu.dma_semaphore, #tpu.memory_space<semaphore_mem>>)
        %dma_wait3A_71 = arith.constant 0 : i32
        %dma_wait3A_72 = arith.constant 0 : i32
        %dma_wait3A_73 = tpu.memref_slice %arg3[%add3A_20, %arg1, %scan3A_38, %dma_wait3A_71, %dma_wait3A_72] : memref<4x16x10x18x112xi32, #tpu.memory_space<hbm>> -> memref<1x1x1x18x112xi32, #tpu.memory_space<hbm>>
        %dma_wait3A_74 = tpu.memref_squeeze %dma_wait3A_73 : memref<1x1x1x18x112xi32, #tpu.memory_space<hbm>> -> memref<18x112xi32, #tpu.memory_space<hbm>>
        %dma_wait3A_75 = arith.constant 0 : i32
        %dma_wait3A_76 = arith.constant 0 : i32
        %dma_wait3A_77 = tpu.memref_slice %arg3[%add3A_20, %arg1, %scan3A_38, %dma_wait3A_75, %dma_wait3A_76] : memref<4x16x10x18x112xi32, #tpu.memory_space<hbm>> -> memref<1x1x1x18x112xi32, #tpu.memory_space<hbm>>
        %dma_wait3A_78 = tpu.memref_squeeze %dma_wait3A_77 : memref<1x1x1x18x112xi32, #tpu.memory_space<hbm>> -> memref<18x112xi32, #tpu.memory_space<hbm>>
        tpu.wait_dma2 semaphore(%run_scoped3A : memref<!tpu.dma_semaphore, #tpu.memory_space<semaphore_mem>>) src(%dma_wait3A_78 : memref<18x112xi32, #tpu.memory_space<hbm>>) dst(%arg8 : memref<18x112xi32, #tpu.memory_space<vmem>>)
        tpu.yield
      }) : () -> ()
      "tpu.region"() ({
        %run_scoped3A = tpu.sem_alloc : memref<!tpu.dma_semaphore, #tpu.memory_space<semaphore_mem>>
        %dma_start3A_63 = arith.constant 0 : i32
        %dma_start3A_64 = arith.constant 0 : i32
        %dma_start3A_65 = tpu.memref_slice %arg4[%arg1, %scan3A_38, %dma_start3A_63, %dma_start3A_64] : memref<16x10x18x112xi32, #tpu.memory_space<hbm>> -> memref<1x1x18x112xi32, #tpu.memory_space<hbm>>
        %dma_start3A_66 = tpu.memref_squeeze %dma_start3A_65 : memref<1x1x18x112xi32, #tpu.memory_space<hbm>> -> memref<18x112xi32, #tpu.memory_space<hbm>>
        %dma_start3A_67 = arith.constant 0 : i32
        %dma_start3A_68 = arith.constant 0 : i32
        %dma_start3A_69 = tpu.memref_slice %arg4[%arg1, %scan3A_38, %dma_start3A_67, %dma_start3A_68] : memref<16x10x18x112xi32, #tpu.memory_space<hbm>> -> memref<1x1x18x112xi32, #tpu.memory_space<hbm>>
        %dma_start3A_70 = tpu.memref_squeeze %dma_start3A_69 : memref<1x1x18x112xi32, #tpu.memory_space<hbm>> -> memref<18x112xi32, #tpu.memory_space<hbm>>
        tpu.enqueue_dma source(%dma_start3A_70 : memref<18x112xi32, #tpu.memory_space<hbm>>) target(%arg9 : memref<18x112xi32, #tpu.memory_space<vmem>>) target_semaphore(%run_scoped3A : memref<!tpu.dma_semaphore, #tpu.memory_space<semaphore_mem>>)
        %dma_wait3A_71 = arith.constant 0 : i32
        %dma_wait3A_72 = arith.constant 0 : i32
        %dma_wait3A_73 = tpu.memref_slice %arg4[%arg1, %scan3A_38, %dma_wait3A_71, %dma_wait3A_72] : memref<16x10x18x112xi32, #tpu.memory_space<hbm>> -> memref<1x1x18x112xi32, #tpu.memory_space<hbm>>
        %dma_wait3A_74 = tpu.memref_squeeze %dma_wait3A_73 : memref<1x1x18x112xi32, #tpu.memory_space<hbm>> -> memref<18x112xi32, #tpu.memory_space<hbm>>
        %dma_wait3A_75 = arith.constant 0 : i32
        %dma_wait3A_76 = arith.constant 0 : i32
        %dma_wait3A_77 = tpu.memref_slice %arg4[%arg1, %scan3A_38, %dma_wait3A_75, %dma_wait3A_76] : memref<16x10x18x112xi32, #tpu.memory_space<hbm>> -> memref<1x1x18x112xi32, #tpu.memory_space<hbm>>
        %dma_wait3A_78 = tpu.memref_squeeze %dma_wait3A_77 : memref<1x1x18x112xi32, #tpu.memory_space<hbm>> -> memref<18x112xi32, #tpu.memory_space<hbm>>
        tpu.wait_dma2 semaphore(%run_scoped3A : memref<!tpu.dma_semaphore, #tpu.memory_space<semaphore_mem>>) src(%dma_wait3A_78 : memref<18x112xi32, #tpu.memory_space<hbm>>) dst(%arg9 : memref<18x112xi32, #tpu.memory_space<vmem>>)
        tpu.yield
      }) : () -> ()
      %dma_start3A = arith.constant 0 : i32
      %dma_start3A_39 = arith.constant 0 : i32
      %dma_start3A_40 = tpu.memref_slice %arg8[%dma_start3A, %dma_start3A_39] : memref<18x112xi32, #tpu.memory_space<vmem>> -> memref<1x112xi32, #tpu.memory_space<vmem>>
      %dma_start3A_41 = tpu.memref_squeeze %dma_start3A_40 : memref<1x112xi32, #tpu.memory_space<vmem>> -> memref<112xi32, #tpu.memory_space<vmem>>
      %dma_start3A_42 = arith.constant 0 : i32
      %dma_start3A_43 = arith.constant 0 : i32
      %dma_start3A_44 = tpu.memref_slice %arg2[%dma_start3A_42, %dma_start3A_43] : memref<40960x128xf32, #tpu.memory_space<hbm>> -> memref<40960x128xf32, #tpu.memory_space<hbm>>
      tpu.enqueue_indirect_dma source(%dma_start3A_44 : memref<40960x128xf32, #tpu.memory_space<hbm>>) target(%arg10 : memref<112x128xf32, #tpu.memory_space<vmem>>) offsets(%dma_start3A_41 : memref<112xi32, #tpu.memory_space<vmem>>) semaphore(%arg13 : memref<!tpu.dma_semaphore, #tpu.memory_space<semaphore_mem>>)
      %dma_start3A_45 = arith.constant 1 : i32
      %dma_start3A_46 = arith.constant 0 : i32
      %dma_start3A_47 = tpu.memref_slice %arg8[%dma_start3A_45, %dma_start3A_46] : memref<18x112xi32, #tpu.memory_space<vmem>> -> memref<1x112xi32, #tpu.memory_space<vmem>>
      %dma_start3A_48 = tpu.memref_squeeze %dma_start3A_47 : memref<1x112xi32, #tpu.memory_space<vmem>> -> memref<112xi32, #tpu.memory_space<vmem>>
      %dma_start3A_49 = arith.constant 0 : i32
      %dma_start3A_50 = arith.constant 0 : i32
      %dma_start3A_51 = tpu.memref_slice %arg2[%dma_start3A_49, %dma_start3A_50] : memref<40960x128xf32, #tpu.memory_space<hbm>> -> memref<40960x128xf32, #tpu.memory_space<hbm>>
      tpu.enqueue_indirect_dma source(%dma_start3A_51 : memref<40960x128xf32, #tpu.memory_space<hbm>>) target(%arg11 : memref<112x128xf32, #tpu.memory_space<vmem>>) offsets(%dma_start3A_48 : memref<112xi32, #tpu.memory_space<vmem>>) semaphore(%arg14 : memref<!tpu.dma_semaphore, #tpu.memory_space<semaphore_mem>>)
      %scan3A_52 = arith.constant 0 : i32
      %scan3A_53 = arith.constant 0 : i32
      %scan3A_54 = arith.constant 6 : i32
      %scan3A_55 = arith.addi %scan3A_53, %scan3A_54 : i32
      %scan3A_56 = arith.constant 1 : i32
      scf.for %scan3A_63 = %scan3A_53 to %scan3A_55 step %scan3A_56  : i32 {
        %mul3A_64 = arith.constant 3 : i32
        %mul3A_65 = arith.muli %mul3A_64, %scan3A_63 : i32
        %add3A_66 = arith.constant 0 : i32
        %add3A_67 = arith.addi %mul3A_65, %add3A_66 : i32
        %dma_wait3A_68 = arith.constant 0 : i32
        %dma_wait3A_69 = arith.constant 0 : i32
        %dma_wait3A_70 = tpu.memref_slice %arg2[%dma_wait3A_68, %dma_wait3A_69] : memref<40960x128xf32, #tpu.memory_space<hbm>> -> memref<112x128xf32, #tpu.memory_space<hbm>>
        %dma_wait3A_71 = arith.constant 0 : i32
        %dma_wait3A_72 = arith.constant 0 : i32
        %dma_wait3A_73 = tpu.memref_slice %arg2[%dma_wait3A_71, %dma_wait3A_72] : memref<40960x128xf32, #tpu.memory_space<hbm>> -> memref<112x128xf32, #tpu.memory_space<hbm>>
        tpu.wait_dma2 semaphore(%arg13 : memref<!tpu.dma_semaphore, #tpu.memory_space<semaphore_mem>>) src(%dma_wait3A_73 : memref<112x128xf32, #tpu.memory_space<hbm>>) dst(%arg10 : memref<112x128xf32, #tpu.memory_space<vmem>>)
        %dma_start3A_74 = arith.constant 0 : i32
        %dma_start3A_75 = tpu.memref_slice %arg9[%add3A_67, %dma_start3A_74] : memref<18x112xi32, #tpu.memory_space<vmem>> -> memref<1x112xi32, #tpu.memory_space<vmem>>
        %dma_start3A_76 = tpu.memref_squeeze %dma_start3A_75 : memref<1x112xi32, #tpu.memory_space<vmem>> -> memref<112xi32, #tpu.memory_space<vmem>>
        %dma_start3A_77 = arith.constant 0 : i32
        %dma_start3A_78 = arith.constant 0 : i32
        %dma_start3A_79 = tpu.memref_slice %arg7[%dma_start3A_77, %dma_start3A_78] : memref<10240x128xf32, #tpu.memory_space<vmem_shared>> -> memref<10240x128xf32, #tpu.memory_space<vmem_shared>>
        tpu.enqueue_indirect_dma source(%arg10 : memref<112x128xf32, #tpu.memory_space<vmem>>) target(%dma_start3A_79 : memref<10240x128xf32, #tpu.memory_space<vmem_shared>>) offsets(%dma_start3A_76 : memref<112xi32, #tpu.memory_space<vmem>>) semaphore(%arg16 : memref<!tpu.dma_semaphore, #tpu.memory_space<semaphore_mem>>) {add = true}
        %gt3A = arith.constant 0 : i32
        %gt3A_80 = arith.cmpi sgt, %scan3A_63, %gt3A : i32
        %convert_element_type3A = arith.extui %gt3A_80 : i1 to i32
        %cond3A = arith.constant 0 : i32
        %cond3A_81 = arith.cmpi ne, %convert_element_type3A, %cond3A : i32
        scf.if %cond3A_81 {
          %dma_wait3A_146 = arith.constant 0 : i32
          %dma_wait3A_147 = arith.constant 0 : i32
          %dma_wait3A_148 = tpu.memref_slice %arg7[%dma_wait3A_146, %dma_wait3A_147] : memref<10240x128xf32, #tpu.memory_space<vmem_shared>> -> memref<112x128xf32, #tpu.memory_space<vmem_shared>>
          %dma_wait3A_149 = arith.constant 0 : i32
          %dma_wait3A_150 = arith.constant 0 : i32
          %dma_wait3A_151 = tpu.memref_slice %arg7[%dma_wait3A_149, %dma_wait3A_150] : memref<10240x128xf32, #tpu.memory_space<vmem_shared>> -> memref<112x128xf32, #tpu.memory_space<vmem_shared>>
          tpu.wait_dma2 semaphore(%arg18 : memref<!tpu.dma_semaphore, #tpu.memory_space<semaphore_mem>>) src(%arg12 : memref<112x128xf32, #tpu.memory_space<vmem>>) dst(%dma_wait3A_151 : memref<112x128xf32, #tpu.memory_space<vmem_shared>>)
        } else {
        }
        %add3A_82 = arith.constant 2 : i32
        %add3A_83 = arith.addi %add3A_67, %add3A_82 : i32
        %lt3A = arith.constant 18 : i32
        %lt3A_84 = arith.cmpi slt, %add3A_83, %lt3A : i32
        %convert_element_type3A_85 = arith.extui %lt3A_84 : i1 to i32
        %cond3A_86 = arith.constant 0 : i32
        %cond3A_87 = arith.cmpi ne, %convert_element_type3A_85, %cond3A_86 : i32
        scf.if %cond3A_87 {
          %add3A_146 = arith.constant 2 : i32
          %add3A_147 = arith.addi %add3A_67, %add3A_146 : i32
          %dma_start3A_148 = arith.constant 0 : i32
          %dma_start3A_149 = tpu.memref_slice %arg8[%add3A_147, %dma_start3A_148] : memref<18x112xi32, #tpu.memory_space<vmem>> -> memref<1x112xi32, #tpu.memory_space<vmem>>
          %dma_start3A_150 = tpu.memref_squeeze %dma_start3A_149 : memref<1x112xi32, #tpu.memory_space<vmem>> -> memref<112xi32, #tpu.memory_space<vmem>>
          %dma_start3A_151 = arith.constant 0 : i32
          %dma_start3A_152 = arith.constant 0 : i32
          %dma_start3A_153 = tpu.memref_slice %arg2[%dma_start3A_151, %dma_start3A_152] : memref<40960x128xf32, #tpu.memory_space<hbm>> -> memref<40960x128xf32, #tpu.memory_space<hbm>>
          tpu.enqueue_indirect_dma source(%dma_start3A_153 : memref<40960x128xf32, #tpu.memory_space<hbm>>) target(%arg12 : memref<112x128xf32, #tpu.memory_space<vmem>>) offsets(%dma_start3A_150 : memref<112xi32, #tpu.memory_space<vmem>>) semaphore(%arg15 : memref<!tpu.dma_semaphore, #tpu.memory_space<semaphore_mem>>)
        } else {
        }
        %mul3A_88 = arith.constant 3 : i32
        %mul3A_89 = arith.muli %mul3A_88, %scan3A_63 : i32
        %add3A_90 = arith.constant 1 : i32
        %add3A_91 = arith.addi %mul3A_89, %add3A_90 : i32
        %dma_wait3A_92 = arith.constant 0 : i32
        %dma_wait3A_93 = arith.constant 0 : i32
        %dma_wait3A_94 = tpu.memref_slice %arg2[%dma_wait3A_92, %dma_wait3A_93] : memref<40960x128xf32, #tpu.memory_space<hbm>> -> memref<112x128xf32, #tpu.memory_space<hbm>>
        %dma_wait3A_95 = arith.constant 0 : i32
        %dma_wait3A_96 = arith.constant 0 : i32
        %dma_wait3A_97 = tpu.memref_slice %arg2[%dma_wait3A_95, %dma_wait3A_96] : memref<40960x128xf32, #tpu.memory_space<hbm>> -> memref<112x128xf32, #tpu.memory_space<hbm>>
        tpu.wait_dma2 semaphore(%arg14 : memref<!tpu.dma_semaphore, #tpu.memory_space<semaphore_mem>>) src(%dma_wait3A_97 : memref<112x128xf32, #tpu.memory_space<hbm>>) dst(%arg11 : memref<112x128xf32, #tpu.memory_space<vmem>>)
        %dma_start3A_98 = arith.constant 0 : i32
        %dma_start3A_99 = tpu.memref_slice %arg9[%add3A_91, %dma_start3A_98] : memref<18x112xi32, #tpu.memory_space<vmem>> -> memref<1x112xi32, #tpu.memory_space<vmem>>
        %dma_start3A_100 = tpu.memref_squeeze %dma_start3A_99 : memref<1x112xi32, #tpu.memory_space<vmem>> -> memref<112xi32, #tpu.memory_space<vmem>>
        %dma_start3A_101 = arith.constant 0 : i32
        %dma_start3A_102 = arith.constant 0 : i32
        %dma_start3A_103 = tpu.memref_slice %arg7[%dma_start3A_101, %dma_start3A_102] : memref<10240x128xf32, #tpu.memory_space<vmem_shared>> -> memref<10240x128xf32, #tpu.memory_space<vmem_shared>>
        tpu.enqueue_indirect_dma source(%arg11 : memref<112x128xf32, #tpu.memory_space<vmem>>) target(%dma_start3A_103 : memref<10240x128xf32, #tpu.memory_space<vmem_shared>>) offsets(%dma_start3A_100 : memref<112xi32, #tpu.memory_space<vmem>>) semaphore(%arg17 : memref<!tpu.dma_semaphore, #tpu.memory_space<semaphore_mem>>) {add = true}
        %dma_wait3A_104 = arith.constant 0 : i32
        %dma_wait3A_105 = arith.constant 0 : i32
        %dma_wait3A_106 = tpu.memref_slice %arg7[%dma_wait3A_104, %dma_wait3A_105] : memref<10240x128xf32, #tpu.memory_space<vmem_shared>> -> memref<112x128xf32, #tpu.memory_space<vmem_shared>>
        %dma_wait3A_107 = arith.constant 0 : i32
        %dma_wait3A_108 = arith.constant 0 : i32
        %dma_wait3A_109 = tpu.memref_slice %arg7[%dma_wait3A_107, %dma_wait3A_108] : memref<10240x128xf32, #tpu.memory_space<vmem_shared>> -> memref<112x128xf32, #tpu.memory_space<vmem_shared>>
        tpu.wait_dma2 semaphore(%arg16 : memref<!tpu.dma_semaphore, #tpu.memory_space<semaphore_mem>>) src(%arg10 : memref<112x128xf32, #tpu.memory_space<vmem>>) dst(%dma_wait3A_109 : memref<112x128xf32, #tpu.memory_space<vmem_shared>>)
        %add3A_110 = arith.constant 2 : i32
        %add3A_111 = arith.addi %add3A_91, %add3A_110 : i32
        %lt3A_112 = arith.constant 18 : i32
        %lt3A_113 = arith.cmpi slt, %add3A_111, %lt3A_112 : i32
        %convert_element_type3A_114 = arith.extui %lt3A_113 : i1 to i32
        %cond3A_115 = arith.constant 0 : i32
        %cond3A_116 = arith.cmpi ne, %convert_element_type3A_114, %cond3A_115 : i32
        scf.if %cond3A_116 {
          %add3A_146 = arith.constant 2 : i32
          %add3A_147 = arith.addi %add3A_91, %add3A_146 : i32
          %dma_start3A_148 = arith.constant 0 : i32
          %dma_start3A_149 = tpu.memref_slice %arg8[%add3A_147, %dma_start3A_148] : memref<18x112xi32, #tpu.memory_space<vmem>> -> memref<1x112xi32, #tpu.memory_space<vmem>>
          %dma_start3A_150 = tpu.memref_squeeze %dma_start3A_149 : memref<1x112xi32, #tpu.memory_space<vmem>> -> memref<112xi32, #tpu.memory_space<vmem>>
          %dma_start3A_151 = arith.constant 0 : i32
          %dma_start3A_152 = arith.constant 0 : i32
          %dma_start3A_153 = tpu.memref_slice %arg2[%dma_start3A_151, %dma_start3A_152] : memref<40960x128xf32, #tpu.memory_space<hbm>> -> memref<40960x128xf32, #tpu.memory_space<hbm>>
          tpu.enqueue_indirect_dma source(%dma_start3A_153 : memref<40960x128xf32, #tpu.memory_space<hbm>>) target(%arg10 : memref<112x128xf32, #tpu.memory_space<vmem>>) offsets(%dma_start3A_150 : memref<112xi32, #tpu.memory_space<vmem>>) semaphore(%arg13 : memref<!tpu.dma_semaphore, #tpu.memory_space<semaphore_mem>>)
        } else {
        }
        %mul3A_117 = arith.constant 3 : i32
        %mul3A_118 = arith.muli %mul3A_117, %scan3A_63 : i32
        %add3A_119 = arith.constant 2 : i32
        %add3A_120 = arith.addi %mul3A_118, %add3A_119 : i32
        %dma_wait3A_121 = arith.constant 0 : i32
        %dma_wait3A_122 = arith.constant 0 : i32
        %dma_wait3A_123 = tpu.memref_slice %arg2[%dma_wait3A_121, %dma_wait3A_122] : memref<40960x128xf32, #tpu.memory_space<hbm>> -> memref<112x128xf32, #tpu.memory_space<hbm>>
        %dma_wait3A_124 = arith.constant 0 : i32
        %dma_wait3A_125 = arith.constant 0 : i32
        %dma_wait3A_126 = tpu.memref_slice %arg2[%dma_wait3A_124, %dma_wait3A_125] : memref<40960x128xf32, #tpu.memory_space<hbm>> -> memref<112x128xf32, #tpu.memory_space<hbm>>
        tpu.wait_dma2 semaphore(%arg15 : memref<!tpu.dma_semaphore, #tpu.memory_space<semaphore_mem>>) src(%dma_wait3A_126 : memref<112x128xf32, #tpu.memory_space<hbm>>) dst(%arg12 : memref<112x128xf32, #tpu.memory_space<vmem>>)
        %dma_start3A_127 = arith.constant 0 : i32
        %dma_start3A_128 = tpu.memref_slice %arg9[%add3A_120, %dma_start3A_127] : memref<18x112xi32, #tpu.memory_space<vmem>> -> memref<1x112xi32, #tpu.memory_space<vmem>>
        %dma_start3A_129 = tpu.memref_squeeze %dma_start3A_128 : memref<1x112xi32, #tpu.memory_space<vmem>> -> memref<112xi32, #tpu.memory_space<vmem>>
        %dma_start3A_130 = arith.constant 0 : i32
        %dma_start3A_131 = arith.constant 0 : i32
        %dma_start3A_132 = tpu.memref_slice %arg7[%dma_start3A_130, %dma_start3A_131] : memref<10240x128xf32, #tpu.memory_space<vmem_shared>> -> memref<10240x128xf32, #tpu.memory_space<vmem_shared>>
        tpu.enqueue_indirect_dma source(%arg12 : memref<112x128xf32, #tpu.memory_space<vmem>>) target(%dma_start3A_132 : memref<10240x128xf32, #tpu.memory_space<vmem_shared>>) offsets(%dma_start3A_129 : memref<112xi32, #tpu.memory_space<vmem>>) semaphore(%arg18 : memref<!tpu.dma_semaphore, #tpu.memory_space<semaphore_mem>>) {add = true}
        %dma_wait3A_133 = arith.constant 0 : i32
        %dma_wait3A_134 = arith.constant 0 : i32
        %dma_wait3A_135 = tpu.memref_slice %arg7[%dma_wait3A_133, %dma_wait3A_134] : memref<10240x128xf32, #tpu.memory_space<vmem_shared>> -> memref<112x128xf32, #tpu.memory_space<vmem_shared>>
        %dma_wait3A_136 = arith.constant 0 : i32
        %dma_wait3A_137 = arith.constant 0 : i32
        %dma_wait3A_138 = tpu.memref_slice %arg7[%dma_wait3A_136, %dma_wait3A_137] : memref<10240x128xf32, #tpu.memory_space<vmem_shared>> -> memref<112x128xf32, #tpu.memory_space<vmem_shared>>
        tpu.wait_dma2 semaphore(%arg17 : memref<!tpu.dma_semaphore, #tpu.memory_space<semaphore_mem>>) src(%arg11 : memref<112x128xf32, #tpu.memory_space<vmem>>) dst(%dma_wait3A_138 : memref<112x128xf32, #tpu.memory_space<vmem_shared>>)
        %add3A_139 = arith.constant 2 : i32
        %add3A_140 = arith.addi %add3A_120, %add3A_139 : i32
        %lt3A_141 = arith.constant 18 : i32
        %lt3A_142 = arith.cmpi slt, %add3A_140, %lt3A_141 : i32
        %convert_element_type3A_143 = arith.extui %lt3A_142 : i1 to i32
        %cond3A_144 = arith.constant 0 : i32
        %cond3A_145 = arith.cmpi ne, %convert_element_type3A_143, %cond3A_144 : i32
        scf.if %cond3A_145 {
          %add3A_146 = arith.constant 2 : i32
          %add3A_147 = arith.addi %add3A_120, %add3A_146 : i32
          %dma_start3A_148 = arith.constant 0 : i32
          %dma_start3A_149 = tpu.memref_slice %arg8[%add3A_147, %dma_start3A_148] : memref<18x112xi32, #tpu.memory_space<vmem>> -> memref<1x112xi32, #tpu.memory_space<vmem>>
          %dma_start3A_150 = tpu.memref_squeeze %dma_start3A_149 : memref<1x112xi32, #tpu.memory_space<vmem>> -> memref<112xi32, #tpu.memory_space<vmem>>
          %dma_start3A_151 = arith.constant 0 : i32
          %dma_start3A_152 = arith.constant 0 : i32
          %dma_start3A_153 = tpu.memref_slice %arg2[%dma_start3A_151, %dma_start3A_152] : memref<40960x128xf32, #tpu.memory_space<hbm>> -> memref<40960x128xf32, #tpu.memory_space<hbm>>
          tpu.enqueue_indirect_dma source(%dma_start3A_153 : memref<40960x128xf32, #tpu.memory_space<hbm>>) target(%arg11 : memref<112x128xf32, #tpu.memory_space<vmem>>) offsets(%dma_start3A_150 : memref<112xi32, #tpu.memory_space<vmem>>) semaphore(%arg14 : memref<!tpu.dma_semaphore, #tpu.memory_space<semaphore_mem>>)
        } else {
        }
      }
      %scan3A_57 = arith.constant 6 : i32
      %dma_wait3A = arith.constant 0 : i32
      %dma_wait3A_58 = arith.constant 0 : i32
      %dma_wait3A_59 = tpu.memref_slice %arg7[%dma_wait3A, %dma_wait3A_58] : memref<10240x128xf32, #tpu.memory_space<vmem_shared>> -> memref<112x128xf32, #tpu.memory_space<vmem_shared>>
      %dma_wait3A_60 = arith.constant 0 : i32
      %dma_wait3A_61 = arith.constant 0 : i32
      %dma_wait3A_62 = tpu.memref_slice %arg7[%dma_wait3A_60, %dma_wait3A_61] : memref<10240x128xf32, #tpu.memory_space<vmem_shared>> -> memref<112x128xf32, #tpu.memory_space<vmem_shared>>
      tpu.wait_dma2 semaphore(%arg18 : memref<!tpu.dma_semaphore, #tpu.memory_space<semaphore_mem>>) src(%arg12 : memref<112x128xf32, #tpu.memory_space<vmem>>) dst(%dma_wait3A_62 : memref<112x128xf32, #tpu.memory_space<vmem_shared>>)
    }
    %scan3A_29 = arith.constant 10 : i32
    %barrier3A_30 = arith.constant 0 : index
    tpu.barrier barrier_id(%barrier3A_30)
    %mul3A_31 = arith.constant 640 : i32
    %mul3A_32 = arith.muli %arg1, %mul3A_31 : i32
    %mul3A_33 = arith.constant 10240 : i32
    %mul3A_34 = arith.muli %add3A_20, %mul3A_33 : i32
    %mul3A_35 = arith.constant 640 : i32
    %mul3A_36 = arith.muli %arg1, %mul3A_35 : i32
    %add3A_37 = arith.addi %mul3A_34, %mul3A_36 : i32
    "tpu.region"() ({
      %run_scoped3A = tpu.sem_alloc : memref<!tpu.dma_semaphore, #tpu.memory_space<semaphore_mem>>
      %dma_start3A = arith.constant 0 : i32
      %dma_start3A_38 = tpu.memref_slice %arg6[%add3A_37, %dma_start3A] : memref<40960x128xf32, #tpu.memory_space<hbm>> -> memref<640x128xf32, #tpu.memory_space<hbm>>
      %dma_start3A_39 = arith.constant 0 : i32
      %dma_start3A_40 = tpu.memref_slice %arg7[%mul3A_32, %dma_start3A_39] : memref<10240x128xf32, #tpu.memory_space<vmem_shared>> -> memref<640x128xf32, #tpu.memory_space<vmem_shared>>
      tpu.enqueue_dma source(%dma_start3A_40 : memref<640x128xf32, #tpu.memory_space<vmem_shared>>) target(%dma_start3A_38 : memref<640x128xf32, #tpu.memory_space<hbm>>) target_semaphore(%run_scoped3A : memref<!tpu.dma_semaphore, #tpu.memory_space<semaphore_mem>>)
      %dma_wait3A = arith.constant 0 : i32
      %dma_wait3A_41 = tpu.memref_slice %arg6[%add3A_37, %dma_wait3A] : memref<40960x128xf32, #tpu.memory_space<hbm>> -> memref<640x128xf32, #tpu.memory_space<hbm>>
      %dma_wait3A_42 = arith.constant 0 : i32
      %dma_wait3A_43 = tpu.memref_slice %arg7[%mul3A_32, %dma_wait3A_42] : memref<10240x128xf32, #tpu.memory_space<vmem_shared>> -> memref<640x128xf32, #tpu.memory_space<vmem_shared>>
      tpu.wait_dma2 semaphore(%run_scoped3A : memref<!tpu.dma_semaphore, #tpu.memory_space<semaphore_mem>>) src(%dma_wait3A_43 : memref<640x128xf32, #tpu.memory_space<vmem_shared>>) dst(%dma_wait3A_41 : memref<640x128xf32, #tpu.memory_space<hbm>>)
      tpu.yield
    }) : () -> ()
    return
  }
}

module attributes {stable_mosaic.version = 14 : i64} {
  func.func @_tc_dinv_body(%arg0: i32, %arg1: memref<2560x128xf32, #tpu.memory_space<vmem>>, %arg2: memref<2560x128xf32, #tpu.memory_space<vmem>>, %arg3: memref<2560x16xf32, #tpu.memory_space<vmem>>) attributes {dimension_semantics = [#tpu.dimension_semantics<arbitrary>], iteration_bounds = array<i64: 4>, scalar_prefetch = 0 : i64, scratch_operands = 0 : i64, tpu.core_type = #tpu.core_type<tc>, window_params = [{transform_indices = @transform_0, window_bounds = array<i64: 2560, 128>}, {transform_indices = @transform_1, window_bounds = array<i64: 2560, 128>}, {transform_indices = @transform_2, window_bounds = array<i64: 2560, 16>}]} {
    %get3A = arith.constant 0 : index
    %get3A_0 = arith.constant 0 : index
    %get3A_1 = vector.load %arg1[%get3A, %get3A_0] : memref<2560x128xf32, #tpu.memory_space<vmem>>, vector<2560x1xf32>
    %get3A_2 = arith.constant 0 : index
    %get3A_3 = arith.constant 0 : index
    %get3A_4 = vector.load %arg2[%get3A_2, %get3A_3] : memref<2560x128xf32, #tpu.memory_space<vmem>>, vector<2560x1xf32>
    %add3A = arith.addf %get3A_1, %get3A_4 : vector<2560x1xf32>
    %add3A_5 = arith.constant 1.000000e+00 : f32
    %add3A_6 = vector.broadcast %add3A_5 : f32 to vector<2560x1xf32>
    %add3A_7 = arith.addf %add3A, %add3A_6 : vector<2560x1xf32>
    %rsqrt3A = math.rsqrt %add3A_7 : vector<2560x1xf32>
    %broadcast_in_dim3A = vector.shape_cast %rsqrt3A : vector<2560x1xf32> to vector<2560x1xf32>
    %broadcast_in_dim3A_8 = vector.broadcast %broadcast_in_dim3A : vector<2560x1xf32> to vector<2560x16xf32>
    %swap3A = arith.constant 0 : index
    %swap3A_9 = arith.constant 0 : index
    %swap3A_10 = vector.load %arg3[%swap3A, %swap3A_9] : memref<2560x16xf32, #tpu.memory_space<vmem>>, vector<2560x16xf32>
    tpu.vector_store %arg3[%swap3A, %swap3A_9], %broadcast_in_dim3A_8 {strides = array<i32>} : memref<2560x16xf32, #tpu.memory_space<vmem>>, vector<2560x16xf32>,
    return
  }
  func.func @transform_0(%arg0: i32) -> (i32, i32) {
    %c0_i32 = arith.constant 0 : i32
    %c0_i32_0 = arith.constant 0 : i32
    return %arg0, %c0_i32 : i32, i32
  }
  func.func @transform_1(%arg0: i32) -> (i32, i32) {
    %c0_i32 = arith.constant 0 : i32
    %c0_i32_0 = arith.constant 0 : i32
    return %arg0, %c0_i32 : i32, i32
  }
  func.func @transform_2(%arg0: i32) -> (i32, i32) {
    %c0_i32 = arith.constant 0 : i32
    %c0_i32_0 = arith.constant 0 : i32
    return %arg0, %c0_i32 : i32, i32
  }
}

module attributes {stable_mosaic.version = 14 : i64} {
  func.func @_tc_z1_body(%arg0: i32, %arg1: i32, %arg2: memref<1x2560x128xf32, #tpu.memory_space<vmem>>, %arg3: memref<128x128xf32, #tpu.memory_space<vmem>>, %arg4: memref<2560x16xf32, #tpu.memory_space<vmem>>, %arg5: memref<1x2560x128xf32, #tpu.memory_space<vmem>>) attributes {dimension_semantics = [#tpu.dimension_semantics<arbitrary>, #tpu.dimension_semantics<arbitrary>], iteration_bounds = array<i64: 4, 4>, scalar_prefetch = 0 : i64, scratch_operands = 0 : i64, tpu.core_type = #tpu.core_type<tc>, window_params = [{transform_indices = @transform_0, window_bounds = array<i64: 1, 2560, 128>}, {pipeline_mode = #tpu.pipeline_mode<synchronous>, transform_indices = @transform_1, window_bounds = array<i64: 128, 128>}, {transform_indices = @transform_2, window_bounds = array<i64: 2560, 16>}, {transform_indices = @transform_3, window_bounds = array<i64: 1, 2560, 128>}]} {
    %get3A = arith.constant 0 : index
    %get3A_0 = arith.constant 0 : index
    %get3A_1 = vector.load %arg4[%get3A, %get3A_0] : memref<2560x16xf32, #tpu.memory_space<vmem>>, vector<2560x16xf32>
    %slice3A = vector.extract_strided_slice %get3A_1 {offsets = [0, 0], sizes = [2560, 1], strides = [1, 1]} : vector<2560x16xf32> to vector<2560x1xf32>
    %get3A_2 = arith.constant 0 : index
    %get3A_3 = arith.constant 0 : index
    %get3A_4 = arith.constant 0 : index
    %get3A_5 = vector.load %arg2[%get3A_2, %get3A_3, %get3A_4] : memref<1x2560x128xf32, #tpu.memory_space<vmem>>, vector<1x2560x128xf32>
    %get3A_6 = vector.shape_cast %get3A_5 : vector<1x2560x128xf32> to vector<2560x128xf32>
    %get3A_7 = arith.constant 0 : index
    %get3A_8 = arith.constant 0 : index
    %get3A_9 = vector.load %arg3[%get3A_7, %get3A_8] : memref<128x128xf32, #tpu.memory_space<vmem>>, vector<128x128xf32>
    %dot_general3A = arith.constant dense<0.000000e+00> : vector<2560x128xf32>
    %dot_general3A_10 = tpu.matmul %get3A_6, %get3A_9, %dot_general3A {dimension_numbers = #tpu.dot_dimension_numbers<[1], [1], [0], [0], [0, 0, 1, 0], [], []>, precision = #tpu.contract_precision<fp32>, transpose_lhs_hint = false} : vector<2560x128xf32>, vector<128x128xf32>, vector<2560x128xf32> -> vector<2560x128xf32>
    %mul3A = vector.broadcast %slice3A : vector<2560x1xf32> to vector<2560x128xf32>
    %mul3A_11 = arith.mulf %dot_general3A_10, %mul3A : vector<2560x128xf32>
    %swap3A = arith.constant 0 : index
    %swap3A_12 = arith.constant 0 : index
    %swap3A_13 = arith.constant 0 : index
    %swap3A_14 = vector.load %arg5[%swap3A, %swap3A_12, %swap3A_13] : memref<1x2560x128xf32, #tpu.memory_space<vmem>>, vector<1x2560x128xf32>
    %swap3A_15 = vector.shape_cast %swap3A_14 : vector<1x2560x128xf32> to vector<2560x128xf32>
    %swap3A_16 = vector.shape_cast %mul3A_11 : vector<2560x128xf32> to vector<1x2560x128xf32>
    tpu.vector_store %arg5[%swap3A, %swap3A_12, %swap3A_13], %swap3A_16 {strides = array<i32>} : memref<1x2560x128xf32, #tpu.memory_space<vmem>>, vector<1x2560x128xf32>,
    return
  }
  func.func @transform_0(%arg0: i32, %arg1: i32) -> (i32, i32, i32) {
    %c0_i32 = arith.constant 0 : i32
    %c0_i32_0 = arith.constant 0 : i32
    return %arg0, %arg1, %c0_i32 : i32, i32, i32
  }
  func.func @transform_1(%arg0: i32, %arg1: i32) -> (i32, i32) {
    %c0_i32 = arith.constant 0 : i32
    %c0_i32_0 = arith.constant 0 : i32
    %c0_i32_1 = arith.constant 0 : i32
    return %c0_i32, %c0_i32_0 : i32, i32
  }
  func.func @transform_2(%arg0: i32, %arg1: i32) -> (i32, i32) {
    %c0_i32 = arith.constant 0 : i32
    %c0_i32_0 = arith.constant 0 : i32
    return %arg1, %c0_i32 : i32, i32
  }
  func.func @transform_3(%arg0: i32, %arg1: i32) -> (i32, i32, i32) {
    %c0_i32 = arith.constant 0 : i32
    %c0_i32_0 = arith.constant 0 : i32
    return %arg0, %arg1, %c0_i32 : i32, i32, i32
  }
}

module attributes {stable_mosaic.version = 14 : i64} {
  func.func @_tc_mid_body(%arg0: i32, %arg1: i32, %arg2: memref<1x2560x128xf32, #tpu.memory_space<vmem>>, %arg3: memref<1x2560x128xf32, #tpu.memory_space<vmem>>, %arg4: memref<2560x16xf32, #tpu.memory_space<vmem>>, %arg5: memref<1x128xf32, #tpu.memory_space<vmem>>, %arg6: memref<128x128xf32, #tpu.memory_space<vmem>>, %arg7: memref<1x2560x128xf32, #tpu.memory_space<vmem>>) attributes {dimension_semantics = [#tpu.dimension_semantics<arbitrary>, #tpu.dimension_semantics<arbitrary>], iteration_bounds = array<i64: 4, 4>, scalar_prefetch = 0 : i64, scratch_operands = 0 : i64, tpu.core_type = #tpu.core_type<tc>, window_params = [{transform_indices = @transform_0, window_bounds = array<i64: 1, 2560, 128>}, {transform_indices = @transform_1, window_bounds = array<i64: 1, 2560, 128>}, {transform_indices = @transform_2, window_bounds = array<i64: 2560, 16>}, {pipeline_mode = #tpu.pipeline_mode<synchronous>, transform_indices = @transform_3, window_bounds = array<i64: 1, 128>}, {pipeline_mode = #tpu.pipeline_mode<synchronous>, transform_indices = @transform_4, window_bounds = array<i64: 128, 128>}, {transform_indices = @transform_5, window_bounds = array<i64: 1, 2560, 128>}]} {
    %get3A = arith.constant 0 : index
    %get3A_0 = arith.constant 0 : index
    %get3A_1 = vector.load %arg4[%get3A, %get3A_0] : memref<2560x16xf32, #tpu.memory_space<vmem>>, vector<2560x16xf32>
    %slice3A = vector.extract_strided_slice %get3A_1 {offsets = [0, 0], sizes = [2560, 1], strides = [1, 1]} : vector<2560x16xf32> to vector<2560x1xf32>
    %get3A_2 = arith.constant 0 : index
    %get3A_3 = arith.constant 0 : index
    %get3A_4 = arith.constant 0 : index
    %get3A_5 = vector.load %arg2[%get3A_2, %get3A_3, %get3A_4] : memref<1x2560x128xf32, #tpu.memory_space<vmem>>, vector<1x2560x128xf32>
    %get3A_6 = vector.shape_cast %get3A_5 : vector<1x2560x128xf32> to vector<2560x128xf32>
    %get3A_7 = arith.constant 0 : index
    %get3A_8 = arith.constant 0 : index
    %get3A_9 = arith.constant 0 : index
    %get3A_10 = vector.load %arg3[%get3A_7, %get3A_8, %get3A_9] : memref<1x2560x128xf32, #tpu.memory_space<vmem>>, vector<1x2560x128xf32>
    %get3A_11 = vector.shape_cast %get3A_10 : vector<1x2560x128xf32> to vector<2560x128xf32>
    %add3A = arith.addf %get3A_6, %get3A_11 : vector<2560x128xf32>
    %mul3A = vector.broadcast %slice3A : vector<2560x1xf32> to vector<2560x128xf32>
    %mul3A_12 = arith.mulf %mul3A, %add3A : vector<2560x128xf32>
    %get3A_13 = arith.constant 0 : index
    %get3A_14 = arith.constant 0 : index
    %get3A_15 = vector.load %arg5[%get3A_13, %get3A_14] : memref<1x128xf32, #tpu.memory_space<vmem>>, vector<1x128xf32>
    %add3A_16 = vector.broadcast %get3A_15 : vector<1x128xf32> to vector<2560x128xf32>
    %add3A_17 = arith.addf %mul3A_12, %add3A_16 : vector<2560x128xf32>
    %mul3A_18 = arith.constant 5.000000e-01 : f32
    %mul3A_19 = vector.broadcast %mul3A_18 : f32 to vector<2560x128xf32>
    %mul3A_20 = arith.mulf %mul3A_19, %add3A_17 : vector<2560x128xf32>
    %mul3A_21 = arith.constant 0.707106769 : f32
    %mul3A_22 = vector.broadcast %mul3A_21 : f32 to vector<2560x128xf32>
    %mul3A_23 = arith.mulf %add3A_17, %mul3A_22 : vector<2560x128xf32>
    %erf3A = math.erf %mul3A_23 : vector<2560x128xf32>
    %add3A_24 = arith.constant 1.000000e+00 : f32
    %add3A_25 = vector.broadcast %add3A_24 : f32 to vector<2560x128xf32>
    %add3A_26 = arith.addf %add3A_25, %erf3A : vector<2560x128xf32>
    %mul3A_27 = arith.mulf %mul3A_20, %add3A_26 : vector<2560x128xf32>
    %get3A_28 = arith.constant 0 : index
    %get3A_29 = arith.constant 0 : index
    %get3A_30 = vector.load %arg6[%get3A_28, %get3A_29] : memref<128x128xf32, #tpu.memory_space<vmem>>, vector<128x128xf32>
    %dot_general3A = arith.constant dense<0.000000e+00> : vector<2560x128xf32>
    %dot_general3A_31 = tpu.matmul %mul3A_27, %get3A_30, %dot_general3A {dimension_numbers = #tpu.dot_dimension_numbers<[1], [1], [0], [0], [0, 0, 1, 0], [], []>, precision = #tpu.contract_precision<fp32>, transpose_lhs_hint = false} : vector<2560x128xf32>, vector<128x128xf32>, vector<2560x128xf32> -> vector<2560x128xf32>
    %mul3A_32 = vector.broadcast %slice3A : vector<2560x1xf32> to vector<2560x128xf32>
    %mul3A_33 = arith.mulf %dot_general3A_31, %mul3A_32 : vector<2560x128xf32>
    %swap3A = arith.constant 0 : index
    %swap3A_34 = arith.constant 0 : index
    %swap3A_35 = arith.constant 0 : index
    %swap3A_36 = vector.load %arg7[%swap3A, %swap3A_34, %swap3A_35] : memref<1x2560x128xf32, #tpu.memory_space<vmem>>, vector<1x2560x128xf32>
    %swap3A_37 = vector.shape_cast %swap3A_36 : vector<1x2560x128xf32> to vector<2560x128xf32>
    %swap3A_38 = vector.shape_cast %mul3A_33 : vector<2560x128xf32> to vector<1x2560x128xf32>
    tpu.vector_store %arg7[%swap3A, %swap3A_34, %swap3A_35], %swap3A_38 {strides = array<i32>} : memref<1x2560x128xf32, #tpu.memory_space<vmem>>, vector<1x2560x128xf32>,
    return
  }
  func.func @transform_0(%arg0: i32, %arg1: i32) -> (i32, i32, i32) {
    %c0_i32 = arith.constant 0 : i32
    %c0_i32_0 = arith.constant 0 : i32
    return %arg0, %arg1, %c0_i32 : i32, i32, i32
  }
  func.func @transform_1(%arg0: i32, %arg1: i32) -> (i32, i32, i32) {
    %c0_i32 = arith.constant 0 : i32
    %c0_i32_0 = arith.constant 0 : i32
    return %arg0, %arg1, %c0_i32 : i32, i32, i32
  }
  func.func @transform_2(%arg0: i32, %arg1: i32) -> (i32, i32) {
    %c0_i32 = arith.constant 0 : i32
    %c0_i32_0 = arith.constant 0 : i32
    return %arg1, %c0_i32 : i32, i32
  }
  func.func @transform_3(%arg0: i32, %arg1: i32) -> (i32, i32) {
    %c0_i32 = arith.constant 0 : i32
    %c0_i32_0 = arith.constant 0 : i32
    %c0_i32_1 = arith.constant 0 : i32
    return %c0_i32, %c0_i32_0 : i32, i32
  }
  func.func @transform_4(%arg0: i32, %arg1: i32) -> (i32, i32) {
    %c0_i32 = arith.constant 0 : i32
    %c0_i32_0 = arith.constant 0 : i32
    %c0_i32_1 = arith.constant 0 : i32
    return %c0_i32, %c0_i32_0 : i32, i32
  }
  func.func @transform_5(%arg0: i32, %arg1: i32) -> (i32, i32, i32) {
    %c0_i32 = arith.constant 0 : i32
    %c0_i32_0 = arith.constant 0 : i32
    return %arg0, %arg1, %c0_i32 : i32, i32, i32
  }
}

module attributes {stable_mosaic.version = 14 : i64} {
  func.func @_tc_out_body(%arg0: i32, %arg1: i32, %arg2: memref<1x2560x128xf32, #tpu.memory_space<vmem>>, %arg3: memref<1x2560x128xf32, #tpu.memory_space<vmem>>, %arg4: memref<2560x16xf32, #tpu.memory_space<vmem>>, %arg5: memref<1x128xf32, #tpu.memory_space<vmem>>, %arg6: memref<1x2560x128xf32, #tpu.memory_space<vmem>>) attributes {dimension_semantics = [#tpu.dimension_semantics<arbitrary>, #tpu.dimension_semantics<arbitrary>], iteration_bounds = array<i64: 4, 4>, scalar_prefetch = 0 : i64, scratch_operands = 0 : i64, tpu.core_type = #tpu.core_type<tc>, window_params = [{transform_indices = @transform_0, window_bounds = array<i64: 1, 2560, 128>}, {transform_indices = @transform_1, window_bounds = array<i64: 1, 2560, 128>}, {transform_indices = @transform_2, window_bounds = array<i64: 2560, 16>}, {pipeline_mode = #tpu.pipeline_mode<synchronous>, transform_indices = @transform_3, window_bounds = array<i64: 1, 128>}, {transform_indices = @transform_4, window_bounds = array<i64: 1, 2560, 128>}]} {
    %get3A = arith.constant 0 : index
    %get3A_0 = arith.constant 0 : index
    %get3A_1 = vector.load %arg4[%get3A, %get3A_0] : memref<2560x16xf32, #tpu.memory_space<vmem>>, vector<2560x16xf32>
    %slice3A = vector.extract_strided_slice %get3A_1 {offsets = [0, 0], sizes = [2560, 1], strides = [1, 1]} : vector<2560x16xf32> to vector<2560x1xf32>
    %get3A_2 = arith.constant 0 : index
    %get3A_3 = arith.constant 0 : index
    %get3A_4 = arith.constant 0 : index
    %get3A_5 = vector.load %arg2[%get3A_2, %get3A_3, %get3A_4] : memref<1x2560x128xf32, #tpu.memory_space<vmem>>, vector<1x2560x128xf32>
    %get3A_6 = vector.shape_cast %get3A_5 : vector<1x2560x128xf32> to vector<2560x128xf32>
    %get3A_7 = arith.constant 0 : index
    %get3A_8 = arith.constant 0 : index
    %get3A_9 = arith.constant 0 : index
    %get3A_10 = vector.load %arg3[%get3A_7, %get3A_8, %get3A_9] : memref<1x2560x128xf32, #tpu.memory_space<vmem>>, vector<1x2560x128xf32>
    %get3A_11 = vector.shape_cast %get3A_10 : vector<1x2560x128xf32> to vector<2560x128xf32>
    %add3A = arith.addf %get3A_6, %get3A_11 : vector<2560x128xf32>
    %mul3A = vector.broadcast %slice3A : vector<2560x1xf32> to vector<2560x128xf32>
    %mul3A_12 = arith.mulf %mul3A, %add3A : vector<2560x128xf32>
    %get3A_13 = arith.constant 0 : index
    %get3A_14 = arith.constant 0 : index
    %get3A_15 = vector.load %arg5[%get3A_13, %get3A_14] : memref<1x128xf32, #tpu.memory_space<vmem>>, vector<1x128xf32>
    %add3A_16 = vector.broadcast %get3A_15 : vector<1x128xf32> to vector<2560x128xf32>
    %add3A_17 = arith.addf %mul3A_12, %add3A_16 : vector<2560x128xf32>
    %swap3A = arith.constant 0 : index
    %swap3A_18 = arith.constant 0 : index
    %swap3A_19 = arith.constant 0 : index
    %swap3A_20 = vector.load %arg6[%swap3A, %swap3A_18, %swap3A_19] : memref<1x2560x128xf32, #tpu.memory_space<vmem>>, vector<1x2560x128xf32>
    %swap3A_21 = vector.shape_cast %swap3A_20 : vector<1x2560x128xf32> to vector<2560x128xf32>
    %swap3A_22 = vector.shape_cast %add3A_17 : vector<2560x128xf32> to vector<1x2560x128xf32>
    tpu.vector_store %arg6[%swap3A, %swap3A_18, %swap3A_19], %swap3A_22 {strides = array<i32>} : memref<1x2560x128xf32, #tpu.memory_space<vmem>>, vector<1x2560x128xf32>,
    return
  }
  func.func @transform_0(%arg0: i32, %arg1: i32) -> (i32, i32, i32) {
    %c0_i32 = arith.constant 0 : i32
    %c0_i32_0 = arith.constant 0 : i32
    return %arg0, %arg1, %c0_i32 : i32, i32, i32
  }
  func.func @transform_1(%arg0: i32, %arg1: i32) -> (i32, i32, i32) {
    %c0_i32 = arith.constant 0 : i32
    %c0_i32_0 = arith.constant 0 : i32
    return %arg0, %arg1, %c0_i32 : i32, i32, i32
  }
  func.func @transform_2(%arg0: i32, %arg1: i32) -> (i32, i32) {
    %c0_i32 = arith.constant 0 : i32
    %c0_i32_0 = arith.constant 0 : i32
    return %arg1, %c0_i32 : i32, i32
  }
  func.func @transform_3(%arg0: i32, %arg1: i32) -> (i32, i32) {
    %c0_i32 = arith.constant 0 : i32
    %c0_i32_0 = arith.constant 0 : i32
    %c0_i32_1 = arith.constant 0 : i32
    return %c0_i32, %c0_i32_0 : i32, i32
  }
  func.func @transform_4(%arg0: i32, %arg1: i32) -> (i32, i32, i32) {
    %c0_i32 = arith.constant 0 : i32
    %c0_i32_0 = arith.constant 0 : i32
    return %arg0, %arg1, %c0_i32 : i32, i32, i32
  }
}

</mosaic_0001>

<sc_bundles>
// kernel: kernel.12.cloned.1.call-start
scs
__scs_entry_jumppad:
0x0: {  	(pc) =	sbr.rel $0x88, $3  }
0x1: {  	(tag) =	ssettag $0x0;
	lr =	simm.s32 $0x1  }
0x2: {  	[smem:$0x3F9B] =	sst lr;
	_ =	strace $0xD0000000  }
0x3: {  	_ = 	snop  }
0x4: {  	_ = 	snop  }
0x5: {  	_ = 	snop  }
0x6: {  	_ = 	snop  }
0x7: {  	_ = 	snop  }
__scs_overlays_trampoline_lowered:
0x8: {  	[smem:$0x3FAA] =	sst s0  }
0x9: {  	[smem:$0x3FAB] =	sst s1  }
0xa: {  	[smem:$0x3FAC] =	sst s2  }
0xb: {  	[smem:$0x3FAD] =	sst s3  }
0xc: {  	[smem:$0x3FAE] =	sst s4  }
0xd: {  	[smem:$0x3FAF] =	sst s5  }
0xe: {  	[smem:$0x3FB0] =	sst s6  }
0xf: {  	[smem:$0x3FB1] =	sst s7  }
0x10: {  	[smem:$0x3FB2] =	sst s8  }
0x11: {  	[smem:$0x3FB3] =	sst s9;
	s0 =	simm.s32 @!p0 $0x0  }
0x12: {  	s1 =	sld [smem:$0x3F99];
	s0 =	simm.s32 @p0 $0x1  }
0x13: {  	[smem:$0x3FB4] =	sst s0;
	s0 =	simm.s32 @!p1 $0x0  }
0x14: {  	s2 =	sld [smem:$0x3F98];
	s0 =	simm.s32 @p1 $0x1  }
0x15: {  	[smem:$0x3FB5] =	sst s0;
	s0 =	simm.s32 @!p2 $0x0  }
0x16: {  	s3 =	sld [smem:$0x3FDB];
	s0 =	simm.s32 @p2 $0x1  }
0x17: {  	s4 =	simm.s32 $0x1BF5;
	[smem:$0x3FB7] =	sst s0  }
0x18: {  	s0 =	sld [smem:$0x3F9A];
	_ =	swait.ge [sflag:s4], $0x0  }
0x19: {  	s7 =	sld [smem:$0x3F9B]  }
0x1a: {  	s8 =	sadd.s32 $0xFFFFE003, lr  }
0x1b: {  	s9 =	sadd.s32 $0xFFFFFEF7, lr;
	s5 =	simm.s32 $0xFFFFFFFF;
	p2 =	slt.u32 s8, $0xFFFFF086  }
0x1c: {  	p1 =	slt.u32 s9, $0xF7A;
	s5 =	simm.s32 @!p2 $0x0  }
0x1d: {  	s5 =	simm.s32 @p1 $0x1;
	p0 =	seq.s32 s7, s2  }
0x1e: {  	s7 =	smul.u32 @!p0 $0xF7A, s2;
	p2 =	seq.s32 @!p0 s5, $0x0  }
0x1f: {  	s9 =	smul.u32 $0xF7A, s1;
	s8 =	simm.s32 @!p0 $0x1BF5;
	p2 =	por !p2, p0  }
0x20: {  	[sflag:s8] =	ssyncset.s32 @!p0 $0xFFFFF086;
	s6 =	sadd.s32 @!p0 s3, s7;
	s7 =	simm.s32 @!p0 $0x108  }
0x21: {  	s3 =	sadd.s32 s3, s9;
	s6 =	sadd.s32 @!p0 $0x88, s6;
	s7 =	simm.s32 @p2 $0x1082  }
0x22: {  	[simem:s7], [sflag:s8] =	dma.local @!p0 [hbm:s6], $0xF7A  }
0x23: {  	s9 =	sor.u32 $0xD0000000, s2;
	s6 =	simm.s32 $0x108;
	_ =	swait.ge @!p0 [sflag:s8], $0x0  }
0x24: {  	s3 =	sadd.s32 $0x88, s3;
	s6 =	simm.s32 @!p1 $0x1082;
	[sflag:s4] =	ssyncset.s32 $0xFFFFF086  }
0x25: {  	[simem:s6], [sflag:s4] =	dma.local [hbm:s3], $0xF7A  }
0x26: {  	[smem:$0x3F9B] =	sst s1;
	(tag) =	ssettag s2;
	_ =	strace s9  }
0x27: {  	s1 =	sld [smem:$0x3FAB]  }
0x28: {  	s2 =	sld [smem:$0x3FAC]  }
0x29: {  	s4 =	sld [smem:$0x3FAE]  }
0x2a: {  	p0 =	seq.s32 s5, $0x0;
	s5 =	sld [smem:$0x3FAF]  }
0x2b: {  	s6 =	sld [smem:$0x3FB0]  }
0x2c: {  	s7 =	sld [smem:$0x3FB1]  }
0x2d: {  	s3 =	simm.s32 $0x108;
	s8 =	sld [smem:$0x3FB2]  }
0x2e: {  	s3 =	simm.s32 @!p0 $0x1082;
	s9 =	sld [smem:$0x3FB3]  }
0x2f: {  	lr =	sadd.s32 s0, s3;
	s0 =	sld [smem:$0x3FAA]  }
0x30: {  	s3 =	sld [smem:$0x3FAD]  }
0x31: {  	[smem:$0x3FB6] =	sst s10  }
0x32: {  	s10 =	sld [smem:$0x3FB4];
	_ =	sdelay $0x3  }
0x33: {  	p0 =	seq.s32 s10, $0x1;
	s10 =	sld [smem:$0x3FB6];
	_ =	sdelay $0x3  }
0x34: {  	[smem:$0x3FB6] =	sst s10  }
0x35: {  	s10 =	sld [smem:$0x3FB5];
	_ =	sdelay $0x3  }
0x36: {  	p1 =	seq.s32 s10, $0x1;
	s10 =	sld [smem:$0x3FB6];
	_ =	sdelay $0x3  }
0x37: {  	[smem:$0x3FB6] =	sst s10  }
0x38: {  	s10 =	sld [smem:$0x3FB7]  }
0x39: {  	_ = 	snop;
	(pc) =	sbr.ind lr, $3  }
0x3a: {  	_ = 	snop  }
0x3b: {  	_ = 	snop  }
0x3c: {  	p2 =	seq.s32 s10, $0x1;
	s10 =	sld [smem:$0x3FB6]  }
0x3d: {  	_ =	shalt  }
0x3e: {  	_ =	shalt  }
0x3f: {  	_ =	shalt  }
0x40: {  	_ =	shalt  }
0x41: {  	_ =	shalt  }
0x42: {  	_ =	shalt  }
0x43: {  	_ =	shalt  }
0x44: {  	_ =	shalt  }
0x45: {  	_ =	shalt  }
0x46: {  	_ =	shalt  }
0x47: {  	_ =	shalt  }
0x48: {  	_ =	shalt  }
0x49: {  	_ =	shalt  }
0x4a: {  	_ =	shalt  }
0x4b: {  	_ =	shalt  }
0x4c: {  	_ =	shalt  }
0x4d: {  	_ =	shalt  }
0x4e: {  	_ =	shalt  }
0x4f: {  	_ =	shalt  }
0x50: {  	_ =	shalt  }
0x51: {  	_ =	shalt  }
0x52: {  	_ =	shalt  }
0x53: {  	_ =	shalt  }
0x54: {  	_ =	shalt  }
0x55: {  	_ =	shalt  }
0x56: {  	_ =	shalt  }
0x57: {  	_ =	shalt  }
0x58: {  	_ =	shalt  }
0x59: {  	_ =	shalt  }
0x5a: {  	_ =	shalt  }
0x5b: {  	_ =	shalt  }
0x5c: {  	_ =	shalt  }
0x5d: {  	_ =	shalt  }
0x5e: {  	_ =	shalt  }
0x5f: {  	_ =	shalt  }
0x60: {  	_ =	shalt  }
0x61: {  	_ =	shalt  }
0x62: {  	_ =	shalt  }
0x63: {  	_ =	shalt  }
0x64: {  	_ =	shalt  }
0x65: {  	_ =	shalt  }
0x66: {  	_ =	shalt  }
0x67: {  	_ =	shalt  }
0x68: {  	_ =	shalt  }
0x69: {  	_ =	shalt  }
0x6a: {  	_ =	shalt  }
0x6b: {  	_ =	shalt  }
0x6c: {  	_ =	shalt  }
0x6d: {  	_ =	shalt  }
0x6e: {  	_ =	shalt  }
0x6f: {  	_ =	shalt  }
0x70: {  	_ =	shalt  }
0x71: {  	_ =	shalt  }
0x72: {  	_ =	shalt  }
0x73: {  	_ =	shalt  }
0x74: {  	_ =	shalt  }
0x75: {  	_ =	shalt  }
0x76: {  	_ =	shalt  }
0x77: {  	_ =	shalt  }
0x78: {  	_ =	shalt  }
0x79: {  	_ =	shalt  }
0x7a: {  	_ =	shalt  }
0x7b: {  	_ =	shalt  }
0x7c: {  	_ =	shalt  }
0x7d: {  	_ =	shalt  }
0x7e: {  	_ =	shalt  }
0x7f: {  	_ =	shalt  }
0x80: {  	_ =	shalt  }
0x81: {  	_ =	shalt  }
0x82: {  	_ =	shalt  }
0x83: {  	_ =	shalt  }
0x84: {  	_ =	shalt  }
0x85: {  	_ =	shalt  }
0x86: {  	_ =	shalt  }
0x87: {  	_ =	shalt  }
.Lfunc_end0:
.L_simem_size_0:
called_computation.1_lowered:
.L_overlay_start_0:
0x88: {  	s2 =	sld [smem:$0x3FD9]  }
0x89: {  	s3 =	sld [smem:$0x3FFE];
	_ =	sdelay $0x1  }
0x8a: {  	s1 =	srdreg.scid  }
0x8b: {  	s0 =	sand.u32 $0x1, s1  }
0x8c: {  	s16 =	sshll.u32 s0, $0xA;
	s2 =	sadd.s32 s3, s2  }
0x8d: {  	s2 =	sadd.s32 s2, s16  }
0x8e: {  	[smem:$0x3FC2] =	sst s2  }
0x8f: {  	_ = 	snop  }
0x90: {  	(tm) =	ssettm $0x1  }
0x91: {  	s17 =	sld [smem:$0x3FFB];
	_ =	sdelay $0x3  }
0x92: {  	_ =	strace s17  }
0x93: {  	s2 =	sld [smem:$0x3FFC];
	_ =	sdelay $0x3  }
0x94: {  	_ =	strace s2  }
0x95: {  	s2 =	sld [smem:$0x3FFD];
	_ =	sdelay $0x3  }
0x96: {  	_ =	strace s2  }
0x97: {  	_ =	strace $0x8FFFFFFF  }
0x98: {  	s18 =	sld [smem:$0x3FDB];
	_ =	sdelay $0x1  }
0x99: {  	s19 =	simm.s32 $_scs_section_size  }
0x9a: {  	s4 =	simm.s32 $_size__tile_overlayer_lowered;
	s5 =	simm.s32 $_tile_overlayer_lowered  }
0x9b: {  	s22 =	simm.s32 $0x1BFF;
	s21 =	sshll.u32 s5, $0x1;
	s2 =	sadd.s32 s19, s18  }
0x9c: {  	s6 =	simm.s32 $0x0;
	s20 =	sshll.u32 s4, $0x1;
	s4 =	sadd.s32 s21, s2  }
0x9d: {  	[timem:s6], [sflag:s22] =	dma.local [hbm:s4], s20  }
0x9e: {  	_ =	swait.ge [sflag:s22], s20  }
0x9f: {  	s3 =	ssub.s32 $0x0, s20;
	[sflag:s22] =	ssyncset.done $0x0  }
0xa0: {  	[sflag:s22] =	ssyncadd.s32 s3;
	_ =	sdelay $0x1  }
0xa1: {  	s23 =	simm.s32 $0x1B8B  }
0xa2: {  	_ =	swait.ge [sflag:s23], $0x1  }
0xa3: {  	[sflag:s23] =	ssyncset.done $0x0  }
0xa4: {  	s25 =	simm.s32 $0x1B8E;
	s24 =	sld [smem:$0x3FFE];
	[sflag:s23] =	ssyncadd.s32 $0xFFFFFFFF  }
0xa5: {  	s26 =	simm.s32 $execute0_lowered;
	[smem:$0x3FD2] =	sst s25  }
0xa6: {  	s4 =	sshll.u32 s26, $0x1;
	_ =	strace $0x80000049;
	[dreg:$0x1] =	wrdreg $0xFFFFFFFF  }
0xa7: {  	s28 =	simm.s32 $_size_execute0_lowered;
	s2 =	sadd.s32 s2, s4;
	[dreg:$0x0] =	wrdreg $0x0  }
0xa8: {  	s4 =	sshll.u32 s28, $0x1;
	[dreg:$0x2] =	wrdreg s2  }
0xa9: {  	[dreg:$0x3] =	wrdreg s4  }
0xaa: {  	[dreg:$0x4] =	wrdreg $0xC0  }
0xab: {  	_ =	task [dreg:s6], $0x5FFFF  }
0xac: {  	[dreg:$0x1] =	wrdreg $0xFFFFFFFF  }
0xad: {  	[dreg:$0x0] =	wrdreg $0x60  }
0xae: {  	[dreg:$0x2] =	wrdreg s24  }
0xaf: {  	[dreg:$0x3] =	wrdreg $0x0  }
0xb0: {  	[dreg:$0x4] =	wrdreg $0x9  }
0xb1: {  	_ =	task.clear_ibuf [dreg:s6], $0x5FFFF;
	_ =	strace $0x90000049  }
0xb2: {  	s29 =	simm.s32 $0x9;
	_ =	strace $0x8000004B  }
0xb3: {  	_ =	swait.ge [sflag:s29], $0x1  }
0xb4: {  	[sflag:s29] =	ssyncadd.s32 $0xFFFFFFFF  }
0xb5: {  	_ =	strace $0x9000004B  }
0xb6: {  	_ =	sfence  }
0xb7: {  	s30 =	sld [smem:$0x0];
	_ =	sdelay $0x2  }
0xb8: {  	s31 =	sshll.u32 s1, $0xD;
	s1 =	sshrl.u32 s1, $0x2  }
0xb9: {  	s3 =	sand.u32 $0x4000, s31;
	s1 =	sadd.s32 s1, s30  }
0xba: {  	s0 =	sor.u32 s3, s0;
	s1 =	sshll.u32 s1, $0x11  }
0xbb: {  	s0 =	sor.u32 s1, s0  }
0xbc: {  	s0 =	sadd.s32 $0x8F2B, s0  }
0xbd: {  	[sflag:s0] =	ssyncadd.remote.s32 $0x1  }
0xbe: {  	_ =	sfence.sel $0xFFFF  }
0xbf: {  	[dreg:$0x0] =	wrdreg $0xFFFFFFFF;
	(pc) =	sbr.abs _section_cstart, $3  }
0xc0: {  	[dreg:$0x1] =	wrdreg $0xFFFFFFFF  }
0xc1: {  	_ =	task.clear_ibuf [dreg:s6], $0x2FFFF;
	_ =	strace $0x9FFFFFFF  }
0xc2: {  	(tm) =	ssettm $0x7FFFFFFF  }
0xc3: {  	_ =	shalt  }
tec
execute0_lowered:
.L_overlay_start_1:
0x0: {  	(tag) =	ssettag $0x1  }
0x1: {  	s0 =	rddreg [dreg:$0x0]  }
0x2: {  	s1 =	rddreg [dreg:$0x1];
	s3 =	simm.s32 $0x0  }
0x3: {  	s13 =	stileid.u32;
	s5 =	srdreg.scid;
	s14 =	simm.s32 $0x14C00  }
0x4: {  	s15 =	simm.s32 $0x70;
	s16 =	simm.s32 $0x15800;
	s18 =	simm.s32 $0x19000  }
0x5: {  	s29 =	simm.s32 $0x5;
	s17 =	simm.s32 $0x14780;
	s28 =	simm.s32 $0x14880  }
0x6: {  	s30 =	simm.s32 $0x15400;
	[smem:$0x7FF] =	sst s3;
	s2 =	smul.u32 $0xF00, s13  }
0x7: {  	s4 =	sadd.s32 $0xF0200, s0;
	s6 =	sadd.s32 $0xB4200, s0;
	s7 =	smul.u32 $0x280, s13  }
0x8: {  	s5 =	sand.u32 $0x1, s5;
	s9 =	smul.u32 $0x50000, s13;
	s10 =	sadd.s32 $0x11A00, s0  }
0x9: {  	s12 =	smul.u32 $0x7800, s13;
	s13 =	sshll.u32 s13, $0x6;
	_ =	strace $0x8000004A  }
0xa: {  	s8 =	ssub.s32 $0x2, s5;
	[dreg:$0x5] =	wrdreg s10;
	s11 =	smul.u32 $0xF0000, s5  }
0xb: {  	s20 =	smul.u32 $0x5000, s5;
	s5 =	sshllo.u32 s5, $0x1;
	s31 =	sor.u32 $0x1C07, s13  }
0xc: {  	s13 =	simm.s32 $0x14000;
	s2 =	sadd.s32 s2, s0;
	s19 =	sshrl.u32 s8, $0x1  }
0xd: {  	s0 =	sadd.s32 $0x14200, s0;
	s9 =	sshrl.u32 s9, $0x2;
	s5 =	smul.u32 $0x2800, s5  }
0xe: {  	[dreg:$0x6] =	wrdreg s31;
	s8 =	ssub.s32 s8, s19;
	s10 =	sadd.s32 s7, s20  }
0xf: {  	s9 =	sadd.s32 s9, s1;
	s11 =	sadd.s32 s11, s12;
	s12 =	simm.s32 $0x7  }
0x10: {  	s19 =	simm.s32 $0x1;
	s20 =	simm.s32 $0x15300;
	s10 =	sshll.u32 s10, $0x4  }
0x11: {  	s5 =	sadd.s32 s7, s5;
	s21 =	sshrl.u32 s11, $0x3;
	s22 =	sadd.s32 $0x78000, s11  }
0x12: {  	s25 =	smax.u32 s8, $0x1;
	s7 =	sshrl.u32 s9, $0x3;
	s9 =	simm.s32 $0x14680  }
0x13: {  	s11 =	simm.s32 $0x15280;
	s8 =	simm.s32 $0x15480;
	s10 =	sadd.s32 s0, s10  }
0x14: {  	s5 =	sshll.u32 s5, $0x4;
	s23 =	sadd.s32 s21, s6;
	[dreg:$0x9] =	wrdreg s25  }
0x15: {  	s24 =	sshrl.u32 s22, $0x3;
	s21 =	simm.s32 $0x1C800;
	[dreg:$0xa] =	wrdreg s7  }
0x16: {  	s22 =	simm.s32 $0x2;
	s25 =	simm.s32 $0x15380;
	[dreg:$0x7] =	wrdreg s10  }
0x17: {  	s0 =	sadd.s32 s0, s5;
	[dreg:$0x3] =	wrdreg s23;
	s26 =	sadd.s32 s24, s6  }
0x18: {  	s10 =	sadd.s32 $0x2200, s2;
	s24 =	simm.s32 $0x4;
	s5 =	simm.s32 $0x0  }
0x19: {  	s6 =	simm.s32 $0x14700;
	s23 =	simm.s32 $0x14800;
	[dreg:$0x8] =	wrdreg s0  }
0x1a: {  	[dreg:$0x4] =	wrdreg s26;
	s26 =	simm.s32 $0x3;
	s0 =	simm.s32 $0x6  }
.LBB2_1:
0x1b: {  	[dreg:$0xb] =	wrdreg s5  }
0x1c: {  	s2 =	rddreg [dreg:$0x5]  }
0x1d: {  	[spmem:s7], [sflag:s31] =	dma.local [hbm:s2], $0x2800  }
0x1e: {  	_ =	swait.ge [sflag:s12], $0x2800  }
0x1f: {  	[sflag:s12] =	ssyncset.done $0x0  }
0x20: {  	[sflag:s12] =	ssyncadd.s32 $0xFFFFD800  }
0x21: {  	[bflag:$0x0] =	sbarrier.arrive $0xFFFF  }
0x22: {  	s31 =	rddreg [dreg:$0x3]  }
0x23: {  	s31 =	sadd.s32 $0x0, s31  }
0x24: {  	[tilespmem:s13], [sflag:$0x7] =	stream.linear.gather [hbm4b:s31+s3], $0x900, $0x38;
	v63 =	vld [tilespmem:$0x0]  }
0x25: {  	_ =	swait.ge [sflag:s12], $0x900  }
0x26: {  	[sflag:s12] =	ssyncset.done $0x0  }
0x27: {  	s31 =	sadd.s32 $0x0, s10;
	[sflag:s12] =	ssyncadd.s32 $0xFFFFF700  }
0x28: {  	[tilespmem:s14], [sflag:$0x7] =	stream.linear.gather [hbm4b:s31+s3], $0x900, $0x38;
	v63 =	vld [tilespmem:$0x0]  }
0x29: {  	_ =	swait.ge [sflag:s12], $0x900  }
0x2a: {  	[sflag:s12] =	ssyncset.done $0x0  }
0x2b: {  	[sflag:s12] =	ssyncadd.s32 $0xFFFFF700  }
0x2c: {  	[tilespmem:s16], [sflag:$0x1] =	stream.indirect.gather [hbm4b:s4+s15], $0x80, s13, s15, $0xb8;
	v63 =	vld [tilespmem:$0x0]  }
0x2d: {  	s7 =	simm.s32 $0x14080  }
0x2e: {  	[tilespmem:s18], [sflag:$0x2] =	stream.indirect.gather [hbm4b:s4+s15], $0x80, s7, s15, $0xb8;
	v63 =	vld [tilespmem:$0x0]  }
0x2f: {  	_ =	swait.ge [sflag:s19], $0x3800  }
0x30: {  	[sflag:s19] =	ssyncset.done $0x0  }
0x31: {  	[sflag:s19] =	ssyncadd.s32 $0xFFFFC800  }
0x32: {  	[spmem:s1] =	stream.indirect.scatter.add.f32 [tilespmem:s16], [sflag:$0x4], $0x80, s14, s15, $0xb8;
	v63 =	vld [tilespmem:$0x0]  }
0x33: {  	s5 =	simm.s32 $0x14100  }
0x34: {  	[tilespmem:s21], [sflag:$0x3] =	stream.indirect.gather [hbm4b:s4+s15], $0x80, s5, s15, $0xb8;
	v63 =	vld [tilespmem:$0x0]  }
0x35: {  	_ =	swait.ge [sflag:s22], $0x3800  }
0x36: {  	[sflag:s22] =	ssyncset.done $0x0  }
0x37: {  	s7 =	simm.s32 $0x14C80;
	[sflag:s22] =	ssyncadd.s32 $0xFFFFC800  }
0x38: {  	[spmem:s1] =	stream.indirect.scatter.add.f32 [tilespmem:s18], [sflag:$0x5], $0x80, s7, s15, $0xb8;
	v63 =	vld [tilespmem:$0x0]  }
0x39: {  	_ =	swait.ge [sflag:s24], $0x3800  }
0x3a: {  	[sflag:s24] =	ssyncset.done $0x0  }
0x3b: {  	s5 =	simm.s32 $0x14180;
	[sflag:s24] =	ssyncadd.s32 $0xFFFFC800  }
0x3c: {  	[tilespmem:s16], [sflag:$0x1] =	stream.indirect.gather [hbm4b:s4+s15], $0x80, s5, s15, $0xb8;
	v63 =	vld [tilespmem:$0x0]  }
0x3d: {  	_ =	swait.ge [sflag:s26], $0x3800  }
0x3e: {  	[sflag:s26] =	ssyncset.done $0x0  }
0x3f: {  	s7 =	simm.s32 $0x14D00;
	[sflag:s26] =	ssyncadd.s32 $0xFFFFC800  }
0x40: {  	[spmem:s1] =	stream.indirect.scatter.add.f32 [tilespmem:s21], [sflag:$0x6], $0x80, s7, s15, $0xb8;
	v63 =	vld [tilespmem:$0x0]  }
0x41: {  	_ =	swait.ge [sflag:s29], $0x3800  }
0x42: {  	[sflag:s29] =	ssyncset.done $0x0  }
0x43: {  	s5 =	simm.s32 $0x14200;
	[sflag:s29] =	ssyncadd.s32 $0xFFFFC800  }
0x44: {  	[tilespmem:s18], [sflag:$0x2] =	stream.indirect.gather [hbm4b:s4+s15], $0x80, s5, s15, $0xb8;
	v63 =	vld [tilespmem:$0x0]  }
0x45: {  	_ =	swait.ge [sflag:s19], $0x3800  }
0x46: {  	[sflag:s19] =	ssyncset.done $0x0  }
0x47: {  	s7 =	simm.s32 $0x14D80;
	[sflag:s19] =	ssyncadd.s32 $0xFFFFC800  }
0x48: {  	[spmem:s1] =	stream.indirect.scatter.add.f32 [tilespmem:s16], [sflag:$0x4], $0x80, s7, s15, $0xb8;
	v63 =	vld [tilespmem:$0x0]  }
0x49: {  	_ =	swait.ge [sflag:s0], $0x3800  }
0x4a: {  	[sflag:s0] =	ssyncset.done $0x0  }
0x4b: {  	s5 =	simm.s32 $0x14280;
	[sflag:s0] =	ssyncadd.s32 $0xFFFFC800  }
0x4c: {  	[tilespmem:s21], [sflag:$0x3] =	stream.indirect.gather [hbm4b:s4+s15], $0x80, s5, s15, $0xb8;
	v63 =	vld [tilespmem:$0x0]  }
0x4d: {  	_ =	swait.ge [sflag:s22], $0x3800  }
0x4e: {  	[sflag:s22] =	ssyncset.done $0x0  }
0x4f: {  	s7 =	simm.s32 $0x14E00;
	[sflag:s22] =	ssyncadd.s32 $0xFFFFC800  }
0x50: {  	[spmem:s1] =	stream.indirect.scatter.add.f32 [tilespmem:s18], [sflag:$0x5], $0x80, s7, s15, $0xb8;
	v63 =	vld [tilespmem:$0x0]  }
0x51: {  	_ =	swait.ge [sflag:s24], $0x3800  }
0x52: {  	[sflag:s24] =	ssyncset.done $0x0  }
0x53: {  	s5 =	simm.s32 $0x14300;
	[sflag:s24] =	ssyncadd.s32 $0xFFFFC800  }
0x54: {  	[tilespmem:s16], [sflag:$0x1] =	stream.indirect.gather [hbm4b:s4+s15], $0x80, s5, s15, $0xb8;
	v63 =	vld [tilespmem:$0x0]  }
0x55: {  	_ =	swait.ge [sflag:s26], $0x3800  }
0x56: {  	[sflag:s26] =	ssyncset.done $0x0  }
0x57: {  	s7 =	simm.s32 $0x14E80;
	[sflag:s26] =	ssyncadd.s32 $0xFFFFC800  }
0x58: {  	[spmem:s1] =	stream.indirect.scatter.add.f32 [tilespmem:s21], [sflag:$0x6], $0x80, s7, s15, $0xb8;
	v63 =	vld [tilespmem:$0x0]  }
0x59: {  	_ =	swait.ge [sflag:s29], $0x3800  }
0x5a: {  	[sflag:s29] =	ssyncset.done $0x0  }
0x5b: {  	s5 =	simm.s32 $0x14380;
	[sflag:s29] =	ssyncadd.s32 $0xFFFFC800  }
0x5c: {  	[tilespmem:s18], [sflag:$0x2] =	stream.indirect.gather [hbm4b:s4+s15], $0x80, s5, s15, $0xb8;
	v63 =	vld [tilespmem:$0x0]  }
0x5d: {  	_ =	swait.ge [sflag:s19], $0x3800  }
0x5e: {  	[sflag:s19] =	ssyncset.done $0x0  }
0x5f: {  	s7 =	simm.s32 $0x14F00;
	[sflag:s19] =	ssyncadd.s32 $0xFFFFC800  }
0x60: {  	[spmem:s1] =	stream.indirect.scatter.add.f32 [tilespmem:s16], [sflag:$0x4], $0x80, s7, s15, $0xb8;
	v63 =	vld [tilespmem:$0x0]  }
0x61: {  	_ =	swait.ge [sflag:s0], $0x3800  }
0x62: {  	[sflag:s0] =	ssyncset.done $0x0  }
0x63: {  	s5 =	simm.s32 $0x14400;
	[sflag:s0] =	ssyncadd.s32 $0xFFFFC800  }
0x64: {  	[tilespmem:s21], [sflag:$0x3] =	stream.indirect.gather [hbm4b:s4+s15], $0x80, s5, s15, $0xb8;
	v63 =	vld [tilespmem:$0x0]  }
0x65: {  	_ =	swait.ge [sflag:s22], $0x3800  }
0x66: {  	[sflag:s22] =	ssyncset.done $0x0  }
0x67: {  	s7 =	simm.s32 $0x14F80;
	[sflag:s22] =	ssyncadd.s32 $0xFFFFC800  }
0x68: {  	[spmem:s1] =	stream.indirect.scatter.add.f32 [tilespmem:s18], [sflag:$0x5], $0x80, s7, s15, $0xb8;
	v63 =	vld [tilespmem:$0x0]  }
0x69: {  	_ =	swait.ge [sflag:s24], $0x3800  }
0x6a: {  	[sflag:s24] =	ssyncset.done $0x0  }
0x6b: {  	s5 =	simm.s32 $0x14480;
	[sflag:s24] =	ssyncadd.s32 $0xFFFFC800  }
0x6c: {  	[tilespmem:s16], [sflag:$0x1] =	stream.indirect.gather [hbm4b:s4+s15], $0x80, s5, s15, $0xb8;
	v63 =	vld [tilespmem:$0x0]  }
0x6d: {  	_ =	swait.ge [sflag:s26], $0x3800  }
0x6e: {  	[sflag:s26] =	ssyncset.done $0x0  }
0x6f: {  	s7 =	simm.s32 $0x15000;
	[sflag:s26] =	ssyncadd.s32 $0xFFFFC800  }
0x70: {  	[spmem:s1] =	stream.indirect.scatter.add.f32 [tilespmem:s21], [sflag:$0x6], $0x80, s7, s15, $0xb8;
	v63 =	vld [tilespmem:$0x0]  }
0x71: {  	_ =	swait.ge [sflag:s29], $0x3800  }
0x72: {  	[sflag:s29] =	ssyncset.done $0x0  }
0x73: {  	s5 =	simm.s32 $0x14500;
	[sflag:s29] =	ssyncadd.s32 $0xFFFFC800  }
0x74: {  	[tilespmem:s18], [sflag:$0x2] =	stream.indirect.gather [hbm4b:s4+s15], $0x80, s5, s15, $0xb8;
	v63 =	vld [tilespmem:$0x0]  }
0x75: {  	_ =	swait.ge [sflag:s19], $0x3800  }
0x76: {  	[sflag:s19] =	ssyncset.done $0x0  }
0x77: {  	s7 =	simm.s32 $0x15080;
	[sflag:s19] =	ssyncadd.s32 $0xFFFFC800  }
0x78: {  	[spmem:s1] =	stream.indirect.scatter.add.f32 [tilespmem:s16], [sflag:$0x4], $0x80, s7, s15, $0xb8;
	v63 =	vld [tilespmem:$0x0]  }
0x79: {  	_ =	swait.ge [sflag:s0], $0x3800  }
0x7a: {  	[sflag:s0] =	ssyncset.done $0x0  }
0x7b: {  	s5 =	simm.s32 $0x14580;
	[sflag:s0] =	ssyncadd.s32 $0xFFFFC800  }
0x7c: {  	[tilespmem:s21], [sflag:$0x3] =	stream.indirect.gather [hbm4b:s4+s15], $0x80, s5, s15, $0xb8;
	v63 =	vld [tilespmem:$0x0]  }
0x7d: {  	_ =	swait.ge [sflag:s22], $0x3800  }
0x7e: {  	[sflag:s22] =	ssyncset.done $0x0  }
0x7f: {  	s7 =	simm.s32 $0x15100;
	[sflag:s22] =	ssyncadd.s32 $0xFFFFC800  }
0x80: {  	[spmem:s1] =	stream.indirect.scatter.add.f32 [tilespmem:s18], [sflag:$0x5], $0x80, s7, s15, $0xb8;
	v63 =	vld [tilespmem:$0x0]  }
0x81: {  	_ =	swait.ge [sflag:s24], $0x3800  }
0x82: {  	[sflag:s24] =	ssyncset.done $0x0  }
0x83: {  	s5 =	simm.s32 $0x14600;
	[sflag:s24] =	ssyncadd.s32 $0xFFFFC800  }
0x84: {  	[tilespmem:s16], [sflag:$0x1] =	stream.indirect.gather [hbm4b:s4+s15], $0x80, s5, s15, $0xb8;
	v63 =	vld [tilespmem:$0x0]  }
0x85: {  	_ =	swait.ge [sflag:s26], $0x3800  }
0x86: {  	[sflag:s26] =	ssyncset.done $0x0  }
0x87: {  	s7 =	simm.s32 $0x15180;
	[sflag:s26] =	ssyncadd.s32 $0xFFFFC800  }
0x88: {  	[spmem:s1] =	stream.indirect.scatter.add.f32 [tilespmem:s21], [sflag:$0x6], $0x80, s7, s15, $0xb8;
	v63 =	vld [tilespmem:$0x0]  }
0x89: {  	_ =	swait.ge [sflag:s29], $0x3800  }
0x8a: {  	[sflag:s29] =	ssyncset.done $0x0  }
0x8b: {  	[sflag:s29] =	ssyncadd.s32 $0xFFFFC800  }
0x8c: {  	[tilespmem:s18], [sflag:$0x2] =	stream.indirect.gather [hbm4b:s4+s15], $0x80, s9, s15, $0xb8;
	v63 =	vld [tilespmem:$0x0]  }
0x8d: {  	_ =	swait.ge [sflag:s19], $0x3800  }
0x8e: {  	[sflag:s19] =	ssyncset.done $0x0  }
0x8f: {  	s5 =	simm.s32 $0x15200;
	[sflag:s19] =	ssyncadd.s32 $0xFFFFC800  }
0x90: {  	[spmem:s1] =	stream.indirect.scatter.add.f32 [tilespmem:s16], [sflag:$0x4], $0x80, s5, s15, $0xb8;
	v63 =	vld [tilespmem:$0x0]  }
0x91: {  	_ =	swait.ge [sflag:s0], $0x3800  }
0x92: {  	[sflag:s0] =	ssyncset.done $0x0  }
0x93: {  	[sflag:s0] =	ssyncadd.s32 $0xFFFFC800  }
0x94: {  	[tilespmem:s21], [sflag:$0x3] =	stream.indirect.gather [hbm4b:s4+s15], $0x80, s6, s15, $0xb8;
	v63 =	vld [tilespmem:$0x0]  }
0x95: {  	_ =	swait.ge [sflag:s22], $0x3800  }
0x96: {  	[sflag:s22] =	ssyncset.done $0x0  }
0x97: {  	[sflag:s22] =	ssyncadd.s32 $0xFFFFC800  }
0x98: {  	[spmem:s1] =	stream.indirect.scatter.add.f32 [tilespmem:s18], [sflag:$0x5], $0x80, s11, s15, $0xb8;
	v63 =	vld [tilespmem:$0x0]  }
0x99: {  	_ =	swait.ge [sflag:s24], $0x3800  }
0x9a: {  	[sflag:s24] =	ssyncset.done $0x0  }
0x9b: {  	[sflag:s24] =	ssyncadd.s32 $0xFFFFC800  }
0x9c: {  	[tilespmem:s16], [sflag:$0x1] =	stream.indirect.gather [hbm4b:s4+s15], $0x80, s17, s15, $0xb8;
	v63 =	vld [tilespmem:$0x0]  }
0x9d: {  	_ =	swait.ge [sflag:s26], $0x3800  }
0x9e: {  	[sflag:s26] =	ssyncset.done $0x0  }
0x9f: {  	[sflag:s26] =	ssyncadd.s32 $0xFFFFC800  }
0xa0: {  	[spmem:s1] =	stream.indirect.scatter.add.f32 [tilespmem:s21], [sflag:$0x6], $0x80, s20, s15, $0xb8;
	v63 =	vld [tilespmem:$0x0]  }
0xa1: {  	_ =	swait.ge [sflag:s29], $0x3800  }
0xa2: {  	[sflag:s29] =	ssyncset.done $0x0  }
0xa3: {  	[sflag:s29] =	ssyncadd.s32 $0xFFFFC800  }
0xa4: {  	[tilespmem:s18], [sflag:$0x2] =	stream.indirect.gather [hbm4b:s4+s15], $0x80, s23, s15, $0xb8;
	v63 =	vld [tilespmem:$0x0]  }
0xa5: {  	_ =	swait.ge [sflag:s19], $0x3800  }
0xa6: {  	[sflag:s19] =	ssyncset.done $0x0  }
0xa7: {  	[sflag:s19] =	ssyncadd.s32 $0xFFFFC800  }
0xa8: {  	[spmem:s1] =	stream.indirect.scatter.add.f32 [tilespmem:s16], [sflag:$0x4], $0x80, s25, s15, $0xb8;
	v63 =	vld [tilespmem:$0x0]  }
0xa9: {  	_ =	swait.ge [sflag:s0], $0x3800  }
0xaa: {  	[sflag:s0] =	ssyncset.done $0x0  }
0xab: {  	[sflag:s0] =	ssyncadd.s32 $0xFFFFC800  }
0xac: {  	[tilespmem:s21], [sflag:$0x3] =	stream.indirect.gather [hbm4b:s4+s15], $0x80, s28, s15, $0xb8;
	v63 =	vld [tilespmem:$0x0]  }
0xad: {  	_ =	swait.ge [sflag:s22], $0x3800  }
0xae: {  	[sflag:s22] =	ssyncset.done $0x0  }
0xaf: {  	[sflag:s22] =	ssyncadd.s32 $0xFFFFC800  }
0xb0: {  	[spmem:s1] =	stream.indirect.scatter.add.f32 [tilespmem:s18], [sflag:$0x5], $0x80, s30, s15, $0xb8;
	v63 =	vld [tilespmem:$0x0]  }
0xb1: {  	_ =	swait.ge [sflag:s24], $0x3800  }
0xb2: {  	[sflag:s24] =	ssyncset.done $0x0  }
0xb3: {  	[sflag:s24] =	ssyncadd.s32 $0xFFFFC800  }
0xb4: {  	_ =	swait.ge [sflag:s26], $0x3800  }
0xb5: {  	[sflag:s26] =	ssyncset.done $0x0  }
0xb6: {  	[sflag:s26] =	ssyncadd.s32 $0xFFFFC800  }
0xb7: {  	[spmem:s1] =	stream.indirect.scatter.add.f32 [tilespmem:s21], [sflag:$0x6], $0x80, s8, s15, $0xb8;
	v63 =	vld [tilespmem:$0x0]  }
0xb8: {  	_ =	swait.ge [sflag:s29], $0x3800  }
0xb9: {  	[sflag:s29] =	ssyncset.done $0x0  }
0xba: {  	[sflag:s29] =	ssyncadd.s32 $0xFFFFC800  }
0xbb: {  	_ =	swait.ge [sflag:s0], $0x3800  }
0xbc: {  	s31 =	simm.s32 $0x180;
	[sflag:s0] =	ssyncset.done $0x0  }
.LBB2_2:
0xbd: {  	s2 =	rddreg [dreg:$0x3];
	s7 =	smov.u32 s31  }
0xbe: {  	[sflag:s0] =	ssyncadd.s32 $0xFFFFC800;
	s2 =	sadd.s32 s7, s2  }
0xbf: {  	[tilespmem:s13], [sflag:$0x7] =	stream.linear.gather [hbm4b:s2+s3], $0x900, $0x38;
	v63 =	vld [tilespmem:$0x0]  }
0xc0: {  	_ =	swait.ge [sflag:s12], $0x900  }
0xc1: {  	[sflag:s12] =	ssyncset.done $0x0  }
0xc2: {  	s7 =	sadd.s32 s7, s10;
	[sflag:s12] =	ssyncadd.s32 $0xFFFFF700  }
0xc3: {  	[tilespmem:s14], [sflag:$0x7] =	stream.linear.gather [hbm4b:s7+s3], $0x900, $0x38;
	v63 =	vld [tilespmem:$0x0]  }
0xc4: {  	_ =	swait.ge [sflag:s12], $0x900  }
0xc5: {  	[sflag:s12] =	ssyncset.done $0x0  }
0xc6: {  	[sflag:s12] =	ssyncadd.s32 $0xFFFFF700  }
0xc7: {  	[tilespmem:s16], [sflag:$0x1] =	stream.indirect.gather [hbm4b:s4+s15], $0x80, s13, s15, $0xb8;
	v63 =	vld [tilespmem:$0x0]  }
0xc8: {  	s7 =	simm.s32 $0x14080  }
0xc9: {  	[tilespmem:s18], [sflag:$0x2] =	stream.indirect.gather [hbm4b:s4+s15], $0x80, s7, s15, $0xb8;
	v63 =	vld [tilespmem:$0x0]  }
0xca: {  	_ =	swait.ge [sflag:s19], $0x3800  }
0xcb: {  	[sflag:s19] =	ssyncset.done $0x0  }
0xcc: {  	[sflag:s19] =	ssyncadd.s32 $0xFFFFC800  }
0xcd: {  	[spmem:s1] =	stream.indirect.scatter.add.f32 [tilespmem:s16], [sflag:$0x4], $0x80, s14, s15, $0xb8;
	v63 =	vld [tilespmem:$0x0]  }
0xce: {  	s7 =	simm.s32 $0x14100  }
0xcf: {  	[tilespmem:s21], [sflag:$0x3] =	stream.indirect.gather [hbm4b:s4+s15], $0x80, s7, s15, $0xb8;
	v63 =	vld [tilespmem:$0x0]  }
0xd0: {  	_ =	swait.ge [sflag:s22], $0x3800  }
0xd1: {  	[sflag:s22] =	ssyncset.done $0x0  }
0xd2: {  	s7 =	simm.s32 $0x14C80;
	[sflag:s22] =	ssyncadd.s32 $0xFFFFC800  }
0xd3: {  	[spmem:s1] =	stream.indirect.scatter.add.f32 [tilespmem:s18], [sflag:$0x5], $0x80, s7, s15, $0xb8;
	v63 =	vld [tilespmem:$0x0]  }
0xd4: {  	_ =	swait.ge [sflag:s24], $0x3800  }
0xd5: {  	[sflag:s24] =	ssyncset.done $0x0  }
0xd6: {  	s7 =	simm.s32 $0x14180;
	[sflag:s24] =	ssyncadd.s32 $0xFFFFC800  }
0xd7: {  	[tilespmem:s16], [sflag:$0x1] =	stream.indirect.gather [hbm4b:s4+s15], $0x80, s7, s15, $0xb8;
	v63 =	vld [tilespmem:$0x0]  }
0xd8: {  	_ =	swait.ge [sflag:s26], $0x3800  }
0xd9: {  	[sflag:s26] =	ssyncset.done $0x0  }
0xda: {  	s7 =	simm.s32 $0x14D00;
	[sflag:s26] =	ssyncadd.s32 $0xFFFFC800  }
0xdb: {  	[spmem:s1] =	stream.indirect.scatter.add.f32 [tilespmem:s21], [sflag:$0x6], $0x80, s7, s15, $0xb8;
	v63 =	vld [tilespmem:$0x0]  }
0xdc: {  	_ =	swait.ge [sflag:s29], $0x3800  }
0xdd: {  	[sflag:s29] =	ssyncset.done $0x0  }
0xde: {  	s7 =	simm.s32 $0x14200;
	[sflag:s29] =	ssyncadd.s32 $0xFFFFC800  }
0xdf: {  	[tilespmem:s18], [sflag:$0x2] =	stream.indirect.gather [hbm4b:s4+s15], $0x80, s7, s15, $0xb8;
	v63 =	vld [tilespmem:$0x0]  }
0xe0: {  	_ =	swait.ge [sflag:s19], $0x3800  }
0xe1: {  	[sflag:s19] =	ssyncset.done $0x0  }
0xe2: {  	s7 =	simm.s32 $0x14D80;
	[sflag:s19] =	ssyncadd.s32 $0xFFFFC800  }
0xe3: {  	[spmem:s1] =	stream.indirect.scatter.add.f32 [tilespmem:s16], [sflag:$0x4], $0x80, s7, s15, $0xb8;
	v63 =	vld [tilespmem:$0x0]  }
0xe4: {  	_ =	swait.ge [sflag:s0], $0x3800  }
0xe5: {  	[sflag:s0] =	ssyncset.done $0x0  }
0xe6: {  	s7 =	simm.s32 $0x14280;
	[sflag:s0] =	ssyncadd.s32 $0xFFFFC800  }
0xe7: {  	[tilespmem:s21], [sflag:$0x3] =	stream.indirect.gather [hbm4b:s4+s15], $0x80, s7, s15, $0xb8;
	v63 =	vld [tilespmem:$0x0]  }
0xe8: {  	_ =	swait.ge [sflag:s22], $0x3800  }
0xe9: {  	[sflag:s22] =	ssyncset.done $0x0  }
0xea: {  	s7 =	simm.s32 $0x14E00;
	[sflag:s22] =	ssyncadd.s32 $0xFFFFC800  }
0xeb: {  	[spmem:s1] =	stream.indirect.scatter.add.f32 [tilespmem:s18], [sflag:$0x5], $0x80, s7, s15, $0xb8;
	v63 =	vld [tilespmem:$0x0]  }
0xec: {  	_ =	swait.ge [sflag:s24], $0x3800  }
0xed: {  	[sflag:s24] =	ssyncset.done $0x0  }
0xee: {  	s7 =	simm.s32 $0x14300;
	[sflag:s24] =	ssyncadd.s32 $0xFFFFC800  }
0xef: {  	[tilespmem:s16], [sflag:$0x1] =	stream.indirect.gather [hbm4b:s4+s15], $0x80, s7, s15, $0xb8;
	v63 =	vld [tilespmem:$0x0]  }
0xf0: {  	_ =	swait.ge [sflag:s26], $0x3800  }
0xf1: {  	[sflag:s26] =	ssyncset.done $0x0  }
0xf2: {  	s7 =	simm.s32 $0x14E80;
	[sflag:s26] =	ssyncadd.s32 $0xFFFFC800  }
0xf3: {  	[spmem:s1] =	stream.indirect.scatter.add.f32 [tilespmem:s21], [sflag:$0x6], $0x80, s7, s15, $0xb8;
	v63 =	vld [tilespmem:$0x0]  }
0xf4: {  	_ =	swait.ge [sflag:s29], $0x3800  }
0xf5: {  	[sflag:s29] =	ssyncset.done $0x0  }
0xf6: {  	s7 =	simm.s32 $0x14380;
	[sflag:s29] =	ssyncadd.s32 $0xFFFFC800  }
0xf7: {  	[tilespmem:s18], [sflag:$0x2] =	stream.indirect.gather [hbm4b:s4+s15], $0x80, s7, s15, $0xb8;
	v63 =	vld [tilespmem:$0x0]  }
0xf8: {  	_ =	swait.ge [sflag:s19], $0x3800  }
0xf9: {  	[sflag:s19] =	ssyncset.done $0x0  }
0xfa: {  	s7 =	simm.s32 $0x14F00;
	[sflag:s19] =	ssyncadd.s32 $0xFFFFC800  }
0xfb: {  	[spmem:s1] =	stream.indirect.scatter.add.f32 [tilespmem:s16], [sflag:$0x4], $0x80, s7, s15, $0xb8;
	v63 =	vld [tilespmem:$0x0]  }
0xfc: {  	_ =	swait.ge [sflag:s0], $0x3800  }
0xfd: {  	[sflag:s0] =	ssyncset.done $0x0  }
0xfe: {  	s7 =	simm.s32 $0x14400;
	[sflag:s0] =	ssyncadd.s32 $0xFFFFC800  }
0xff: {  	[tilespmem:s21], [sflag:$0x3] =	stream.indirect.gather [hbm4b:s4+s15], $0x80, s7, s15, $0xb8;
	v63 =	vld [tilespmem:$0x0]  }
0x100: {  	_ =	swait.ge [sflag:s22], $0x3800  }
0x101: {  	[sflag:s22] =	ssyncset.done $0x0  }
0x102: {  	s7 =	simm.s32 $0x14F80;
	[sflag:s22] =	ssyncadd.s32 $0xFFFFC800  }
0x103: {  	[spmem:s1] =	stream.indirect.scatter.add.f32 [tilespmem:s18], [sflag:$0x5], $0x80, s7, s15, $0xb8;
	v63 =	vld [tilespmem:$0x0]  }
0x104: {  	_ =	swait.ge [sflag:s24], $0x3800  }
0x105: {  	[sflag:s24] =	ssyncset.done $0x0  }
0x106: {  	s7 =	simm.s32 $0x14480;
	[sflag:s24] =	ssyncadd.s32 $0xFFFFC800  }
0x107: {  	[tilespmem:s16], [sflag:$0x1] =	stream.indirect.gather [hbm4b:s4+s15], $0x80, s7, s15, $0xb8;
	v63 =	vld [tilespmem:$0x0]  }
0x108: {  	_ =	swait.ge [sflag:s26], $0x3800  }
0x109: {  	[sflag:s26] =	ssyncset.done $0x0  }
0x10a: {  	s7 =	simm.s32 $0x15000;
	[sflag:s26] =	ssyncadd.s32 $0xFFFFC800  }
0x10b: {  	[spmem:s1] =	stream.indirect.scatter.add.f32 [tilespmem:s21], [sflag:$0x6], $0x80, s7, s15, $0xb8;
	v63 =	vld [tilespmem:$0x0]  }
0x10c: {  	_ =	swait.ge [sflag:s29], $0x3800  }
0x10d: {  	[sflag:s29] =	ssyncset.done $0x0  }
0x10e: {  	s7 =	simm.s32 $0x14500;
	[sflag:s29] =	ssyncadd.s32 $0xFFFFC800  }
0x10f: {  	[tilespmem:s18], [sflag:$0x2] =	stream.indirect.gather [hbm4b:s4+s15], $0x80, s7, s15, $0xb8;
	v63 =	vld [tilespmem:$0x0]  }
0x110: {  	_ =	swait.ge [sflag:s19], $0x3800  }
0x111: {  	[sflag:s19] =	ssyncset.done $0x0  }
0x112: {  	s7 =	simm.s32 $0x15080;
	[sflag:s19] =	ssyncadd.s32 $0xFFFFC800  }
0x113: {  	[spmem:s1] =	stream.indirect.scatter.add.f32 [tilespmem:s16], [sflag:$0x4], $0x80, s7, s15, $0xb8;
	v63 =	vld [tilespmem:$0x0]  }
0x114: {  	_ =	swait.ge [sflag:s0], $0x3800  }
0x115: {  	[sflag:s0] =	ssyncset.done $0x0  }
0x116: {  	s7 =	simm.s32 $0x14580;
	[sflag:s0] =	ssyncadd.s32 $0xFFFFC800  }
0x117: {  	[tilespmem:s21], [sflag:$0x3] =	stream.indirect.gather [hbm4b:s4+s15], $0x80, s7, s15, $0xb8;
	v63 =	vld [tilespmem:$0x0]  }
0x118: {  	_ =	swait.ge [sflag:s22], $0x3800  }
0x119: {  	[sflag:s22] =	ssyncset.done $0x0  }
0x11a: {  	s7 =	simm.s32 $0x15100;
	[sflag:s22] =	ssyncadd.s32 $0xFFFFC800  }
0x11b: {  	[spmem:s1] =	stream.indirect.scatter.add.f32 [tilespmem:s18], [sflag:$0x5], $0x80, s7, s15, $0xb8;
	v63 =	vld [tilespmem:$0x0]  }
0x11c: {  	_ =	swait.ge [sflag:s24], $0x3800  }
0x11d: {  	[sflag:s24] =	ssyncset.done $0x0  }
0x11e: {  	s7 =	simm.s32 $0x14600;
	[sflag:s24] =	ssyncadd.s32 $0xFFFFC800  }
0x11f: {  	[tilespmem:s16], [sflag:$0x1] =	stream.indirect.gather [hbm4b:s4+s15], $0x80, s7, s15, $0xb8;
	v63 =	vld [tilespmem:$0x0]  }
0x120: {  	_ =	swait.ge [sflag:s26], $0x3800  }
0x121: {  	[sflag:s26] =	ssyncset.done $0x0  }
0x122: {  	s7 =	simm.s32 $0x15180;
	[sflag:s26] =	ssyncadd.s32 $0xFFFFC800  }
0x123: {  	[spmem:s1] =	stream.indirect.scatter.add.f32 [tilespmem:s21], [sflag:$0x6], $0x80, s7, s15, $0xb8;
	v63 =	vld [tilespmem:$0x0]  }
0x124: {  	_ =	swait.ge [sflag:s29], $0x3800  }
0x125: {  	[sflag:s29] =	ssyncset.done $0x0  }
0x126: {  	[sflag:s29] =	ssyncadd.s32 $0xFFFFC800  }
0x127: {  	[tilespmem:s18], [sflag:$0x2] =	stream.indirect.gather [hbm4b:s4+s15], $0x80, s9, s15, $0xb8;
	v63 =	vld [tilespmem:$0x0]  }
0x128: {  	_ =	swait.ge [sflag:s19], $0x3800  }
0x129: {  	[sflag:s19] =	ssyncset.done $0x0  }
0x12a: {  	[sflag:s19] =	ssyncadd.s32 $0xFFFFC800  }
0x12b: {  	[spmem:s1] =	stream.indirect.scatter.add.f32 [tilespmem:s16], [sflag:$0x4], $0x80, s5, s15, $0xb8;
	v63 =	vld [tilespmem:$0x0]  }
0x12c: {  	_ =	swait.ge [sflag:s0], $0x3800  }
0x12d: {  	[sflag:s0] =	ssyncset.done $0x0  }
0x12e: {  	[sflag:s0] =	ssyncadd.s32 $0xFFFFC800  }
0x12f: {  	[tilespmem:s21], [sflag:$0x3] =	stream.indirect.gather [hbm4b:s4+s15], $0x80, s6, s15, $0xb8;
	v63 =	vld [tilespmem:$0x0]  }
0x130: {  	_ =	swait.ge [sflag:s22], $0x3800  }
0x131: {  	[sflag:s22] =	ssyncset.done $0x0  }
0x132: {  	[sflag:s22] =	ssyncadd.s32 $0xFFFFC800  }
0x133: {  	[spmem:s1] =	stream.indirect.scatter.add.f32 [tilespmem:s18], [sflag:$0x5], $0x80, s11, s15, $0xb8;
	v63 =	vld [tilespmem:$0x0]  }
0x134: {  	_ =	swait.ge [sflag:s24], $0x3800  }
0x135: {  	[sflag:s24] =	ssyncset.done $0x0  }
0x136: {  	[sflag:s24] =	ssyncadd.s32 $0xFFFFC800  }
0x137: {  	[tilespmem:s16], [sflag:$0x1] =	stream.indirect.gather [hbm4b:s4+s15], $0x80, s17, s15, $0xb8;
	v63 =	vld [tilespmem:$0x0]  }
0x138: {  	_ =	swait.ge [sflag:s26], $0x3800  }
0x139: {  	[sflag:s26] =	ssyncset.done $0x0  }
0x13a: {  	[sflag:s26] =	ssyncadd.s32 $0xFFFFC800  }
0x13b: {  	[spmem:s1] =	stream.indirect.scatter.add.f32 [tilespmem:s21], [sflag:$0x6], $0x80, s20, s15, $0xb8;
	v63 =	vld [tilespmem:$0x0]  }
0x13c: {  	_ =	swait.ge [sflag:s29], $0x3800  }
0x13d: {  	[sflag:s29] =	ssyncset.done $0x0  }
0x13e: {  	[sflag:s29] =	ssyncadd.s32 $0xFFFFC800  }
0x13f: {  	[tilespmem:s18], [sflag:$0x2] =	stream.indirect.gather [hbm4b:s4+s15], $0x80, s23, s15, $0xb8;
	v63 =	vld [tilespmem:$0x0]  }
0x140: {  	_ =	swait.ge [sflag:s19], $0x3800  }
0x141: {  	[sflag:s19] =	ssyncset.done $0x0  }
0x142: {  	[sflag:s19] =	ssyncadd.s32 $0xFFFFC800  }
0x143: {  	[spmem:s1] =	stream.indirect.scatter.add.f32 [tilespmem:s16], [sflag:$0x4], $0x80, s25, s15, $0xb8;
	v63 =	vld [tilespmem:$0x0]  }
0x144: {  	_ =	swait.ge [sflag:s0], $0x3800  }
0x145: {  	[sflag:s0] =	ssyncset.done $0x0  }
0x146: {  	[sflag:s0] =	ssyncadd.s32 $0xFFFFC800  }
0x147: {  	[tilespmem:s21], [sflag:$0x3] =	stream.indirect.gather [hbm4b:s4+s15], $0x80, s28, s15, $0xb8;
	v63 =	vld [tilespmem:$0x0]  }
0x148: {  	_ =	swait.ge [sflag:s22], $0x3800  }
0x149: {  	[sflag:s22] =	ssyncset.done $0x0  }
0x14a: {  	[sflag:s22] =	ssyncadd.s32 $0xFFFFC800  }
0x14b: {  	[spmem:s1] =	stream.indirect.scatter.add.f32 [tilespmem:s18], [sflag:$0x5], $0x80, s30, s15, $0xb8;
	v63 =	vld [tilespmem:$0x0]  }
0x14c: {  	_ =	swait.ge [sflag:s24], $0x3800  }
0x14d: {  	[sflag:s24] =	ssyncset.done $0x0  }
0x14e: {  	[sflag:s24] =	ssyncadd.s32 $0xFFFFC800  }
0x14f: {  	_ =	swait.ge [sflag:s26], $0x3800  }
0x150: {  	[sflag:s26] =	ssyncset.done $0x0  }
0x151: {  	p0 =	sne.s32 s31, $0xD80;
	[sflag:s26] =	ssyncadd.s32 $0xFFFFC800  }
0x152: {  	[spmem:s1] =	stream.indirect.scatter.add.f32 [tilespmem:s21], [sflag:$0x6], $0x80, s8, s15, $0xb8;
	v63 =	vld [tilespmem:$0x0]  }
.Ltmp0:
0x153: {  	_ =	swait.ge [sflag:s29], $0x3800;
	(pc) =	sbr.rel @p0 .LBB2_2-.Ltmp0, $4  }
0x154: {  	[sflag:s29] =	ssyncset.done $0x0  }
0x155: {  	[sflag:s29] =	ssyncadd.s32 $0xFFFFC800  }
0x156: {  	_ =	swait.ge [sflag:s0], $0x3800  }
0x157: {  	s31 =	sadd.s32 $0x180, s31;
	[sflag:s0] =	ssyncset.done $0x0  }
0x158: {  	[sflag:s0] =	ssyncadd.s32 $0xFFFFC800  }
0x159: {  	[bflag:$0x0] =	sbarrier.arrive $0xFFFF  }
0x15a: {  	s7 =	rddreg [dreg:$0x6]  }
0x15b: {  	s2 =	rddreg [dreg:$0x7]  }
0x15c: {  	s31 =	rddreg [dreg:$0xa]  }
0x15d: {  	[hbm:s2], [sflag:s7] =	dma.local [spmem:s31], $0x2800  }
0x15e: {  	_ =	swait.ge [sflag:s12], $0x2800  }
0x15f: {  	[sflag:s12] =	ssyncset.done $0x0  }
0x160: {  	s2 =	rddreg [dreg:$0x5];
	[sflag:s12] =	ssyncadd.s32 $0xFFFFD800  }
0x161: {  	[spmem:s31], [sflag:s7] =	dma.local [hbm:s2], $0x2800  }
0x162: {  	_ =	swait.ge [sflag:s12], $0x2800  }
0x163: {  	[sflag:s12] =	ssyncset.done $0x0  }
0x164: {  	[sflag:s12] =	ssyncadd.s32 $0xFFFFD800  }
0x165: {  	[bflag:$0x0] =	sbarrier.arrive $0xFFFF  }
0x166: {  	s7 =	rddreg [dreg:$0x4]  }
0x167: {  	s2 =	sadd.s32 $0x0, s7  }
0x168: {  	[tilespmem:s13], [sflag:$0x7] =	stream.linear.gather [hbm4b:s2+s3], $0x900, $0x38;
	v63 =	vld [tilespmem:$0x0]  }
0x169: {  	_ =	swait.ge [sflag:s12], $0x900  }
0x16a: {  	[sflag:s12] =	ssyncset.done $0x0  }
0x16b: {  	s7 =	sadd.s32 $0x0, s10;
	[sflag:s12] =	ssyncadd.s32 $0xFFFFF700  }
0x16c: {  	[tilespmem:s14], [sflag:$0x7] =	stream.linear.gather [hbm4b:s7+s3], $0x900, $0x38;
	v63 =	vld [tilespmem:$0x0]  }
0x16d: {  	_ =	swait.ge [sflag:s12], $0x900  }
0x16e: {  	[sflag:s12] =	ssyncset.done $0x0  }
0x16f: {  	[sflag:s12] =	ssyncadd.s32 $0xFFFFF700  }
0x170: {  	[tilespmem:s16], [sflag:$0x1] =	stream.indirect.gather [hbm4b:s4+s15], $0x80, s13, s15, $0xb8;
	v63 =	vld [tilespmem:$0x0]  }
0x171: {  	s7 =	simm.s32 $0x14080  }
0x172: {  	[tilespmem:s18], [sflag:$0x2] =	stream.indirect.gather [hbm4b:s4+s15], $0x80, s7, s15, $0xb8;
	v63 =	vld [tilespmem:$0x0]  }
0x173: {  	_ =	swait.ge [sflag:s19], $0x3800  }
0x174: {  	[sflag:s19] =	ssyncset.done $0x0  }
0x175: {  	[sflag:s19] =	ssyncadd.s32 $0xFFFFC800  }
0x176: {  	[spmem:s1] =	stream.indirect.scatter.add.f32 [tilespmem:s16], [sflag:$0x4], $0x80, s14, s15, $0xb8;
	v63 =	vld [tilespmem:$0x0]  }
0x177: {  	s7 =	simm.s32 $0x14100  }
0x178: {  	[tilespmem:s21], [sflag:$0x3] =	stream.indirect.gather [hbm4b:s4+s15], $0x80, s7, s15, $0xb8;
	v63 =	vld [tilespmem:$0x0]  }
0x179: {  	_ =	swait.ge [sflag:s22], $0x3800  }
0x17a: {  	[sflag:s22] =	ssyncset.done $0x0  }
0x17b: {  	s7 =	simm.s32 $0x14C80;
	[sflag:s22] =	ssyncadd.s32 $0xFFFFC800  }
0x17c: {  	[spmem:s1] =	stream.indirect.scatter.add.f32 [tilespmem:s18], [sflag:$0x5], $0x80, s7, s15, $0xb8;
	v63 =	vld [tilespmem:$0x0]  }
0x17d: {  	_ =	swait.ge [sflag:s24], $0x3800  }
0x17e: {  	[sflag:s24] =	ssyncset.done $0x0  }
0x17f: {  	s7 =	simm.s32 $0x14180;
	[sflag:s24] =	ssyncadd.s32 $0xFFFFC800  }
0x180: {  	[tilespmem:s16], [sflag:$0x1] =	stream.indirect.gather [hbm4b:s4+s15], $0x80, s7, s15, $0xb8;
	v63 =	vld [tilespmem:$0x0]  }
0x181: {  	_ =	swait.ge [sflag:s26], $0x3800  }
0x182: {  	[sflag:s26] =	ssyncset.done $0x0  }
0x183: {  	s7 =	simm.s32 $0x14D00;
	[sflag:s26] =	ssyncadd.s32 $0xFFFFC800  }
0x184: {  	[spmem:s1] =	stream.indirect.scatter.add.f32 [tilespmem:s21], [sflag:$0x6], $0x80, s7, s15, $0xb8;
	v63 =	vld [tilespmem:$0x0]  }
0x185: {  	_ =	swait.ge [sflag:s29], $0x3800  }
0x186: {  	[sflag:s29] =	ssyncset.done $0x0  }
0x187: {  	s7 =	simm.s32 $0x14200;
	[sflag:s29] =	ssyncadd.s32 $0xFFFFC800  }
0x188: {  	[tilespmem:s18], [sflag:$0x2] =	stream.indirect.gather [hbm4b:s4+s15], $0x80, s7, s15, $0xb8;
	v63 =	vld [tilespmem:$0x0]  }
0x189: {  	_ =	swait.ge [sflag:s19], $0x3800  }
0x18a: {  	[sflag:s19] =	ssyncset.done $0x0  }
0x18b: {  	s7 =	simm.s32 $0x14D80;
	[sflag:s19] =	ssyncadd.s32 $0xFFFFC800  }
0x18c: {  	[spmem:s1] =	stream.indirect.scatter.add.f32 [tilespmem:s16], [sflag:$0x4], $0x80, s7, s15, $0xb8;
	v63 =	vld [tilespmem:$0x0]  }
0x18d: {  	_ =	swait.ge [sflag:s0], $0x3800  }
0x18e: {  	[sflag:s0] =	ssyncset.done $0x0  }
0x18f: {  	s7 =	simm.s32 $0x14280;
	[sflag:s0] =	ssyncadd.s32 $0xFFFFC800  }
0x190: {  	[tilespmem:s21], [sflag:$0x3] =	stream.indirect.gather [hbm4b:s4+s15], $0x80, s7, s15, $0xb8;
	v63 =	vld [tilespmem:$0x0]  }
0x191: {  	_ =	swait.ge [sflag:s22], $0x3800  }
0x192: {  	[sflag:s22] =	ssyncset.done $0x0  }
0x193: {  	s7 =	simm.s32 $0x14E00;
	[sflag:s22] =	ssyncadd.s32 $0xFFFFC800  }
0x194: {  	[spmem:s1] =	stream.indirect.scatter.add.f32 [tilespmem:s18], [sflag:$0x5], $0x80, s7, s15, $0xb8;
	v63 =	vld [tilespmem:$0x0]  }
0x195: {  	_ =	swait.ge [sflag:s24], $0x3800  }
0x196: {  	[sflag:s24] =	ssyncset.done $0x0  }
0x197: {  	s7 =	simm.s32 $0x14300;
	[sflag:s24] =	ssyncadd.s32 $0xFFFFC800  }
0x198: {  	[tilespmem:s16], [sflag:$0x1] =	stream.indirect.gather [hbm4b:s4+s15], $0x80, s7, s15, $0xb8;
	v63 =	vld [tilespmem:$0x0]  }
0x199: {  	_ =	swait.ge [sflag:s26], $0x3800  }
0x19a: {  	[sflag:s26] =	ssyncset.done $0x0  }
0x19b: {  	s7 =	simm.s32 $0x14E80;
	[sflag:s26] =	ssyncadd.s32 $0xFFFFC800  }
0x19c: {  	[spmem:s1] =	stream.indirect.scatter.add.f32 [tilespmem:s21], [sflag:$0x6], $0x80, s7, s15, $0xb8;
	v63 =	vld [tilespmem:$0x0]  }
0x19d: {  	_ =	swait.ge [sflag:s29], $0x3800  }
0x19e: {  	[sflag:s29] =	ssyncset.done $0x0  }
0x19f: {  	s7 =	simm.s32 $0x14380;
	[sflag:s29] =	ssyncadd.s32 $0xFFFFC800  }
0x1a0: {  	[tilespmem:s18], [sflag:$0x2] =	stream.indirect.gather [hbm4b:s4+s15], $0x80, s7, s15, $0xb8;
	v63 =	vld [tilespmem:$0x0]  }
0x1a1: {  	_ =	swait.ge [sflag:s19], $0x3800  }
0x1a2: {  	[sflag:s19] =	ssyncset.done $0x0  }
0x1a3: {  	s7 =	simm.s32 $0x14F00;
	[sflag:s19] =	ssyncadd.s32 $0xFFFFC800  }
0x1a4: {  	[spmem:s1] =	stream.indirect.scatter.add.f32 [tilespmem:s16], [sflag:$0x4], $0x80, s7, s15, $0xb8;
	v63 =	vld [tilespmem:$0x0]  }
0x1a5: {  	_ =	swait.ge [sflag:s0], $0x3800  }
0x1a6: {  	[sflag:s0] =	ssyncset.done $0x0  }
0x1a7: {  	s7 =	simm.s32 $0x14400;
	[sflag:s0] =	ssyncadd.s32 $0xFFFFC800  }
0x1a8: {  	[tilespmem:s21], [sflag:$0x3] =	stream.indirect.gather [hbm4b:s4+s15], $0x80, s7, s15, $0xb8;
	v63 =	vld [tilespmem:$0x0]  }
0x1a9: {  	_ =	swait.ge [sflag:s22], $0x3800  }
0x1aa: {  	[sflag:s22] =	ssyncset.done $0x0  }
0x1ab: {  	s7 =	simm.s32 $0x14F80;
	[sflag:s22] =	ssyncadd.s32 $0xFFFFC800  }
0x1ac: {  	[spmem:s1] =	stream.indirect.scatter.add.f32 [tilespmem:s18], [sflag:$0x5], $0x80, s7, s15, $0xb8;
	v63 =	vld [tilespmem:$0x0]  }
0x1ad: {  	_ =	swait.ge [sflag:s24], $0x3800  }
0x1ae: {  	[sflag:s24] =	ssyncset.done $0x0  }
0x1af: {  	s7 =	simm.s32 $0x14480;
	[sflag:s24] =	ssyncadd.s32 $0xFFFFC800  }
0x1b0: {  	[tilespmem:s16], [sflag:$0x1] =	stream.indirect.gather [hbm4b:s4+s15], $0x80, s7, s15, $0xb8;
	v63 =	vld [tilespmem:$0x0]  }
0x1b1: {  	_ =	swait.ge [sflag:s26], $0x3800  }
0x1b2: {  	[sflag:s26] =	ssyncset.done $0x0  }
0x1b3: {  	s7 =	simm.s32 $0x15000;
	[sflag:s26] =	ssyncadd.s32 $0xFFFFC800  }
0x1b4: {  	[spmem:s1] =	stream.indirect.scatter.add.f32 [tilespmem:s21], [sflag:$0x6], $0x80, s7, s15, $0xb8;
	v63 =	vld [tilespmem:$0x0]  }
0x1b5: {  	_ =	swait.ge [sflag:s29], $0x3800  }
0x1b6: {  	[sflag:s29] =	ssyncset.done $0x0  }
0x1b7: {  	s7 =	simm.s32 $0x14500;
	[sflag:s29] =	ssyncadd.s32 $0xFFFFC800  }
0x1b8: {  	[tilespmem:s18], [sflag:$0x2] =	stream.indirect.gather [hbm4b:s4+s15], $0x80, s7, s15, $0xb8;
	v63 =	vld [tilespmem:$0x0]  }
0x1b9: {  	_ =	swait.ge [sflag:s19], $0x3800  }
0x1ba: {  	[sflag:s19] =	ssyncset.done $0x0  }
0x1bb: {  	s7 =	simm.s32 $0x15080;
	[sflag:s19] =	ssyncadd.s32 $0xFFFFC800  }
0x1bc: {  	[spmem:s1] =	stream.indirect.scatter.add.f32 [tilespmem:s16], [sflag:$0x4], $0x80, s7, s15, $0xb8;
	v63 =	vld [tilespmem:$0x0]  }
0x1bd: {  	_ =	swait.ge [sflag:s0], $0x3800  }
0x1be: {  	[sflag:s0] =	ssyncset.done $0x0  }
0x1bf: {  	s7 =	simm.s32 $0x14580;
	[sflag:s0] =	ssyncadd.s32 $0xFFFFC800  }
0x1c0: {  	[tilespmem:s21], [sflag:$0x3] =	stream.indirect.gather [hbm4b:s4+s15], $0x80, s7, s15, $0xb8;
	v63 =	vld [tilespmem:$0x0]  }
0x1c1: {  	_ =	swait.ge [sflag:s22], $0x3800  }
0x1c2: {  	[sflag:s22] =	ssyncset.done $0x0  }
0x1c3: {  	s7 =	simm.s32 $0x15100;
	[sflag:s22] =	ssyncadd.s32 $0xFFFFC800  }
0x1c4: {  	[spmem:s1] =	stream.indirect.scatter.add.f32 [tilespmem:s18], [sflag:$0x5], $0x80, s7, s15, $0xb8;
	v63 =	vld [tilespmem:$0x0]  }
0x1c5: {  	_ =	swait.ge [sflag:s24], $0x3800  }
0x1c6: {  	[sflag:s24] =	ssyncset.done $0x0  }
0x1c7: {  	s7 =	simm.s32 $0x14600;
	[sflag:s24] =	ssyncadd.s32 $0xFFFFC800  }
0x1c8: {  	[tilespmem:s16], [sflag:$0x1] =	stream.indirect.gather [hbm4b:s4+s15], $0x80, s7, s15, $0xb8;
	v63 =	vld [tilespmem:$0x0]  }
0x1c9: {  	_ =	swait.ge [sflag:s26], $0x3800  }
0x1ca: {  	[sflag:s26] =	ssyncset.done $0x0  }
0x1cb: {  	s7 =	simm.s32 $0x15180;
	[sflag:s26] =	ssyncadd.s32 $0xFFFFC800  }
0x1cc: {  	[spmem:s1] =	stream.indirect.scatter.add.f32 [tilespmem:s21], [sflag:$0x6], $0x80, s7, s15, $0xb8;
	v63 =	vld [tilespmem:$0x0]  }
0x1cd: {  	_ =	swait.ge [sflag:s29], $0x3800  }
0x1ce: {  	[sflag:s29] =	ssyncset.done $0x0  }
0x1cf: {  	[sflag:s29] =	ssyncadd.s32 $0xFFFFC800  }
0x1d0: {  	[tilespmem:s18], [sflag:$0x2] =	stream.indirect.gather [hbm4b:s4+s15], $0x80, s9, s15, $0xb8;
	v63 =	vld [tilespmem:$0x0]  }
0x1d1: {  	_ =	swait.ge [sflag:s19], $0x3800  }
0x1d2: {  	[sflag:s19] =	ssyncset.done $0x0  }
0x1d3: {  	[sflag:s19] =	ssyncadd.s32 $0xFFFFC800  }
0x1d4: {  	[spmem:s1] =	stream.indirect.scatter.add.f32 [tilespmem:s16], [sflag:$0x4], $0x80, s5, s15, $0xb8;
	v63 =	vld [tilespmem:$0x0]  }
0x1d5: {  	_ =	swait.ge [sflag:s0], $0x3800  }
0x1d6: {  	[sflag:s0] =	ssyncset.done $0x0  }
0x1d7: {  	[sflag:s0] =	ssyncadd.s32 $0xFFFFC800  }
0x1d8: {  	[tilespmem:s21], [sflag:$0x3] =	stream.indirect.gather [hbm4b:s4+s15], $0x80, s6, s15, $0xb8;
	v63 =	vld [tilespmem:$0x0]  }
0x1d9: {  	_ =	swait.ge [sflag:s22], $0x3800  }
0x1da: {  	[sflag:s22] =	ssyncset.done $0x0  }
0x1db: {  	[sflag:s22] =	ssyncadd.s32 $0xFFFFC800  }
0x1dc: {  	[spmem:s1] =	stream.indirect.scatter.add.f32 [tilespmem:s18], [sflag:$0x5], $0x80, s11, s15, $0xb8;
	v63 =	vld [tilespmem:$0x0]  }
0x1dd: {  	_ =	swait.ge [sflag:s24], $0x3800  }
0x1de: {  	[sflag:s24] =	ssyncset.done $0x0  }
0x1df: {  	[sflag:s24] =	ssyncadd.s32 $0xFFFFC800  }
0x1e0: {  	[tilespmem:s16], [sflag:$0x1] =	stream.indirect.gather [hbm4b:s4+s15], $0x80, s17, s15, $0xb8;
	v63 =	vld [tilespmem:$0x0]  }
0x1e1: {  	_ =	swait.ge [sflag:s26], $0x3800  }
0x1e2: {  	[sflag:s26] =	ssyncset.done $0x0  }
0x1e3: {  	[sflag:s26] =	ssyncadd.s32 $0xFFFFC800  }
0x1e4: {  	[spmem:s1] =	stream.indirect.scatter.add.f32 [tilespmem:s21], [sflag:$0x6], $0x80, s20, s15, $0xb8;
	v63 =	vld [tilespmem:$0x0]  }
0x1e5: {  	_ =	swait.ge [sflag:s29], $0x3800  }
0x1e6: {  	[sflag:s29] =	ssyncset.done $0x0  }
0x1e7: {  	[sflag:s29] =	ssyncadd.s32 $0xFFFFC800  }
0x1e8: {  	[tilespmem:s18], [sflag:$0x2] =	stream.indirect.gather [hbm4b:s4+s15], $0x80, s23, s15, $0xb8;
	v63 =	vld [tilespmem:$0x0]  }
0x1e9: {  	_ =	swait.ge [sflag:s19], $0x3800  }
0x1ea: {  	[sflag:s19] =	ssyncset.done $0x0  }
0x1eb: {  	[sflag:s19] =	ssyncadd.s32 $0xFFFFC800  }
0x1ec: {  	[spmem:s1] =	stream.indirect.scatter.add.f32 [tilespmem:s16], [sflag:$0x4], $0x80, s25, s15, $0xb8;
	v63 =	vld [tilespmem:$0x0]  }
0x1ed: {  	_ =	swait.ge [sflag:s0], $0x3800  }
0x1ee: {  	[sflag:s0] =	ssyncset.done $0x0  }
0x1ef: {  	[sflag:s0] =	ssyncadd.s32 $0xFFFFC800  }
0x1f0: {  	[tilespmem:s21], [sflag:$0x3] =	stream.indirect.gather [hbm4b:s4+s15], $0x80, s28, s15, $0xb8;
	v63 =	vld [tilespmem:$0x0]  }
0x1f1: {  	_ =	swait.ge [sflag:s22], $0x3800  }
0x1f2: {  	[sflag:s22] =	ssyncset.done $0x0  }
0x1f3: {  	[sflag:s22] =	ssyncadd.s32 $0xFFFFC800  }
0x1f4: {  	[spmem:s1] =	stream.indirect.scatter.add.f32 [tilespmem:s18], [sflag:$0x5], $0x80, s30, s15, $0xb8;
	v63 =	vld [tilespmem:$0x0]  }
0x1f5: {  	_ =	swait.ge [sflag:s24], $0x3800  }
0x1f6: {  	[sflag:s24] =	ssyncset.done $0x0  }
0x1f7: {  	[sflag:s24] =	ssyncadd.s32 $0xFFFFC800  }
0x1f8: {  	_ =	swait.ge [sflag:s26], $0x3800  }
0x1f9: {  	[sflag:s26] =	ssyncset.done $0x0  }
0x1fa: {  	[sflag:s26] =	ssyncadd.s32 $0xFFFFC800  }
0x1fb: {  	[spmem:s1] =	stream.indirect.scatter.add.f32 [tilespmem:s21], [sflag:$0x6], $0x80, s8, s15, $0xb8;
	v63 =	vld [tilespmem:$0x0]  }
0x1fc: {  	_ =	swait.ge [sflag:s29], $0x3800  }
0x1fd: {  	[sflag:s29] =	ssyncset.done $0x0  }
0x1fe: {  	[sflag:s29] =	ssyncadd.s32 $0xFFFFC800  }
0x1ff: {  	_ =	swait.ge [sflag:s0], $0x3800  }
0x200: {  	s31 =	simm.s32 $0x180;
	[sflag:s0] =	ssyncset.done $0x0  }
.LBB2_4:
0x201: {  	s2 =	rddreg [dreg:$0x4];
	s7 =	smov.u32 s31  }
0x202: {  	[sflag:s0] =	ssyncadd.s32 $0xFFFFC800;
	s2 =	sadd.s32 s7, s2  }
0x203: {  	[tilespmem:s13], [sflag:$0x7] =	stream.linear.gather [hbm4b:s2+s3], $0x900, $0x38;
	v63 =	vld [tilespmem:$0x0]  }
0x204: {  	_ =	swait.ge [sflag:s12], $0x900  }
0x205: {  	[sflag:s12] =	ssyncset.done $0x0  }
0x206: {  	s7 =	sadd.s32 s7, s10;
	[sflag:s12] =	ssyncadd.s32 $0xFFFFF700  }
0x207: {  	[tilespmem:s14], [sflag:$0x7] =	stream.linear.gather [hbm4b:s7+s3], $0x900, $0x38;
	v63 =	vld [tilespmem:$0x0]  }
0x208: {  	_ =	swait.ge [sflag:s12], $0x900  }
0x209: {  	[sflag:s12] =	ssyncset.done $0x0  }
0x20a: {  	[sflag:s12] =	ssyncadd.s32 $0xFFFFF700  }
0x20b: {  	[tilespmem:s16], [sflag:$0x1] =	stream.indirect.gather [hbm4b:s4+s15], $0x80, s13, s15, $0xb8;
	v63 =	vld [tilespmem:$0x0]  }
0x20c: {  	s7 =	simm.s32 $0x14080  }
0x20d: {  	[tilespmem:s18], [sflag:$0x2] =	stream.indirect.gather [hbm4b:s4+s15], $0x80, s7, s15, $0xb8;
	v63 =	vld [tilespmem:$0x0]  }
0x20e: {  	_ =	swait.ge [sflag:s19], $0x3800  }
0x20f: {  	[sflag:s19] =	ssyncset.done $0x0  }
0x210: {  	[sflag:s19] =	ssyncadd.s32 $0xFFFFC800  }
0x211: {  	[spmem:s1] =	stream.indirect.scatter.add.f32 [tilespmem:s16], [sflag:$0x4], $0x80, s14, s15, $0xb8;
	v63 =	vld [tilespmem:$0x0]  }
0x212: {  	s7 =	simm.s32 $0x14100  }
0x213: {  	[tilespmem:s21], [sflag:$0x3] =	stream.indirect.gather [hbm4b:s4+s15], $0x80, s7, s15, $0xb8;
	v63 =	vld [tilespmem:$0x0]  }
0x214: {  	_ =	swait.ge [sflag:s22], $0x3800  }
0x215: {  	[sflag:s22] =	ssyncset.done $0x0  }
0x216: {  	s7 =	simm.s32 $0x14C80;
	[sflag:s22] =	ssyncadd.s32 $0xFFFFC800  }
0x217: {  	[spmem:s1] =	stream.indirect.scatter.add.f32 [tilespmem:s18], [sflag:$0x5], $0x80, s7, s15, $0xb8;
	v63 =	vld [tilespmem:$0x0]  }
0x218: {  	_ =	swait.ge [sflag:s24], $0x3800  }
0x219: {  	[sflag:s24] =	ssyncset.done $0x0  }
0x21a: {  	s7 =	simm.s32 $0x14180;
	[sflag:s24] =	ssyncadd.s32 $0xFFFFC800  }
0x21b: {  	[tilespmem:s16], [sflag:$0x1] =	stream.indirect.gather [hbm4b:s4+s15], $0x80, s7, s15, $0xb8;
	v63 =	vld [tilespmem:$0x0]  }
0x21c: {  	_ =	swait.ge [sflag:s26], $0x3800  }
0x21d: {  	[sflag:s26] =	ssyncset.done $0x0  }
0x21e: {  	s7 =	simm.s32 $0x14D00;
	[sflag:s26] =	ssyncadd.s32 $0xFFFFC800  }
0x21f: {  	[spmem:s1] =	stream.indirect.scatter.add.f32 [tilespmem:s21], [sflag:$0x6], $0x80, s7, s15, $0xb8;
	v63 =	vld [tilespmem:$0x0]  }
0x220: {  	_ =	swait.ge [sflag:s29], $0x3800  }
0x221: {  	[sflag:s29] =	ssyncset.done $0x0  }
0x222: {  	s7 =	simm.s32 $0x14200;
	[sflag:s29] =	ssyncadd.s32 $0xFFFFC800  }
0x223: {  	[tilespmem:s18], [sflag:$0x2] =	stream.indirect.gather [hbm4b:s4+s15], $0x80, s7, s15, $0xb8;
	v63 =	vld [tilespmem:$0x0]  }
0x224: {  	_ =	swait.ge [sflag:s19], $0x3800  }
0x225: {  	[sflag:s19] =	ssyncset.done $0x0  }
0x226: {  	s7 =	simm.s32 $0x14D80;
	[sflag:s19] =	ssyncadd.s32 $0xFFFFC800  }
0x227: {  	[spmem:s1] =	stream.indirect.scatter.add.f32 [tilespmem:s16], [sflag:$0x4], $0x80, s7, s15, $0xb8;
	v63 =	vld [tilespmem:$0x0]  }
0x228: {  	_ =	swait.ge [sflag:s0], $0x3800  }
0x229: {  	[sflag:s0] =	ssyncset.done $0x0  }
0x22a: {  	s7 =	simm.s32 $0x14280;
	[sflag:s0] =	ssyncadd.s32 $0xFFFFC800  }
0x22b: {  	[tilespmem:s21], [sflag:$0x3] =	stream.indirect.gather [hbm4b:s4+s15], $0x80, s7, s15, $0xb8;
	v63 =	vld [tilespmem:$0x0]  }
0x22c: {  	_ =	swait.ge [sflag:s22], $0x3800  }
0x22d: {  	[sflag:s22] =	ssyncset.done $0x0  }
0x22e: {  	s7 =	simm.s32 $0x14E00;
	[sflag:s22] =	ssyncadd.s32 $0xFFFFC800  }
0x22f: {  	[spmem:s1] =	stream.indirect.scatter.add.f32 [tilespmem:s18], [sflag:$0x5], $0x80, s7, s15, $0xb8;
	v63 =	vld [tilespmem:$0x0]  }
0x230: {  	_ =	swait.ge [sflag:s24], $0x3800  }
0x231: {  	[sflag:s24] =	ssyncset.done $0x0  }
0x232: {  	s7 =	simm.s32 $0x14300;
	[sflag:s24] =	ssyncadd.s32 $0xFFFFC800  }
0x233: {  	[tilespmem:s16], [sflag:$0x1] =	stream.indirect.gather [hbm4b:s4+s15], $0x80, s7, s15, $0xb8;
	v63 =	vld [tilespmem:$0x0]  }
0x234: {  	_ =	swait.ge [sflag:s26], $0x3800  }
0x235: {  	[sflag:s26] =	ssyncset.done $0x0  }
0x236: {  	s7 =	simm.s32 $0x14E80;
	[sflag:s26] =	ssyncadd.s32 $0xFFFFC800  }
0x237: {  	[spmem:s1] =	stream.indirect.scatter.add.f32 [tilespmem:s21], [sflag:$0x6], $0x80, s7, s15, $0xb8;
	v63 =	vld [tilespmem:$0x0]  }
0x238: {  	_ =	swait.ge [sflag:s29], $0x3800  }
0x239: {  	[sflag:s29] =	ssyncset.done $0x0  }
0x23a: {  	s7 =	simm.s32 $0x14380;
	[sflag:s29] =	ssyncadd.s32 $0xFFFFC800  }
0x23b: {  	[tilespmem:s18], [sflag:$0x2] =	stream.indirect.gather [hbm4b:s4+s15], $0x80, s7, s15, $0xb8;
	v63 =	vld [tilespmem:$0x0]  }
0x23c: {  	_ =	swait.ge [sflag:s19], $0x3800  }
0x23d: {  	[sflag:s19] =	ssyncset.done $0x0  }
0x23e: {  	s7 =	simm.s32 $0x14F00;
	[sflag:s19] =	ssyncadd.s32 $0xFFFFC800  }
0x23f: {  	[spmem:s1] =	stream.indirect.scatter.add.f32 [tilespmem:s16], [sflag:$0x4], $0x80, s7, s15, $0xb8;
	v63 =	vld [tilespmem:$0x0]  }
0x240: {  	_ =	swait.ge [sflag:s0], $0x3800  }
0x241: {  	[sflag:s0] =	ssyncset.done $0x0  }
0x242: {  	s7 =	simm.s32 $0x14400;
	[sflag:s0] =	ssyncadd.s32 $0xFFFFC800  }
0x243: {  	[tilespmem:s21], [sflag:$0x3] =	stream.indirect.gather [hbm4b:s4+s15], $0x80, s7, s15, $0xb8;
	v63 =	vld [tilespmem:$0x0]  }
0x244: {  	_ =	swait.ge [sflag:s22], $0x3800  }
0x245: {  	[sflag:s22] =	ssyncset.done $0x0  }
0x246: {  	s7 =	simm.s32 $0x14F80;
	[sflag:s22] =	ssyncadd.s32 $0xFFFFC800  }
0x247: {  	[spmem:s1] =	stream.indirect.scatter.add.f32 [tilespmem:s18], [sflag:$0x5], $0x80, s7, s15, $0xb8;
	v63 =	vld [tilespmem:$0x0]  }
0x248: {  	_ =	swait.ge [sflag:s24], $0x3800  }
0x249: {  	[sflag:s24] =	ssyncset.done $0x0  }
0x24a: {  	s7 =	simm.s32 $0x14480;
	[sflag:s24] =	ssyncadd.s32 $0xFFFFC800  }
0x24b: {  	[tilespmem:s16], [sflag:$0x1] =	stream.indirect.gather [hbm4b:s4+s15], $0x80, s7, s15, $0xb8;
	v63 =	vld [tilespmem:$0x0]  }
0x24c: {  	_ =	swait.ge [sflag:s26], $0x3800  }
0x24d: {  	[sflag:s26] =	ssyncset.done $0x0  }
0x24e: {  	s7 =	simm.s32 $0x15000;
	[sflag:s26] =	ssyncadd.s32 $0xFFFFC800  }
0x24f: {  	[spmem:s1] =	stream.indirect.scatter.add.f32 [tilespmem:s21], [sflag:$0x6], $0x80, s7, s15, $0xb8;
	v63 =	vld [tilespmem:$0x0]  }
0x250: {  	_ =	swait.ge [sflag:s29], $0x3800  }
0x251: {  	[sflag:s29] =	ssyncset.done $0x0  }
0x252: {  	s7 =	simm.s32 $0x14500;
	[sflag:s29] =	ssyncadd.s32 $0xFFFFC800  }
0x253: {  	[tilespmem:s18], [sflag:$0x2] =	stream.indirect.gather [hbm4b:s4+s15], $0x80, s7, s15, $0xb8;
	v63 =	vld [tilespmem:$0x0]  }
0x254: {  	_ =	swait.ge [sflag:s19], $0x3800  }
0x255: {  	[sflag:s19] =	ssyncset.done $0x0  }
0x256: {  	s7 =	simm.s32 $0x15080;
	[sflag:s19] =	ssyncadd.s32 $0xFFFFC800  }
0x257: {  	[spmem:s1] =	stream.indirect.scatter.add.f32 [tilespmem:s16], [sflag:$0x4], $0x80, s7, s15, $0xb8;
	v63 =	vld [tilespmem:$0x0]  }
0x258: {  	_ =	swait.ge [sflag:s0], $0x3800  }
0x259: {  	[sflag:s0] =	ssyncset.done $0x0  }
0x25a: {  	s7 =	simm.s32 $0x14580;
	[sflag:s0] =	ssyncadd.s32 $0xFFFFC800  }
0x25b: {  	[tilespmem:s21], [sflag:$0x3] =	stream.indirect.gather [hbm4b:s4+s15], $0x80, s7, s15, $0xb8;
	v63 =	vld [tilespmem:$0x0]  }
0x25c: {  	_ =	swait.ge [sflag:s22], $0x3800  }
0x25d: {  	[sflag:s22] =	ssyncset.done $0x0  }
0x25e: {  	s7 =	simm.s32 $0x15100;
	[sflag:s22] =	ssyncadd.s32 $0xFFFFC800  }
0x25f: {  	[spmem:s1] =	stream.indirect.scatter.add.f32 [tilespmem:s18], [sflag:$0x5], $0x80, s7, s15, $0xb8;
	v63 =	vld [tilespmem:$0x0]  }
0x260: {  	_ =	swait.ge [sflag:s24], $0x3800  }
0x261: {  	[sflag:s24] =	ssyncset.done $0x0  }
0x262: {  	s7 =	simm.s32 $0x14600;
	[sflag:s24] =	ssyncadd.s32 $0xFFFFC800  }
0x263: {  	[tilespmem:s16], [sflag:$0x1] =	stream.indirect.gather [hbm4b:s4+s15], $0x80, s7, s15, $0xb8;
	v63 =	vld [tilespmem:$0x0]  }
0x264: {  	_ =	swait.ge [sflag:s26], $0x3800  }
0x265: {  	[sflag:s26] =	ssyncset.done $0x0  }
0x266: {  	s7 =	simm.s32 $0x15180;
	[sflag:s26] =	ssyncadd.s32 $0xFFFFC800  }
0x267: {  	[spmem:s1] =	stream.indirect.scatter.add.f32 [tilespmem:s21], [sflag:$0x6], $0x80, s7, s15, $0xb8;
	v63 =	vld [tilespmem:$0x0]  }
0x268: {  	_ =	swait.ge [sflag:s29], $0x3800  }
0x269: {  	[sflag:s29] =	ssyncset.done $0x0  }
0x26a: {  	[sflag:s29] =	ssyncadd.s32 $0xFFFFC800  }
0x26b: {  	[tilespmem:s18], [sflag:$0x2] =	stream.indirect.gather [hbm4b:s4+s15], $0x80, s9, s15, $0xb8;
	v63 =	vld [tilespmem:$0x0]  }
0x26c: {  	_ =	swait.ge [sflag:s19], $0x3800  }
0x26d: {  	[sflag:s19] =	ssyncset.done $0x0  }
0x26e: {  	[sflag:s19] =	ssyncadd.s32 $0xFFFFC800  }
0x26f: {  	[spmem:s1] =	stream.indirect.scatter.add.f32 [tilespmem:s16], [sflag:$0x4], $0x80, s5, s15, $0xb8;
	v63 =	vld [tilespmem:$0x0]  }
0x270: {  	_ =	swait.ge [sflag:s0], $0x3800  }
0x271: {  	[sflag:s0] =	ssyncset.done $0x0  }
0x272: {  	[sflag:s0] =	ssyncadd.s32 $0xFFFFC800  }
0x273: {  	[tilespmem:s21], [sflag:$0x3] =	stream.indirect.gather [hbm4b:s4+s15], $0x80, s6, s15, $0xb8;
	v63 =	vld [tilespmem:$0x0]  }
0x274: {  	_ =	swait.ge [sflag:s22], $0x3800  }
0x275: {  	[sflag:s22] =	ssyncset.done $0x0  }
0x276: {  	[sflag:s22] =	ssyncadd.s32 $0xFFFFC800  }
0x277: {  	[spmem:s1] =	stream.indirect.scatter.add.f32 [tilespmem:s18], [sflag:$0x5], $0x80, s11, s15, $0xb8;
	v63 =	vld [tilespmem:$0x0]  }
0x278: {  	_ =	swait.ge [sflag:s24], $0x3800  }
0x279: {  	[sflag:s24] =	ssyncset.done $0x0  }
0x27a: {  	[sflag:s24] =	ssyncadd.s32 $0xFFFFC800  }
0x27b: {  	[tilespmem:s16], [sflag:$0x1] =	stream.indirect.gather [hbm4b:s4+s15], $0x80, s17, s15, $0xb8;
	v63 =	vld [tilespmem:$0x0]  }
0x27c: {  	_ =	swait.ge [sflag:s26], $0x3800  }
0x27d: {  	[sflag:s26] =	ssyncset.done $0x0  }
0x27e: {  	[sflag:s26] =	ssyncadd.s32 $0xFFFFC800  }
0x27f: {  	[spmem:s1] =	stream.indirect.scatter.add.f32 [tilespmem:s21], [sflag:$0x6], $0x80, s20, s15, $0xb8;
	v63 =	vld [tilespmem:$0x0]  }
0x280: {  	_ =	swait.ge [sflag:s29], $0x3800  }
0x281: {  	[sflag:s29] =	ssyncset.done $0x0  }
0x282: {  	[sflag:s29] =	ssyncadd.s32 $0xFFFFC800  }
0x283: {  	[tilespmem:s18], [sflag:$0x2] =	stream.indirect.gather [hbm4b:s4+s15], $0x80, s23, s15, $0xb8;
	v63 =	vld [tilespmem:$0x0]  }
0x284: {  	_ =	swait.ge [sflag:s19], $0x3800  }
0x285: {  	[sflag:s19] =	ssyncset.done $0x0  }
0x286: {  	[sflag:s19] =	ssyncadd.s32 $0xFFFFC800  }
0x287: {  	[spmem:s1] =	stream.indirect.scatter.add.f32 [tilespmem:s16], [sflag:$0x4], $0x80, s25, s15, $0xb8;
	v63 =	vld [tilespmem:$0x0]  }
0x288: {  	_ =	swait.ge [sflag:s0], $0x3800  }
0x289: {  	[sflag:s0] =	ssyncset.done $0x0  }
0x28a: {  	[sflag:s0] =	ssyncadd.s32 $0xFFFFC800  }
0x28b: {  	[tilespmem:s21], [sflag:$0x3] =	stream.indirect.gather [hbm4b:s4+s15], $0x80, s28, s15, $0xb8;
	v63 =	vld [tilespmem:$0x0]  }
0x28c: {  	_ =	swait.ge [sflag:s22], $0x3800  }
0x28d: {  	[sflag:s22] =	ssyncset.done $0x0  }
0x28e: {  	[sflag:s22] =	ssyncadd.s32 $0xFFFFC800  }
0x28f: {  	[spmem:s1] =	stream.indirect.scatter.add.f32 [tilespmem:s18], [sflag:$0x5], $0x80, s30, s15, $0xb8;
	v63 =	vld [tilespmem:$0x0]  }
0x290: {  	_ =	swait.ge [sflag:s24], $0x3800  }
0x291: {  	[sflag:s24] =	ssyncset.done $0x0  }
0x292: {  	[sflag:s24] =	ssyncadd.s32 $0xFFFFC800  }
0x293: {  	_ =	swait.ge [sflag:s26], $0x3800  }
0x294: {  	[sflag:s26] =	ssyncset.done $0x0  }
0x295: {  	p0 =	sne.s32 s31, $0xD80;
	[sflag:s26] =	ssyncadd.s32 $0xFFFFC800  }
0x296: {  	[spmem:s1] =	stream.indirect.scatter.add.f32 [tilespmem:s21], [sflag:$0x6], $0x80, s8, s15, $0xb8;
	v63 =	vld [tilespmem:$0x0]  }
.Ltmp1:
0x297: {  	_ =	swait.ge [sflag:s29], $0x3800;
	(pc) =	sbr.rel @p0 .LBB2_4-.Ltmp1, $4  }
0x298: {  	[sflag:s29] =	ssyncset.done $0x0  }
0x299: {  	[sflag:s29] =	ssyncadd.s32 $0xFFFFC800  }
0x29a: {  	_ =	swait.ge [sflag:s0], $0x3800  }
0x29b: {  	s31 =	sadd.s32 $0x180, s31;
	[sflag:s0] =	ssyncset.done $0x0  }
0x29c: {  	[sflag:s0] =	ssyncadd.s32 $0xFFFFC800  }
0x29d: {  	[bflag:$0x0] =	sbarrier.arrive $0xFFFF  }
0x29e: {  	s31 =	rddreg [dreg:$0x6]  }
0x29f: {  	s2 =	rddreg [dreg:$0x8]  }
0x2a0: {  	s7 =	rddreg [dreg:$0xa]  }
0x2a1: {  	[hbm:s2], [sflag:s31] =	dma.local [spmem:s7], $0x2800  }
0x2a2: {  	_ =	swait.ge [sflag:s12], $0x2800  }
0x2a3: {  	s5 =	rddreg [dreg:$0xb]  }
0x2a4: {  	s2 =	rddreg [dreg:$0x9];
	s5 =	sadd.s32 $0x1, s5  }
0x2a5: {  	p0 =	sne.s32 s5, s2  }
.Ltmp2:
0x2a6: {  	_ = 	snop;
	(pc) =	sbr.rel @p0 .LBB2_1-.Ltmp2, $3  }
0x2a7: {  	_ =	sdelay $0x1  }
0x2a8: {  	[sflag:s12] =	ssyncset.done $0x0  }
0x2a9: {  	[sflag:s12] =	ssyncadd.s32 $0xFFFFD800  }
0x2aa: {  	_ =	sfence.sel $0x180000  }
0x2ab: {  	[bflag:$0x0] =	sbarrier.arrive $0xFFFF  }
0x2ac: {  	_ =	strace $0x9000004A  }
0x2ad: {  	s0 =	stileid.u32;
	[bflag:$0x2] =	sbarrier.arrive $0xFFFF  }
0x2ae: {  	p0 =	sne.s32 s0, $0x0;
	s0 =	rddreg [dreg:$0x2]  }
0x2af: {  	s0 =	sadd.s32 @!p0 $0x100000, s0  }
0x2b0: {  	[sflag:s0] =	ssyncadd.tile.s32 @!p0 $0x1;
	_ =	shalt  }
.Lfunc_end2:
_tile_overlayer_lowered:
.L_overlay_start_2:
0x2b1: {  	(tag) =	ssettag $0x2  }
0x2b2: {  	s0 =	rddreg [dreg:$0x0];
	s2 =	stileid.u32  }
0x2b3: {  	s1 =	rddreg [dreg:$0x1];
	p0 =	sne.s32 s2, $0x0  }
0x2b4: {  	s3 =	rddreg [dreg:$0x2];
	[bflag:$0x3] =	sbarrier.arrive $0xFFFF;
	s2 =	simm.s32 @!p0 $0x1C07  }
0x2b5: {  	[timem:s3], [sflag:s2] =	dma.local @!p0 [hbm:s0], s1  }
0x2b6: {  	s0 =	simm.s32 @!p0 $0x7  }
0x2b7: {  	_ =	swait.ge @!p0 [sflag:s0], s1  }
0x2b8: {  	s1 =	ssub.s32 @!p0 $0x0, s1;
	[sflag:s0] =	ssyncset.done @!p0 $0x0  }
0x2b9: {  	[sflag:s0] =	ssyncadd.s32 @!p0 s1  }
0x2ba: {  	[bflag:$0x3] =	sbarrier.arrive $0xFFFF  }
0x2bb: {  	_ =	shalt  }

// kernel: kernel.15.cloned.1.call-start
scs
__scs_entry_jumppad:
0x0: {  	(pc) =	sbr.rel $0x88, $3  }
0x1: {  	(tag) =	ssettag $0x0;
	lr =	simm.s32 $0x1  }
0x2: {  	[smem:$0x3F9B] =	sst lr;
	_ =	strace $0xD0000000  }
0x3: {  	_ = 	snop  }
0x4: {  	_ = 	snop  }
0x5: {  	_ = 	snop  }
0x6: {  	_ = 	snop  }
0x7: {  	_ = 	snop  }
__scs_overlays_trampoline_lowered:
0x8: {  	[smem:$0x3FAA] =	sst s0  }
0x9: {  	[smem:$0x3FAB] =	sst s1  }
0xa: {  	[smem:$0x3FAC] =	sst s2  }
0xb: {  	[smem:$0x3FAD] =	sst s3  }
0xc: {  	[smem:$0x3FAE] =	sst s4  }
0xd: {  	[smem:$0x3FAF] =	sst s5  }
0xe: {  	[smem:$0x3FB0] =	sst s6  }
0xf: {  	[smem:$0x3FB1] =	sst s7  }
0x10: {  	[smem:$0x3FB2] =	sst s8  }
0x11: {  	[smem:$0x3FB3] =	sst s9;
	s0 =	simm.s32 @!p0 $0x0  }
0x12: {  	s1 =	sld [smem:$0x3F99];
	s0 =	simm.s32 @p0 $0x1  }
0x13: {  	[smem:$0x3FB4] =	sst s0;
	s0 =	simm.s32 @!p1 $0x0  }
0x14: {  	s2 =	sld [smem:$0x3F98];
	s0 =	simm.s32 @p1 $0x1  }
0x15: {  	[smem:$0x3FB5] =	sst s0;
	s0 =	simm.s32 @!p2 $0x0  }
0x16: {  	s3 =	sld [smem:$0x3FDB];
	s0 =	simm.s32 @p2 $0x1  }
0x17: {  	s4 =	simm.s32 $0x1BF5;
	[smem:$0x3FB7] =	sst s0  }
0x18: {  	s0 =	sld [smem:$0x3F9A];
	_ =	swait.ge [sflag:s4], $0x0  }
0x19: {  	s7 =	sld [smem:$0x3F9B]  }
0x1a: {  	s8 =	sadd.s32 $0xFFFFE003, lr  }
0x1b: {  	s9 =	sadd.s32 $0xFFFFFEF7, lr;
	s5 =	simm.s32 $0xFFFFFFFF;
	p2 =	slt.u32 s8, $0xFFFFF086  }
0x1c: {  	p1 =	slt.u32 s9, $0xF7A;
	s5 =	simm.s32 @!p2 $0x0  }
0x1d: {  	s5 =	simm.s32 @p1 $0x1;
	p0 =	seq.s32 s7, s2  }
0x1e: {  	s7 =	smul.u32 @!p0 $0xF7A, s2;
	p2 =	seq.s32 @!p0 s5, $0x0  }
0x1f: {  	s9 =	smul.u32 $0xF7A, s1;
	s8 =	simm.s32 @!p0 $0x1BF5;
	p2 =	por !p2, p0  }
0x20: {  	[sflag:s8] =	ssyncset.s32 @!p0 $0xFFFFF086;
	s6 =	sadd.s32 @!p0 s3, s7;
	s7 =	simm.s32 @!p0 $0x108  }
0x21: {  	s3 =	sadd.s32 s3, s9;
	s6 =	sadd.s32 @!p0 $0x88, s6;
	s7 =	simm.s32 @p2 $0x1082  }
0x22: {  	[simem:s7], [sflag:s8] =	dma.local @!p0 [hbm:s6], $0xF7A  }
0x23: {  	s9 =	sor.u32 $0xD0000000, s2;
	s6 =	simm.s32 $0x108;
	_ =	swait.ge @!p0 [sflag:s8], $0x0  }
0x24: {  	s3 =	sadd.s32 $0x88, s3;
	s6 =	simm.s32 @!p1 $0x1082;
	[sflag:s4] =	ssyncset.s32 $0xFFFFF086  }
0x25: {  	[simem:s6], [sflag:s4] =	dma.local [hbm:s3], $0xF7A  }
0x26: {  	[smem:$0x3F9B] =	sst s1;
	(tag) =	ssettag s2;
	_ =	strace s9  }
0x27: {  	s1 =	sld [smem:$0x3FAB]  }
0x28: {  	s2 =	sld [smem:$0x3FAC]  }
0x29: {  	s4 =	sld [smem:$0x3FAE]  }
0x2a: {  	p0 =	seq.s32 s5, $0x0;
	s5 =	sld [smem:$0x3FAF]  }
0x2b: {  	s6 =	sld [smem:$0x3FB0]  }
0x2c: {  	s7 =	sld [smem:$0x3FB1]  }
0x2d: {  	s3 =	simm.s32 $0x108;
	s8 =	sld [smem:$0x3FB2]  }
0x2e: {  	s3 =	simm.s32 @!p0 $0x1082;
	s9 =	sld [smem:$0x3FB3]  }
0x2f: {  	lr =	sadd.s32 s0, s3;
	s0 =	sld [smem:$0x3FAA]  }
0x30: {  	s3 =	sld [smem:$0x3FAD]  }
0x31: {  	[smem:$0x3FB6] =	sst s10  }
0x32: {  	s10 =	sld [smem:$0x3FB4];
	_ =	sdelay $0x3  }
0x33: {  	p0 =	seq.s32 s10, $0x1;
	s10 =	sld [smem:$0x3FB6];
	_ =	sdelay $0x3  }
0x34: {  	[smem:$0x3FB6] =	sst s10  }
0x35: {  	s10 =	sld [smem:$0x3FB5];
	_ =	sdelay $0x3  }
0x36: {  	p1 =	seq.s32 s10, $0x1;
	s10 =	sld [smem:$0x3FB6];
	_ =	sdelay $0x3  }
0x37: {  	[smem:$0x3FB6] =	sst s10  }
0x38: {  	s10 =	sld [smem:$0x3FB7]  }
0x39: {  	_ = 	snop;
	(pc) =	sbr.ind lr, $3  }
0x3a: {  	_ = 	snop  }
0x3b: {  	_ = 	snop  }
0x3c: {  	p2 =	seq.s32 s10, $0x1;
	s10 =	sld [smem:$0x3FB6]  }
0x3d: {  	_ =	shalt  }
0x3e: {  	_ =	shalt  }
0x3f: {  	_ =	shalt  }
0x40: {  	_ =	shalt  }
0x41: {  	_ =	shalt  }
0x42: {  	_ =	shalt  }
0x43: {  	_ =	shalt  }
0x44: {  	_ =	shalt  }
0x45: {  	_ =	shalt  }
0x46: {  	_ =	shalt  }
0x47: {  	_ =	shalt  }
0x48: {  	_ =	shalt  }
0x49: {  	_ =	shalt  }
0x4a: {  	_ =	shalt  }
0x4b: {  	_ =	shalt  }
0x4c: {  	_ =	shalt  }
0x4d: {  	_ =	shalt  }
0x4e: {  	_ =	shalt  }
0x4f: {  	_ =	shalt  }
0x50: {  	_ =	shalt  }
0x51: {  	_ =	shalt  }
0x52: {  	_ =	shalt  }
0x53: {  	_ =	shalt  }
0x54: {  	_ =	shalt  }
0x55: {  	_ =	shalt  }
0x56: {  	_ =	shalt  }
0x57: {  	_ =	shalt  }
0x58: {  	_ =	shalt  }
0x59: {  	_ =	shalt  }
0x5a: {  	_ =	shalt  }
0x5b: {  	_ =	shalt  }
0x5c: {  	_ =	shalt  }
0x5d: {  	_ =	shalt  }
0x5e: {  	_ =	shalt  }
0x5f: {  	_ =	shalt  }
0x60: {  	_ =	shalt  }
0x61: {  	_ =	shalt  }
0x62: {  	_ =	shalt  }
0x63: {  	_ =	shalt  }
0x64: {  	_ =	shalt  }
0x65: {  	_ =	shalt  }
0x66: {  	_ =	shalt  }
0x67: {  	_ =	shalt  }
0x68: {  	_ =	shalt  }
0x69: {  	_ =	shalt  }
0x6a: {  	_ =	shalt  }
0x6b: {  	_ =	shalt  }
0x6c: {  	_ =	shalt  }
0x6d: {  	_ =	shalt  }
0x6e: {  	_ =	shalt  }
0x6f: {  	_ =	shalt  }
0x70: {  	_ =	shalt  }
0x71: {  	_ =	shalt  }
0x72: {  	_ =	shalt  }
0x73: {  	_ =	shalt  }
0x74: {  	_ =	shalt  }
0x75: {  	_ =	shalt  }
0x76: {  	_ =	shalt  }
0x77: {  	_ =	shalt  }
0x78: {  	_ =	shalt  }
0x79: {  	_ =	shalt  }
0x7a: {  	_ =	shalt  }
0x7b: {  	_ =	shalt  }
0x7c: {  	_ =	shalt  }
0x7d: {  	_ =	shalt  }
0x7e: {  	_ =	shalt  }
0x7f: {  	_ =	shalt  }
0x80: {  	_ =	shalt  }
0x81: {  	_ =	shalt  }
0x82: {  	_ =	shalt  }
0x83: {  	_ =	shalt  }
0x84: {  	_ =	shalt  }
0x85: {  	_ =	shalt  }
0x86: {  	_ =	shalt  }
0x87: {  	_ =	shalt  }
.Lfunc_end0:
.L_simem_size_0:
called_computation.2_lowered:
.L_overlay_start_0:
0x88: {  	s2 =	sld [smem:$0x3FD9]  }
0x89: {  	s3 =	sld [smem:$0x3FFE];
	_ =	sdelay $0x1  }
0x8a: {  	s1 =	srdreg.scid  }
0x8b: {  	s0 =	sand.u32 $0x1, s1  }
0x8c: {  	s16 =	sshll.u32 s0, $0xA;
	s2 =	sadd.s32 s3, s2  }
0x8d: {  	s2 =	sadd.s32 s2, s16  }
0x8e: {  	[smem:$0x3FC2] =	sst s2  }
0x8f: {  	_ = 	snop  }
0x90: {  	(tm) =	ssettm $0x1  }
0x91: {  	s17 =	sld [smem:$0x3FFB];
	_ =	sdelay $0x3  }
0x92: {  	_ =	strace s17  }
0x93: {  	s2 =	sld [smem:$0x3FFC];
	_ =	sdelay $0x3  }
0x94: {  	_ =	strace s2  }
0x95: {  	s2 =	sld [smem:$0x3FFD];
	_ =	sdelay $0x3  }
0x96: {  	_ =	strace s2  }
0x97: {  	_ =	strace $0x8FFFFFFF  }
0x98: {  	s18 =	sld [smem:$0x3FDB];
	_ =	sdelay $0x1  }
0x99: {  	s19 =	simm.s32 $_scs_section_size  }
0x9a: {  	s4 =	simm.s32 $_size__tile_overlayer_lowered;
	s5 =	simm.s32 $_tile_overlayer_lowered  }
0x9b: {  	s22 =	simm.s32 $0x1BFF;
	s21 =	sshll.u32 s5, $0x1;
	s2 =	sadd.s32 s19, s18  }
0x9c: {  	s6 =	simm.s32 $0x0;
	s20 =	sshll.u32 s4, $0x1;
	s4 =	sadd.s32 s21, s2  }
0x9d: {  	[timem:s6], [sflag:s22] =	dma.local [hbm:s4], s20  }
0x9e: {  	_ =	swait.ge [sflag:s22], s20  }
0x9f: {  	s3 =	ssub.s32 $0x0, s20;
	[sflag:s22] =	ssyncset.done $0x0  }
0xa0: {  	[sflag:s22] =	ssyncadd.s32 s3;
	_ =	sdelay $0x1  }
0xa1: {  	s23 =	simm.s32 $0x1B8B  }
0xa2: {  	_ =	swait.ge [sflag:s23], $0x1  }
0xa3: {  	[sflag:s23] =	ssyncset.done $0x0  }
0xa4: {  	s25 =	simm.s32 $0x1B8E;
	s24 =	sld [smem:$0x3FFE];
	[sflag:s23] =	ssyncadd.s32 $0xFFFFFFFF  }
0xa5: {  	s26 =	simm.s32 $execute0_lowered;
	[smem:$0x3FD2] =	sst s25  }
0xa6: {  	s4 =	sshll.u32 s26, $0x1;
	_ =	strace $0x8000004C;
	[dreg:$0x1] =	wrdreg $0xFFFFFFFF  }
0xa7: {  	s28 =	simm.s32 $_size_execute0_lowered;
	s2 =	sadd.s32 s2, s4;
	[dreg:$0x0] =	wrdreg $0x0  }
0xa8: {  	s4 =	sshll.u32 s28, $0x1;
	[dreg:$0x2] =	wrdreg s2  }
0xa9: {  	[dreg:$0x3] =	wrdreg s4  }
0xaa: {  	[dreg:$0x4] =	wrdreg $0xC0  }
0xab: {  	_ =	task [dreg:s6], $0x5FFFF  }
0xac: {  	[dreg:$0x1] =	wrdreg $0xFFFFFFFF  }
0xad: {  	[dreg:$0x0] =	wrdreg $0x60  }
0xae: {  	[dreg:$0x2] =	wrdreg s24  }
0xaf: {  	[dreg:$0x3] =	wrdreg $0x0  }
0xb0: {  	[dreg:$0x4] =	wrdreg $0x9  }
0xb1: {  	_ =	task.clear_ibuf [dreg:s6], $0x5FFFF;
	_ =	strace $0x9000004C  }
0xb2: {  	s29 =	simm.s32 $0x9;
	_ =	strace $0x8000004E  }
0xb3: {  	_ =	swait.ge [sflag:s29], $0x1  }
0xb4: {  	[sflag:s29] =	ssyncadd.s32 $0xFFFFFFFF  }
0xb5: {  	_ =	strace $0x9000004E  }
0xb6: {  	_ =	sfence  }
0xb7: {  	s30 =	sld [smem:$0x0];
	_ =	sdelay $0x2  }
0xb8: {  	s31 =	sshll.u32 s1, $0xD;
	s1 =	sshrl.u32 s1, $0x2  }
0xb9: {  	s3 =	sand.u32 $0x4000, s31;
	s1 =	sadd.s32 s1, s30  }
0xba: {  	s0 =	sor.u32 s3, s0;
	s1 =	sshll.u32 s1, $0x11  }
0xbb: {  	s0 =	sor.u32 s1, s0  }
0xbc: {  	s0 =	sadd.s32 $0x8F2B, s0  }
0xbd: {  	[sflag:s0] =	ssyncadd.remote.s32 $0x1  }
0xbe: {  	_ =	sfence.sel $0xFFFF  }
0xbf: {  	[dreg:$0x0] =	wrdreg $0xFFFFFFFF;
	(pc) =	sbr.abs _section_cstart, $3  }
0xc0: {  	[dreg:$0x1] =	wrdreg $0xFFFFFFFF  }
0xc1: {  	_ =	task.clear_ibuf [dreg:s6], $0x2FFFF;
	_ =	strace $0x9FFFFFFF  }
0xc2: {  	(tm) =	ssettm $0x7FFFFFFF  }
0xc3: {  	_ =	shalt  }
tec
execute0_lowered:
.L_overlay_start_1:
0x0: {  	(tag) =	ssettag $0x1  }
0x1: {  	s0 =	rddreg [dreg:$0x0]  }
0x2: {  	s1 =	rddreg [dreg:$0x1];
	s3 =	simm.s32 $0x0  }
0x3: {  	s13 =	stileid.u32;
	s5 =	srdreg.scid;
	s14 =	simm.s32 $0x14C00  }
0x4: {  	s15 =	simm.s32 $0x70;
	s16 =	simm.s32 $0x15800;
	s18 =	simm.s32 $0x19000  }
0x5: {  	s29 =	simm.s32 $0x5;
	s17 =	simm.s32 $0x14780;
	s28 =	simm.s32 $0x14880  }
0x6: {  	s30 =	simm.s32 $0x15400;
	[smem:$0x7FF] =	sst s3;
	s2 =	smul.u32 $0xF00, s13  }
0x7: {  	s4 =	sadd.s32 $0x190200, s0;
	s6 =	sadd.s32 $0xB4200, s0;
	s7 =	smul.u32 $0x280, s13  }
0x8: {  	s5 =	sand.u32 $0x1, s5;
	s9 =	smul.u32 $0x50000, s13;
	s10 =	sadd.s32 $0x11A00, s0  }
0x9: {  	s12 =	smul.u32 $0x7800, s13;
	s13 =	sshll.u32 s13, $0x6;
	_ =	strace $0x8000004D  }
0xa: {  	s8 =	ssub.s32 $0x2, s5;
	[dreg:$0x5] =	wrdreg s10;
	s11 =	smul.u32 $0xF0000, s5  }
0xb: {  	s20 =	smul.u32 $0x5000, s5;
	s5 =	sshllo.u32 s5, $0x1;
	s31 =	sor.u32 $0x1C07, s13  }
0xc: {  	s13 =	simm.s32 $0x14000;
	s2 =	sadd.s32 s2, s0;
	s19 =	sshrl.u32 s8, $0x1  }
0xd: {  	s0 =	sadd.s32 $0x14200, s0;
	s9 =	sshrl.u32 s9, $0x2;
	s5 =	smul.u32 $0x2800, s5  }
0xe: {  	[dreg:$0x6] =	wrdreg s31;
	s8 =	ssub.s32 s8, s19;
	s10 =	sadd.s32 s7, s20  }
0xf: {  	s9 =	sadd.s32 s9, s1;
	s11 =	sadd.s32 s11, s12;
	s12 =	simm.s32 $0x7  }
0x10: {  	s19 =	simm.s32 $0x1;
	s20 =	simm.s32 $0x15300;
	s10 =	sshll.u32 s10, $0x4  }
0x11: {  	s5 =	sadd.s32 s7, s5;
	s21 =	sshrl.u32 s11, $0x3;
	s22 =	sadd.s32 $0x78000, s11  }
0x12: {  	s25 =	smax.u32 s8, $0x1;
	s7 =	sshrl.u32 s9, $0x3;
	s9 =	simm.s32 $0x14680  }
0x13: {  	s11 =	simm.s32 $0x15280;
	s8 =	simm.s32 $0x15480;
	s10 =	sadd.s32 s0, s10  }
0x14: {  	s5 =	sshll.u32 s5, $0x4;
	s23 =	sadd.s32 s21, s6;
	[dreg:$0x9] =	wrdreg s25  }
0x15: {  	s24 =	sshrl.u32 s22, $0x3;
	s21 =	simm.s32 $0x1C800;
	[dreg:$0xa] =	wrdreg s7  }
0x16: {  	s22 =	simm.s32 $0x2;
	s25 =	simm.s32 $0x15380;
	[dreg:$0x7] =	wrdreg s10  }
0x17: {  	s0 =	sadd.s32 s0, s5;
	[dreg:$0x3] =	wrdreg s23;
	s26 =	sadd.s32 s24, s6  }
0x18: {  	s10 =	sadd.s32 $0x2200, s2;
	s24 =	simm.s32 $0x4;
	s5 =	simm.s32 $0x0  }
0x19: {  	s6 =	simm.s32 $0x14700;
	s23 =	simm.s32 $0x14800;
	[dreg:$0x8] =	wrdreg s0  }
0x1a: {  	[dreg:$0x4] =	wrdreg s26;
	s26 =	simm.s32 $0x3;
	s0 =	simm.s32 $0x6  }
.LBB2_1:
0x1b: {  	[dreg:$0xb] =	wrdreg s5  }
0x1c: {  	s2 =	rddreg [dreg:$0x5]  }
0x1d: {  	[spmem:s7], [sflag:s31] =	dma.local [hbm:s2], $0x2800  }
0x1e: {  	_ =	swait.ge [sflag:s12], $0x2800  }
0x1f: {  	[sflag:s12] =	ssyncset.done $0x0  }
0x20: {  	[sflag:s12] =	ssyncadd.s32 $0xFFFFD800  }
0x21: {  	[bflag:$0x0] =	sbarrier.arrive $0xFFFF  }
0x22: {  	s31 =	rddreg [dreg:$0x3]  }
0x23: {  	s31 =	sadd.s32 $0x0, s31  }
0x24: {  	[tilespmem:s13], [sflag:$0x7] =	stream.linear.gather [hbm4b:s31+s3], $0x900, $0x38;
	v63 =	vld [tilespmem:$0x0]  }
0x25: {  	_ =	swait.ge [sflag:s12], $0x900  }
0x26: {  	[sflag:s12] =	ssyncset.done $0x0  }
0x27: {  	s31 =	sadd.s32 $0x0, s10;
	[sflag:s12] =	ssyncadd.s32 $0xFFFFF700  }
0x28: {  	[tilespmem:s14], [sflag:$0x7] =	stream.linear.gather [hbm4b:s31+s3], $0x900, $0x38;
	v63 =	vld [tilespmem:$0x0]  }
0x29: {  	_ =	swait.ge [sflag:s12], $0x900  }
0x2a: {  	[sflag:s12] =	ssyncset.done $0x0  }
0x2b: {  	[sflag:s12] =	ssyncadd.s32 $0xFFFFF700  }
0x2c: {  	[tilespmem:s16], [sflag:$0x1] =	stream.indirect.gather [hbm4b:s4+s15], $0x80, s13, s15, $0xb8;
	v63 =	vld [tilespmem:$0x0]  }
0x2d: {  	s7 =	simm.s32 $0x14080  }
0x2e: {  	[tilespmem:s18], [sflag:$0x2] =	stream.indirect.gather [hbm4b:s4+s15], $0x80, s7, s15, $0xb8;
	v63 =	vld [tilespmem:$0x0]  }
0x2f: {  	_ =	swait.ge [sflag:s19], $0x3800  }
0x30: {  	[sflag:s19] =	ssyncset.done $0x0  }
0x31: {  	[sflag:s19] =	ssyncadd.s32 $0xFFFFC800  }
0x32: {  	[spmem:s1] =	stream.indirect.scatter.add.f32 [tilespmem:s16], [sflag:$0x4], $0x80, s14, s15, $0xb8;
	v63 =	vld [tilespmem:$0x0]  }
0x33: {  	s5 =	simm.s32 $0x14100  }
0x34: {  	[tilespmem:s21], [sflag:$0x3] =	stream.indirect.gather [hbm4b:s4+s15], $0x80, s5, s15, $0xb8;
	v63 =	vld [tilespmem:$0x0]  }
0x35: {  	_ =	swait.ge [sflag:s22], $0x3800  }
0x36: {  	[sflag:s22] =	ssyncset.done $0x0  }
0x37: {  	s7 =	simm.s32 $0x14C80;
	[sflag:s22] =	ssyncadd.s32 $0xFFFFC800  }
0x38: {  	[spmem:s1] =	stream.indirect.scatter.add.f32 [tilespmem:s18], [sflag:$0x5], $0x80, s7, s15, $0xb8;
	v63 =	vld [tilespmem:$0x0]  }
0x39: {  	_ =	swait.ge [sflag:s24], $0x3800  }
0x3a: {  	[sflag:s24] =	ssyncset.done $0x0  }
0x3b: {  	s5 =	simm.s32 $0x14180;
	[sflag:s24] =	ssyncadd.s32 $0xFFFFC800  }
0x3c: {  	[tilespmem:s16], [sflag:$0x1] =	stream.indirect.gather [hbm4b:s4+s15], $0x80, s5, s15, $0xb8;
	v63 =	vld [tilespmem:$0x0]  }
0x3d: {  	_ =	swait.ge [sflag:s26], $0x3800  }
0x3e: {  	[sflag:s26] =	ssyncset.done $0x0  }
0x3f: {  	s7 =	simm.s32 $0x14D00;
	[sflag:s26] =	ssyncadd.s32 $0xFFFFC800  }
0x40: {  	[spmem:s1] =	stream.indirect.scatter.add.f32 [tilespmem:s21], [sflag:$0x6], $0x80, s7, s15, $0xb8;
	v63 =	vld [tilespmem:$0x0]  }
0x41: {  	_ =	swait.ge [sflag:s29], $0x3800  }
0x42: {  	[sflag:s29] =	ssyncset.done $0x0  }
0x43: {  	s5 =	simm.s32 $0x14200;
	[sflag:s29] =	ssyncadd.s32 $0xFFFFC800  }
0x44: {  	[tilespmem:s18], [sflag:$0x2] =	stream.indirect.gather [hbm4b:s4+s15], $0x80, s5, s15, $0xb8;
	v63 =	vld [tilespmem:$0x0]  }
0x45: {  	_ =	swait.ge [sflag:s19], $0x3800  }
0x46: {  	[sflag:s19] =	ssyncset.done $0x0  }
0x47: {  	s7 =	simm.s32 $0x14D80;
	[sflag:s19] =	ssyncadd.s32 $0xFFFFC800  }
0x48: {  	[spmem:s1] =	stream.indirect.scatter.add.f32 [tilespmem:s16], [sflag:$0x4], $0x80, s7, s15, $0xb8;
	v63 =	vld [tilespmem:$0x0]  }
0x49: {  	_ =	swait.ge [sflag:s0], $0x3800  }
0x4a: {  	[sflag:s0] =	ssyncset.done $0x0  }
0x4b: {  	s5 =	simm.s32 $0x14280;
	[sflag:s0] =	ssyncadd.s32 $0xFFFFC800  }
0x4c: {  	[tilespmem:s21], [sflag:$0x3] =	stream.indirect.gather [hbm4b:s4+s15], $0x80, s5, s15, $0xb8;
	v63 =	vld [tilespmem:$0x0]  }
0x4d: {  	_ =	swait.ge [sflag:s22], $0x3800  }
0x4e: {  	[sflag:s22] =	ssyncset.done $0x0  }
0x4f: {  	s7 =	simm.s32 $0x14E00;
	[sflag:s22] =	ssyncadd.s32 $0xFFFFC800  }
0x50: {  	[spmem:s1] =	stream.indirect.scatter.add.f32 [tilespmem:s18], [sflag:$0x5], $0x80, s7, s15, $0xb8;
	v63 =	vld [tilespmem:$0x0]  }
0x51: {  	_ =	swait.ge [sflag:s24], $0x3800  }
0x52: {  	[sflag:s24] =	ssyncset.done $0x0  }
0x53: {  	s5 =	simm.s32 $0x14300;
	[sflag:s24] =	ssyncadd.s32 $0xFFFFC800  }
0x54: {  	[tilespmem:s16], [sflag:$0x1] =	stream.indirect.gather [hbm4b:s4+s15], $0x80, s5, s15, $0xb8;
	v63 =	vld [tilespmem:$0x0]  }
0x55: {  	_ =	swait.ge [sflag:s26], $0x3800  }
0x56: {  	[sflag:s26] =	ssyncset.done $0x0  }
0x57: {  	s7 =	simm.s32 $0x14E80;
	[sflag:s26] =	ssyncadd.s32 $0xFFFFC800  }
0x58: {  	[spmem:s1] =	stream.indirect.scatter.add.f32 [tilespmem:s21], [sflag:$0x6], $0x80, s7, s15, $0xb8;
	v63 =	vld [tilespmem:$0x0]  }
0x59: {  	_ =	swait.ge [sflag:s29], $0x3800  }
0x5a: {  	[sflag:s29] =	ssyncset.done $0x0  }
0x5b: {  	s5 =	simm.s32 $0x14380;
	[sflag:s29] =	ssyncadd.s32 $0xFFFFC800  }
0x5c: {  	[tilespmem:s18], [sflag:$0x2] =	stream.indirect.gather [hbm4b:s4+s15], $0x80, s5, s15, $0xb8;
	v63 =	vld [tilespmem:$0x0]  }
0x5d: {  	_ =	swait.ge [sflag:s19], $0x3800  }
0x5e: {  	[sflag:s19] =	ssyncset.done $0x0  }
0x5f: {  	s7 =	simm.s32 $0x14F00;
	[sflag:s19] =	ssyncadd.s32 $0xFFFFC800  }
0x60: {  	[spmem:s1] =	stream.indirect.scatter.add.f32 [tilespmem:s16], [sflag:$0x4], $0x80, s7, s15, $0xb8;
	v63 =	vld [tilespmem:$0x0]  }
0x61: {  	_ =	swait.ge [sflag:s0], $0x3800  }
0x62: {  	[sflag:s0] =	ssyncset.done $0x0  }
0x63: {  	s5 =	simm.s32 $0x14400;
	[sflag:s0] =	ssyncadd.s32 $0xFFFFC800  }
0x64: {  	[tilespmem:s21], [sflag:$0x3] =	stream.indirect.gather [hbm4b:s4+s15], $0x80, s5, s15, $0xb8;
	v63 =	vld [tilespmem:$0x0]  }
0x65: {  	_ =	swait.ge [sflag:s22], $0x3800  }
0x66: {  	[sflag:s22] =	ssyncset.done $0x0  }
0x67: {  	s7 =	simm.s32 $0x14F80;
	[sflag:s22] =	ssyncadd.s32 $0xFFFFC800  }
0x68: {  	[spmem:s1] =	stream.indirect.scatter.add.f32 [tilespmem:s18], [sflag:$0x5], $0x80, s7, s15, $0xb8;
	v63 =	vld [tilespmem:$0x0]  }
0x69: {  	_ =	swait.ge [sflag:s24], $0x3800  }
0x6a: {  	[sflag:s24] =	ssyncset.done $0x0  }
0x6b: {  	s5 =	simm.s32 $0x14480;
	[sflag:s24] =	ssyncadd.s32 $0xFFFFC800  }
0x6c: {  	[tilespmem:s16], [sflag:$0x1] =	stream.indirect.gather [hbm4b:s4+s15], $0x80, s5, s15, $0xb8;
	v63 =	vld [tilespmem:$0x0]  }
0x6d: {  	_ =	swait.ge [sflag:s26], $0x3800  }
0x6e: {  	[sflag:s26] =	ssyncset.done $0x0  }
0x6f: {  	s7 =	simm.s32 $0x15000;
	[sflag:s26] =	ssyncadd.s32 $0xFFFFC800  }
0x70: {  	[spmem:s1] =	stream.indirect.scatter.add.f32 [tilespmem:s21], [sflag:$0x6], $0x80, s7, s15, $0xb8;
	v63 =	vld [tilespmem:$0x0]  }
0x71: {  	_ =	swait.ge [sflag:s29], $0x3800  }
0x72: {  	[sflag:s29] =	ssyncset.done $0x0  }
0x73: {  	s5 =	simm.s32 $0x14500;
	[sflag:s29] =	ssyncadd.s32 $0xFFFFC800  }
0x74: {  	[tilespmem:s18], [sflag:$0x2] =	stream.indirect.gather [hbm4b:s4+s15], $0x80, s5, s15, $0xb8;
	v63 =	vld [tilespmem:$0x0]  }
0x75: {  	_ =	swait.ge [sflag:s19], $0x3800  }
0x76: {  	[sflag:s19] =	ssyncset.done $0x0  }
0x77: {  	s7 =	simm.s32 $0x15080;
	[sflag:s19] =	ssyncadd.s32 $0xFFFFC800  }
0x78: {  	[spmem:s1] =	stream.indirect.scatter.add.f32 [tilespmem:s16], [sflag:$0x4], $0x80, s7, s15, $0xb8;
	v63 =	vld [tilespmem:$0x0]  }
0x79: {  	_ =	swait.ge [sflag:s0], $0x3800  }
0x7a: {  	[sflag:s0] =	ssyncset.done $0x0  }
0x7b: {  	s5 =	simm.s32 $0x14580;
	[sflag:s0] =	ssyncadd.s32 $0xFFFFC800  }
0x7c: {  	[tilespmem:s21], [sflag:$0x3] =	stream.indirect.gather [hbm4b:s4+s15], $0x80, s5, s15, $0xb8;
	v63 =	vld [tilespmem:$0x0]  }
0x7d: {  	_ =	swait.ge [sflag:s22], $0x3800  }
0x7e: {  	[sflag:s22] =	ssyncset.done $0x0  }
0x7f: {  	s7 =	simm.s32 $0x15100;
	[sflag:s22] =	ssyncadd.s32 $0xFFFFC800  }
0x80: {  	[spmem:s1] =	stream.indirect.scatter.add.f32 [tilespmem:s18], [sflag:$0x5], $0x80, s7, s15, $0xb8;
	v63 =	vld [tilespmem:$0x0]  }
0x81: {  	_ =	swait.ge [sflag:s24], $0x3800  }
0x82: {  	[sflag:s24] =	ssyncset.done $0x0  }
0x83: {  	s5 =	simm.s32 $0x14600;
	[sflag:s24] =	ssyncadd.s32 $0xFFFFC800  }
0x84: {  	[tilespmem:s16], [sflag:$0x1] =	stream.indirect.gather [hbm4b:s4+s15], $0x80, s5, s15, $0xb8;
	v63 =	vld [tilespmem:$0x0]  }
0x85: {  	_ =	swait.ge [sflag:s26], $0x3800  }
0x86: {  	[sflag:s26] =	ssyncset.done $0x0  }
0x87: {  	s7 =	simm.s32 $0x15180;
	[sflag:s26] =	ssyncadd.s32 $0xFFFFC800  }
0x88: {  	[spmem:s1] =	stream.indirect.scatter.add.f32 [tilespmem:s21], [sflag:$0x6], $0x80, s7, s15, $0xb8;
	v63 =	vld [tilespmem:$0x0]  }
0x89: {  	_ =	swait.ge [sflag:s29], $0x3800  }
0x8a: {  	[sflag:s29] =	ssyncset.done $0x0  }
0x8b: {  	[sflag:s29] =	ssyncadd.s32 $0xFFFFC800  }
0x8c: {  	[tilespmem:s18], [sflag:$0x2] =	stream.indirect.gather [hbm4b:s4+s15], $0x80, s9, s15, $0xb8;
	v63 =	vld [tilespmem:$0x0]  }
0x8d: {  	_ =	swait.ge [sflag:s19], $0x3800  }
0x8e: {  	[sflag:s19] =	ssyncset.done $0x0  }
0x8f: {  	s5 =	simm.s32 $0x15200;
	[sflag:s19] =	ssyncadd.s32 $0xFFFFC800  }
0x90: {  	[spmem:s1] =	stream.indirect.scatter.add.f32 [tilespmem:s16], [sflag:$0x4], $0x80, s5, s15, $0xb8;
	v63 =	vld [tilespmem:$0x0]  }
0x91: {  	_ =	swait.ge [sflag:s0], $0x3800  }
0x92: {  	[sflag:s0] =	ssyncset.done $0x0  }
0x93: {  	[sflag:s0] =	ssyncadd.s32 $0xFFFFC800  }
0x94: {  	[tilespmem:s21], [sflag:$0x3] =	stream.indirect.gather [hbm4b:s4+s15], $0x80, s6, s15, $0xb8;
	v63 =	vld [tilespmem:$0x0]  }
0x95: {  	_ =	swait.ge [sflag:s22], $0x3800  }
0x96: {  	[sflag:s22] =	ssyncset.done $0x0  }
0x97: {  	[sflag:s22] =	ssyncadd.s32 $0xFFFFC800  }
0x98: {  	[spmem:s1] =	stream.indirect.scatter.add.f32 [tilespmem:s18], [sflag:$0x5], $0x80, s11, s15, $0xb8;
	v63 =	vld [tilespmem:$0x0]  }
0x99: {  	_ =	swait.ge [sflag:s24], $0x3800  }
0x9a: {  	[sflag:s24] =	ssyncset.done $0x0  }
0x9b: {  	[sflag:s24] =	ssyncadd.s32 $0xFFFFC800  }
0x9c: {  	[tilespmem:s16], [sflag:$0x1] =	stream.indirect.gather [hbm4b:s4+s15], $0x80, s17, s15, $0xb8;
	v63 =	vld [tilespmem:$0x0]  }
0x9d: {  	_ =	swait.ge [sflag:s26], $0x3800  }
0x9e: {  	[sflag:s26] =	ssyncset.done $0x0  }
0x9f: {  	[sflag:s26] =	ssyncadd.s32 $0xFFFFC800  }
0xa0: {  	[spmem:s1] =	stream.indirect.scatter.add.f32 [tilespmem:s21], [sflag:$0x6], $0x80, s20, s15, $0xb8;
	v63 =	vld [tilespmem:$0x0]  }
0xa1: {  	_ =	swait.ge [sflag:s29], $0x3800  }
0xa2: {  	[sflag:s29] =	ssyncset.done $0x0  }
0xa3: {  	[sflag:s29] =	ssyncadd.s32 $0xFFFFC800  }
0xa4: {  	[tilespmem:s18], [sflag:$0x2] =	stream.indirect.gather [hbm4b:s4+s15], $0x80, s23, s15, $0xb8;
	v63 =	vld [tilespmem:$0x0]  }
0xa5: {  	_ =	swait.ge [sflag:s19], $0x3800  }
0xa6: {  	[sflag:s19] =	ssyncset.done $0x0  }
0xa7: {  	[sflag:s19] =	ssyncadd.s32 $0xFFFFC800  }
0xa8: {  	[spmem:s1] =	stream.indirect.scatter.add.f32 [tilespmem:s16], [sflag:$0x4], $0x80, s25, s15, $0xb8;
	v63 =	vld [tilespmem:$0x0]  }
0xa9: {  	_ =	swait.ge [sflag:s0], $0x3800  }
0xaa: {  	[sflag:s0] =	ssyncset.done $0x0  }
0xab: {  	[sflag:s0] =	ssyncadd.s32 $0xFFFFC800  }
0xac: {  	[tilespmem:s21], [sflag:$0x3] =	stream.indirect.gather [hbm4b:s4+s15], $0x80, s28, s15, $0xb8;
	v63 =	vld [tilespmem:$0x0]  }
0xad: {  	_ =	swait.ge [sflag:s22], $0x3800  }
0xae: {  	[sflag:s22] =	ssyncset.done $0x0  }
0xaf: {  	[sflag:s22] =	ssyncadd.s32 $0xFFFFC800  }
0xb0: {  	[spmem:s1] =	stream.indirect.scatter.add.f32 [tilespmem:s18], [sflag:$0x5], $0x80, s30, s15, $0xb8;
	v63 =	vld [tilespmem:$0x0]  }
0xb1: {  	_ =	swait.ge [sflag:s24], $0x3800  }
0xb2: {  	[sflag:s24] =	ssyncset.done $0x0  }
0xb3: {  	[sflag:s24] =	ssyncadd.s32 $0xFFFFC800  }
0xb4: {  	_ =	swait.ge [sflag:s26], $0x3800  }
0xb5: {  	[sflag:s26] =	ssyncset.done $0x0  }
0xb6: {  	[sflag:s26] =	ssyncadd.s32 $0xFFFFC800  }
0xb7: {  	[spmem:s1] =	stream.indirect.scatter.add.f32 [tilespmem:s21], [sflag:$0x6], $0x80, s8, s15, $0xb8;
	v63 =	vld [tilespmem:$0x0]  }
0xb8: {  	_ =	swait.ge [sflag:s29], $0x3800  }
0xb9: {  	[sflag:s29] =	ssyncset.done $0x0  }
0xba: {  	[sflag:s29] =	ssyncadd.s32 $0xFFFFC800  }
0xbb: {  	_ =	swait.ge [sflag:s0], $0x3800  }
0xbc: {  	s31 =	simm.s32 $0x180;
	[sflag:s0] =	ssyncset.done $0x0  }
.LBB2_2:
0xbd: {  	s2 =	rddreg [dreg:$0x3];
	s7 =	smov.u32 s31  }
0xbe: {  	[sflag:s0] =	ssyncadd.s32 $0xFFFFC800;
	s2 =	sadd.s32 s7, s2  }
0xbf: {  	[tilespmem:s13], [sflag:$0x7] =	stream.linear.gather [hbm4b:s2+s3], $0x900, $0x38;
	v63 =	vld [tilespmem:$0x0]  }
0xc0: {  	_ =	swait.ge [sflag:s12], $0x900  }
0xc1: {  	[sflag:s12] =	ssyncset.done $0x0  }
0xc2: {  	s7 =	sadd.s32 s7, s10;
	[sflag:s12] =	ssyncadd.s32 $0xFFFFF700  }
0xc3: {  	[tilespmem:s14], [sflag:$0x7] =	stream.linear.gather [hbm4b:s7+s3], $0x900, $0x38;
	v63 =	vld [tilespmem:$0x0]  }
0xc4: {  	_ =	swait.ge [sflag:s12], $0x900  }
0xc5: {  	[sflag:s12] =	ssyncset.done $0x0  }
0xc6: {  	[sflag:s12] =	ssyncadd.s32 $0xFFFFF700  }
0xc7: {  	[tilespmem:s16], [sflag:$0x1] =	stream.indirect.gather [hbm4b:s4+s15], $0x80, s13, s15, $0xb8;
	v63 =	vld [tilespmem:$0x0]  }
0xc8: {  	s7 =	simm.s32 $0x14080  }
0xc9: {  	[tilespmem:s18], [sflag:$0x2] =	stream.indirect.gather [hbm4b:s4+s15], $0x80, s7, s15, $0xb8;
	v63 =	vld [tilespmem:$0x0]  }
0xca: {  	_ =	swait.ge [sflag:s19], $0x3800  }
0xcb: {  	[sflag:s19] =	ssyncset.done $0x0  }
0xcc: {  	[sflag:s19] =	ssyncadd.s32 $0xFFFFC800  }
0xcd: {  	[spmem:s1] =	stream.indirect.scatter.add.f32 [tilespmem:s16], [sflag:$0x4], $0x80, s14, s15, $0xb8;
	v63 =	vld [tilespmem:$0x0]  }
0xce: {  	s7 =	simm.s32 $0x14100  }
0xcf: {  	[tilespmem:s21], [sflag:$0x3] =	stream.indirect.gather [hbm4b:s4+s15], $0x80, s7, s15, $0xb8;
	v63 =	vld [tilespmem:$0x0]  }
0xd0: {  	_ =	swait.ge [sflag:s22], $0x3800  }
0xd1: {  	[sflag:s22] =	ssyncset.done $0x0  }
0xd2: {  	s7 =	simm.s32 $0x14C80;
	[sflag:s22] =	ssyncadd.s32 $0xFFFFC800  }
0xd3: {  	[spmem:s1] =	stream.indirect.scatter.add.f32 [tilespmem:s18], [sflag:$0x5], $0x80, s7, s15, $0xb8;
	v63 =	vld [tilespmem:$0x0]  }
0xd4: {  	_ =	swait.ge [sflag:s24], $0x3800  }
0xd5: {  	[sflag:s24] =	ssyncset.done $0x0  }
0xd6: {  	s7 =	simm.s32 $0x14180;
	[sflag:s24] =	ssyncadd.s32 $0xFFFFC800  }
0xd7: {  	[tilespmem:s16], [sflag:$0x1] =	stream.indirect.gather [hbm4b:s4+s15], $0x80, s7, s15, $0xb8;
	v63 =	vld [tilespmem:$0x0]  }
0xd8: {  	_ =	swait.ge [sflag:s26], $0x3800  }
0xd9: {  	[sflag:s26] =	ssyncset.done $0x0  }
0xda: {  	s7 =	simm.s32 $0x14D00;
	[sflag:s26] =	ssyncadd.s32 $0xFFFFC800  }
0xdb: {  	[spmem:s1] =	stream.indirect.scatter.add.f32 [tilespmem:s21], [sflag:$0x6], $0x80, s7, s15, $0xb8;
	v63 =	vld [tilespmem:$0x0]  }
0xdc: {  	_ =	swait.ge [sflag:s29], $0x3800  }
0xdd: {  	[sflag:s29] =	ssyncset.done $0x0  }
0xde: {  	s7 =	simm.s32 $0x14200;
	[sflag:s29] =	ssyncadd.s32 $0xFFFFC800  }
0xdf: {  	[tilespmem:s18], [sflag:$0x2] =	stream.indirect.gather [hbm4b:s4+s15], $0x80, s7, s15, $0xb8;
	v63 =	vld [tilespmem:$0x0]  }
0xe0: {  	_ =	swait.ge [sflag:s19], $0x3800  }
0xe1: {  	[sflag:s19] =	ssyncset.done $0x0  }
0xe2: {  	s7 =	simm.s32 $0x14D80;
	[sflag:s19] =	ssyncadd.s32 $0xFFFFC800  }
0xe3: {  	[spmem:s1] =	stream.indirect.scatter.add.f32 [tilespmem:s16], [sflag:$0x4], $0x80, s7, s15, $0xb8;
	v63 =	vld [tilespmem:$0x0]  }
0xe4: {  	_ =	swait.ge [sflag:s0], $0x3800  }
0xe5: {  	[sflag:s0] =	ssyncset.done $0x0  }
0xe6: {  	s7 =	simm.s32 $0x14280;
	[sflag:s0] =	ssyncadd.s32 $0xFFFFC800  }
0xe7: {  	[tilespmem:s21], [sflag:$0x3] =	stream.indirect.gather [hbm4b:s4+s15], $0x80, s7, s15, $0xb8;
	v63 =	vld [tilespmem:$0x0]  }
0xe8: {  	_ =	swait.ge [sflag:s22], $0x3800  }
0xe9: {  	[sflag:s22] =	ssyncset.done $0x0  }
0xea: {  	s7 =	simm.s32 $0x14E00;
	[sflag:s22] =	ssyncadd.s32 $0xFFFFC800  }
0xeb: {  	[spmem:s1] =	stream.indirect.scatter.add.f32 [tilespmem:s18], [sflag:$0x5], $0x80, s7, s15, $0xb8;
	v63 =	vld [tilespmem:$0x0]  }
0xec: {  	_ =	swait.ge [sflag:s24], $0x3800  }
0xed: {  	[sflag:s24] =	ssyncset.done $0x0  }
0xee: {  	s7 =	simm.s32 $0x14300;
	[sflag:s24] =	ssyncadd.s32 $0xFFFFC800  }
0xef: {  	[tilespmem:s16], [sflag:$0x1] =	stream.indirect.gather [hbm4b:s4+s15], $0x80, s7, s15, $0xb8;
	v63 =	vld [tilespmem:$0x0]  }
0xf0: {  	_ =	swait.ge [sflag:s26], $0x3800  }
0xf1: {  	[sflag:s26] =	ssyncset.done $0x0  }
0xf2: {  	s7 =	simm.s32 $0x14E80;
	[sflag:s26] =	ssyncadd.s32 $0xFFFFC800  }
0xf3: {  	[spmem:s1] =	stream.indirect.scatter.add.f32 [tilespmem:s21], [sflag:$0x6], $0x80, s7, s15, $0xb8;
	v63 =	vld [tilespmem:$0x0]  }
0xf4: {  	_ =	swait.ge [sflag:s29], $0x3800  }
0xf5: {  	[sflag:s29] =	ssyncset.done $0x0  }
0xf6: {  	s7 =	simm.s32 $0x14380;
	[sflag:s29] =	ssyncadd.s32 $0xFFFFC800  }
0xf7: {  	[tilespmem:s18], [sflag:$0x2] =	stream.indirect.gather [hbm4b:s4+s15], $0x80, s7, s15, $0xb8;
	v63 =	vld [tilespmem:$0x0]  }
0xf8: {  	_ =	swait.ge [sflag:s19], $0x3800  }
0xf9: {  	[sflag:s19] =	ssyncset.done $0x0  }
0xfa: {  	s7 =	simm.s32 $0x14F00;
	[sflag:s19] =	ssyncadd.s32 $0xFFFFC800  }
0xfb: {  	[spmem:s1] =	stream.indirect.scatter.add.f32 [tilespmem:s16], [sflag:$0x4], $0x80, s7, s15, $0xb8;
	v63 =	vld [tilespmem:$0x0]  }
0xfc: {  	_ =	swait.ge [sflag:s0], $0x3800  }
0xfd: {  	[sflag:s0] =	ssyncset.done $0x0  }
0xfe: {  	s7 =	simm.s32 $0x14400;
	[sflag:s0] =	ssyncadd.s32 $0xFFFFC800  }
0xff: {  	[tilespmem:s21], [sflag:$0x3] =	stream.indirect.gather [hbm4b:s4+s15], $0x80, s7, s15, $0xb8;
	v63 =	vld [tilespmem:$0x0]  }
0x100: {  	_ =	swait.ge [sflag:s22], $0x3800  }
0x101: {  	[sflag:s22] =	ssyncset.done $0x0  }
0x102: {  	s7 =	simm.s32 $0x14F80;
	[sflag:s22] =	ssyncadd.s32 $0xFFFFC800  }
0x103: {  	[spmem:s1] =	stream.indirect.scatter.add.f32 [tilespmem:s18], [sflag:$0x5], $0x80, s7, s15, $0xb8;
	v63 =	vld [tilespmem:$0x0]  }
0x104: {  	_ =	swait.ge [sflag:s24], $0x3800  }
0x105: {  	[sflag:s24] =	ssyncset.done $0x0  }
0x106: {  	s7 =	simm.s32 $0x14480;
	[sflag:s24] =	ssyncadd.s32 $0xFFFFC800  }
0x107: {  	[tilespmem:s16], [sflag:$0x1] =	stream.indirect.gather [hbm4b:s4+s15], $0x80, s7, s15, $0xb8;
	v63 =	vld [tilespmem:$0x0]  }
0x108: {  	_ =	swait.ge [sflag:s26], $0x3800  }
0x109: {  	[sflag:s26] =	ssyncset.done $0x0  }
0x10a: {  	s7 =	simm.s32 $0x15000;
	[sflag:s26] =	ssyncadd.s32 $0xFFFFC800  }
0x10b: {  	[spmem:s1] =	stream.indirect.scatter.add.f32 [tilespmem:s21], [sflag:$0x6], $0x80, s7, s15, $0xb8;
	v63 =	vld [tilespmem:$0x0]  }
0x10c: {  	_ =	swait.ge [sflag:s29], $0x3800  }
0x10d: {  	[sflag:s29] =	ssyncset.done $0x0  }
0x10e: {  	s7 =	simm.s32 $0x14500;
	[sflag:s29] =	ssyncadd.s32 $0xFFFFC800  }
0x10f: {  	[tilespmem:s18], [sflag:$0x2] =	stream.indirect.gather [hbm4b:s4+s15], $0x80, s7, s15, $0xb8;
	v63 =	vld [tilespmem:$0x0]  }
0x110: {  	_ =	swait.ge [sflag:s19], $0x3800  }
0x111: {  	[sflag:s19] =	ssyncset.done $0x0  }
0x112: {  	s7 =	simm.s32 $0x15080;
	[sflag:s19] =	ssyncadd.s32 $0xFFFFC800  }
0x113: {  	[spmem:s1] =	stream.indirect.scatter.add.f32 [tilespmem:s16], [sflag:$0x4], $0x80, s7, s15, $0xb8;
	v63 =	vld [tilespmem:$0x0]  }
0x114: {  	_ =	swait.ge [sflag:s0], $0x3800  }
0x115: {  	[sflag:s0] =	ssyncset.done $0x0  }
0x116: {  	s7 =	simm.s32 $0x14580;
	[sflag:s0] =	ssyncadd.s32 $0xFFFFC800  }
0x117: {  	[tilespmem:s21], [sflag:$0x3] =	stream.indirect.gather [hbm4b:s4+s15], $0x80, s7, s15, $0xb8;
	v63 =	vld [tilespmem:$0x0]  }
0x118: {  	_ =	swait.ge [sflag:s22], $0x3800  }
0x119: {  	[sflag:s22] =	ssyncset.done $0x0  }
0x11a: {  	s7 =	simm.s32 $0x15100;
	[sflag:s22] =	ssyncadd.s32 $0xFFFFC800  }
0x11b: {  	[spmem:s1] =	stream.indirect.scatter.add.f32 [tilespmem:s18], [sflag:$0x5], $0x80, s7, s15, $0xb8;
	v63 =	vld [tilespmem:$0x0]  }
0x11c: {  	_ =	swait.ge [sflag:s24], $0x3800  }
0x11d: {  	[sflag:s24] =	ssyncset.done $0x0  }
0x11e: {  	s7 =	simm.s32 $0x14600;
	[sflag:s24] =	ssyncadd.s32 $0xFFFFC800  }
0x11f: {  	[tilespmem:s16], [sflag:$0x1] =	stream.indirect.gather [hbm4b:s4+s15], $0x80, s7, s15, $0xb8;
	v63 =	vld [tilespmem:$0x0]  }
0x120: {  	_ =	swait.ge [sflag:s26], $0x3800  }
0x121: {  	[sflag:s26] =	ssyncset.done $0x0  }
0x122: {  	s7 =	simm.s32 $0x15180;
	[sflag:s26] =	ssyncadd.s32 $0xFFFFC800  }
0x123: {  	[spmem:s1] =	stream.indirect.scatter.add.f32 [tilespmem:s21], [sflag:$0x6], $0x80, s7, s15, $0xb8;
	v63 =	vld [tilespmem:$0x0]  }
0x124: {  	_ =	swait.ge [sflag:s29], $0x3800  }
0x125: {  	[sflag:s29] =	ssyncset.done $0x0  }
0x126: {  	[sflag:s29] =	ssyncadd.s32 $0xFFFFC800  }
0x127: {  	[tilespmem:s18], [sflag:$0x2] =	stream.indirect.gather [hbm4b:s4+s15], $0x80, s9, s15, $0xb8;
	v63 =	vld [tilespmem:$0x0]  }
0x128: {  	_ =	swait.ge [sflag:s19], $0x3800  }
0x129: {  	[sflag:s19] =	ssyncset.done $0x0  }
0x12a: {  	[sflag:s19] =	ssyncadd.s32 $0xFFFFC800  }
0x12b: {  	[spmem:s1] =	stream.indirect.scatter.add.f32 [tilespmem:s16], [sflag:$0x4], $0x80, s5, s15, $0xb8;
	v63 =	vld [tilespmem:$0x0]  }
0x12c: {  	_ =	swait.ge [sflag:s0], $0x3800  }
0x12d: {  	[sflag:s0] =	ssyncset.done $0x0  }
0x12e: {  	[sflag:s0] =	ssyncadd.s32 $0xFFFFC800  }
0x12f: {  	[tilespmem:s21], [sflag:$0x3] =	stream.indirect.gather [hbm4b:s4+s15], $0x80, s6, s15, $0xb8;
	v63 =	vld [tilespmem:$0x0]  }
0x130: {  	_ =	swait.ge [sflag:s22], $0x3800  }
0x131: {  	[sflag:s22] =	ssyncset.done $0x0  }
0x132: {  	[sflag:s22] =	ssyncadd.s32 $0xFFFFC800  }
0x133: {  	[spmem:s1] =	stream.indirect.scatter.add.f32 [tilespmem:s18], [sflag:$0x5], $0x80, s11, s15, $0xb8;
	v63 =	vld [tilespmem:$0x0]  }
0x134: {  	_ =	swait.ge [sflag:s24], $0x3800  }
0x135: {  	[sflag:s24] =	ssyncset.done $0x0  }
0x136: {  	[sflag:s24] =	ssyncadd.s32 $0xFFFFC800  }
0x137: {  	[tilespmem:s16], [sflag:$0x1] =	stream.indirect.gather [hbm4b:s4+s15], $0x80, s17, s15, $0xb8;
	v63 =	vld [tilespmem:$0x0]  }
0x138: {  	_ =	swait.ge [sflag:s26], $0x3800  }
0x139: {  	[sflag:s26] =	ssyncset.done $0x0  }
0x13a: {  	[sflag:s26] =	ssyncadd.s32 $0xFFFFC800  }
0x13b: {  	[spmem:s1] =	stream.indirect.scatter.add.f32 [tilespmem:s21], [sflag:$0x6], $0x80, s20, s15, $0xb8;
	v63 =	vld [tilespmem:$0x0]  }
0x13c: {  	_ =	swait.ge [sflag:s29], $0x3800  }
0x13d: {  	[sflag:s29] =	ssyncset.done $0x0  }
0x13e: {  	[sflag:s29] =	ssyncadd.s32 $0xFFFFC800  }
0x13f: {  	[tilespmem:s18], [sflag:$0x2] =	stream.indirect.gather [hbm4b:s4+s15], $0x80, s23, s15, $0xb8;
	v63 =	vld [tilespmem:$0x0]  }
0x140: {  	_ =	swait.ge [sflag:s19], $0x3800  }
0x141: {  	[sflag:s19] =	ssyncset.done $0x0  }
0x142: {  	[sflag:s19] =	ssyncadd.s32 $0xFFFFC800  }
0x143: {  	[spmem:s1] =	stream.indirect.scatter.add.f32 [tilespmem:s16], [sflag:$0x4], $0x80, s25, s15, $0xb8;
	v63 =	vld [tilespmem:$0x0]  }
0x144: {  	_ =	swait.ge [sflag:s0], $0x3800  }
0x145: {  	[sflag:s0] =	ssyncset.done $0x0  }
0x146: {  	[sflag:s0] =	ssyncadd.s32 $0xFFFFC800  }
0x147: {  	[tilespmem:s21], [sflag:$0x3] =	stream.indirect.gather [hbm4b:s4+s15], $0x80, s28, s15, $0xb8;
	v63 =	vld [tilespmem:$0x0]  }
0x148: {  	_ =	swait.ge [sflag:s22], $0x3800  }
0x149: {  	[sflag:s22] =	ssyncset.done $0x0  }
0x14a: {  	[sflag:s22] =	ssyncadd.s32 $0xFFFFC800  }
0x14b: {  	[spmem:s1] =	stream.indirect.scatter.add.f32 [tilespmem:s18], [sflag:$0x5], $0x80, s30, s15, $0xb8;
	v63 =	vld [tilespmem:$0x0]  }
0x14c: {  	_ =	swait.ge [sflag:s24], $0x3800  }
0x14d: {  	[sflag:s24] =	ssyncset.done $0x0  }
0x14e: {  	[sflag:s24] =	ssyncadd.s32 $0xFFFFC800  }
0x14f: {  	_ =	swait.ge [sflag:s26], $0x3800  }
0x150: {  	[sflag:s26] =	ssyncset.done $0x0  }
0x151: {  	p0 =	sne.s32 s31, $0xD80;
	[sflag:s26] =	ssyncadd.s32 $0xFFFFC800  }
0x152: {  	[spmem:s1] =	stream.indirect.scatter.add.f32 [tilespmem:s21], [sflag:$0x6], $0x80, s8, s15, $0xb8;
	v63 =	vld [tilespmem:$0x0]  }
.Ltmp0:
0x153: {  	_ =	swait.ge [sflag:s29], $0x3800;
	(pc) =	sbr.rel @p0 .LBB2_2-.Ltmp0, $4  }
0x154: {  	[sflag:s29] =	ssyncset.done $0x0  }
0x155: {  	[sflag:s29] =	ssyncadd.s32 $0xFFFFC800  }
0x156: {  	_ =	swait.ge [sflag:s0], $0x3800  }
0x157: {  	s31 =	sadd.s32 $0x180, s31;
	[sflag:s0] =	ssyncset.done $0x0  }
0x158: {  	[sflag:s0] =	ssyncadd.s32 $0xFFFFC800  }
0x159: {  	[bflag:$0x0] =	sbarrier.arrive $0xFFFF  }
0x15a: {  	s7 =	rddreg [dreg:$0x6]  }
0x15b: {  	s2 =	rddreg [dreg:$0x7]  }
0x15c: {  	s31 =	rddreg [dreg:$0xa]  }
0x15d: {  	[hbm:s2], [sflag:s7] =	dma.local [spmem:s31], $0x2800  }
0x15e: {  	_ =	swait.ge [sflag:s12], $0x2800  }
0x15f: {  	[sflag:s12] =	ssyncset.done $0x0  }
0x160: {  	s2 =	rddreg [dreg:$0x5];
	[sflag:s12] =	ssyncadd.s32 $0xFFFFD800  }
0x161: {  	[spmem:s31], [sflag:s7] =	dma.local [hbm:s2], $0x2800  }
0x162: {  	_ =	swait.ge [sflag:s12], $0x2800  }
0x163: {  	[sflag:s12] =	ssyncset.done $0x0  }
0x164: {  	[sflag:s12] =	ssyncadd.s32 $0xFFFFD800  }
0x165: {  	[bflag:$0x0] =	sbarrier.arrive $0xFFFF  }
0x166: {  	s7 =	rddreg [dreg:$0x4]  }
0x167: {  	s2 =	sadd.s32 $0x0, s7  }
0x168: {  	[tilespmem:s13], [sflag:$0x7] =	stream.linear.gather [hbm4b:s2+s3], $0x900, $0x38;
	v63 =	vld [tilespmem:$0x0]  }
0x169: {  	_ =	swait.ge [sflag:s12], $0x900  }
0x16a: {  	[sflag:s12] =	ssyncset.done $0x0  }
0x16b: {  	s7 =	sadd.s32 $0x0, s10;
	[sflag:s12] =	ssyncadd.s32 $0xFFFFF700  }
0x16c: {  	[tilespmem:s14], [sflag:$0x7] =	stream.linear.gather [hbm4b:s7+s3], $0x900, $0x38;
	v63 =	vld [tilespmem:$0x0]  }
0x16d: {  	_ =	swait.ge [sflag:s12], $0x900  }
0x16e: {  	[sflag:s12] =	ssyncset.done $0x0  }
0x16f: {  	[sflag:s12] =	ssyncadd.s32 $0xFFFFF700  }
0x170: {  	[tilespmem:s16], [sflag:$0x1] =	stream.indirect.gather [hbm4b:s4+s15], $0x80, s13, s15, $0xb8;
	v63 =	vld [tilespmem:$0x0]  }
0x171: {  	s7 =	simm.s32 $0x14080  }
0x172: {  	[tilespmem:s18], [sflag:$0x2] =	stream.indirect.gather [hbm4b:s4+s15], $0x80, s7, s15, $0xb8;
	v63 =	vld [tilespmem:$0x0]  }
0x173: {  	_ =	swait.ge [sflag:s19], $0x3800  }
0x174: {  	[sflag:s19] =	ssyncset.done $0x0  }
0x175: {  	[sflag:s19] =	ssyncadd.s32 $0xFFFFC800  }
0x176: {  	[spmem:s1] =	stream.indirect.scatter.add.f32 [tilespmem:s16], [sflag:$0x4], $0x80, s14, s15, $0xb8;
	v63 =	vld [tilespmem:$0x0]  }
0x177: {  	s7 =	simm.s32 $0x14100  }
0x178: {  	[tilespmem:s21], [sflag:$0x3] =	stream.indirect.gather [hbm4b:s4+s15], $0x80, s7, s15, $0xb8;
	v63 =	vld [tilespmem:$0x0]  }
0x179: {  	_ =	swait.ge [sflag:s22], $0x3800  }
0x17a: {  	[sflag:s22] =	ssyncset.done $0x0  }
0x17b: {  	s7 =	simm.s32 $0x14C80;
	[sflag:s22] =	ssyncadd.s32 $0xFFFFC800  }
0x17c: {  	[spmem:s1] =	stream.indirect.scatter.add.f32 [tilespmem:s18], [sflag:$0x5], $0x80, s7, s15, $0xb8;
	v63 =	vld [tilespmem:$0x0]  }
0x17d: {  	_ =	swait.ge [sflag:s24], $0x3800  }
0x17e: {  	[sflag:s24] =	ssyncset.done $0x0  }
0x17f: {  	s7 =	simm.s32 $0x14180;
	[sflag:s24] =	ssyncadd.s32 $0xFFFFC800  }
0x180: {  	[tilespmem:s16], [sflag:$0x1] =	stream.indirect.gather [hbm4b:s4+s15], $0x80, s7, s15, $0xb8;
	v63 =	vld [tilespmem:$0x0]  }
0x181: {  	_ =	swait.ge [sflag:s26], $0x3800  }
0x182: {  	[sflag:s26] =	ssyncset.done $0x0  }
0x183: {  	s7 =	simm.s32 $0x14D00;
	[sflag:s26] =	ssyncadd.s32 $0xFFFFC800  }
0x184: {  	[spmem:s1] =	stream.indirect.scatter.add.f32 [tilespmem:s21], [sflag:$0x6], $0x80, s7, s15, $0xb8;
	v63 =	vld [tilespmem:$0x0]  }
0x185: {  	_ =	swait.ge [sflag:s29], $0x3800  }
0x186: {  	[sflag:s29] =	ssyncset.done $0x0  }
0x187: {  	s7 =	simm.s32 $0x14200;
	[sflag:s29] =	ssyncadd.s32 $0xFFFFC800  }
0x188: {  	[tilespmem:s18], [sflag:$0x2] =	stream.indirect.gather [hbm4b:s4+s15], $0x80, s7, s15, $0xb8;
	v63 =	vld [tilespmem:$0x0]  }
0x189: {  	_ =	swait.ge [sflag:s19], $0x3800  }
0x18a: {  	[sflag:s19] =	ssyncset.done $0x0  }
0x18b: {  	s7 =	simm.s32 $0x14D80;
	[sflag:s19] =	ssyncadd.s32 $0xFFFFC800  }
0x18c: {  	[spmem:s1] =	stream.indirect.scatter.add.f32 [tilespmem:s16], [sflag:$0x4], $0x80, s7, s15, $0xb8;
	v63 =	vld [tilespmem:$0x0]  }
0x18d: {  	_ =	swait.ge [sflag:s0], $0x3800  }
0x18e: {  	[sflag:s0] =	ssyncset.done $0x0  }
0x18f: {  	s7 =	simm.s32 $0x14280;
	[sflag:s0] =	ssyncadd.s32 $0xFFFFC800  }
0x190: {  	[tilespmem:s21], [sflag:$0x3] =	stream.indirect.gather [hbm4b:s4+s15], $0x80, s7, s15, $0xb8;
	v63 =	vld [tilespmem:$0x0]  }
0x191: {  	_ =	swait.ge [sflag:s22], $0x3800  }
0x192: {  	[sflag:s22] =	ssyncset.done $0x0  }
0x193: {  	s7 =	simm.s32 $0x14E00;
	[sflag:s22] =	ssyncadd.s32 $0xFFFFC800  }
0x194: {  	[spmem:s1] =	stream.indirect.scatter.add.f32 [tilespmem:s18], [sflag:$0x5], $0x80, s7, s15, $0xb8;
	v63 =	vld [tilespmem:$0x0]  }
0x195: {  	_ =	swait.ge [sflag:s24], $0x3800  }
0x196: {  	[sflag:s24] =	ssyncset.done $0x0  }
0x197: {  	s7 =	simm.s32 $0x14300;
	[sflag:s24] =	ssyncadd.s32 $0xFFFFC800  }
0x198: {  	[tilespmem:s16], [sflag:$0x1] =	stream.indirect.gather [hbm4b:s4+s15], $0x80, s7, s15, $0xb8;
	v63 =	vld [tilespmem:$0x0]  }
0x199: {  	_ =	swait.ge [sflag:s26], $0x3800  }
0x19a: {  	[sflag:s26] =	ssyncset.done $0x0  }
0x19b: {  	s7 =	simm.s32 $0x14E80;
	[sflag:s26] =	ssyncadd.s32 $0xFFFFC800  }
0x19c: {  	[spmem:s1] =	stream.indirect.scatter.add.f32 [tilespmem:s21], [sflag:$0x6], $0x80, s7, s15, $0xb8;
	v63 =	vld [tilespmem:$0x0]  }
0x19d: {  	_ =	swait.ge [sflag:s29], $0x3800  }
0x19e: {  	[sflag:s29] =	ssyncset.done $0x0  }
0x19f: {  	s7 =	simm.s32 $0x14380;
	[sflag:s29] =	ssyncadd.s32 $0xFFFFC800  }
0x1a0: {  	[tilespmem:s18], [sflag:$0x2] =	stream.indirect.gather [hbm4b:s4+s15], $0x80, s7, s15, $0xb8;
	v63 =	vld [tilespmem:$0x0]  }
0x1a1: {  	_ =	swait.ge [sflag:s19], $0x3800  }
0x1a2: {  	[sflag:s19] =	ssyncset.done $0x0  }
0x1a3: {  	s7 =	simm.s32 $0x14F00;
	[sflag:s19] =	ssyncadd.s32 $0xFFFFC800  }
0x1a4: {  	[spmem:s1] =	stream.indirect.scatter.add.f32 [tilespmem:s16], [sflag:$0x4], $0x80, s7, s15, $0xb8;
	v63 =	vld [tilespmem:$0x0]  }
0x1a5: {  	_ =	swait.ge [sflag:s0], $0x3800  }
0x1a6: {  	[sflag:s0] =	ssyncset.done $0x0  }
0x1a7: {  	s7 =	simm.s32 $0x14400;
	[sflag:s0] =	ssyncadd.s32 $0xFFFFC800  }
0x1a8: {  	[tilespmem:s21], [sflag:$0x3] =	stream.indirect.gather [hbm4b:s4+s15], $0x80, s7, s15, $0xb8;
	v63 =	vld [tilespmem:$0x0]  }
0x1a9: {  	_ =	swait.ge [sflag:s22], $0x3800  }
0x1aa: {  	[sflag:s22] =	ssyncset.done $0x0  }
0x1ab: {  	s7 =	simm.s32 $0x14F80;
	[sflag:s22] =	ssyncadd.s32 $0xFFFFC800  }
0x1ac: {  	[spmem:s1] =	stream.indirect.scatter.add.f32 [tilespmem:s18], [sflag:$0x5], $0x80, s7, s15, $0xb8;
	v63 =	vld [tilespmem:$0x0]  }
0x1ad: {  	_ =	swait.ge [sflag:s24], $0x3800  }
0x1ae: {  	[sflag:s24] =	ssyncset.done $0x0  }
0x1af: {  	s7 =	simm.s32 $0x14480;
	[sflag:s24] =	ssyncadd.s32 $0xFFFFC800  }
0x1b0: {  	[tilespmem:s16], [sflag:$0x1] =	stream.indirect.gather [hbm4b:s4+s15], $0x80, s7, s15, $0xb8;
	v63 =	vld [tilespmem:$0x0]  }
0x1b1: {  	_ =	swait.ge [sflag:s26], $0x3800  }
0x1b2: {  	[sflag:s26] =	ssyncset.done $0x0  }
0x1b3: {  	s7 =	simm.s32 $0x15000;
	[sflag:s26] =	ssyncadd.s32 $0xFFFFC800  }
0x1b4: {  	[spmem:s1] =	stream.indirect.scatter.add.f32 [tilespmem:s21], [sflag:$0x6], $0x80, s7, s15, $0xb8;
	v63 =	vld [tilespmem:$0x0]  }
0x1b5: {  	_ =	swait.ge [sflag:s29], $0x3800  }
0x1b6: {  	[sflag:s29] =	ssyncset.done $0x0  }
0x1b7: {  	s7 =	simm.s32 $0x14500;
	[sflag:s29] =	ssyncadd.s32 $0xFFFFC800  }
0x1b8: {  	[tilespmem:s18], [sflag:$0x2] =	stream.indirect.gather [hbm4b:s4+s15], $0x80, s7, s15, $0xb8;
	v63 =	vld [tilespmem:$0x0]  }
0x1b9: {  	_ =	swait.ge [sflag:s19], $0x3800  }
0x1ba: {  	[sflag:s19] =	ssyncset.done $0x0  }
0x1bb: {  	s7 =	simm.s32 $0x15080;
	[sflag:s19] =	ssyncadd.s32 $0xFFFFC800  }
0x1bc: {  	[spmem:s1] =	stream.indirect.scatter.add.f32 [tilespmem:s16], [sflag:$0x4], $0x80, s7, s15, $0xb8;
	v63 =	vld [tilespmem:$0x0]  }
0x1bd: {  	_ =	swait.ge [sflag:s0], $0x3800  }
0x1be: {  	[sflag:s0] =	ssyncset.done $0x0  }
0x1bf: {  	s7 =	simm.s32 $0x14580;
	[sflag:s0] =	ssyncadd.s32 $0xFFFFC800  }
0x1c0: {  	[tilespmem:s21], [sflag:$0x3] =	stream.indirect.gather [hbm4b:s4+s15], $0x80, s7, s15, $0xb8;
	v63 =	vld [tilespmem:$0x0]  }
0x1c1: {  	_ =	swait.ge [sflag:s22], $0x3800  }
0x1c2: {  	[sflag:s22] =	ssyncset.done $0x0  }
0x1c3: {  	s7 =	simm.s32 $0x15100;
	[sflag:s22] =	ssyncadd.s32 $0xFFFFC800  }
0x1c4: {  	[spmem:s1] =	stream.indirect.scatter.add.f32 [tilespmem:s18], [sflag:$0x5], $0x80, s7, s15, $0xb8;
	v63 =	vld [tilespmem:$0x0]  }
0x1c5: {  	_ =	swait.ge [sflag:s24], $0x3800  }
0x1c6: {  	[sflag:s24] =	ssyncset.done $0x0  }
0x1c7: {  	s7 =	simm.s32 $0x14600;
	[sflag:s24] =	ssyncadd.s32 $0xFFFFC800  }
0x1c8: {  	[tilespmem:s16], [sflag:$0x1] =	stream.indirect.gather [hbm4b:s4+s15], $0x80, s7, s15, $0xb8;
	v63 =	vld [tilespmem:$0x0]  }
0x1c9: {  	_ =	swait.ge [sflag:s26], $0x3800  }
0x1ca: {  	[sflag:s26] =	ssyncset.done $0x0  }
0x1cb: {  	s7 =	simm.s32 $0x15180;
	[sflag:s26] =	ssyncadd.s32 $0xFFFFC800  }
0x1cc: {  	[spmem:s1] =	stream.indirect.scatter.add.f32 [tilespmem:s21], [sflag:$0x6], $0x80, s7, s15, $0xb8;
	v63 =	vld [tilespmem:$0x0]  }
0x1cd: {  	_ =	swait.ge [sflag:s29], $0x3800  }
0x1ce: {  	[sflag:s29] =	ssyncset.done $0x0  }
0x1cf: {  	[sflag:s29] =	ssyncadd.s32 $0xFFFFC800  }
0x1d0: {  	[tilespmem:s18], [sflag:$0x2] =	stream.indirect.gather [hbm4b:s4+s15], $0x80, s9, s15, $0xb8;
	v63 =	vld [tilespmem:$0x0]  }
0x1d1: {  	_ =	swait.ge [sflag:s19], $0x3800  }
0x1d2: {  	[sflag:s19] =	ssyncset.done $0x0  }
0x1d3: {  	[sflag:s19] =	ssyncadd.s32 $0xFFFFC800  }
0x1d4: {  	[spmem:s1] =	stream.indirect.scatter.add.f32 [tilespmem:s16], [sflag:$0x4], $0x80, s5, s15, $0xb8;
	v63 =	vld [tilespmem:$0x0]  }
0x1d5: {  	_ =	swait.ge [sflag:s0], $0x3800  }
0x1d6: {  	[sflag:s0] =	ssyncset.done $0x0  }
0x1d7: {  	[sflag:s0] =	ssyncadd.s32 $0xFFFFC800  }
0x1d8: {  	[tilespmem:s21], [sflag:$0x3] =	stream.indirect.gather [hbm4b:s4+s15], $0x80, s6, s15, $0xb8;
	v63 =	vld [tilespmem:$0x0]  }
0x1d9: {  	_ =	swait.ge [sflag:s22], $0x3800  }
0x1da: {  	[sflag:s22] =	ssyncset.done $0x0  }
0x1db: {  	[sflag:s22] =	ssyncadd.s32 $0xFFFFC800  }
0x1dc: {  	[spmem:s1] =	stream.indirect.scatter.add.f32 [tilespmem:s18], [sflag:$0x5], $0x80, s11, s15, $0xb8;
	v63 =	vld [tilespmem:$0x0]  }
0x1dd: {  	_ =	swait.ge [sflag:s24], $0x3800  }
0x1de: {  	[sflag:s24] =	ssyncset.done $0x0  }
0x1df: {  	[sflag:s24] =	ssyncadd.s32 $0xFFFFC800  }
0x1e0: {  	[tilespmem:s16], [sflag:$0x1] =	stream.indirect.gather [hbm4b:s4+s15], $0x80, s17, s15, $0xb8;
	v63 =	vld [tilespmem:$0x0]  }
0x1e1: {  	_ =	swait.ge [sflag:s26], $0x3800  }
0x1e2: {  	[sflag:s26] =	ssyncset.done $0x0  }
0x1e3: {  	[sflag:s26] =	ssyncadd.s32 $0xFFFFC800  }
0x1e4: {  	[spmem:s1] =	stream.indirect.scatter.add.f32 [tilespmem:s21], [sflag:$0x6], $0x80, s20, s15, $0xb8;
	v63 =	vld [tilespmem:$0x0]  }
0x1e5: {  	_ =	swait.ge [sflag:s29], $0x3800  }
0x1e6: {  	[sflag:s29] =	ssyncset.done $0x0  }
0x1e7: {  	[sflag:s29] =	ssyncadd.s32 $0xFFFFC800  }
0x1e8: {  	[tilespmem:s18], [sflag:$0x2] =	stream.indirect.gather [hbm4b:s4+s15], $0x80, s23, s15, $0xb8;
	v63 =	vld [tilespmem:$0x0]  }
0x1e9: {  	_ =	swait.ge [sflag:s19], $0x3800  }
0x1ea: {  	[sflag:s19] =	ssyncset.done $0x0  }
0x1eb: {  	[sflag:s19] =	ssyncadd.s32 $0xFFFFC800  }
0x1ec: {  	[spmem:s1] =	stream.indirect.scatter.add.f32 [tilespmem:s16], [sflag:$0x4], $0x80, s25, s15, $0xb8;
	v63 =	vld [tilespmem:$0x0]  }
0x1ed: {  	_ =	swait.ge [sflag:s0], $0x3800  }
0x1ee: {  	[sflag:s0] =	ssyncset.done $0x0  }
0x1ef: {  	[sflag:s0] =	ssyncadd.s32 $0xFFFFC800  }
0x1f0: {  	[tilespmem:s21], [sflag:$0x3] =	stream.indirect.gather [hbm4b:s4+s15], $0x80, s28, s15, $0xb8;
	v63 =	vld [tilespmem:$0x0]  }
0x1f1: {  	_ =	swait.ge [sflag:s22], $0x3800  }
0x1f2: {  	[sflag:s22] =	ssyncset.done $0x0  }
0x1f3: {  	[sflag:s22] =	ssyncadd.s32 $0xFFFFC800  }
0x1f4: {  	[spmem:s1] =	stream.indirect.scatter.add.f32 [tilespmem:s18], [sflag:$0x5], $0x80, s30, s15, $0xb8;
	v63 =	vld [tilespmem:$0x0]  }
0x1f5: {  	_ =	swait.ge [sflag:s24], $0x3800  }
0x1f6: {  	[sflag:s24] =	ssyncset.done $0x0  }
0x1f7: {  	[sflag:s24] =	ssyncadd.s32 $0xFFFFC800  }
0x1f8: {  	_ =	swait.ge [sflag:s26], $0x3800  }
0x1f9: {  	[sflag:s26] =	ssyncset.done $0x0  }
0x1fa: {  	[sflag:s26] =	ssyncadd.s32 $0xFFFFC800  }
0x1fb: {  	[spmem:s1] =	stream.indirect.scatter.add.f32 [tilespmem:s21], [sflag:$0x6], $0x80, s8, s15, $0xb8;
	v63 =	vld [tilespmem:$0x0]  }
0x1fc: {  	_ =	swait.ge [sflag:s29], $0x3800  }
0x1fd: {  	[sflag:s29] =	ssyncset.done $0x0  }
0x1fe: {  	[sflag:s29] =	ssyncadd.s32 $0xFFFFC800  }
0x1ff: {  	_ =	swait.ge [sflag:s0], $0x3800  }
0x200: {  	s31 =	simm.s32 $0x180;
	[sflag:s0] =	ssyncset.done $0x0  }
.LBB2_4:
0x201: {  	s2 =	rddreg [dreg:$0x4];
	s7 =	smov.u32 s31  }
0x202: {  	[sflag:s0] =	ssyncadd.s32 $0xFFFFC800;
	s2 =	sadd.s32 s7, s2  }
0x203: {  	[tilespmem:s13], [sflag:$0x7] =	stream.linear.gather [hbm4b:s2+s3], $0x900, $0x38;
	v63 =	vld [tilespmem:$0x0]  }
0x204: {  	_ =	swait.ge [sflag:s12], $0x900  }
0x205: {  	[sflag:s12] =	ssyncset.done $0x0  }
0x206: {  	s7 =	sadd.s32 s7, s10;
	[sflag:s12] =	ssyncadd.s32 $0xFFFFF700  }
0x207: {  	[tilespmem:s14], [sflag:$0x7] =	stream.linear.gather [hbm4b:s7+s3], $0x900, $0x38;
	v63 =	vld [tilespmem:$0x0]  }
0x208: {  	_ =	swait.ge [sflag:s12], $0x900  }
0x209: {  	[sflag:s12] =	ssyncset.done $0x0  }
0x20a: {  	[sflag:s12] =	ssyncadd.s32 $0xFFFFF700  }
0x20b: {  	[tilespmem:s16], [sflag:$0x1] =	stream.indirect.gather [hbm4b:s4+s15], $0x80, s13, s15, $0xb8;
	v63 =	vld [tilespmem:$0x0]  }
0x20c: {  	s7 =	simm.s32 $0x14080  }
0x20d: {  	[tilespmem:s18], [sflag:$0x2] =	stream.indirect.gather [hbm4b:s4+s15], $0x80, s7, s15, $0xb8;
	v63 =	vld [tilespmem:$0x0]  }
0x20e: {  	_ =	swait.ge [sflag:s19], $0x3800  }
0x20f: {  	[sflag:s19] =	ssyncset.done $0x0  }
0x210: {  	[sflag:s19] =	ssyncadd.s32 $0xFFFFC800  }
0x211: {  	[spmem:s1] =	stream.indirect.scatter.add.f32 [tilespmem:s16], [sflag:$0x4], $0x80, s14, s15, $0xb8;
	v63 =	vld [tilespmem:$0x0]  }
0x212: {  	s7 =	simm.s32 $0x14100  }
0x213: {  	[tilespmem:s21], [sflag:$0x3] =	stream.indirect.gather [hbm4b:s4+s15], $0x80, s7, s15, $0xb8;
	v63 =	vld [tilespmem:$0x0]  }
0x214: {  	_ =	swait.ge [sflag:s22], $0x3800  }
0x215: {  	[sflag:s22] =	ssyncset.done $0x0  }
0x216: {  	s7 =	simm.s32 $0x14C80;
	[sflag:s22] =	ssyncadd.s32 $0xFFFFC800  }
0x217: {  	[spmem:s1] =	stream.indirect.scatter.add.f32 [tilespmem:s18], [sflag:$0x5], $0x80, s7, s15, $0xb8;
	v63 =	vld [tilespmem:$0x0]  }
0x218: {  	_ =	swait.ge [sflag:s24], $0x3800  }
0x219: {  	[sflag:s24] =	ssyncset.done $0x0  }
0x21a: {  	s7 =	simm.s32 $0x14180;
	[sflag:s24] =	ssyncadd.s32 $0xFFFFC800  }
0x21b: {  	[tilespmem:s16], [sflag:$0x1] =	stream.indirect.gather [hbm4b:s4+s15], $0x80, s7, s15, $0xb8;
	v63 =	vld [tilespmem:$0x0]  }
0x21c: {  	_ =	swait.ge [sflag:s26], $0x3800  }
0x21d: {  	[sflag:s26] =	ssyncset.done $0x0  }
0x21e: {  	s7 =	simm.s32 $0x14D00;
	[sflag:s26] =	ssyncadd.s32 $0xFFFFC800  }
0x21f: {  	[spmem:s1] =	stream.indirect.scatter.add.f32 [tilespmem:s21], [sflag:$0x6], $0x80, s7, s15, $0xb8;
	v63 =	vld [tilespmem:$0x0]  }
0x220: {  	_ =	swait.ge [sflag:s29], $0x3800  }
0x221: {  	[sflag:s29] =	ssyncset.done $0x0  }
0x222: {  	s7 =	simm.s32 $0x14200;
	[sflag:s29] =	ssyncadd.s32 $0xFFFFC800  }
0x223: {  	[tilespmem:s18], [sflag:$0x2] =	stream.indirect.gather [hbm4b:s4+s15], $0x80, s7, s15, $0xb8;
	v63 =	vld [tilespmem:$0x0]  }
0x224: {  	_ =	swait.ge [sflag:s19], $0x3800  }
0x225: {  	[sflag:s19] =	ssyncset.done $0x0  }
0x226: {  	s7 =	simm.s32 $0x14D80;
	[sflag:s19] =	ssyncadd.s32 $0xFFFFC800  }
0x227: {  	[spmem:s1] =	stream.indirect.scatter.add.f32 [tilespmem:s16], [sflag:$0x4], $0x80, s7, s15, $0xb8;
	v63 =	vld [tilespmem:$0x0]  }
0x228: {  	_ =	swait.ge [sflag:s0], $0x3800  }
0x229: {  	[sflag:s0] =	ssyncset.done $0x0  }
0x22a: {  	s7 =	simm.s32 $0x14280;
	[sflag:s0] =	ssyncadd.s32 $0xFFFFC800  }
0x22b: {  	[tilespmem:s21], [sflag:$0x3] =	stream.indirect.gather [hbm4b:s4+s15], $0x80, s7, s15, $0xb8;
	v63 =	vld [tilespmem:$0x0]  }
0x22c: {  	_ =	swait.ge [sflag:s22], $0x3800  }
0x22d: {  	[sflag:s22] =	ssyncset.done $0x0  }
0x22e: {  	s7 =	simm.s32 $0x14E00;
	[sflag:s22] =	ssyncadd.s32 $0xFFFFC800  }
0x22f: {  	[spmem:s1] =	stream.indirect.scatter.add.f32 [tilespmem:s18], [sflag:$0x5], $0x80, s7, s15, $0xb8;
	v63 =	vld [tilespmem:$0x0]  }
0x230: {  	_ =	swait.ge [sflag:s24], $0x3800  }
0x231: {  	[sflag:s24] =	ssyncset.done $0x0  }
0x232: {  	s7 =	simm.s32 $0x14300;
	[sflag:s24] =	ssyncadd.s32 $0xFFFFC800  }
0x233: {  	[tilespmem:s16], [sflag:$0x1] =	stream.indirect.gather [hbm4b:s4+s15], $0x80, s7, s15, $0xb8;
	v63 =	vld [tilespmem:$0x0]  }
0x234: {  	_ =	swait.ge [sflag:s26], $0x3800  }
0x235: {  	[sflag:s26] =	ssyncset.done $0x0  }
0x236: {  	s7 =	simm.s32 $0x14E80;
	[sflag:s26] =	ssyncadd.s32 $0xFFFFC800  }
0x237: {  	[spmem:s1] =	stream.indirect.scatter.add.f32 [tilespmem:s21], [sflag:$0x6], $0x80, s7, s15, $0xb8;
	v63 =	vld [tilespmem:$0x0]  }
0x238: {  	_ =	swait.ge [sflag:s29], $0x3800  }
0x239: {  	[sflag:s29] =	ssyncset.done $0x0  }
0x23a: {  	s7 =	simm.s32 $0x14380;
	[sflag:s29] =	ssyncadd.s32 $0xFFFFC800  }
0x23b: {  	[tilespmem:s18], [sflag:$0x2] =	stream.indirect.gather [hbm4b:s4+s15], $0x80, s7, s15, $0xb8;
	v63 =	vld [tilespmem:$0x0]  }
0x23c: {  	_ =	swait.ge [sflag:s19], $0x3800  }
0x23d: {  	[sflag:s19] =	ssyncset.done $0x0  }
0x23e: {  	s7 =	simm.s32 $0x14F00;
	[sflag:s19] =	ssyncadd.s32 $0xFFFFC800  }
0x23f: {  	[spmem:s1] =	stream.indirect.scatter.add.f32 [tilespmem:s16], [sflag:$0x4], $0x80, s7, s15, $0xb8;
	v63 =	vld [tilespmem:$0x0]  }
0x240: {  	_ =	swait.ge [sflag:s0], $0x3800  }
0x241: {  	[sflag:s0] =	ssyncset.done $0x0  }
0x242: {  	s7 =	simm.s32 $0x14400;
	[sflag:s0] =	ssyncadd.s32 $0xFFFFC800  }
0x243: {  	[tilespmem:s21], [sflag:$0x3] =	stream.indirect.gather [hbm4b:s4+s15], $0x80, s7, s15, $0xb8;
	v63 =	vld [tilespmem:$0x0]  }
0x244: {  	_ =	swait.ge [sflag:s22], $0x3800  }
0x245: {  	[sflag:s22] =	ssyncset.done $0x0  }
0x246: {  	s7 =	simm.s32 $0x14F80;
	[sflag:s22] =	ssyncadd.s32 $0xFFFFC800  }
0x247: {  	[spmem:s1] =	stream.indirect.scatter.add.f32 [tilespmem:s18], [sflag:$0x5], $0x80, s7, s15, $0xb8;
	v63 =	vld [tilespmem:$0x0]  }
0x248: {  	_ =	swait.ge [sflag:s24], $0x3800  }
0x249: {  	[sflag:s24] =	ssyncset.done $0x0  }
0x24a: {  	s7 =	simm.s32 $0x14480;
	[sflag:s24] =	ssyncadd.s32 $0xFFFFC800  }
0x24b: {  	[tilespmem:s16], [sflag:$0x1] =	stream.indirect.gather [hbm4b:s4+s15], $0x80, s7, s15, $0xb8;
	v63 =	vld [tilespmem:$0x0]  }
0x24c: {  	_ =	swait.ge [sflag:s26], $0x3800  }
0x24d: {  	[sflag:s26] =	ssyncset.done $0x0  }
0x24e: {  	s7 =	simm.s32 $0x15000;
	[sflag:s26] =	ssyncadd.s32 $0xFFFFC800  }
0x24f: {  	[spmem:s1] =	stream.indirect.scatter.add.f32 [tilespmem:s21], [sflag:$0x6], $0x80, s7, s15, $0xb8;
	v63 =	vld [tilespmem:$0x0]  }
0x250: {  	_ =	swait.ge [sflag:s29], $0x3800  }
0x251: {  	[sflag:s29] =	ssyncset.done $0x0  }
0x252: {  	s7 =	simm.s32 $0x14500;
	[sflag:s29] =	ssyncadd.s32 $0xFFFFC800  }
0x253: {  	[tilespmem:s18], [sflag:$0x2] =	stream.indirect.gather [hbm4b:s4+s15], $0x80, s7, s15, $0xb8;
	v63 =	vld [tilespmem:$0x0]  }
0x254: {  	_ =	swait.ge [sflag:s19], $0x3800  }
0x255: {  	[sflag:s19] =	ssyncset.done $0x0  }
0x256: {  	s7 =	simm.s32 $0x15080;
	[sflag:s19] =	ssyncadd.s32 $0xFFFFC800  }
0x257: {  	[spmem:s1] =	stream.indirect.scatter.add.f32 [tilespmem:s16], [sflag:$0x4], $0x80, s7, s15, $0xb8;
	v63 =	vld [tilespmem:$0x0]  }
0x258: {  	_ =	swait.ge [sflag:s0], $0x3800  }
0x259: {  	[sflag:s0] =	ssyncset.done $0x0  }
0x25a: {  	s7 =	simm.s32 $0x14580;
	[sflag:s0] =	ssyncadd.s32 $0xFFFFC800  }
0x25b: {  	[tilespmem:s21], [sflag:$0x3] =	stream.indirect.gather [hbm4b:s4+s15], $0x80, s7, s15, $0xb8;
	v63 =	vld [tilespmem:$0x0]  }
0x25c: {  	_ =	swait.ge [sflag:s22], $0x3800  }
0x25d: {  	[sflag:s22] =	ssyncset.done $0x0  }
0x25e: {  	s7 =	simm.s32 $0x15100;
	[sflag:s22] =	ssyncadd.s32 $0xFFFFC800  }
0x25f: {  	[spmem:s1] =	stream.indirect.scatter.add.f32 [tilespmem:s18], [sflag:$0x5], $0x80, s7, s15, $0xb8;
	v63 =	vld [tilespmem:$0x0]  }
0x260: {  	_ =	swait.ge [sflag:s24], $0x3800  }
0x261: {  	[sflag:s24] =	ssyncset.done $0x0  }
0x262: {  	s7 =	simm.s32 $0x14600;
	[sflag:s24] =	ssyncadd.s32 $0xFFFFC800  }
0x263: {  	[tilespmem:s16], [sflag:$0x1] =	stream.indirect.gather [hbm4b:s4+s15], $0x80, s7, s15, $0xb8;
	v63 =	vld [tilespmem:$0x0]  }
0x264: {  	_ =	swait.ge [sflag:s26], $0x3800  }
0x265: {  	[sflag:s26] =	ssyncset.done $0x0  }
0x266: {  	s7 =	simm.s32 $0x15180;
	[sflag:s26] =	ssyncadd.s32 $0xFFFFC800  }
0x267: {  	[spmem:s1] =	stream.indirect.scatter.add.f32 [tilespmem:s21], [sflag:$0x6], $0x80, s7, s15, $0xb8;
	v63 =	vld [tilespmem:$0x0]  }
0x268: {  	_ =	swait.ge [sflag:s29], $0x3800  }
0x269: {  	[sflag:s29] =	ssyncset.done $0x0  }
0x26a: {  	[sflag:s29] =	ssyncadd.s32 $0xFFFFC800  }
0x26b: {  	[tilespmem:s18], [sflag:$0x2] =	stream.indirect.gather [hbm4b:s4+s15], $0x80, s9, s15, $0xb8;
	v63 =	vld [tilespmem:$0x0]  }
0x26c: {  	_ =	swait.ge [sflag:s19], $0x3800  }
0x26d: {  	[sflag:s19] =	ssyncset.done $0x0  }
0x26e: {  	[sflag:s19] =	ssyncadd.s32 $0xFFFFC800  }
0x26f: {  	[spmem:s1] =	stream.indirect.scatter.add.f32 [tilespmem:s16], [sflag:$0x4], $0x80, s5, s15, $0xb8;
	v63 =	vld [tilespmem:$0x0]  }
0x270: {  	_ =	swait.ge [sflag:s0], $0x3800  }
0x271: {  	[sflag:s0] =	ssyncset.done $0x0  }
0x272: {  	[sflag:s0] =	ssyncadd.s32 $0xFFFFC800  }
0x273: {  	[tilespmem:s21], [sflag:$0x3] =	stream.indirect.gather [hbm4b:s4+s15], $0x80, s6, s15, $0xb8;
	v63 =	vld [tilespmem:$0x0]  }
0x274: {  	_ =	swait.ge [sflag:s22], $0x3800  }
0x275: {  	[sflag:s22] =	ssyncset.done $0x0  }
0x276: {  	[sflag:s22] =	ssyncadd.s32 $0xFFFFC800  }
0x277: {  	[spmem:s1] =	stream.indirect.scatter.add.f32 [tilespmem:s18], [sflag:$0x5], $0x80, s11, s15, $0xb8;
	v63 =	vld [tilespmem:$0x0]  }
0x278: {  	_ =	swait.ge [sflag:s24], $0x3800  }
0x279: {  	[sflag:s24] =	ssyncset.done $0x0  }
0x27a: {  	[sflag:s24] =	ssyncadd.s32 $0xFFFFC800  }
0x27b: {  	[tilespmem:s16], [sflag:$0x1] =	stream.indirect.gather [hbm4b:s4+s15], $0x80, s17, s15, $0xb8;
	v63 =	vld [tilespmem:$0x0]  }
0x27c: {  	_ =	swait.ge [sflag:s26], $0x3800  }
0x27d: {  	[sflag:s26] =	ssyncset.done $0x0  }
0x27e: {  	[sflag:s26] =	ssyncadd.s32 $0xFFFFC800  }
0x27f: {  	[spmem:s1] =	stream.indirect.scatter.add.f32 [tilespmem:s21], [sflag:$0x6], $0x80, s20, s15, $0xb8;
	v63 =	vld [tilespmem:$0x0]  }
0x280: {  	_ =	swait.ge [sflag:s29], $0x3800  }
0x281: {  	[sflag:s29] =	ssyncset.done $0x0  }
0x282: {  	[sflag:s29] =	ssyncadd.s32 $0xFFFFC800  }
0x283: {  	[tilespmem:s18], [sflag:$0x2] =	stream.indirect.gather [hbm4b:s4+s15], $0x80, s23, s15, $0xb8;
	v63 =	vld [tilespmem:$0x0]  }
0x284: {  	_ =	swait.ge [sflag:s19], $0x3800  }
0x285: {  	[sflag:s19] =	ssyncset.done $0x0  }
0x286: {  	[sflag:s19] =	ssyncadd.s32 $0xFFFFC800  }
0x287: {  	[spmem:s1] =	stream.indirect.scatter.add.f32 [tilespmem:s16], [sflag:$0x4], $0x80, s25, s15, $0xb8;
	v63 =	vld [tilespmem:$0x0]  }
0x288: {  	_ =	swait.ge [sflag:s0], $0x3800  }
0x289: {  	[sflag:s0] =	ssyncset.done $0x0  }
0x28a: {  	[sflag:s0] =	ssyncadd.s32 $0xFFFFC800  }
0x28b: {  	[tilespmem:s21], [sflag:$0x3] =	stream.indirect.gather [hbm4b:s4+s15], $0x80, s28, s15, $0xb8;
	v63 =	vld [tilespmem:$0x0]  }
0x28c: {  	_ =	swait.ge [sflag:s22], $0x3800  }
0x28d: {  	[sflag:s22] =	ssyncset.done $0x0  }
0x28e: {  	[sflag:s22] =	ssyncadd.s32 $0xFFFFC800  }
0x28f: {  	[spmem:s1] =	stream.indirect.scatter.add.f32 [tilespmem:s18], [sflag:$0x5], $0x80, s30, s15, $0xb8;
	v63 =	vld [tilespmem:$0x0]  }
0x290: {  	_ =	swait.ge [sflag:s24], $0x3800  }
0x291: {  	[sflag:s24] =	ssyncset.done $0x0  }
0x292: {  	[sflag:s24] =	ssyncadd.s32 $0xFFFFC800  }
0x293: {  	_ =	swait.ge [sflag:s26], $0x3800  }
0x294: {  	[sflag:s26] =	ssyncset.done $0x0  }
0x295: {  	p0 =	sne.s32 s31, $0xD80;
	[sflag:s26] =	ssyncadd.s32 $0xFFFFC800  }
0x296: {  	[spmem:s1] =	stream.indirect.scatter.add.f32 [tilespmem:s21], [sflag:$0x6], $0x80, s8, s15, $0xb8;
	v63 =	vld [tilespmem:$0x0]  }
.Ltmp1:
0x297: {  	_ =	swait.ge [sflag:s29], $0x3800;
	(pc) =	sbr.rel @p0 .LBB2_4-.Ltmp1, $4  }
0x298: {  	[sflag:s29] =	ssyncset.done $0x0  }
0x299: {  	[sflag:s29] =	ssyncadd.s32 $0xFFFFC800  }
0x29a: {  	_ =	swait.ge [sflag:s0], $0x3800  }
0x29b: {  	s31 =	sadd.s32 $0x180, s31;
	[sflag:s0] =	ssyncset.done $0x0  }
0x29c: {  	[sflag:s0] =	ssyncadd.s32 $0xFFFFC800  }
0x29d: {  	[bflag:$0x0] =	sbarrier.arrive $0xFFFF  }
0x29e: {  	s31 =	rddreg [dreg:$0x6]  }
0x29f: {  	s2 =	rddreg [dreg:$0x8]  }
0x2a0: {  	s7 =	rddreg [dreg:$0xa]  }
0x2a1: {  	[hbm:s2], [sflag:s31] =	dma.local [spmem:s7], $0x2800  }
0x2a2: {  	_ =	swait.ge [sflag:s12], $0x2800  }
0x2a3: {  	s5 =	rddreg [dreg:$0xb]  }
0x2a4: {  	s2 =	rddreg [dreg:$0x9];
	s5 =	sadd.s32 $0x1, s5  }
0x2a5: {  	p0 =	sne.s32 s5, s2  }
.Ltmp2:
0x2a6: {  	_ = 	snop;
	(pc) =	sbr.rel @p0 .LBB2_1-.Ltmp2, $3  }
0x2a7: {  	_ =	sdelay $0x1  }
0x2a8: {  	[sflag:s12] =	ssyncset.done $0x0  }
0x2a9: {  	[sflag:s12] =	ssyncadd.s32 $0xFFFFD800  }
0x2aa: {  	_ =	sfence.sel $0x180000  }
0x2ab: {  	[bflag:$0x0] =	sbarrier.arrive $0xFFFF  }
0x2ac: {  	_ =	strace $0x9000004D  }
0x2ad: {  	s0 =	stileid.u32;
	[bflag:$0x2] =	sbarrier.arrive $0xFFFF  }
0x2ae: {  	p0 =	sne.s32 s0, $0x0;
	s0 =	rddreg [dreg:$0x2]  }
0x2af: {  	s0 =	sadd.s32 @!p0 $0x100000, s0  }
0x2b0: {  	[sflag:s0] =	ssyncadd.tile.s32 @!p0 $0x1;
	_ =	shalt  }
.Lfunc_end2:
_tile_overlayer_lowered:
.L_overlay_start_2:
0x2b1: {  	(tag) =	ssettag $0x2  }
0x2b2: {  	s0 =	rddreg [dreg:$0x0];
	s2 =	stileid.u32  }
0x2b3: {  	s1 =	rddreg [dreg:$0x1];
	p0 =	sne.s32 s2, $0x0  }
0x2b4: {  	s3 =	rddreg [dreg:$0x2];
	[bflag:$0x3] =	sbarrier.arrive $0xFFFF;
	s2 =	simm.s32 @!p0 $0x1C07  }
0x2b5: {  	[timem:s3], [sflag:s2] =	dma.local @!p0 [hbm:s0], s1  }
0x2b6: {  	s0 =	simm.s32 @!p0 $0x7  }
0x2b7: {  	_ =	swait.ge @!p0 [sflag:s0], s1  }
0x2b8: {  	s1 =	ssub.s32 @!p0 $0x0, s1;
	[sflag:s0] =	ssyncset.done @!p0 $0x0  }
0x2b9: {  	[sflag:s0] =	ssyncadd.s32 @!p0 s1  }
0x2ba: {  	[bflag:$0x3] =	sbarrier.arrive $0xFFFF  }
0x2bb: {  	_ =	shalt  }

// kernel: kernel.9.cloned.1.call-start
scs
__scs_entry_jumppad:
0x0: {  	(pc) =	sbr.rel $0x88, $3  }
0x1: {  	(tag) =	ssettag $0x0;
	lr =	simm.s32 $0x1  }
0x2: {  	[smem:$0x3F9B] =	sst lr;
	_ =	strace $0xD0000000  }
0x3: {  	_ = 	snop  }
0x4: {  	_ = 	snop  }
0x5: {  	_ = 	snop  }
0x6: {  	_ = 	snop  }
0x7: {  	_ = 	snop  }
__scs_overlays_trampoline_lowered:
0x8: {  	[smem:$0x3FAA] =	sst s0  }
0x9: {  	[smem:$0x3FAB] =	sst s1  }
0xa: {  	[smem:$0x3FAC] =	sst s2  }
0xb: {  	[smem:$0x3FAD] =	sst s3  }
0xc: {  	[smem:$0x3FAE] =	sst s4  }
0xd: {  	[smem:$0x3FAF] =	sst s5  }
0xe: {  	[smem:$0x3FB0] =	sst s6  }
0xf: {  	[smem:$0x3FB1] =	sst s7  }
0x10: {  	[smem:$0x3FB2] =	sst s8  }
0x11: {  	[smem:$0x3FB3] =	sst s9;
	s0 =	simm.s32 @!p0 $0x0  }
0x12: {  	s1 =	sld [smem:$0x3F99];
	s0 =	simm.s32 @p0 $0x1  }
0x13: {  	[smem:$0x3FB4] =	sst s0;
	s0 =	simm.s32 @!p1 $0x0  }
0x14: {  	s2 =	sld [smem:$0x3F98];
	s0 =	simm.s32 @p1 $0x1  }
0x15: {  	[smem:$0x3FB5] =	sst s0;
	s0 =	simm.s32 @!p2 $0x0  }
0x16: {  	s3 =	sld [smem:$0x3FDB];
	s0 =	simm.s32 @p2 $0x1  }
0x17: {  	s4 =	simm.s32 $0x1BF5;
	[smem:$0x3FB7] =	sst s0  }
0x18: {  	s0 =	sld [smem:$0x3F9A];
	_ =	swait.ge [sflag:s4], $0x0  }
0x19: {  	s7 =	sld [smem:$0x3F9B]  }
0x1a: {  	s8 =	sadd.s32 $0xFFFFE003, lr  }
0x1b: {  	s9 =	sadd.s32 $0xFFFFFEF7, lr;
	s5 =	simm.s32 $0xFFFFFFFF;
	p2 =	slt.u32 s8, $0xFFFFF086  }
0x1c: {  	p1 =	slt.u32 s9, $0xF7A;
	s5 =	simm.s32 @!p2 $0x0  }
0x1d: {  	s5 =	simm.s32 @p1 $0x1;
	p0 =	seq.s32 s7, s2  }
0x1e: {  	s7 =	smul.u32 @!p0 $0xF7A, s2;
	p2 =	seq.s32 @!p0 s5, $0x0  }
0x1f: {  	s9 =	smul.u32 $0xF7A, s1;
	s8 =	simm.s32 @!p0 $0x1BF5;
	p2 =	por !p2, p0  }
0x20: {  	[sflag:s8] =	ssyncset.s32 @!p0 $0xFFFFF086;
	s6 =	sadd.s32 @!p0 s3, s7;
	s7 =	simm.s32 @!p0 $0x108  }
0x21: {  	s3 =	sadd.s32 s3, s9;
	s6 =	sadd.s32 @!p0 $0x88, s6;
	s7 =	simm.s32 @p2 $0x1082  }
0x22: {  	[simem:s7], [sflag:s8] =	dma.local @!p0 [hbm:s6], $0xF7A  }
0x23: {  	s9 =	sor.u32 $0xD0000000, s2;
	s6 =	simm.s32 $0x108;
	_ =	swait.ge @!p0 [sflag:s8], $0x0  }
0x24: {  	s3 =	sadd.s32 $0x88, s3;
	s6 =	simm.s32 @!p1 $0x1082;
	[sflag:s4] =	ssyncset.s32 $0xFFFFF086  }
0x25: {  	[simem:s6], [sflag:s4] =	dma.local [hbm:s3], $0xF7A  }
0x26: {  	[smem:$0x3F9B] =	sst s1;
	(tag) =	ssettag s2;
	_ =	strace s9  }
0x27: {  	s1 =	sld [smem:$0x3FAB]  }
0x28: {  	s2 =	sld [smem:$0x3FAC]  }
0x29: {  	s4 =	sld [smem:$0x3FAE]  }
0x2a: {  	p0 =	seq.s32 s5, $0x0;
	s5 =	sld [smem:$0x3FAF]  }
0x2b: {  	s6 =	sld [smem:$0x3FB0]  }
0x2c: {  	s7 =	sld [smem:$0x3FB1]  }
0x2d: {  	s3 =	simm.s32 $0x108;
	s8 =	sld [smem:$0x3FB2]  }
0x2e: {  	s3 =	simm.s32 @!p0 $0x1082;
	s9 =	sld [smem:$0x3FB3]  }
0x2f: {  	lr =	sadd.s32 s0, s3;
	s0 =	sld [smem:$0x3FAA]  }
0x30: {  	s3 =	sld [smem:$0x3FAD]  }
0x31: {  	[smem:$0x3FB6] =	sst s10  }
0x32: {  	s10 =	sld [smem:$0x3FB4];
	_ =	sdelay $0x3  }
0x33: {  	p0 =	seq.s32 s10, $0x1;
	s10 =	sld [smem:$0x3FB6];
	_ =	sdelay $0x3  }
0x34: {  	[smem:$0x3FB6] =	sst s10  }
0x35: {  	s10 =	sld [smem:$0x3FB5];
	_ =	sdelay $0x3  }
0x36: {  	p1 =	seq.s32 s10, $0x1;
	s10 =	sld [smem:$0x3FB6];
	_ =	sdelay $0x3  }
0x37: {  	[smem:$0x3FB6] =	sst s10  }
0x38: {  	s10 =	sld [smem:$0x3FB7]  }
0x39: {  	_ = 	snop;
	(pc) =	sbr.ind lr, $3  }
0x3a: {  	_ = 	snop  }
0x3b: {  	_ = 	snop  }
0x3c: {  	p2 =	seq.s32 s10, $0x1;
	s10 =	sld [smem:$0x3FB6]  }
0x3d: {  	_ =	shalt  }
0x3e: {  	_ =	shalt  }
0x3f: {  	_ =	shalt  }
0x40: {  	_ =	shalt  }
0x41: {  	_ =	shalt  }
0x42: {  	_ =	shalt  }
0x43: {  	_ =	shalt  }
0x44: {  	_ =	shalt  }
0x45: {  	_ =	shalt  }
0x46: {  	_ =	shalt  }
0x47: {  	_ =	shalt  }
0x48: {  	_ =	shalt  }
0x49: {  	_ =	shalt  }
0x4a: {  	_ =	shalt  }
0x4b: {  	_ =	shalt  }
0x4c: {  	_ =	shalt  }
0x4d: {  	_ =	shalt  }
0x4e: {  	_ =	shalt  }
0x4f: {  	_ =	shalt  }
0x50: {  	_ =	shalt  }
0x51: {  	_ =	shalt  }
0x52: {  	_ =	shalt  }
0x53: {  	_ =	shalt  }
0x54: {  	_ =	shalt  }
0x55: {  	_ =	shalt  }
0x56: {  	_ =	shalt  }
0x57: {  	_ =	shalt  }
0x58: {  	_ =	shalt  }
0x59: {  	_ =	shalt  }
0x5a: {  	_ =	shalt  }
0x5b: {  	_ =	shalt  }
0x5c: {  	_ =	shalt  }
0x5d: {  	_ =	shalt  }
0x5e: {  	_ =	shalt  }
0x5f: {  	_ =	shalt  }
0x60: {  	_ =	shalt  }
0x61: {  	_ =	shalt  }
0x62: {  	_ =	shalt  }
0x63: {  	_ =	shalt  }
0x64: {  	_ =	shalt  }
0x65: {  	_ =	shalt  }
0x66: {  	_ =	shalt  }
0x67: {  	_ =	shalt  }
0x68: {  	_ =	shalt  }
0x69: {  	_ =	shalt  }
0x6a: {  	_ =	shalt  }
0x6b: {  	_ =	shalt  }
0x6c: {  	_ =	shalt  }
0x6d: {  	_ =	shalt  }
0x6e: {  	_ =	shalt  }
0x6f: {  	_ =	shalt  }
0x70: {  	_ =	shalt  }
0x71: {  	_ =	shalt  }
0x72: {  	_ =	shalt  }
0x73: {  	_ =	shalt  }
0x74: {  	_ =	shalt  }
0x75: {  	_ =	shalt  }
0x76: {  	_ =	shalt  }
0x77: {  	_ =	shalt  }
0x78: {  	_ =	shalt  }
0x79: {  	_ =	shalt  }
0x7a: {  	_ =	shalt  }
0x7b: {  	_ =	shalt  }
0x7c: {  	_ =	shalt  }
0x7d: {  	_ =	shalt  }
0x7e: {  	_ =	shalt  }
0x7f: {  	_ =	shalt  }
0x80: {  	_ =	shalt  }
0x81: {  	_ =	shalt  }
0x82: {  	_ =	shalt  }
0x83: {  	_ =	shalt  }
0x84: {  	_ =	shalt  }
0x85: {  	_ =	shalt  }
0x86: {  	_ =	shalt  }
0x87: {  	_ =	shalt  }
.Lfunc_end0:
.L_simem_size_0:
called_computation_lowered:
.L_overlay_start_0:
0x88: {  	s2 =	sld [smem:$0x3FD9]  }
0x89: {  	s3 =	sld [smem:$0x3FFE];
	_ =	sdelay $0x1  }
0x8a: {  	s1 =	srdreg.scid  }
0x8b: {  	s0 =	sand.u32 $0x1, s1  }
0x8c: {  	s17 =	sshll.u32 s0, $0xA;
	s2 =	sadd.s32 s3, s2  }
0x8d: {  	s2 =	sadd.s32 s2, s17  }
0x8e: {  	[smem:$0x3FC2] =	sst s2  }
0x8f: {  	_ = 	snop  }
0x90: {  	s2 =	sld [smem:$0x3FD0];
	(tm) =	ssettm $0x1  }
0x91: {  	s18 =	sld [smem:$0x3FFB];
	_ =	sdelay $0x3  }
0x92: {  	_ =	strace s18  }
0x93: {  	s3 =	sld [smem:$0x3FFC];
	_ =	sdelay $0x3  }
0x94: {  	_ =	strace s3  }
0x95: {  	s3 =	sld [smem:$0x3FFD];
	_ =	sdelay $0x3  }
0x96: {  	_ =	strace s3  }
0x97: {  	_ =	strace $0x8FFFFFFF  }
0x98: {  	s19 =	sld [smem:$0x3FDB];
	_ =	sdelay $0x1  }
0x99: {  	s4 =	simm.s32 $_scs_section_size  }
0x9a: {  	s5 =	simm.s32 $_size__tile_overlayer_lowered;
	s6 =	simm.s32 $_tile_overlayer_lowered  }
0x9b: {  	s22 =	simm.s32 $0x1BFF;
	s21 =	sshll.u32 s6, $0x1;
	s3 =	sadd.s32 s4, s19  }
0x9c: {  	s7 =	simm.s32 $0x0;
	s20 =	sshll.u32 s5, $0x1;
	s5 =	sadd.s32 s21, s3  }
0x9d: {  	[timem:s7], [sflag:s22] =	dma.local [hbm:s5], s20  }
0x9e: {  	_ =	swait.ge [sflag:s22], s20  }
0x9f: {  	s4 =	ssub.s32 $0x0, s20;
	[sflag:s22] =	ssyncset.done $0x0  }
0xa0: {  	[sflag:s22] =	ssyncadd.s32 s4;
	_ =	sdelay $0x1  }
0xa1: {  	s23 =	simm.s32 $0x1B8B  }
0xa2: {  	_ =	swait.ge [sflag:s23], $0x1  }
0xa3: {  	[sflag:s23] =	ssyncset.done $0x0  }
0xa4: {  	s25 =	simm.s32 $0x1B8E;
	s24 =	sld [smem:$0x3FFE];
	[sflag:s23] =	ssyncadd.s32 $0xFFFFFFFF  }
0xa5: {  	s26 =	simm.s32 $execute0_lowered;
	[smem:$0x3FD2] =	sst s25  }
0xa6: {  	s5 =	sshll.u32 s26, $0x1;
	_ =	strace $0x80000046;
	[dreg:$0x1] =	wrdreg $0xFFFFFFFF  }
0xa7: {  	s28 =	simm.s32 $_size_execute0_lowered;
	s3 =	sadd.s32 s3, s5;
	[dreg:$0x0] =	wrdreg $0x0  }
0xa8: {  	s5 =	sshll.u32 s28, $0x1;
	[dreg:$0x2] =	wrdreg s3  }
0xa9: {  	[dreg:$0x3] =	wrdreg s5  }
0xaa: {  	[dreg:$0x4] =	wrdreg $0xC0  }
0xab: {  	_ =	task [dreg:s7], $0x5FFFF  }
0xac: {  	[dreg:$0x1] =	wrdreg $0xFFFFFFFF  }
0xad: {  	[dreg:$0x0] =	wrdreg $0x60  }
0xae: {  	[dreg:$0x2] =	wrdreg s24  }
0xaf: {  	[dreg:$0x3] =	wrdreg s2  }
0xb0: {  	[dreg:$0x4] =	wrdreg $0x0  }
0xb1: {  	[dreg:$0x5] =	wrdreg $0x9  }
0xb2: {  	_ =	task.clear_ibuf [dreg:s7], $0x6FFFF;
	_ =	strace $0x90000046  }
0xb3: {  	s29 =	simm.s32 $0x9;
	_ =	strace $0x80000048  }
0xb4: {  	_ =	swait.ge [sflag:s29], $0x1  }
0xb5: {  	[sflag:s29] =	ssyncadd.s32 $0xFFFFFFFF  }
0xb6: {  	_ =	strace $0x90000048  }
0xb7: {  	_ =	sfence  }
0xb8: {  	s30 =	sld [smem:$0x0];
	_ =	sdelay $0x2  }
0xb9: {  	s31 =	sshll.u32 s1, $0xD;
	s1 =	sshrl.u32 s1, $0x2  }
0xba: {  	s3 =	sand.u32 $0x4000, s31;
	s1 =	sadd.s32 s1, s30  }
0xbb: {  	s0 =	sor.u32 s3, s0;
	s1 =	sshll.u32 s1, $0x11  }
0xbc: {  	s0 =	sor.u32 s1, s0  }
0xbd: {  	s0 =	sadd.s32 $0x8F2B, s0  }
0xbe: {  	[sflag:s0] =	ssyncadd.remote.s32 $0x1  }
0xbf: {  	_ =	sfence.sel $0xFFFF  }
0xc0: {  	[dreg:$0x0] =	wrdreg $0xFFFFFFFF;
	(pc) =	sbr.abs _section_cstart, $3  }
0xc1: {  	[dreg:$0x1] =	wrdreg $0xFFFFFFFF  }
0xc2: {  	_ =	task.clear_ibuf [dreg:s7], $0x2FFFF;
	_ =	strace $0x9FFFFFFF  }
0xc3: {  	(tm) =	ssettm $0x7FFFFFFF  }
tec
execute0_lowered:
.L_overlay_start_1:
0x0: {  	(tag) =	ssettag $0x1  }
0x1: {  	s0 =	rddreg [dreg:$0x0]  }
0x2: {  	s1 =	srdreg.scid;
	s4 =	rddreg [dreg:$0x1]  }
0x3: {  	s9 =	stileid.u32;
	s2 =	rddreg [dreg:$0x2];
	s3 =	simm.s32 $0x0  }
0x4: {  	s13 =	simm.s32 $0x14000;
	s14 =	simm.s32 $0x70;
	s15 =	simm.s32 $0x14080  }
0x5: {  	s16 =	simm.s32 $0x14100;
	s17 =	simm.s32 $0x14180;
	s18 =	simm.s32 $0x14200  }
0x6: {  	s19 =	simm.s32 $0x14280;
	s20 =	simm.s32 $0x14300;
	s21 =	simm.s32 $0x14380  }
0x7: {  	s22 =	simm.s32 $0x14400;
	s28 =	simm.s32 $0x14680;
	s29 =	simm.s32 $0x14700  }
0x8: {  	s30 =	simm.s32 $0x14780;
	s31 =	simm.s32 $0x14800;
	s5 =	smul.u32 $0x7800, s9  }
0x9: {  	s1 =	sand.u32 $0x1, s1;
	s23 =	smul.u32 $0x2800, s9;
	[smem:$0x7FF] =	sst s3  }
0xa: {  	s7 =	smul.u32 $0x50000, s9;
	s10 =	sadd.s32 $0x11200, s0;
	s26 =	sshll.u32 s9, $0x6  }
0xb: {  	s9 =	simm.s32 $0x14C00;
	s6 =	smul.u32 $0x3C00, s1;
	_ =	strace $0x80000047  }
0xc: {  	s8 =	smul.u32 $0x28000, s1;
	[dreg:$0x4] =	wrdreg s10;
	s24 =	ssub.s32 $0x2, s1  }
0xd: {  	s10 =	simm.s32 $0x1;
	s11 =	sor.u32 $0x1C01, s26;
	s26 =	simm.s32 $0x14600  }
0xe: {  	s1 =	sshrl.u32 s24, $0x1;
	s7 =	sshrl.u32 s7, $0x2;
	s5 =	sadd.s32 s6, s5  }
0xf: {  	s6 =	sadd.s32 s23, s8;
	s25 =	sadd.s32 s7, s2;
	s23 =	simm.s32 $0x14480  }
0x10: {  	s5 =	sshrl.u32 s5, $0x3;
	s4 =	sadd.s32 s4, s6;
	s12 =	sshrl.u32 s25, $0x3  }
0x11: {  	s5 =	sadd.s32 s5, s0;
	s0 =	sadd.s32 $0x11A00, s0;
	[dreg:$0x6] =	wrdreg s4  }
0x12: {  	s25 =	simm.s32 $0x14580;
	[dreg:$0x5] =	wrdreg s0;
	s0 =	ssub.s32 s24, s1  }
0x13: {  	s8 =	sadd.s32 $0x2200, s5;
	s24 =	simm.s32 $0x14500;
	s0 =	smax.u32 s0, $0x1  }
0x14: {  	s1 =	simm.s32 $0x14880;
	[dreg:$0x7] =	wrdreg s0;
	s0 =	simm.s32 $0x0  }
.LBB2_1:
0x15: {  	s4 =	rddreg [dreg:$0x4]  }
0x16: {  	[tilespmem:s9], [sflag:$0x1] =	stream.linear.gather [hbm4b:s4+s3], $0x3800, $0x38;
	[tilespmem:$0x18400] =	vst v63  }
0x17: {  	_ =	swait.ge [sflag:s10], $0x3800  }
0x18: {  	[sflag:s10] =	ssyncset.done $0x0  }
0x19: {  	s6 =	rddreg [dreg:$0x5];
	[sflag:s10] =	ssyncadd.s32 $0xFFFFC800  }
0x1a: {  	[spmem:s12], [sflag:s11] =	dma.local [hbm:s6], $0x2800  }
0x1b: {  	_ =	swait.ge [sflag:s10], $0x2800  }
0x1c: {  	[sflag:s10] =	ssyncset.done $0x0  }
0x1d: {  	[sflag:s10] =	ssyncadd.s32 $0xFFFFD800  }
0x1e: {  	s7 =	sadd.s32 $0x0, s8;
	[bflag:$0x0] =	sbarrier.arrive $0xFFFF  }
0x1f: {  	[tilespmem:s13], [sflag:$0x1] =	stream.linear.gather [hbm4b:s7+s3], $0x900, $0x38;
	[tilespmem:$0x18400] =	vst v63  }
0x20: {  	_ =	swait.ge [sflag:s10], $0x900  }
0x21: {  	[sflag:s10] =	ssyncset.done $0x0  }
0x22: {  	[sflag:s10] =	ssyncadd.s32 $0xFFFFF700  }
0x23: {  	[spmem:s2] =	stream.indirect.scatter.add.f32 [tilespmem:s9], [sflag:$0x1], $0x80, s13, s14, $0xb8;
	[tilespmem:$0x18400] =	vst v63  }
0x24: {  	_ =	swait.ge [sflag:s10], $0x3800  }
0x25: {  	[sflag:s10] =	ssyncset.done $0x0  }
0x26: {  	[sflag:s10] =	ssyncadd.s32 $0xFFFFC800  }
0x27: {  	[spmem:s2] =	stream.indirect.scatter.add.f32 [tilespmem:s9], [sflag:$0x1], $0x80, s15, s14, $0xb8;
	[tilespmem:$0x18400] =	vst v63  }
0x28: {  	_ =	swait.ge [sflag:s10], $0x3800  }
0x29: {  	[sflag:s10] =	ssyncset.done $0x0  }
0x2a: {  	[sflag:s10] =	ssyncadd.s32 $0xFFFFC800  }
0x2b: {  	[spmem:s2] =	stream.indirect.scatter.add.f32 [tilespmem:s9], [sflag:$0x1], $0x80, s16, s14, $0xb8;
	[tilespmem:$0x18400] =	vst v63  }
0x2c: {  	_ =	swait.ge [sflag:s10], $0x3800  }
0x2d: {  	[sflag:s10] =	ssyncset.done $0x0  }
0x2e: {  	[sflag:s10] =	ssyncadd.s32 $0xFFFFC800  }
0x2f: {  	[spmem:s2] =	stream.indirect.scatter.add.f32 [tilespmem:s9], [sflag:$0x1], $0x80, s17, s14, $0xb8;
	[tilespmem:$0x18400] =	vst v63  }
0x30: {  	_ =	swait.ge [sflag:s10], $0x3800  }
0x31: {  	[sflag:s10] =	ssyncset.done $0x0  }
0x32: {  	[sflag:s10] =	ssyncadd.s32 $0xFFFFC800  }
0x33: {  	[spmem:s2] =	stream.indirect.scatter.add.f32 [tilespmem:s9], [sflag:$0x1], $0x80, s18, s14, $0xb8;
	[tilespmem:$0x18400] =	vst v63  }
0x34: {  	_ =	swait.ge [sflag:s10], $0x3800  }
0x35: {  	[sflag:s10] =	ssyncset.done $0x0  }
0x36: {  	[sflag:s10] =	ssyncadd.s32 $0xFFFFC800  }
0x37: {  	[spmem:s2] =	stream.indirect.scatter.add.f32 [tilespmem:s9], [sflag:$0x1], $0x80, s19, s14, $0xb8;
	[tilespmem:$0x18400] =	vst v63  }
0x38: {  	_ =	swait.ge [sflag:s10], $0x3800  }
0x39: {  	[sflag:s10] =	ssyncset.done $0x0  }
0x3a: {  	[sflag:s10] =	ssyncadd.s32 $0xFFFFC800  }
0x3b: {  	[spmem:s2] =	stream.indirect.scatter.add.f32 [tilespmem:s9], [sflag:$0x1], $0x80, s20, s14, $0xb8;
	[tilespmem:$0x18400] =	vst v63  }
0x3c: {  	_ =	swait.ge [sflag:s10], $0x3800  }
0x3d: {  	[sflag:s10] =	ssyncset.done $0x0  }
0x3e: {  	[sflag:s10] =	ssyncadd.s32 $0xFFFFC800  }
0x3f: {  	[spmem:s2] =	stream.indirect.scatter.add.f32 [tilespmem:s9], [sflag:$0x1], $0x80, s21, s14, $0xb8;
	[tilespmem:$0x18400] =	vst v63  }
0x40: {  	_ =	swait.ge [sflag:s10], $0x3800  }
0x41: {  	[sflag:s10] =	ssyncset.done $0x0  }
0x42: {  	[sflag:s10] =	ssyncadd.s32 $0xFFFFC800  }
0x43: {  	[spmem:s2] =	stream.indirect.scatter.add.f32 [tilespmem:s9], [sflag:$0x1], $0x80, s22, s14, $0xb8;
	[tilespmem:$0x18400] =	vst v63  }
0x44: {  	_ =	swait.ge [sflag:s10], $0x3800  }
0x45: {  	[sflag:s10] =	ssyncset.done $0x0  }
0x46: {  	[sflag:s10] =	ssyncadd.s32 $0xFFFFC800  }
0x47: {  	[spmem:s2] =	stream.indirect.scatter.add.f32 [tilespmem:s9], [sflag:$0x1], $0x80, s23, s14, $0xb8;
	[tilespmem:$0x18400] =	vst v63  }
0x48: {  	_ =	swait.ge [sflag:s10], $0x3800  }
0x49: {  	[sflag:s10] =	ssyncset.done $0x0  }
0x4a: {  	[sflag:s10] =	ssyncadd.s32 $0xFFFFC800  }
0x4b: {  	[spmem:s2] =	stream.indirect.scatter.add.f32 [tilespmem:s9], [sflag:$0x1], $0x80, s24, s14, $0xb8;
	[tilespmem:$0x18400] =	vst v63  }
0x4c: {  	_ =	swait.ge [sflag:s10], $0x3800  }
0x4d: {  	[sflag:s10] =	ssyncset.done $0x0  }
0x4e: {  	[sflag:s10] =	ssyncadd.s32 $0xFFFFC800  }
0x4f: {  	[spmem:s2] =	stream.indirect.scatter.add.f32 [tilespmem:s9], [sflag:$0x1], $0x80, s25, s14, $0xb8;
	[tilespmem:$0x18400] =	vst v63  }
0x50: {  	_ =	swait.ge [sflag:s10], $0x3800  }
0x51: {  	[sflag:s10] =	ssyncset.done $0x0  }
0x52: {  	[sflag:s10] =	ssyncadd.s32 $0xFFFFC800  }
0x53: {  	[spmem:s2] =	stream.indirect.scatter.add.f32 [tilespmem:s9], [sflag:$0x1], $0x80, s26, s14, $0xb8;
	[tilespmem:$0x18400] =	vst v63  }
0x54: {  	_ =	swait.ge [sflag:s10], $0x3800  }
0x55: {  	[sflag:s10] =	ssyncset.done $0x0  }
0x56: {  	[sflag:s10] =	ssyncadd.s32 $0xFFFFC800  }
0x57: {  	[spmem:s2] =	stream.indirect.scatter.add.f32 [tilespmem:s9], [sflag:$0x1], $0x80, s28, s14, $0xb8;
	[tilespmem:$0x18400] =	vst v63  }
0x58: {  	_ =	swait.ge [sflag:s10], $0x3800  }
0x59: {  	[sflag:s10] =	ssyncset.done $0x0  }
0x5a: {  	[sflag:s10] =	ssyncadd.s32 $0xFFFFC800  }
0x5b: {  	[spmem:s2] =	stream.indirect.scatter.add.f32 [tilespmem:s9], [sflag:$0x1], $0x80, s29, s14, $0xb8;
	[tilespmem:$0x18400] =	vst v63  }
0x5c: {  	_ =	swait.ge [sflag:s10], $0x3800  }
0x5d: {  	[sflag:s10] =	ssyncset.done $0x0  }
0x5e: {  	[sflag:s10] =	ssyncadd.s32 $0xFFFFC800  }
0x5f: {  	[spmem:s2] =	stream.indirect.scatter.add.f32 [tilespmem:s9], [sflag:$0x1], $0x80, s30, s14, $0xb8;
	[tilespmem:$0x18400] =	vst v63  }
0x60: {  	_ =	swait.ge [sflag:s10], $0x3800  }
0x61: {  	[sflag:s10] =	ssyncset.done $0x0  }
0x62: {  	[sflag:s10] =	ssyncadd.s32 $0xFFFFC800  }
0x63: {  	[spmem:s2] =	stream.indirect.scatter.add.f32 [tilespmem:s9], [sflag:$0x1], $0x80, s31, s14, $0xb8;
	[tilespmem:$0x18400] =	vst v63  }
0x64: {  	_ =	swait.ge [sflag:s10], $0x3800  }
0x65: {  	[sflag:s10] =	ssyncset.done $0x0  }
0x66: {  	[sflag:s10] =	ssyncadd.s32 $0xFFFFC800  }
0x67: {  	[spmem:s2] =	stream.indirect.scatter.add.f32 [tilespmem:s9], [sflag:$0x1], $0x80, s1, s14, $0xb8;
	[tilespmem:$0x18400] =	vst v63  }
0x68: {  	_ =	swait.ge [sflag:s10], $0x3800  }
0x69: {  	s5 =	simm.s32 $0x300;
	s4 =	simm.s32 $0x180;
	[sflag:s10] =	ssyncset.done $0x0  }
.LBB2_2:
0x6a: {  	s7 =	sadd.s32 s4, s8  }
0x6b: {  	[sflag:s10] =	ssyncadd.s32 $0xFFFFC800;
	s4 =	smov.u32 s5;
	s6 =	sadd.s32 $0x180, s5  }
0x6c: {  	[tilespmem:s13], [sflag:$0x1] =	stream.linear.gather [hbm4b:s7+s3], $0x900, $0x38;
	[tilespmem:$0x18400] =	vst v63  }
0x6d: {  	p0 =	sne.s32 s5, $0x600;
	_ =	swait.ge [sflag:s10], $0x900  }
0x6e: {  	[sflag:s10] =	ssyncset.done $0x0  }
0x6f: {  	[sflag:s10] =	ssyncadd.s32 $0xFFFFF700  }
0x70: {  	[spmem:s2] =	stream.indirect.scatter.add.f32 [tilespmem:s9], [sflag:$0x1], $0x80, s13, s14, $0xb8;
	[tilespmem:$0x18400] =	vst v63  }
0x71: {  	_ =	swait.ge [sflag:s10], $0x3800  }
0x72: {  	[sflag:s10] =	ssyncset.done $0x0  }
0x73: {  	[sflag:s10] =	ssyncadd.s32 $0xFFFFC800  }
0x74: {  	[spmem:s2] =	stream.indirect.scatter.add.f32 [tilespmem:s9], [sflag:$0x1], $0x80, s15, s14, $0xb8;
	[tilespmem:$0x18400] =	vst v63  }
0x75: {  	_ =	swait.ge [sflag:s10], $0x3800  }
0x76: {  	[sflag:s10] =	ssyncset.done $0x0  }
0x77: {  	[sflag:s10] =	ssyncadd.s32 $0xFFFFC800  }
0x78: {  	[spmem:s2] =	stream.indirect.scatter.add.f32 [tilespmem:s9], [sflag:$0x1], $0x80, s16, s14, $0xb8;
	[tilespmem:$0x18400] =	vst v63  }
0x79: {  	_ =	swait.ge [sflag:s10], $0x3800  }
0x7a: {  	[sflag:s10] =	ssyncset.done $0x0  }
0x7b: {  	[sflag:s10] =	ssyncadd.s32 $0xFFFFC800  }
0x7c: {  	[spmem:s2] =	stream.indirect.scatter.add.f32 [tilespmem:s9], [sflag:$0x1], $0x80, s17, s14, $0xb8;
	[tilespmem:$0x18400] =	vst v63  }
0x7d: {  	_ =	swait.ge [sflag:s10], $0x3800  }
0x7e: {  	[sflag:s10] =	ssyncset.done $0x0  }
0x7f: {  	[sflag:s10] =	ssyncadd.s32 $0xFFFFC800  }
0x80: {  	[spmem:s2] =	stream.indirect.scatter.add.f32 [tilespmem:s9], [sflag:$0x1], $0x80, s18, s14, $0xb8;
	[tilespmem:$0x18400] =	vst v63  }
0x81: {  	_ =	swait.ge [sflag:s10], $0x3800  }
0x82: {  	[sflag:s10] =	ssyncset.done $0x0  }
0x83: {  	[sflag:s10] =	ssyncadd.s32 $0xFFFFC800  }
0x84: {  	[spmem:s2] =	stream.indirect.scatter.add.f32 [tilespmem:s9], [sflag:$0x1], $0x80, s19, s14, $0xb8;
	[tilespmem:$0x18400] =	vst v63  }
0x85: {  	_ =	swait.ge [sflag:s10], $0x3800  }
0x86: {  	[sflag:s10] =	ssyncset.done $0x0  }
0x87: {  	[sflag:s10] =	ssyncadd.s32 $0xFFFFC800  }
0x88: {  	[spmem:s2] =	stream.indirect.scatter.add.f32 [tilespmem:s9], [sflag:$0x1], $0x80, s20, s14, $0xb8;
	[tilespmem:$0x18400] =	vst v63  }
0x89: {  	_ =	swait.ge [sflag:s10], $0x3800  }
0x8a: {  	[sflag:s10] =	ssyncset.done $0x0  }
0x8b: {  	[sflag:s10] =	ssyncadd.s32 $0xFFFFC800  }
0x8c: {  	[spmem:s2] =	stream.indirect.scatter.add.f32 [tilespmem:s9], [sflag:$0x1], $0x80, s21, s14, $0xb8;
	[tilespmem:$0x18400] =	vst v63  }
0x8d: {  	_ =	swait.ge [sflag:s10], $0x3800  }
0x8e: {  	[sflag:s10] =	ssyncset.done $0x0  }
0x8f: {  	[sflag:s10] =	ssyncadd.s32 $0xFFFFC800  }
0x90: {  	[spmem:s2] =	stream.indirect.scatter.add.f32 [tilespmem:s9], [sflag:$0x1], $0x80, s22, s14, $0xb8;
	[tilespmem:$0x18400] =	vst v63  }
0x91: {  	_ =	swait.ge [sflag:s10], $0x3800  }
0x92: {  	[sflag:s10] =	ssyncset.done $0x0  }
0x93: {  	[sflag:s10] =	ssyncadd.s32 $0xFFFFC800  }
0x94: {  	[spmem:s2] =	stream.indirect.scatter.add.f32 [tilespmem:s9], [sflag:$0x1], $0x80, s23, s14, $0xb8;
	[tilespmem:$0x18400] =	vst v63  }
0x95: {  	_ =	swait.ge [sflag:s10], $0x3800  }
0x96: {  	[sflag:s10] =	ssyncset.done $0x0  }
0x97: {  	[sflag:s10] =	ssyncadd.s32 $0xFFFFC800  }
0x98: {  	[spmem:s2] =	stream.indirect.scatter.add.f32 [tilespmem:s9], [sflag:$0x1], $0x80, s24, s14, $0xb8;
	[tilespmem:$0x18400] =	vst v63  }
0x99: {  	_ =	swait.ge [sflag:s10], $0x3800  }
0x9a: {  	[sflag:s10] =	ssyncset.done $0x0  }
0x9b: {  	[sflag:s10] =	ssyncadd.s32 $0xFFFFC800  }
0x9c: {  	[spmem:s2] =	stream.indirect.scatter.add.f32 [tilespmem:s9], [sflag:$0x1], $0x80, s25, s14, $0xb8;
	[tilespmem:$0x18400] =	vst v63  }
0x9d: {  	_ =	swait.ge [sflag:s10], $0x3800  }
0x9e: {  	[sflag:s10] =	ssyncset.done $0x0  }
0x9f: {  	[sflag:s10] =	ssyncadd.s32 $0xFFFFC800  }
0xa0: {  	[spmem:s2] =	stream.indirect.scatter.add.f32 [tilespmem:s9], [sflag:$0x1], $0x80, s26, s14, $0xb8;
	[tilespmem:$0x18400] =	vst v63  }
0xa1: {  	_ =	swait.ge [sflag:s10], $0x3800  }
0xa2: {  	[sflag:s10] =	ssyncset.done $0x0  }
0xa3: {  	[sflag:s10] =	ssyncadd.s32 $0xFFFFC800  }
0xa4: {  	[spmem:s2] =	stream.indirect.scatter.add.f32 [tilespmem:s9], [sflag:$0x1], $0x80, s28, s14, $0xb8;
	[tilespmem:$0x18400] =	vst v63  }
0xa5: {  	_ =	swait.ge [sflag:s10], $0x3800  }
0xa6: {  	[sflag:s10] =	ssyncset.done $0x0  }
0xa7: {  	[sflag:s10] =	ssyncadd.s32 $0xFFFFC800  }
0xa8: {  	[spmem:s2] =	stream.indirect.scatter.add.f32 [tilespmem:s9], [sflag:$0x1], $0x80, s29, s14, $0xb8;
	[tilespmem:$0x18400] =	vst v63  }
0xa9: {  	_ =	swait.ge [sflag:s10], $0x3800  }
0xaa: {  	[sflag:s10] =	ssyncset.done $0x0  }
0xab: {  	[sflag:s10] =	ssyncadd.s32 $0xFFFFC800  }
0xac: {  	[spmem:s2] =	stream.indirect.scatter.add.f32 [tilespmem:s9], [sflag:$0x1], $0x80, s30, s14, $0xb8;
	[tilespmem:$0x18400] =	vst v63  }
0xad: {  	_ =	swait.ge [sflag:s10], $0x3800  }
0xae: {  	[sflag:s10] =	ssyncset.done $0x0  }
0xaf: {  	[sflag:s10] =	ssyncadd.s32 $0xFFFFC800  }
0xb0: {  	[spmem:s2] =	stream.indirect.scatter.add.f32 [tilespmem:s9], [sflag:$0x1], $0x80, s31, s14, $0xb8;
	[tilespmem:$0x18400] =	vst v63  }
0xb1: {  	_ =	swait.ge [sflag:s10], $0x3800  }
.Ltmp0:
0xb2: {  	[sflag:s10] =	ssyncset.done $0x0;
	(pc) =	sbr.rel @p0 .LBB2_2-.Ltmp0, $4  }
0xb3: {  	[sflag:s10] =	ssyncadd.s32 $0xFFFFC800  }
0xb4: {  	[spmem:s2] =	stream.indirect.scatter.add.f32 [tilespmem:s9], [sflag:$0x1], $0x80, s1, s14, $0xb8;
	[tilespmem:$0x18400] =	vst v63  }
0xb5: {  	_ =	swait.ge [sflag:s10], $0x3800  }
0xb6: {  	s5 =	smov.u32 s6;
	[sflag:s10] =	ssyncset.done $0x0  }
0xb7: {  	s4 =	sadd.s32 s4, s8;
	[sflag:s10] =	ssyncadd.s32 $0xFFFFC800  }
0xb8: {  	[tilespmem:s13], [sflag:$0x1] =	stream.linear.gather [hbm4b:s4+s3], $0x900, $0x38;
	[tilespmem:$0x18400] =	vst v63  }
0xb9: {  	_ =	swait.ge [sflag:s10], $0x900  }
0xba: {  	[sflag:s10] =	ssyncset.done $0x0  }
0xbb: {  	[sflag:s10] =	ssyncadd.s32 $0xFFFFF700  }
0xbc: {  	[spmem:s2] =	stream.indirect.scatter.add.f32 [tilespmem:s9], [sflag:$0x1], $0x80, s13, s14, $0xb8;
	[tilespmem:$0x18400] =	vst v63  }
0xbd: {  	_ =	swait.ge [sflag:s10], $0x3800  }
0xbe: {  	[sflag:s10] =	ssyncset.done $0x0  }
0xbf: {  	[sflag:s10] =	ssyncadd.s32 $0xFFFFC800  }
0xc0: {  	[spmem:s2] =	stream.indirect.scatter.add.f32 [tilespmem:s9], [sflag:$0x1], $0x80, s15, s14, $0xb8;
	[tilespmem:$0x18400] =	vst v63  }
0xc1: {  	_ =	swait.ge [sflag:s10], $0x3800  }
0xc2: {  	[sflag:s10] =	ssyncset.done $0x0  }
0xc3: {  	[sflag:s10] =	ssyncadd.s32 $0xFFFFC800  }
0xc4: {  	[spmem:s2] =	stream.indirect.scatter.add.f32 [tilespmem:s9], [sflag:$0x1], $0x80, s16, s14, $0xb8;
	[tilespmem:$0x18400] =	vst v63  }
0xc5: {  	_ =	swait.ge [sflag:s10], $0x3800  }
0xc6: {  	[sflag:s10] =	ssyncset.done $0x0  }
0xc7: {  	[sflag:s10] =	ssyncadd.s32 $0xFFFFC800  }
0xc8: {  	[spmem:s2] =	stream.indirect.scatter.add.f32 [tilespmem:s9], [sflag:$0x1], $0x80, s17, s14, $0xb8;
	[tilespmem:$0x18400] =	vst v63  }
0xc9: {  	_ =	swait.ge [sflag:s10], $0x3800  }
0xca: {  	[sflag:s10] =	ssyncset.done $0x0  }
0xcb: {  	[sflag:s10] =	ssyncadd.s32 $0xFFFFC800  }
0xcc: {  	[spmem:s2] =	stream.indirect.scatter.add.f32 [tilespmem:s9], [sflag:$0x1], $0x80, s18, s14, $0xb8;
	[tilespmem:$0x18400] =	vst v63  }
0xcd: {  	_ =	swait.ge [sflag:s10], $0x3800  }
0xce: {  	[sflag:s10] =	ssyncset.done $0x0  }
0xcf: {  	[sflag:s10] =	ssyncadd.s32 $0xFFFFC800  }
0xd0: {  	[spmem:s2] =	stream.indirect.scatter.add.f32 [tilespmem:s9], [sflag:$0x1], $0x80, s19, s14, $0xb8;
	[tilespmem:$0x18400] =	vst v63  }
0xd1: {  	_ =	swait.ge [sflag:s10], $0x3800  }
0xd2: {  	[sflag:s10] =	ssyncset.done $0x0  }
0xd3: {  	[sflag:s10] =	ssyncadd.s32 $0xFFFFC800  }
0xd4: {  	[spmem:s2] =	stream.indirect.scatter.add.f32 [tilespmem:s9], [sflag:$0x1], $0x80, s20, s14, $0xb8;
	[tilespmem:$0x18400] =	vst v63  }
0xd5: {  	_ =	swait.ge [sflag:s10], $0x3800  }
0xd6: {  	[sflag:s10] =	ssyncset.done $0x0  }
0xd7: {  	[sflag:s10] =	ssyncadd.s32 $0xFFFFC800  }
0xd8: {  	[spmem:s2] =	stream.indirect.scatter.add.f32 [tilespmem:s9], [sflag:$0x1], $0x80, s21, s14, $0xb8;
	[tilespmem:$0x18400] =	vst v63  }
0xd9: {  	_ =	swait.ge [sflag:s10], $0x3800  }
0xda: {  	[sflag:s10] =	ssyncset.done $0x0  }
0xdb: {  	[sflag:s10] =	ssyncadd.s32 $0xFFFFC800  }
0xdc: {  	[spmem:s2] =	stream.indirect.scatter.add.f32 [tilespmem:s9], [sflag:$0x1], $0x80, s22, s14, $0xb8;
	[tilespmem:$0x18400] =	vst v63  }
0xdd: {  	_ =	swait.ge [sflag:s10], $0x3800  }
0xde: {  	[sflag:s10] =	ssyncset.done $0x0  }
0xdf: {  	[sflag:s10] =	ssyncadd.s32 $0xFFFFC800  }
0xe0: {  	[spmem:s2] =	stream.indirect.scatter.add.f32 [tilespmem:s9], [sflag:$0x1], $0x80, s23, s14, $0xb8;
	[tilespmem:$0x18400] =	vst v63  }
0xe1: {  	_ =	swait.ge [sflag:s10], $0x3800  }
0xe2: {  	[sflag:s10] =	ssyncset.done $0x0  }
0xe3: {  	[sflag:s10] =	ssyncadd.s32 $0xFFFFC800  }
0xe4: {  	[spmem:s2] =	stream.indirect.scatter.add.f32 [tilespmem:s9], [sflag:$0x1], $0x80, s24, s14, $0xb8;
	[tilespmem:$0x18400] =	vst v63  }
0xe5: {  	_ =	swait.ge [sflag:s10], $0x3800  }
0xe6: {  	[sflag:s10] =	ssyncset.done $0x0  }
0xe7: {  	[sflag:s10] =	ssyncadd.s32 $0xFFFFC800  }
0xe8: {  	[spmem:s2] =	stream.indirect.scatter.add.f32 [tilespmem:s9], [sflag:$0x1], $0x80, s25, s14, $0xb8;
	[tilespmem:$0x18400] =	vst v63  }
0xe9: {  	_ =	swait.ge [sflag:s10], $0x3800  }
0xea: {  	[sflag:s10] =	ssyncset.done $0x0  }
0xeb: {  	[sflag:s10] =	ssyncadd.s32 $0xFFFFC800  }
0xec: {  	[spmem:s2] =	stream.indirect.scatter.add.f32 [tilespmem:s9], [sflag:$0x1], $0x80, s26, s14, $0xb8;
	[tilespmem:$0x18400] =	vst v63  }
0xed: {  	_ =	swait.ge [sflag:s10], $0x3800  }
0xee: {  	[sflag:s10] =	ssyncset.done $0x0  }
0xef: {  	[sflag:s10] =	ssyncadd.s32 $0xFFFFC800  }
0xf0: {  	[spmem:s2] =	stream.indirect.scatter.add.f32 [tilespmem:s9], [sflag:$0x1], $0x80, s28, s14, $0xb8;
	[tilespmem:$0x18400] =	vst v63  }
0xf1: {  	_ =	swait.ge [sflag:s10], $0x3800  }
0xf2: {  	[sflag:s10] =	ssyncset.done $0x0  }
0xf3: {  	[sflag:s10] =	ssyncadd.s32 $0xFFFFC800  }
0xf4: {  	[spmem:s2] =	stream.indirect.scatter.add.f32 [tilespmem:s9], [sflag:$0x1], $0x80, s29, s14, $0xb8;
	[tilespmem:$0x18400] =	vst v63  }
0xf5: {  	_ =	swait.ge [sflag:s10], $0x3800  }
0xf6: {  	[sflag:s10] =	ssyncset.done $0x0  }
0xf7: {  	[sflag:s10] =	ssyncadd.s32 $0xFFFFC800  }
0xf8: {  	[spmem:s2] =	stream.indirect.scatter.add.f32 [tilespmem:s9], [sflag:$0x1], $0x80, s30, s14, $0xb8;
	[tilespmem:$0x18400] =	vst v63  }
0xf9: {  	_ =	swait.ge [sflag:s10], $0x3800  }
0xfa: {  	[sflag:s10] =	ssyncset.done $0x0  }
0xfb: {  	[sflag:s10] =	ssyncadd.s32 $0xFFFFC800  }
0xfc: {  	[spmem:s2] =	stream.indirect.scatter.add.f32 [tilespmem:s9], [sflag:$0x1], $0x80, s31, s14, $0xb8;
	[tilespmem:$0x18400] =	vst v63  }
0xfd: {  	_ =	swait.ge [sflag:s10], $0x3800  }
0xfe: {  	[sflag:s10] =	ssyncset.done $0x0  }
0xff: {  	[sflag:s10] =	ssyncadd.s32 $0xFFFFC800  }
0x100: {  	[spmem:s2] =	stream.indirect.scatter.add.f32 [tilespmem:s9], [sflag:$0x1], $0x80, s1, s14, $0xb8;
	[tilespmem:$0x18400] =	vst v63  }
0x101: {  	_ =	swait.ge [sflag:s10], $0x3800  }
0x102: {  	[sflag:s10] =	ssyncset.done $0x0  }
0x103: {  	[sflag:s10] =	ssyncadd.s32 $0xFFFFC800  }
0x104: {  	[bflag:$0x0] =	sbarrier.arrive $0xFFFF  }
0x105: {  	s6 =	rddreg [dreg:$0x6]  }
0x106: {  	[hbm:s6], [sflag:s11] =	dma.local [spmem:s12], $0x2800  }
0x107: {  	_ =	swait.ge [sflag:s10], $0x2800  }
0x108: {  	s0 =	sadd.s32 $0x1, s0;
	s7 =	rddreg [dreg:$0x7]  }
0x109: {  	p0 =	sne.s32 s0, s7  }
.Ltmp1:
0x10a: {  	_ = 	snop;
	(pc) =	sbr.rel @p0 .LBB2_1-.Ltmp1, $3  }
0x10b: {  	_ =	sdelay $0x1  }
0x10c: {  	[sflag:s10] =	ssyncset.done $0x0  }
0x10d: {  	[sflag:s10] =	ssyncadd.s32 $0xFFFFD800  }
0x10e: {  	_ =	sfence.sel $0x180000  }
0x10f: {  	[bflag:$0x0] =	sbarrier.arrive $0xFFFF  }
0x110: {  	_ =	strace $0x90000047  }
0x111: {  	s0 =	stileid.u32;
	[bflag:$0x2] =	sbarrier.arrive $0xFFFF  }
0x112: {  	p0 =	sne.s32 s0, $0x0;
	s0 =	rddreg [dreg:$0x3]  }
0x113: {  	s0 =	sadd.s32 @!p0 $0x100000, s0  }
0x114: {  	[sflag:s0] =	ssyncadd.tile.s32 @!p0 $0x1;
	_ =	shalt  }
.Lfunc_end2:
_tile_overlayer_lowered:
.L_overlay_start_2:
0x115: {  	(tag) =	ssettag $0x2  }
0x116: {  	s0 =	rddreg [dreg:$0x0];
	s2 =	stileid.u32  }
0x117: {  	s1 =	rddreg [dreg:$0x1];
	p0 =	sne.s32 s2, $0x0  }
0x118: {  	s3 =	rddreg [dreg:$0x2];
	[bflag:$0x3] =	sbarrier.arrive $0xFFFF;
	s2 =	simm.s32 @!p0 $0x1C01  }
0x119: {  	[timem:s3], [sflag:s2] =	dma.local @!p0 [hbm:s0], s1  }
0x11a: {  	s0 =	simm.s32 @!p0 $0x1  }
0x11b: {  	_ =	swait.ge @!p0 [sflag:s0], s1  }
0x11c: {  	s1 =	ssub.s32 @!p0 $0x0, s1;
	[sflag:s0] =	ssyncset.done @!p0 $0x0  }
0x11d: {  	[sflag:s0] =	ssyncadd.s32 @!p0 s1  }
0x11e: {  	[bflag:$0x3] =	sbarrier.arrive $0xFFFF  }
0x11f: {  	_ =	shalt  }

</sc_bundles>
